<compile_context>
chip_gen: v7x
topology: tpu7x:2x2x1
jax: 0.10.2.dev20260603
libtpu: 0.0.44.dev20260713+nightly
codegen_flags: <defaults>
</compile_context>

<pallas_src>
import jax
import jax.numpy as jnp
from jax import lax
from jax.experimental import pallas as pl
from jax.experimental.pallas import tpu as pltpu
from jax.experimental.pallas import tpu_sc as plsc

N = 10000
E = 320000
D = 128
D_H = 256

NC = 2
NS = 16
NW = NC * NS
L = 16

CHUNK = 80
NCH = 128
EPT = NCH * CHUNK
E_PAD = NW * EPT
NP = 10240
RPT = NP // NS
NSLAB = 4
HCH = NCH // NSLAB
NBUF = 4


def _deg_body(dstH, cntH, dst_v, cnt_v):
    cid = lax.axis_index("c")
    sid = lax.axis_index("s")
    w = cid * NS + sid
    pltpu.sync_copy(dstH.at[w], dst_v)

    zeros16 = jnp.zeros((L,), jnp.float32)

    @pl.loop(0, NP // L)
    def _zero(i):
        cnt_v[pl.ds(i * L, L)] = zeros16

    ones16 = jnp.ones((L,), jnp.float32)

    for p in range(NSLAB):
        @pl.loop(0, NCH // NSLAB)
        def _count(j):
            for k in range(CHUNK // L):
                idx = dst_v[p, j, pl.ds(k * L, L)]
                plsc.addupdate_scatter(cnt_v, [idx], ones16)

    pltpu.sync_copy(cnt_v, cntH.at[w])


_deg = pl.kernel(
    _deg_body,
    out_type=jax.ShapeDtypeStruct((NW, NP), jnp.float32),
    mesh=plsc.VectorSubcoreMesh(core_axis_name="c", subcore_axis_name="s"),
    scratch_types=[
        pltpu.VMEM((NSLAB, HCH, CHUNK), jnp.int32),
        pltpu.VMEM((NP,), jnp.float32),
    ],
    compiler_params=pltpu.CompilerParams(needs_layout_passes=False),
)


def _agg_body(yH, srcH, dstH, outH, src_v, dst_v, r0, r1, r2, r3, S_sh,
              sg0, sg1, sg2, sg3, semz):
    rows = (r0, r1, r2, r3)
    semg = (sg0, sg1, sg2, sg3)
    cid = lax.axis_index("c")
    sid = lax.axis_index("s")
    w = cid * NS + sid

    for p in range(NSLAB):
        pltpu.sync_copy(srcH.at[w].at[p], src_v)
        pltpu.sync_copy(dstH.at[w].at[p], dst_v)
        for b in range(NBUF - 1):
            pltpu.async_copy(yH.at[src_v.at[b]], rows[b], semg[b])

        if p == 0:
            zeros16 = jnp.zeros((L,), jnp.float32)

            @pl.loop(0, CHUNK)
            def _zero(r):
                for k in range(D // L):
                    rows[NBUF - 1][r, pl.ds(k * L, L)] = zeros16

            for t in range(RPT // CHUNK):
                pltpu.async_copy(
                    rows[NBUF - 1],
                    S_sh.at[pl.ds(sid * RPT + t * CHUNK, CHUNK)], semz)
            for t in range(RPT // CHUNK):
                pltpu.make_async_copy(
                    rows[NBUF - 1],
                    S_sh.at[pl.ds(sid * RPT + t * CHUNK, CHUNK)], semz).wait()
            plsc.subcore_barrier()

        pltpu.async_copy(yH.at[src_v.at[NBUF - 1]], rows[NBUF - 1],
                         semg[NBUF - 1])

        @pl.loop(0, HCH, step=NBUF)
        def _edges(j):
            for b in range(NBUF):
                pltpu.make_async_copy(yH.at[src_v.at[j + b]], rows[b],
                                      semg[b]).wait()
                pltpu.sync_copy(rows[b], S_sh.at[dst_v.at[j + b]], add=True)

                @pl.when(j + b + NBUF < HCH)
                def _():
                    pltpu.async_copy(yH.at[src_v.at[j + b + NBUF]], rows[b],
                                     semg[b])

    plsc.subcore_barrier()
    pltpu.sync_copy(S_sh.at[pl.ds(sid * RPT, RPT)],
                    outH.at[cid].at[pl.ds(sid * RPT, RPT)])


_agg = pl.kernel(
    _agg_body,
    out_type=jax.ShapeDtypeStruct((NC, NP, D), jnp.float32),
    mesh=plsc.VectorSubcoreMesh(core_axis_name="c", subcore_axis_name="s"),
    scratch_types=[
        pltpu.VMEM((HCH, CHUNK), jnp.int32),
        pltpu.VMEM((HCH, CHUNK), jnp.int32),
        pltpu.VMEM((CHUNK, D), jnp.float32),
        pltpu.VMEM((CHUNK, D), jnp.float32),
        pltpu.VMEM((CHUNK, D), jnp.float32),
        pltpu.VMEM((CHUNK, D), jnp.float32),
        pltpu.VMEM_SHARED((NP, D), jnp.float32),
        pltpu.SemaphoreType.DMA,
        pltpu.SemaphoreType.DMA,
        pltpu.SemaphoreType.DMA,
        pltpu.SemaphoreType.DMA,
        pltpu.SemaphoreType.DMA,
    ],
)


PBLK = 1024


def _prep_body(cnt_ref, x_ref, y_ref, dinv_ref):
    deg = jnp.sum(cnt_ref[...], axis=0) + 1.0
    dinv = lax.rsqrt(deg)[:, None]
    dinv_ref[...] = dinv
    y_ref[...] = x_ref[...] * dinv


_prep = pl.pallas_call(
    _prep_body,
    grid=(NP // PBLK,),
    in_specs=[
        pl.BlockSpec((NW, PBLK), lambda i: (0, i)),
        pl.BlockSpec((PBLK, D), lambda i: (i, 0)),
    ],
    out_specs=[
        pl.BlockSpec((PBLK, D), lambda i: (i, 0)),
        pl.BlockSpec((PBLK, 1), lambda i: (i, 0)),
    ],
    out_shape=[
        jax.ShapeDtypeStruct((NP, D), jnp.float32),
        jax.ShapeDtypeStruct((NP, 1), jnp.float32),
    ],
)


def _elu(v):
    return jnp.where(v > 0, v, jnp.exp(jnp.minimum(v, 0.0)) - 1.0)


MBLK = 1000


def _mid_body(s, y0, dinv, w1, b1, w2, yh):
    a = (s[0] + s[1] + y0[...]) * dinv[...]
    h = _elu(jnp.dot(a, w1[...], preferred_element_type=jnp.float32)
             + b1[...])
    yh[...] = jnp.dot(h, w2[...],
                      preferred_element_type=jnp.float32) * dinv[...]


_mid = pl.pallas_call(
    _mid_body,
    grid=(N // MBLK,),
    in_specs=[
        pl.BlockSpec((NC, MBLK, D), lambda i: (0, i, 0)),
        pl.BlockSpec((MBLK, D), lambda i: (i, 0)),
        pl.BlockSpec((MBLK, 1), lambda i: (i, 0)),
        pl.BlockSpec((D, D_H), lambda i: (0, 0)),
        pl.BlockSpec((1, D_H), lambda i: (0, 0)),
        pl.BlockSpec((D_H, D), lambda i: (0, 0)),
    ],
    out_specs=pl.BlockSpec((MBLK, D), lambda i: (i, 0)),
    out_shape=jax.ShapeDtypeStruct((NP, D), jnp.float32),
)


FBLK = 2000


def _fin_body(t, yh, dinv, b2, out):
    v = (t[0] + t[1] + yh[...]) * dinv[...] + b2[...]
    out[...] = _elu(v)


_fin = pl.pallas_call(
    _fin_body,
    grid=(N // FBLK,),
    in_specs=[
        pl.BlockSpec((NC, FBLK, D), lambda i: (0, i, 0)),
        pl.BlockSpec((FBLK, D), lambda i: (i, 0)),
        pl.BlockSpec((FBLK, 1), lambda i: (i, 0)),
        pl.BlockSpec((1, D), lambda i: (0, 0)),
    ],
    out_specs=pl.BlockSpec((FBLK, D), lambda i: (i, 0)),
    out_shape=jax.ShapeDtypeStruct((N, D), jnp.float32),
)


def kernel(x, edge_index, W1, b1, W2, b2):
    src = edge_index[0]
    dst = edge_index[1]
    pad = E_PAD - E
    pad_idx = (N + (jnp.arange(pad, dtype=jnp.int32) % (NP - N)))
    srcp = jnp.concatenate([src, pad_idx]).reshape(NW, NSLAB, HCH, CHUNK)
    dstp = jnp.concatenate([dst, pad_idx]).reshape(NW, NSLAB, HCH, CHUNK)

    cnt = _deg(dstp)
    y0, dinv = _prep(cnt, x)
    s = _agg(y0, srcp, dstp)
    yh = _mid(s, y0, dinv, W1, b1.reshape(1, D_H), W2)
    t = _agg(yh, srcp, dstp)
    return _fin(t, yh, dinv, b2.reshape(1, D))

# --- scband reference (transcript-rebuilt; emitter-appended) ---
"""Pipeline reference for scband-encoder-2310692405377 (READ-ONLY COPY).

The authoritative reference and input builder live on the scoring server;
editing this copy changes nothing except your own understanding.
"""

import jax, jax.numpy as jnp
import numpy as np

N = 10000
E = 320000
D_IN = 128
D_H = 256
D_OUT = 128


def setup_inputs(seed: int = 0) -> dict:
    key = jax.random.key(seed)
    k1, k2, k3, k4 = jax.random.split(key, 4)
    x = jax.random.normal(k1, (N, D_IN), dtype=jnp.float32)
    edge_index = jax.random.randint(k2, (2, E), 0, N, dtype=jnp.int32)
    W1 = jax.random.normal(k3, (D_IN, D_H), dtype=jnp.float32) * (1.0 / np.sqrt(D_IN))
    b1 = jnp.zeros((D_H,), dtype=jnp.float32)
    W2 = jax.random.normal(k4, (D_H, D_OUT), dtype=jnp.float32) * (1.0 / np.sqrt(D_H))
    b2 = jnp.zeros((D_OUT,), dtype=jnp.float32)
    return {"x": x, "edge_index": edge_index, "W1": W1, "b1": b1, "W2": W2, "b2": b2}


def gcn_conv(x, edge_index, W, b):
    # PyG GCNConv: add self-loops, symmetric normalization D^{-1/2}(A+I)D^{-1/2} X W + b
    n = x.shape[0]
    src = edge_index[0]
    dst = edge_index[1]
    loop = jnp.arange(n, dtype=src.dtype)
    src = jnp.concatenate([src, loop])
    dst = jnp.concatenate([dst, loop])
    deg = jnp.zeros((n,), dtype=x.dtype).at[dst].add(1.0)
    deg_inv_sqrt = jnp.where(deg > 0, jax.lax.rsqrt(deg), 0.0)
    norm = deg_inv_sqrt[src] * deg_inv_sqrt[dst]
    xw = x @ W
    msg = xw[src] * norm[:, None]
    out = jax.ops.segment_sum(msg, dst, num_segments=n)
    return out + b


def reference(x, edge_index, W1, b1, W2, b2):
    # bn=False -> Identity; dropout in eval mode -> identity; activation=elu
    h = jax.nn.elu(gcn_conv(x, edge_index, W1, b1))
    out = jax.nn.elu(gcn_conv(h, edge_index, W2, b2))
    return out

if __name__ == "__main__":
    import jax
    _d = setup_inputs()
    print(jax.jit(kernel)(*tuple(_d.values())))

</pallas_src>

<mosaic_0001>
#map = affine_map<(d0, d1) -> (0, 0, 0, 0)>
#map1 = affine_map<(d0, d1) -> (0, 0)>
module attributes {stable_mosaic.version = 14 : i64} {
  func.func @_deg_body(%arg0: i32, %arg1: i32, %arg2: memref<32x4x32x80xi32, #tpu.memory_space<hbm>>, %arg3: memref<32x10240xf32, #tpu.memory_space<hbm>>, %arg4: memref<4x32x80xi32, #tpu.memory_space<vmem>>, %arg5: memref<10240xf32, #tpu.memory_space<vmem>>) attributes {dimension_semantics = [#tpu.dimension_semantics<core_parallel>, #tpu.dimension_semantics<subcore_parallel>], iteration_bounds = array<i64: 2, 16>, scalar_prefetch = 0 : i64, scratch_operands = 2 : i64, tpu.core_type = #tpu.core_type<sc_vector_subcore>, window_params = [{transform_indices = #map}, {transform_indices = #map1}]} {
    %mul3A = arith.constant 16 : i32
    %mul3A_0 = arith.muli %arg0, %mul3A : i32
    %add3A = arith.addi %mul3A_0, %arg1 : i32
    "tpu.region"() ({
      %run_scoped3A = tpu.sem_alloc : memref<!tpu.dma_semaphore, #tpu.memory_space<semaphore_mem>>
      %dma_start3A = arith.constant 0 : i32
      %dma_start3A_28 = arith.constant 0 : i32
      %dma_start3A_29 = arith.constant 0 : i32
      %dma_start3A_30 = tpu.memref_slice %arg2[%add3A, %dma_start3A, %dma_start3A_28, %dma_start3A_29] : memref<32x4x32x80xi32, #tpu.memory_space<hbm>> -> memref<1x4x32x80xi32, #tpu.memory_space<hbm>>
      %dma_start3A_31 = tpu.memref_squeeze %dma_start3A_30 : memref<1x4x32x80xi32, #tpu.memory_space<hbm>> -> memref<4x32x80xi32, #tpu.memory_space<hbm>>
      %dma_start3A_32 = arith.constant 0 : i32
      %dma_start3A_33 = arith.constant 0 : i32
      %dma_start3A_34 = arith.constant 0 : i32
      %dma_start3A_35 = tpu.memref_slice %arg2[%add3A, %dma_start3A_32, %dma_start3A_33, %dma_start3A_34] : memref<32x4x32x80xi32, #tpu.memory_space<hbm>> -> memref<1x4x32x80xi32, #tpu.memory_space<hbm>>
      %dma_start3A_36 = tpu.memref_squeeze %dma_start3A_35 : memref<1x4x32x80xi32, #tpu.memory_space<hbm>> -> memref<4x32x80xi32, #tpu.memory_space<hbm>>
      tpu.enqueue_dma source(%dma_start3A_36 : memref<4x32x80xi32, #tpu.memory_space<hbm>>) target(%arg4 : memref<4x32x80xi32, #tpu.memory_space<vmem>>) target_semaphore(%run_scoped3A : memref<!tpu.dma_semaphore, #tpu.memory_space<semaphore_mem>>)
      %dma_wait3A = arith.constant 0 : i32
      %dma_wait3A_37 = arith.constant 0 : i32
      %dma_wait3A_38 = arith.constant 0 : i32
      %dma_wait3A_39 = tpu.memref_slice %arg2[%add3A, %dma_wait3A, %dma_wait3A_37, %dma_wait3A_38] : memref<32x4x32x80xi32, #tpu.memory_space<hbm>> -> memref<1x4x32x80xi32, #tpu.memory_space<hbm>>
      %dma_wait3A_40 = tpu.memref_squeeze %dma_wait3A_39 : memref<1x4x32x80xi32, #tpu.memory_space<hbm>> -> memref<4x32x80xi32, #tpu.memory_space<hbm>>
      %dma_wait3A_41 = arith.constant 0 : i32
      %dma_wait3A_42 = arith.constant 0 : i32
      %dma_wait3A_43 = arith.constant 0 : i32
      %dma_wait3A_44 = tpu.memref_slice %arg2[%add3A, %dma_wait3A_41, %dma_wait3A_42, %dma_wait3A_43] : memref<32x4x32x80xi32, #tpu.memory_space<hbm>> -> memref<1x4x32x80xi32, #tpu.memory_space<hbm>>
      %dma_wait3A_45 = tpu.memref_squeeze %dma_wait3A_44 : memref<1x4x32x80xi32, #tpu.memory_space<hbm>> -> memref<4x32x80xi32, #tpu.memory_space<hbm>>
      tpu.wait_dma2 semaphore(%run_scoped3A : memref<!tpu.dma_semaphore, #tpu.memory_space<semaphore_mem>>) src(%dma_wait3A_45 : memref<4x32x80xi32, #tpu.memory_space<hbm>>) dst(%arg4 : memref<4x32x80xi32, #tpu.memory_space<vmem>>)
      tpu.yield
    }) : () -> ()
    %broadcast_in_dim3A = arith.constant 0.000000e+00 : f32
    %broadcast_in_dim3A_1 = vector.broadcast %broadcast_in_dim3A : f32 to vector<16xf32>
    %scan3A = arith.constant 0 : i32
    %scan3A_2 = arith.constant 640 : i32
    %scan3A_3 = arith.addi %scan3A, %scan3A_2 : i32
    %scan3A_4 = arith.constant 1 : i32
    scf.for %scan3A_28 = %scan3A to %scan3A_3 step %scan3A_4  : i32 {
      %mul3A_29 = arith.constant 1 : i32
      %mul3A_30 = arith.muli %scan3A_28, %mul3A_29 : i32
      %add3A_31 = arith.constant 0 : i32
      %add3A_32 = arith.addi %add3A_31, %mul3A_30 : i32
      %mul3A_33 = arith.constant 16 : i32
      %mul3A_34 = arith.muli %add3A_32, %mul3A_33 : i32
      %swap3A = arith.index_cast %mul3A_34 : i32 to index
      %swap3A_35 = tpu.vector_load %arg5[%swap3A] {strides = array<i32>} : memref<10240xf32, #tpu.memory_space<vmem>>, vector<16xf32>,
      tpu.vector_store %arg5[%swap3A], %broadcast_in_dim3A_1 {strides = array<i32>} : memref<10240xf32, #tpu.memory_space<vmem>>, vector<16xf32>,
    }
    %scan3A_5 = arith.constant 640 : i32
    %broadcast_in_dim3A_6 = arith.constant 1.000000e+00 : f32
    %broadcast_in_dim3A_7 = vector.broadcast %broadcast_in_dim3A_6 : f32 to vector<16xf32>
    %scan3A_8 = arith.constant 0 : i32
    %scan3A_9 = arith.constant 32 : i32
    %scan3A_10 = arith.addi %scan3A_8, %scan3A_9 : i32
    %scan3A_11 = arith.constant 1 : i32
    scf.for %scan3A_28 = %scan3A_8 to %scan3A_10 step %scan3A_11  : i32 {
      %mul3A_29 = arith.constant 1 : i32
      %mul3A_30 = arith.muli %scan3A_28, %mul3A_29 : i32
      %add3A_31 = arith.constant 0 : i32
      %add3A_32 = arith.addi %add3A_31, %mul3A_30 : i32
      %get3A = arith.constant 0 : i32
      %get3A_33 = arith.index_cast %get3A : i32 to index
      %get3A_34 = arith.index_cast %add3A_32 : i32 to index
      %get3A_35 = arith.constant 0 : index
      %get3A_36 = tpu.vector_load %arg4[%get3A_33, %get3A_34, %get3A_35] {strides = array<i32>} : memref<4x32x80xi32, #tpu.memory_space<vmem>>, vector<16xi32>,
      tpu.vector_store_idx %arg5[%get3A_36], %broadcast_in_dim3A_7 {add = true} : memref<10240xf32, #tpu.memory_space<vmem>>[vector<16xi32>], vector<16xf32>,
      %get3A_37 = arith.constant 0 : i32
      %get3A_38 = arith.index_cast %get3A_37 : i32 to index
      %get3A_39 = arith.index_cast %add3A_32 : i32 to index
      %get3A_40 = arith.constant 16 : index
      %get3A_41 = tpu.vector_load %arg4[%get3A_38, %get3A_39, %get3A_40] {strides = array<i32>} : memref<4x32x80xi32, #tpu.memory_space<vmem>>, vector<16xi32>,
      tpu.vector_store_idx %arg5[%get3A_41], %broadcast_in_dim3A_7 {add = true} : memref<10240xf32, #tpu.memory_space<vmem>>[vector<16xi32>], vector<16xf32>,
      %get3A_42 = arith.constant 0 : i32
      %get3A_43 = arith.index_cast %get3A_42 : i32 to index
      %get3A_44 = arith.index_cast %add3A_32 : i32 to index
      %get3A_45 = arith.constant 32 : index
      %get3A_46 = tpu.vector_load %arg4[%get3A_43, %get3A_44, %get3A_45] {strides = array<i32>} : memref<4x32x80xi32, #tpu.memory_space<vmem>>, vector<16xi32>,
      tpu.vector_store_idx %arg5[%get3A_46], %broadcast_in_dim3A_7 {add = true} : memref<10240xf32, #tpu.memory_space<vmem>>[vector<16xi32>], vector<16xf32>,
      %get3A_47 = arith.constant 0 : i32
      %get3A_48 = arith.index_cast %get3A_47 : i32 to index
      %get3A_49 = arith.index_cast %add3A_32 : i32 to index
      %get3A_50 = arith.constant 48 : index
      %get3A_51 = tpu.vector_load %arg4[%get3A_48, %get3A_49, %get3A_50] {strides = array<i32>} : memref<4x32x80xi32, #tpu.memory_space<vmem>>, vector<16xi32>,
      tpu.vector_store_idx %arg5[%get3A_51], %broadcast_in_dim3A_7 {add = true} : memref<10240xf32, #tpu.memory_space<vmem>>[vector<16xi32>], vector<16xf32>,
      %get3A_52 = arith.constant 0 : i32
      %get3A_53 = arith.index_cast %get3A_52 : i32 to index
      %get3A_54 = arith.index_cast %add3A_32 : i32 to index
      %get3A_55 = arith.constant 64 : index
      %get3A_56 = tpu.vector_load %arg4[%get3A_53, %get3A_54, %get3A_55] {strides = array<i32>} : memref<4x32x80xi32, #tpu.memory_space<vmem>>, vector<16xi32>,
      tpu.vector_store_idx %arg5[%get3A_56], %broadcast_in_dim3A_7 {add = true} : memref<10240xf32, #tpu.memory_space<vmem>>[vector<16xi32>], vector<16xf32>,
    }
    %scan3A_12 = arith.constant 32 : i32
    %scan3A_13 = arith.constant 0 : i32
    %scan3A_14 = arith.constant 32 : i32
    %scan3A_15 = arith.addi %scan3A_13, %scan3A_14 : i32
    %scan3A_16 = arith.constant 1 : i32
    scf.for %scan3A_28 = %scan3A_13 to %scan3A_15 step %scan3A_16  : i32 {
      %mul3A_29 = arith.constant 1 : i32
      %mul3A_30 = arith.muli %scan3A_28, %mul3A_29 : i32
      %add3A_31 = arith.constant 0 : i32
      %add3A_32 = arith.addi %add3A_31, %mul3A_30 : i32
      %get3A = arith.constant 1 : i32
      %get3A_33 = arith.index_cast %get3A : i32 to index
      %get3A_34 = arith.index_cast %add3A_32 : i32 to index
      %get3A_35 = arith.constant 0 : index
      %get3A_36 = tpu.vector_load %arg4[%get3A_33, %get3A_34, %get3A_35] {strides = array<i32>} : memref<4x32x80xi32, #tpu.memory_space<vmem>>, vector<16xi32>,
      tpu.vector_store_idx %arg5[%get3A_36], %broadcast_in_dim3A_7 {add = true} : memref<10240xf32, #tpu.memory_space<vmem>>[vector<16xi32>], vector<16xf32>,
      %get3A_37 = arith.constant 1 : i32
      %get3A_38 = arith.index_cast %get3A_37 : i32 to index
      %get3A_39 = arith.index_cast %add3A_32 : i32 to index
      %get3A_40 = arith.constant 16 : index
      %get3A_41 = tpu.vector_load %arg4[%get3A_38, %get3A_39, %get3A_40] {strides = array<i32>} : memref<4x32x80xi32, #tpu.memory_space<vmem>>, vector<16xi32>,
      tpu.vector_store_idx %arg5[%get3A_41], %broadcast_in_dim3A_7 {add = true} : memref<10240xf32, #tpu.memory_space<vmem>>[vector<16xi32>], vector<16xf32>,
      %get3A_42 = arith.constant 1 : i32
      %get3A_43 = arith.index_cast %get3A_42 : i32 to index
      %get3A_44 = arith.index_cast %add3A_32 : i32 to index
      %get3A_45 = arith.constant 32 : index
      %get3A_46 = tpu.vector_load %arg4[%get3A_43, %get3A_44, %get3A_45] {strides = array<i32>} : memref<4x32x80xi32, #tpu.memory_space<vmem>>, vector<16xi32>,
      tpu.vector_store_idx %arg5[%get3A_46], %broadcast_in_dim3A_7 {add = true} : memref<10240xf32, #tpu.memory_space<vmem>>[vector<16xi32>], vector<16xf32>,
      %get3A_47 = arith.constant 1 : i32
      %get3A_48 = arith.index_cast %get3A_47 : i32 to index
      %get3A_49 = arith.index_cast %add3A_32 : i32 to index
      %get3A_50 = arith.constant 48 : index
      %get3A_51 = tpu.vector_load %arg4[%get3A_48, %get3A_49, %get3A_50] {strides = array<i32>} : memref<4x32x80xi32, #tpu.memory_space<vmem>>, vector<16xi32>,
      tpu.vector_store_idx %arg5[%get3A_51], %broadcast_in_dim3A_7 {add = true} : memref<10240xf32, #tpu.memory_space<vmem>>[vector<16xi32>], vector<16xf32>,
      %get3A_52 = arith.constant 1 : i32
      %get3A_53 = arith.index_cast %get3A_52 : i32 to index
      %get3A_54 = arith.index_cast %add3A_32 : i32 to index
      %get3A_55 = arith.constant 64 : index
      %get3A_56 = tpu.vector_load %arg4[%get3A_53, %get3A_54, %get3A_55] {strides = array<i32>} : memref<4x32x80xi32, #tpu.memory_space<vmem>>, vector<16xi32>,
      tpu.vector_store_idx %arg5[%get3A_56], %broadcast_in_dim3A_7 {add = true} : memref<10240xf32, #tpu.memory_space<vmem>>[vector<16xi32>], vector<16xf32>,
    }
    %scan3A_17 = arith.constant 32 : i32
    %scan3A_18 = arith.constant 0 : i32
    %scan3A_19 = arith.constant 32 : i32
    %scan3A_20 = arith.addi %scan3A_18, %scan3A_19 : i32
    %scan3A_21 = arith.constant 1 : i32
    scf.for %scan3A_28 = %scan3A_18 to %scan3A_20 step %scan3A_21  : i32 {
      %mul3A_29 = arith.constant 1 : i32
      %mul3A_30 = arith.muli %scan3A_28, %mul3A_29 : i32
      %add3A_31 = arith.constant 0 : i32
      %add3A_32 = arith.addi %add3A_31, %mul3A_30 : i32
      %get3A = arith.constant 2 : i32
      %get3A_33 = arith.index_cast %get3A : i32 to index
      %get3A_34 = arith.index_cast %add3A_32 : i32 to index
      %get3A_35 = arith.constant 0 : index
      %get3A_36 = tpu.vector_load %arg4[%get3A_33, %get3A_34, %get3A_35] {strides = array<i32>} : memref<4x32x80xi32, #tpu.memory_space<vmem>>, vector<16xi32>,
      tpu.vector_store_idx %arg5[%get3A_36], %broadcast_in_dim3A_7 {add = true} : memref<10240xf32, #tpu.memory_space<vmem>>[vector<16xi32>], vector<16xf32>,
      %get3A_37 = arith.constant 2 : i32
      %get3A_38 = arith.index_cast %get3A_37 : i32 to index
      %get3A_39 = arith.index_cast %add3A_32 : i32 to index
      %get3A_40 = arith.constant 16 : index
      %get3A_41 = tpu.vector_load %arg4[%get3A_38, %get3A_39, %get3A_40] {strides = array<i32>} : memref<4x32x80xi32, #tpu.memory_space<vmem>>, vector<16xi32>,
      tpu.vector_store_idx %arg5[%get3A_41], %broadcast_in_dim3A_7 {add = true} : memref<10240xf32, #tpu.memory_space<vmem>>[vector<16xi32>], vector<16xf32>,
      %get3A_42 = arith.constant 2 : i32
      %get3A_43 = arith.index_cast %get3A_42 : i32 to index
      %get3A_44 = arith.index_cast %add3A_32 : i32 to index
      %get3A_45 = arith.constant 32 : index
      %get3A_46 = tpu.vector_load %arg4[%get3A_43, %get3A_44, %get3A_45] {strides = array<i32>} : memref<4x32x80xi32, #tpu.memory_space<vmem>>, vector<16xi32>,
      tpu.vector_store_idx %arg5[%get3A_46], %broadcast_in_dim3A_7 {add = true} : memref<10240xf32, #tpu.memory_space<vmem>>[vector<16xi32>], vector<16xf32>,
      %get3A_47 = arith.constant 2 : i32
      %get3A_48 = arith.index_cast %get3A_47 : i32 to index
      %get3A_49 = arith.index_cast %add3A_32 : i32 to index
      %get3A_50 = arith.constant 48 : index
      %get3A_51 = tpu.vector_load %arg4[%get3A_48, %get3A_49, %get3A_50] {strides = array<i32>} : memref<4x32x80xi32, #tpu.memory_space<vmem>>, vector<16xi32>,
      tpu.vector_store_idx %arg5[%get3A_51], %broadcast_in_dim3A_7 {add = true} : memref<10240xf32, #tpu.memory_space<vmem>>[vector<16xi32>], vector<16xf32>,
      %get3A_52 = arith.constant 2 : i32
      %get3A_53 = arith.index_cast %get3A_52 : i32 to index
      %get3A_54 = arith.index_cast %add3A_32 : i32 to index
      %get3A_55 = arith.constant 64 : index
      %get3A_56 = tpu.vector_load %arg4[%get3A_53, %get3A_54, %get3A_55] {strides = array<i32>} : memref<4x32x80xi32, #tpu.memory_space<vmem>>, vector<16xi32>,
      tpu.vector_store_idx %arg5[%get3A_56], %broadcast_in_dim3A_7 {add = true} : memref<10240xf32, #tpu.memory_space<vmem>>[vector<16xi32>], vector<16xf32>,
    }
    %scan3A_22 = arith.constant 32 : i32
    %scan3A_23 = arith.constant 0 : i32
    %scan3A_24 = arith.constant 32 : i32
    %scan3A_25 = arith.addi %scan3A_23, %scan3A_24 : i32
    %scan3A_26 = arith.constant 1 : i32
    scf.for %scan3A_28 = %scan3A_23 to %scan3A_25 step %scan3A_26  : i32 {
      %mul3A_29 = arith.constant 1 : i32
      %mul3A_30 = arith.muli %scan3A_28, %mul3A_29 : i32
      %add3A_31 = arith.constant 0 : i32
      %add3A_32 = arith.addi %add3A_31, %mul3A_30 : i32
      %get3A = arith.constant 3 : i32
      %get3A_33 = arith.index_cast %get3A : i32 to index
      %get3A_34 = arith.index_cast %add3A_32 : i32 to index
      %get3A_35 = arith.constant 0 : index
      %get3A_36 = tpu.vector_load %arg4[%get3A_33, %get3A_34, %get3A_35] {strides = array<i32>} : memref<4x32x80xi32, #tpu.memory_space<vmem>>, vector<16xi32>,
      tpu.vector_store_idx %arg5[%get3A_36], %broadcast_in_dim3A_7 {add = true} : memref<10240xf32, #tpu.memory_space<vmem>>[vector<16xi32>], vector<16xf32>,
      %get3A_37 = arith.constant 3 : i32
      %get3A_38 = arith.index_cast %get3A_37 : i32 to index
      %get3A_39 = arith.index_cast %add3A_32 : i32 to index
      %get3A_40 = arith.constant 16 : index
      %get3A_41 = tpu.vector_load %arg4[%get3A_38, %get3A_39, %get3A_40] {strides = array<i32>} : memref<4x32x80xi32, #tpu.memory_space<vmem>>, vector<16xi32>,
      tpu.vector_store_idx %arg5[%get3A_41], %broadcast_in_dim3A_7 {add = true} : memref<10240xf32, #tpu.memory_space<vmem>>[vector<16xi32>], vector<16xf32>,
      %get3A_42 = arith.constant 3 : i32
      %get3A_43 = arith.index_cast %get3A_42 : i32 to index
      %get3A_44 = arith.index_cast %add3A_32 : i32 to index
      %get3A_45 = arith.constant 32 : index
      %get3A_46 = tpu.vector_load %arg4[%get3A_43, %get3A_44, %get3A_45] {strides = array<i32>} : memref<4x32x80xi32, #tpu.memory_space<vmem>>, vector<16xi32>,
      tpu.vector_store_idx %arg5[%get3A_46], %broadcast_in_dim3A_7 {add = true} : memref<10240xf32, #tpu.memory_space<vmem>>[vector<16xi32>], vector<16xf32>,
      %get3A_47 = arith.constant 3 : i32
      %get3A_48 = arith.index_cast %get3A_47 : i32 to index
      %get3A_49 = arith.index_cast %add3A_32 : i32 to index
      %get3A_50 = arith.constant 48 : index
      %get3A_51 = tpu.vector_load %arg4[%get3A_48, %get3A_49, %get3A_50] {strides = array<i32>} : memref<4x32x80xi32, #tpu.memory_space<vmem>>, vector<16xi32>,
      tpu.vector_store_idx %arg5[%get3A_51], %broadcast_in_dim3A_7 {add = true} : memref<10240xf32, #tpu.memory_space<vmem>>[vector<16xi32>], vector<16xf32>,
      %get3A_52 = arith.constant 3 : i32
      %get3A_53 = arith.index_cast %get3A_52 : i32 to index
      %get3A_54 = arith.index_cast %add3A_32 : i32 to index
      %get3A_55 = arith.constant 64 : index
      %get3A_56 = tpu.vector_load %arg4[%get3A_53, %get3A_54, %get3A_55] {strides = array<i32>} : memref<4x32x80xi32, #tpu.memory_space<vmem>>, vector<16xi32>,
      tpu.vector_store_idx %arg5[%get3A_56], %broadcast_in_dim3A_7 {add = true} : memref<10240xf32, #tpu.memory_space<vmem>>[vector<16xi32>], vector<16xf32>,
    }
    %scan3A_27 = arith.constant 32 : i32
    "tpu.region"() ({
      %run_scoped3A = tpu.sem_alloc : memref<!tpu.dma_semaphore, #tpu.memory_space<semaphore_mem>>
      %dma_start3A = arith.constant 0 : i32
      %dma_start3A_28 = tpu.memref_slice %arg3[%add3A, %dma_start3A] : memref<32x10240xf32, #tpu.memory_space<hbm>> -> memref<1x10240xf32, #tpu.memory_space<hbm>>
      %dma_start3A_29 = tpu.memref_squeeze %dma_start3A_28 : memref<1x10240xf32, #tpu.memory_space<hbm>> -> memref<10240xf32, #tpu.memory_space<hbm>>
      %dma_start3A_30 = arith.constant 0 : i32
      %dma_start3A_31 = tpu.memref_slice %arg3[%add3A, %dma_start3A_30] : memref<32x10240xf32, #tpu.memory_space<hbm>> -> memref<1x10240xf32, #tpu.memory_space<hbm>>
      %dma_start3A_32 = tpu.memref_squeeze %dma_start3A_31 : memref<1x10240xf32, #tpu.memory_space<hbm>> -> memref<10240xf32, #tpu.memory_space<hbm>>
      tpu.enqueue_dma source(%arg5 : memref<10240xf32, #tpu.memory_space<vmem>>) target(%dma_start3A_32 : memref<10240xf32, #tpu.memory_space<hbm>>) target_semaphore(%run_scoped3A : memref<!tpu.dma_semaphore, #tpu.memory_space<semaphore_mem>>)
      %dma_wait3A = arith.constant 0 : i32
      %dma_wait3A_33 = tpu.memref_slice %arg3[%add3A, %dma_wait3A] : memref<32x10240xf32, #tpu.memory_space<hbm>> -> memref<1x10240xf32, #tpu.memory_space<hbm>>
      %dma_wait3A_34 = tpu.memref_squeeze %dma_wait3A_33 : memref<1x10240xf32, #tpu.memory_space<hbm>> -> memref<10240xf32, #tpu.memory_space<hbm>>
      %dma_wait3A_35 = arith.constant 0 : i32
      %dma_wait3A_36 = tpu.memref_slice %arg3[%add3A, %dma_wait3A_35] : memref<32x10240xf32, #tpu.memory_space<hbm>> -> memref<1x10240xf32, #tpu.memory_space<hbm>>
      %dma_wait3A_37 = tpu.memref_squeeze %dma_wait3A_36 : memref<1x10240xf32, #tpu.memory_space<hbm>> -> memref<10240xf32, #tpu.memory_space<hbm>>
      tpu.wait_dma2 semaphore(%run_scoped3A : memref<!tpu.dma_semaphore, #tpu.memory_space<semaphore_mem>>) src(%arg5 : memref<10240xf32, #tpu.memory_space<vmem>>) dst(%dma_wait3A_37 : memref<10240xf32, #tpu.memory_space<hbm>>)
      tpu.yield
    }) : () -> ()
    return
  }
}

#map = affine_map<(d0, d1) -> (0, 0)>
#map1 = affine_map<(d0, d1) -> (0, 0, 0, 0)>
#map2 = affine_map<(d0, d1) -> (0, 0, 0)>
module attributes {stable_mosaic.version = 14 : i64} {
  func.func @_agg_body(%arg0: i32, %arg1: i32, %arg2: memref<10240x128xf32, #tpu.memory_space<hbm>>, %arg3: memref<32x4x32x80xi32, #tpu.memory_space<hbm>>, %arg4: memref<32x4x32x80xi32, #tpu.memory_space<hbm>>, %arg5: memref<2x10240x128xf32, #tpu.memory_space<hbm>>, %arg6: memref<32x80xi32, #tpu.memory_space<vmem>>, %arg7: memref<32x80xi32, #tpu.memory_space<vmem>>, %arg8: memref<80x128xf32, #tpu.memory_space<vmem>>, %arg9: memref<80x128xf32, #tpu.memory_space<vmem>>, %arg10: memref<80x128xf32, #tpu.memory_space<vmem>>, %arg11: memref<80x128xf32, #tpu.memory_space<vmem>>, %arg12: memref<10240x128xf32, #tpu.memory_space<vmem_shared>>, %arg13: memref<!tpu.dma_semaphore, #tpu.memory_space<semaphore_mem>>, %arg14: memref<!tpu.dma_semaphore, #tpu.memory_space<semaphore_mem>>, %arg15: memref<!tpu.dma_semaphore, #tpu.memory_space<semaphore_mem>>, %arg16: memref<!tpu.dma_semaphore, #tpu.memory_space<semaphore_mem>>, %arg17: memref<!tpu.dma_semaphore, #tpu.memory_space<semaphore_mem>>) attributes {dimension_semantics = [#tpu.dimension_semantics<core_parallel>, #tpu.dimension_semantics<subcore_parallel>], iteration_bounds = array<i64: 2, 16>, scalar_prefetch = 0 : i64, scratch_operands = 12 : i64, tpu.core_type = #tpu.core_type<sc_vector_subcore>, window_params = [{transform_indices = #map}, {transform_indices = #map1}, {transform_indices = #map1}, {transform_indices = #map2}]} {
    %mul3A = arith.constant 16 : i32
    %mul3A_0 = arith.muli %arg0, %mul3A : i32
    %add3A = arith.addi %mul3A_0, %arg1 : i32
    %run_scoped3A = arith.constant 0 : i32
    "tpu.region"() ({
      %run_scoped3A_276 = tpu.sem_alloc : memref<!tpu.dma_semaphore, #tpu.memory_space<semaphore_mem>>
      %dma_start3A_277 = arith.constant 0 : i32
      %dma_start3A_278 = arith.constant 0 : i32
      %dma_start3A_279 = arith.constant 0 : i32
      %dma_start3A_280 = tpu.memref_slice %arg3[%add3A, %dma_start3A_277, %dma_start3A_278, %dma_start3A_279] : memref<32x4x32x80xi32, #tpu.memory_space<hbm>> -> memref<1x4x32x80xi32, #tpu.memory_space<hbm>>
      %dma_start3A_281 = tpu.memref_squeeze %dma_start3A_280 : memref<1x4x32x80xi32, #tpu.memory_space<hbm>> -> memref<4x32x80xi32, #tpu.memory_space<hbm>>
      %dma_start3A_282 = arith.constant 0 : i32
      %dma_start3A_283 = arith.constant 0 : i32
      %dma_start3A_284 = tpu.memref_slice %dma_start3A_281[%run_scoped3A, %dma_start3A_282, %dma_start3A_283] : memref<4x32x80xi32, #tpu.memory_space<hbm>> -> memref<1x32x80xi32, #tpu.memory_space<hbm>>
      %dma_start3A_285 = tpu.memref_squeeze %dma_start3A_284 : memref<1x32x80xi32, #tpu.memory_space<hbm>> -> memref<32x80xi32, #tpu.memory_space<hbm>>
      %dma_start3A_286 = arith.constant 0 : i32
      %dma_start3A_287 = arith.constant 0 : i32
      %dma_start3A_288 = arith.constant 0 : i32
      %dma_start3A_289 = tpu.memref_slice %arg3[%add3A, %dma_start3A_286, %dma_start3A_287, %dma_start3A_288] : memref<32x4x32x80xi32, #tpu.memory_space<hbm>> -> memref<1x4x32x80xi32, #tpu.memory_space<hbm>>
      %dma_start3A_290 = tpu.memref_squeeze %dma_start3A_289 : memref<1x4x32x80xi32, #tpu.memory_space<hbm>> -> memref<4x32x80xi32, #tpu.memory_space<hbm>>
      %dma_start3A_291 = arith.constant 0 : i32
      %dma_start3A_292 = arith.constant 0 : i32
      %dma_start3A_293 = tpu.memref_slice %dma_start3A_290[%run_scoped3A, %dma_start3A_291, %dma_start3A_292] : memref<4x32x80xi32, #tpu.memory_space<hbm>> -> memref<1x32x80xi32, #tpu.memory_space<hbm>>
      %dma_start3A_294 = tpu.memref_squeeze %dma_start3A_293 : memref<1x32x80xi32, #tpu.memory_space<hbm>> -> memref<32x80xi32, #tpu.memory_space<hbm>>
      tpu.enqueue_dma source(%dma_start3A_294 : memref<32x80xi32, #tpu.memory_space<hbm>>) target(%arg6 : memref<32x80xi32, #tpu.memory_space<vmem>>) target_semaphore(%run_scoped3A_276 : memref<!tpu.dma_semaphore, #tpu.memory_space<semaphore_mem>>)
      %dma_wait3A_295 = arith.constant 0 : i32
      %dma_wait3A_296 = arith.constant 0 : i32
      %dma_wait3A_297 = arith.constant 0 : i32
      %dma_wait3A_298 = tpu.memref_slice %arg3[%add3A, %dma_wait3A_295, %dma_wait3A_296, %dma_wait3A_297] : memref<32x4x32x80xi32, #tpu.memory_space<hbm>> -> memref<1x4x32x80xi32, #tpu.memory_space<hbm>>
      %dma_wait3A_299 = tpu.memref_squeeze %dma_wait3A_298 : memref<1x4x32x80xi32, #tpu.memory_space<hbm>> -> memref<4x32x80xi32, #tpu.memory_space<hbm>>
      %dma_wait3A_300 = arith.constant 0 : i32
      %dma_wait3A_301 = arith.constant 0 : i32
      %dma_wait3A_302 = tpu.memref_slice %dma_wait3A_299[%run_scoped3A, %dma_wait3A_300, %dma_wait3A_301] : memref<4x32x80xi32, #tpu.memory_space<hbm>> -> memref<1x32x80xi32, #tpu.memory_space<hbm>>
      %dma_wait3A_303 = tpu.memref_squeeze %dma_wait3A_302 : memref<1x32x80xi32, #tpu.memory_space<hbm>> -> memref<32x80xi32, #tpu.memory_space<hbm>>
      %dma_wait3A_304 = arith.constant 0 : i32
      %dma_wait3A_305 = arith.constant 0 : i32
      %dma_wait3A_306 = arith.constant 0 : i32
      %dma_wait3A_307 = tpu.memref_slice %arg3[%add3A, %dma_wait3A_304, %dma_wait3A_305, %dma_wait3A_306] : memref<32x4x32x80xi32, #tpu.memory_space<hbm>> -> memref<1x4x32x80xi32, #tpu.memory_space<hbm>>
      %dma_wait3A_308 = tpu.memref_squeeze %dma_wait3A_307 : memref<1x4x32x80xi32, #tpu.memory_space<hbm>> -> memref<4x32x80xi32, #tpu.memory_space<hbm>>
      %dma_wait3A_309 = arith.constant 0 : i32
      %dma_wait3A_310 = arith.constant 0 : i32
      %dma_wait3A_311 = tpu.memref_slice %dma_wait3A_308[%run_scoped3A, %dma_wait3A_309, %dma_wait3A_310] : memref<4x32x80xi32, #tpu.memory_space<hbm>> -> memref<1x32x80xi32, #tpu.memory_space<hbm>>
      %dma_wait3A_312 = tpu.memref_squeeze %dma_wait3A_311 : memref<1x32x80xi32, #tpu.memory_space<hbm>> -> memref<32x80xi32, #tpu.memory_space<hbm>>
      tpu.wait_dma2 semaphore(%run_scoped3A_276 : memref<!tpu.dma_semaphore, #tpu.memory_space<semaphore_mem>>) src(%dma_wait3A_312 : memref<32x80xi32, #tpu.memory_space<hbm>>) dst(%arg6 : memref<32x80xi32, #tpu.memory_space<vmem>>)
      tpu.yield
    }) : () -> ()
    %run_scoped3A_1 = arith.constant 0 : i32
    "tpu.region"() ({
      %run_scoped3A_276 = tpu.sem_alloc : memref<!tpu.dma_semaphore, #tpu.memory_space<semaphore_mem>>
      %dma_start3A_277 = arith.constant 0 : i32
      %dma_start3A_278 = arith.constant 0 : i32
      %dma_start3A_279 = arith.constant 0 : i32
      %dma_start3A_280 = tpu.memref_slice %arg4[%add3A, %dma_start3A_277, %dma_start3A_278, %dma_start3A_279] : memref<32x4x32x80xi32, #tpu.memory_space<hbm>> -> memref<1x4x32x80xi32, #tpu.memory_space<hbm>>
      %dma_start3A_281 = tpu.memref_squeeze %dma_start3A_280 : memref<1x4x32x80xi32, #tpu.memory_space<hbm>> -> memref<4x32x80xi32, #tpu.memory_space<hbm>>
      %dma_start3A_282 = arith.constant 0 : i32
      %dma_start3A_283 = arith.constant 0 : i32
      %dma_start3A_284 = tpu.memref_slice %dma_start3A_281[%run_scoped3A_1, %dma_start3A_282, %dma_start3A_283] : memref<4x32x80xi32, #tpu.memory_space<hbm>> -> memref<1x32x80xi32, #tpu.memory_space<hbm>>
      %dma_start3A_285 = tpu.memref_squeeze %dma_start3A_284 : memref<1x32x80xi32, #tpu.memory_space<hbm>> -> memref<32x80xi32, #tpu.memory_space<hbm>>
      %dma_start3A_286 = arith.constant 0 : i32
      %dma_start3A_287 = arith.constant 0 : i32
      %dma_start3A_288 = arith.constant 0 : i32
      %dma_start3A_289 = tpu.memref_slice %arg4[%add3A, %dma_start3A_286, %dma_start3A_287, %dma_start3A_288] : memref<32x4x32x80xi32, #tpu.memory_space<hbm>> -> memref<1x4x32x80xi32, #tpu.memory_space<hbm>>
      %dma_start3A_290 = tpu.memref_squeeze %dma_start3A_289 : memref<1x4x32x80xi32, #tpu.memory_space<hbm>> -> memref<4x32x80xi32, #tpu.memory_space<hbm>>
      %dma_start3A_291 = arith.constant 0 : i32
      %dma_start3A_292 = arith.constant 0 : i32
      %dma_start3A_293 = tpu.memref_slice %dma_start3A_290[%run_scoped3A_1, %dma_start3A_291, %dma_start3A_292] : memref<4x32x80xi32, #tpu.memory_space<hbm>> -> memref<1x32x80xi32, #tpu.memory_space<hbm>>
      %dma_start3A_294 = tpu.memref_squeeze %dma_start3A_293 : memref<1x32x80xi32, #tpu.memory_space<hbm>> -> memref<32x80xi32, #tpu.memory_space<hbm>>
      tpu.enqueue_dma source(%dma_start3A_294 : memref<32x80xi32, #tpu.memory_space<hbm>>) target(%arg7 : memref<32x80xi32, #tpu.memory_space<vmem>>) target_semaphore(%run_scoped3A_276 : memref<!tpu.dma_semaphore, #tpu.memory_space<semaphore_mem>>)
      %dma_wait3A_295 = arith.constant 0 : i32
      %dma_wait3A_296 = arith.constant 0 : i32
      %dma_wait3A_297 = arith.constant 0 : i32
      %dma_wait3A_298 = tpu.memref_slice %arg4[%add3A, %dma_wait3A_295, %dma_wait3A_296, %dma_wait3A_297] : memref<32x4x32x80xi32, #tpu.memory_space<hbm>> -> memref<1x4x32x80xi32, #tpu.memory_space<hbm>>
      %dma_wait3A_299 = tpu.memref_squeeze %dma_wait3A_298 : memref<1x4x32x80xi32, #tpu.memory_space<hbm>> -> memref<4x32x80xi32, #tpu.memory_space<hbm>>
      %dma_wait3A_300 = arith.constant 0 : i32
      %dma_wait3A_301 = arith.constant 0 : i32
      %dma_wait3A_302 = tpu.memref_slice %dma_wait3A_299[%run_scoped3A_1, %dma_wait3A_300, %dma_wait3A_301] : memref<4x32x80xi32, #tpu.memory_space<hbm>> -> memref<1x32x80xi32, #tpu.memory_space<hbm>>
      %dma_wait3A_303 = tpu.memref_squeeze %dma_wait3A_302 : memref<1x32x80xi32, #tpu.memory_space<hbm>> -> memref<32x80xi32, #tpu.memory_space<hbm>>
      %dma_wait3A_304 = arith.constant 0 : i32
      %dma_wait3A_305 = arith.constant 0 : i32
      %dma_wait3A_306 = arith.constant 0 : i32
      %dma_wait3A_307 = tpu.memref_slice %arg4[%add3A, %dma_wait3A_304, %dma_wait3A_305, %dma_wait3A_306] : memref<32x4x32x80xi32, #tpu.memory_space<hbm>> -> memref<1x4x32x80xi32, #tpu.memory_space<hbm>>
      %dma_wait3A_308 = tpu.memref_squeeze %dma_wait3A_307 : memref<1x4x32x80xi32, #tpu.memory_space<hbm>> -> memref<4x32x80xi32, #tpu.memory_space<hbm>>
      %dma_wait3A_309 = arith.constant 0 : i32
      %dma_wait3A_310 = arith.constant 0 : i32
      %dma_wait3A_311 = tpu.memref_slice %dma_wait3A_308[%run_scoped3A_1, %dma_wait3A_309, %dma_wait3A_310] : memref<4x32x80xi32, #tpu.memory_space<hbm>> -> memref<1x32x80xi32, #tpu.memory_space<hbm>>
      %dma_wait3A_312 = tpu.memref_squeeze %dma_wait3A_311 : memref<1x32x80xi32, #tpu.memory_space<hbm>> -> memref<32x80xi32, #tpu.memory_space<hbm>>
      tpu.wait_dma2 semaphore(%run_scoped3A_276 : memref<!tpu.dma_semaphore, #tpu.memory_space<semaphore_mem>>) src(%dma_wait3A_312 : memref<32x80xi32, #tpu.memory_space<hbm>>) dst(%arg7 : memref<32x80xi32, #tpu.memory_space<vmem>>)
      tpu.yield
    }) : () -> ()
    %dma_start3A = arith.constant 0 : i32
    %dma_start3A_2 = arith.constant 0 : i32
    %dma_start3A_3 = tpu.memref_slice %arg6[%dma_start3A, %dma_start3A_2] : memref<32x80xi32, #tpu.memory_space<vmem>> -> memref<1x80xi32, #tpu.memory_space<vmem>>
    %dma_start3A_4 = tpu.memref_squeeze %dma_start3A_3 : memref<1x80xi32, #tpu.memory_space<vmem>> -> memref<80xi32, #tpu.memory_space<vmem>>
    %dma_start3A_5 = arith.constant 0 : i32
    %dma_start3A_6 = arith.constant 0 : i32
    %dma_start3A_7 = tpu.memref_slice %arg2[%dma_start3A_5, %dma_start3A_6] : memref<10240x128xf32, #tpu.memory_space<hbm>> -> memref<10240x128xf32, #tpu.memory_space<hbm>>
    tpu.enqueue_indirect_dma source(%dma_start3A_7 : memref<10240x128xf32, #tpu.memory_space<hbm>>) target(%arg8 : memref<80x128xf32, #tpu.memory_space<vmem>>) offsets(%dma_start3A_4 : memref<80xi32, #tpu.memory_space<vmem>>) semaphore(%arg13 : memref<!tpu.dma_semaphore, #tpu.memory_space<semaphore_mem>>)
    %dma_start3A_8 = arith.constant 1 : i32
    %dma_start3A_9 = arith.constant 0 : i32
    %dma_start3A_10 = tpu.memref_slice %arg6[%dma_start3A_8, %dma_start3A_9] : memref<32x80xi32, #tpu.memory_space<vmem>> -> memref<1x80xi32, #tpu.memory_space<vmem>>
    %dma_start3A_11 = tpu.memref_squeeze %dma_start3A_10 : memref<1x80xi32, #tpu.memory_space<vmem>> -> memref<80xi32, #tpu.memory_space<vmem>>
    %dma_start3A_12 = arith.constant 0 : i32
    %dma_start3A_13 = arith.constant 0 : i32
    %dma_start3A_14 = tpu.memref_slice %arg2[%dma_start3A_12, %dma_start3A_13] : memref<10240x128xf32, #tpu.memory_space<hbm>> -> memref<10240x128xf32, #tpu.memory_space<hbm>>
    tpu.enqueue_indirect_dma source(%dma_start3A_14 : memref<10240x128xf32, #tpu.memory_space<hbm>>) target(%arg9 : memref<80x128xf32, #tpu.memory_space<vmem>>) offsets(%dma_start3A_11 : memref<80xi32, #tpu.memory_space<vmem>>) semaphore(%arg14 : memref<!tpu.dma_semaphore, #tpu.memory_space<semaphore_mem>>)
    %dma_start3A_15 = arith.constant 2 : i32
    %dma_start3A_16 = arith.constant 0 : i32
    %dma_start3A_17 = tpu.memref_slice %arg6[%dma_start3A_15, %dma_start3A_16] : memref<32x80xi32, #tpu.memory_space<vmem>> -> memref<1x80xi32, #tpu.memory_space<vmem>>
    %dma_start3A_18 = tpu.memref_squeeze %dma_start3A_17 : memref<1x80xi32, #tpu.memory_space<vmem>> -> memref<80xi32, #tpu.memory_space<vmem>>
    %dma_start3A_19 = arith.constant 0 : i32
    %dma_start3A_20 = arith.constant 0 : i32
    %dma_start3A_21 = tpu.memref_slice %arg2[%dma_start3A_19, %dma_start3A_20] : memref<10240x128xf32, #tpu.memory_space<hbm>> -> memref<10240x128xf32, #tpu.memory_space<hbm>>
    tpu.enqueue_indirect_dma source(%dma_start3A_21 : memref<10240x128xf32, #tpu.memory_space<hbm>>) target(%arg10 : memref<80x128xf32, #tpu.memory_space<vmem>>) offsets(%dma_start3A_18 : memref<80xi32, #tpu.memory_space<vmem>>) semaphore(%arg15 : memref<!tpu.dma_semaphore, #tpu.memory_space<semaphore_mem>>)
    %broadcast_in_dim3A = arith.constant 0.000000e+00 : f32
    %broadcast_in_dim3A_22 = vector.broadcast %broadcast_in_dim3A : f32 to vector<16xf32>
    %scan3A = arith.constant 0 : i32
    %scan3A_23 = arith.constant 80 : i32
    %scan3A_24 = arith.addi %scan3A, %scan3A_23 : i32
    %scan3A_25 = arith.constant 1 : i32
    scf.for %scan3A_276 = %scan3A to %scan3A_24 step %scan3A_25  : i32 {
      %mul3A_277 = arith.constant 1 : i32
      %mul3A_278 = arith.muli %scan3A_276, %mul3A_277 : i32
      %add3A_279 = arith.constant 0 : i32
      %add3A_280 = arith.addi %add3A_279, %mul3A_278 : i32
      %swap3A = arith.index_cast %add3A_280 : i32 to index
      %swap3A_281 = arith.constant 0 : index
      %swap3A_282 = tpu.vector_load %arg11[%swap3A, %swap3A_281] {strides = array<i32>} : memref<80x128xf32, #tpu.memory_space<vmem>>, vector<1x16xf32>,
      %swap3A_283 = vector.shape_cast %swap3A_282 : vector<1x16xf32> to vector<16xf32>
      %swap3A_284 = vector.shape_cast %broadcast_in_dim3A_22 : vector<16xf32> to vector<1x16xf32>
      tpu.vector_store %arg11[%swap3A, %swap3A_281], %swap3A_284 {strides = array<i32>} : memref<80x128xf32, #tpu.memory_space<vmem>>, vector<1x16xf32>,
      %swap3A_285 = arith.index_cast %add3A_280 : i32 to index
      %swap3A_286 = arith.constant 16 : index
      %swap3A_287 = tpu.vector_load %arg11[%swap3A_285, %swap3A_286] {strides = array<i32>} : memref<80x128xf32, #tpu.memory_space<vmem>>, vector<1x16xf32>,
      %swap3A_288 = vector.shape_cast %swap3A_287 : vector<1x16xf32> to vector<16xf32>
      %swap3A_289 = vector.shape_cast %broadcast_in_dim3A_22 : vector<16xf32> to vector<1x16xf32>
      tpu.vector_store %arg11[%swap3A_285, %swap3A_286], %swap3A_289 {strides = array<i32>} : memref<80x128xf32, #tpu.memory_space<vmem>>, vector<1x16xf32>,
      %swap3A_290 = arith.index_cast %add3A_280 : i32 to index
      %swap3A_291 = arith.constant 32 : index
      %swap3A_292 = tpu.vector_load %arg11[%swap3A_290, %swap3A_291] {strides = array<i32>} : memref<80x128xf32, #tpu.memory_space<vmem>>, vector<1x16xf32>,
      %swap3A_293 = vector.shape_cast %swap3A_292 : vector<1x16xf32> to vector<16xf32>
      %swap3A_294 = vector.shape_cast %broadcast_in_dim3A_22 : vector<16xf32> to vector<1x16xf32>
      tpu.vector_store %arg11[%swap3A_290, %swap3A_291], %swap3A_294 {strides = array<i32>} : memref<80x128xf32, #tpu.memory_space<vmem>>, vector<1x16xf32>,
      %swap3A_295 = arith.index_cast %add3A_280 : i32 to index
      %swap3A_296 = arith.constant 48 : index
      %swap3A_297 = tpu.vector_load %arg11[%swap3A_295, %swap3A_296] {strides = array<i32>} : memref<80x128xf32, #tpu.memory_space<vmem>>, vector<1x16xf32>,
      %swap3A_298 = vector.shape_cast %swap3A_297 : vector<1x16xf32> to vector<16xf32>
      %swap3A_299 = vector.shape_cast %broadcast_in_dim3A_22 : vector<16xf32> to vector<1x16xf32>
      tpu.vector_store %arg11[%swap3A_295, %swap3A_296], %swap3A_299 {strides = array<i32>} : memref<80x128xf32, #tpu.memory_space<vmem>>, vector<1x16xf32>,
      %swap3A_300 = arith.index_cast %add3A_280 : i32 to index
      %swap3A_301 = arith.constant 64 : index
      %swap3A_302 = tpu.vector_load %arg11[%swap3A_300, %swap3A_301] {strides = array<i32>} : memref<80x128xf32, #tpu.memory_space<vmem>>, vector<1x16xf32>,
      %swap3A_303 = vector.shape_cast %swap3A_302 : vector<1x16xf32> to vector<16xf32>
      %swap3A_304 = vector.shape_cast %broadcast_in_dim3A_22 : vector<16xf32> to vector<1x16xf32>
      tpu.vector_store %arg11[%swap3A_300, %swap3A_301], %swap3A_304 {strides = array<i32>} : memref<80x128xf32, #tpu.memory_space<vmem>>, vector<1x16xf32>,
      %swap3A_305 = arith.index_cast %add3A_280 : i32 to index
      %swap3A_306 = arith.constant 80 : index
      %swap3A_307 = tpu.vector_load %arg11[%swap3A_305, %swap3A_306] {strides = array<i32>} : memref<80x128xf32, #tpu.memory_space<vmem>>, vector<1x16xf32>,
      %swap3A_308 = vector.shape_cast %swap3A_307 : vector<1x16xf32> to vector<16xf32>
      %swap3A_309 = vector.shape_cast %broadcast_in_dim3A_22 : vector<16xf32> to vector<1x16xf32>
      tpu.vector_store %arg11[%swap3A_305, %swap3A_306], %swap3A_309 {strides = array<i32>} : memref<80x128xf32, #tpu.memory_space<vmem>>, vector<1x16xf32>,
      %swap3A_310 = arith.index_cast %add3A_280 : i32 to index
      %swap3A_311 = arith.constant 96 : index
      %swap3A_312 = tpu.vector_load %arg11[%swap3A_310, %swap3A_311] {strides = array<i32>} : memref<80x128xf32, #tpu.memory_space<vmem>>, vector<1x16xf32>,
      %swap3A_313 = vector.shape_cast %swap3A_312 : vector<1x16xf32> to vector<16xf32>
      %swap3A_314 = vector.shape_cast %broadcast_in_dim3A_22 : vector<16xf32> to vector<1x16xf32>
      tpu.vector_store %arg11[%swap3A_310, %swap3A_311], %swap3A_314 {strides = array<i32>} : memref<80x128xf32, #tpu.memory_space<vmem>>, vector<1x16xf32>,
      %swap3A_315 = arith.index_cast %add3A_280 : i32 to index
      %swap3A_316 = arith.constant 112 : index
      %swap3A_317 = tpu.vector_load %arg11[%swap3A_315, %swap3A_316] {strides = array<i32>} : memref<80x128xf32, #tpu.memory_space<vmem>>, vector<1x16xf32>,
      %swap3A_318 = vector.shape_cast %swap3A_317 : vector<1x16xf32> to vector<16xf32>
      %swap3A_319 = vector.shape_cast %broadcast_in_dim3A_22 : vector<16xf32> to vector<1x16xf32>
      tpu.vector_store %arg11[%swap3A_315, %swap3A_316], %swap3A_319 {strides = array<i32>} : memref<80x128xf32, #tpu.memory_space<vmem>>, vector<1x16xf32>,
    }
    %scan3A_26 = arith.constant 80 : i32
    %mul3A_27 = arith.constant 640 : i32
    %mul3A_28 = arith.muli %arg1, %mul3A_27 : i32
    %add3A_29 = arith.constant 0 : i32
    %add3A_30 = arith.addi %mul3A_28, %add3A_29 : i32
    %dma_start3A_31 = arith.constant 0 : i32
    %dma_start3A_32 = tpu.memref_slice %arg12[%add3A_30, %dma_start3A_31] : memref<10240x128xf32, #tpu.memory_space<vmem_shared>> -> memref<80x128xf32, #tpu.memory_space<vmem_shared>>
    %dma_start3A_33 = arith.constant 0 : i32
    %dma_start3A_34 = tpu.memref_slice %arg12[%add3A_30, %dma_start3A_33] : memref<10240x128xf32, #tpu.memory_space<vmem_shared>> -> memref<80x128xf32, #tpu.memory_space<vmem_shared>>
    tpu.enqueue_dma source(%arg11 : memref<80x128xf32, #tpu.memory_space<vmem>>) target(%dma_start3A_34 : memref<80x128xf32, #tpu.memory_space<vmem_shared>>) target_semaphore(%arg17 : memref<!tpu.dma_semaphore, #tpu.memory_space<semaphore_mem>>)
    %mul3A_35 = arith.constant 640 : i32
    %mul3A_36 = arith.muli %arg1, %mul3A_35 : i32
    %add3A_37 = arith.constant 80 : i32
    %add3A_38 = arith.addi %mul3A_36, %add3A_37 : i32
    %dma_start3A_39 = arith.constant 0 : i32
    %dma_start3A_40 = tpu.memref_slice %arg12[%add3A_38, %dma_start3A_39] : memref<10240x128xf32, #tpu.memory_space<vmem_shared>> -> memref<80x128xf32, #tpu.memory_space<vmem_shared>>
    %dma_start3A_41 = arith.constant 0 : i32
    %dma_start3A_42 = tpu.memref_slice %arg12[%add3A_38, %dma_start3A_41] : memref<10240x128xf32, #tpu.memory_space<vmem_shared>> -> memref<80x128xf32, #tpu.memory_space<vmem_shared>>
    tpu.enqueue_dma source(%arg11 : memref<80x128xf32, #tpu.memory_space<vmem>>) target(%dma_start3A_42 : memref<80x128xf32, #tpu.memory_space<vmem_shared>>) target_semaphore(%arg17 : memref<!tpu.dma_semaphore, #tpu.memory_space<semaphore_mem>>)
    %mul3A_43 = arith.constant 640 : i32
    %mul3A_44 = arith.muli %arg1, %mul3A_43 : i32
    %add3A_45 = arith.constant 160 : i32
    %add3A_46 = arith.addi %mul3A_44, %add3A_45 : i32
    %dma_start3A_47 = arith.constant 0 : i32
    %dma_start3A_48 = tpu.memref_slice %arg12[%add3A_46, %dma_start3A_47] : memref<10240x128xf32, #tpu.memory_space<vmem_shared>> -> memref<80x128xf32, #tpu.memory_space<vmem_shared>>
    %dma_start3A_49 = arith.constant 0 : i32
    %dma_start3A_50 = tpu.memref_slice %arg12[%add3A_46, %dma_start3A_49] : memref<10240x128xf32, #tpu.memory_space<vmem_shared>> -> memref<80x128xf32, #tpu.memory_space<vmem_shared>>
    tpu.enqueue_dma source(%arg11 : memref<80x128xf32, #tpu.memory_space<vmem>>) target(%dma_start3A_50 : memref<80x128xf32, #tpu.memory_space<vmem_shared>>) target_semaphore(%arg17 : memref<!tpu.dma_semaphore, #tpu.memory_space<semaphore_mem>>)
    %mul3A_51 = arith.constant 640 : i32
    %mul3A_52 = arith.muli %arg1, %mul3A_51 : i32
    %add3A_53 = arith.constant 240 : i32
    %add3A_54 = arith.addi %mul3A_52, %add3A_53 : i32
    %dma_start3A_55 = arith.constant 0 : i32
    %dma_start3A_56 = tpu.memref_slice %arg12[%add3A_54, %dma_start3A_55] : memref<10240x128xf32, #tpu.memory_space<vmem_shared>> -> memref<80x128xf32, #tpu.memory_space<vmem_shared>>
    %dma_start3A_57 = arith.constant 0 : i32
    %dma_start3A_58 = tpu.memref_slice %arg12[%add3A_54, %dma_start3A_57] : memref<10240x128xf32, #tpu.memory_space<vmem_shared>> -> memref<80x128xf32, #tpu.memory_space<vmem_shared>>
    tpu.enqueue_dma source(%arg11 : memref<80x128xf32, #tpu.memory_space<vmem>>) target(%dma_start3A_58 : memref<80x128xf32, #tpu.memory_space<vmem_shared>>) target_semaphore(%arg17 : memref<!tpu.dma_semaphore, #tpu.memory_space<semaphore_mem>>)
    %mul3A_59 = arith.constant 640 : i32
    %mul3A_60 = arith.muli %arg1, %mul3A_59 : i32
    %add3A_61 = arith.constant 320 : i32
    %add3A_62 = arith.addi %mul3A_60, %add3A_61 : i32
    %dma_start3A_63 = arith.constant 0 : i32
    %dma_start3A_64 = tpu.memref_slice %arg12[%add3A_62, %dma_start3A_63] : memref<10240x128xf32, #tpu.memory_space<vmem_shared>> -> memref<80x128xf32, #tpu.memory_space<vmem_shared>>
    %dma_start3A_65 = arith.constant 0 : i32
    %dma_start3A_66 = tpu.memref_slice %arg12[%add3A_62, %dma_start3A_65] : memref<10240x128xf32, #tpu.memory_space<vmem_shared>> -> memref<80x128xf32, #tpu.memory_space<vmem_shared>>
    tpu.enqueue_dma source(%arg11 : memref<80x128xf32, #tpu.memory_space<vmem>>) target(%dma_start3A_66 : memref<80x128xf32, #tpu.memory_space<vmem_shared>>) target_semaphore(%arg17 : memref<!tpu.dma_semaphore, #tpu.memory_space<semaphore_mem>>)
    %mul3A_67 = arith.constant 640 : i32
    %mul3A_68 = arith.muli %arg1, %mul3A_67 : i32
    %add3A_69 = arith.constant 400 : i32
    %add3A_70 = arith.addi %mul3A_68, %add3A_69 : i32
    %dma_start3A_71 = arith.constant 0 : i32
    %dma_start3A_72 = tpu.memref_slice %arg12[%add3A_70, %dma_start3A_71] : memref<10240x128xf32, #tpu.memory_space<vmem_shared>> -> memref<80x128xf32, #tpu.memory_space<vmem_shared>>
    %dma_start3A_73 = arith.constant 0 : i32
    %dma_start3A_74 = tpu.memref_slice %arg12[%add3A_70, %dma_start3A_73] : memref<10240x128xf32, #tpu.memory_space<vmem_shared>> -> memref<80x128xf32, #tpu.memory_space<vmem_shared>>
    tpu.enqueue_dma source(%arg11 : memref<80x128xf32, #tpu.memory_space<vmem>>) target(%dma_start3A_74 : memref<80x128xf32, #tpu.memory_space<vmem_shared>>) target_semaphore(%arg17 : memref<!tpu.dma_semaphore, #tpu.memory_space<semaphore_mem>>)
    %mul3A_75 = arith.constant 640 : i32
    %mul3A_76 = arith.muli %arg1, %mul3A_75 : i32
    %add3A_77 = arith.constant 480 : i32
    %add3A_78 = arith.addi %mul3A_76, %add3A_77 : i32
    %dma_start3A_79 = arith.constant 0 : i32
    %dma_start3A_80 = tpu.memref_slice %arg12[%add3A_78, %dma_start3A_79] : memref<10240x128xf32, #tpu.memory_space<vmem_shared>> -> memref<80x128xf32, #tpu.memory_space<vmem_shared>>
    %dma_start3A_81 = arith.constant 0 : i32
    %dma_start3A_82 = tpu.memref_slice %arg12[%add3A_78, %dma_start3A_81] : memref<10240x128xf32, #tpu.memory_space<vmem_shared>> -> memref<80x128xf32, #tpu.memory_space<vmem_shared>>
    tpu.enqueue_dma source(%arg11 : memref<80x128xf32, #tpu.memory_space<vmem>>) target(%dma_start3A_82 : memref<80x128xf32, #tpu.memory_space<vmem_shared>>) target_semaphore(%arg17 : memref<!tpu.dma_semaphore, #tpu.memory_space<semaphore_mem>>)
    %mul3A_83 = arith.constant 640 : i32
    %mul3A_84 = arith.muli %arg1, %mul3A_83 : i32
    %add3A_85 = arith.constant 560 : i32
    %add3A_86 = arith.addi %mul3A_84, %add3A_85 : i32
    %dma_start3A_87 = arith.constant 0 : i32
    %dma_start3A_88 = tpu.memref_slice %arg12[%add3A_86, %dma_start3A_87] : memref<10240x128xf32, #tpu.memory_space<vmem_shared>> -> memref<80x128xf32, #tpu.memory_space<vmem_shared>>
    %dma_start3A_89 = arith.constant 0 : i32
    %dma_start3A_90 = tpu.memref_slice %arg12[%add3A_86, %dma_start3A_89] : memref<10240x128xf32, #tpu.memory_space<vmem_shared>> -> memref<80x128xf32, #tpu.memory_space<vmem_shared>>
    tpu.enqueue_dma source(%arg11 : memref<80x128xf32, #tpu.memory_space<vmem>>) target(%dma_start3A_90 : memref<80x128xf32, #tpu.memory_space<vmem_shared>>) target_semaphore(%arg17 : memref<!tpu.dma_semaphore, #tpu.memory_space<semaphore_mem>>)
    %mul3A_91 = arith.constant 640 : i32
    %mul3A_92 = arith.muli %arg1, %mul3A_91 : i32
    %add3A_93 = arith.constant 0 : i32
    %add3A_94 = arith.addi %mul3A_92, %add3A_93 : i32
    %dma_wait3A = arith.constant 0 : i32
    %dma_wait3A_95 = tpu.memref_slice %arg12[%add3A_94, %dma_wait3A] : memref<10240x128xf32, #tpu.memory_space<vmem_shared>> -> memref<80x128xf32, #tpu.memory_space<vmem_shared>>
    %dma_wait3A_96 = arith.constant 0 : i32
    %dma_wait3A_97 = tpu.memref_slice %arg12[%add3A_94, %dma_wait3A_96] : memref<10240x128xf32, #tpu.memory_space<vmem_shared>> -> memref<80x128xf32, #tpu.memory_space<vmem_shared>>
    tpu.wait_dma2 semaphore(%arg17 : memref<!tpu.dma_semaphore, #tpu.memory_space<semaphore_mem>>) src(%arg11 : memref<80x128xf32, #tpu.memory_space<vmem>>) dst(%dma_wait3A_97 : memref<80x128xf32, #tpu.memory_space<vmem_shared>>)
    %mul3A_98 = arith.constant 640 : i32
    %mul3A_99 = arith.muli %arg1, %mul3A_98 : i32
    %add3A_100 = arith.constant 80 : i32
    %add3A_101 = arith.addi %mul3A_99, %add3A_100 : i32
    %dma_wait3A_102 = arith.constant 0 : i32
    %dma_wait3A_103 = tpu.memref_slice %arg12[%add3A_101, %dma_wait3A_102] : memref<10240x128xf32, #tpu.memory_space<vmem_shared>> -> memref<80x128xf32, #tpu.memory_space<vmem_shared>>
    %dma_wait3A_104 = arith.constant 0 : i32
    %dma_wait3A_105 = tpu.memref_slice %arg12[%add3A_101, %dma_wait3A_104] : memref<10240x128xf32, #tpu.memory_space<vmem_shared>> -> memref<80x128xf32, #tpu.memory_space<vmem_shared>>
    tpu.wait_dma2 semaphore(%arg17 : memref<!tpu.dma_semaphore, #tpu.memory_space<semaphore_mem>>) src(%arg11 : memref<80x128xf32, #tpu.memory_space<vmem>>) dst(%dma_wait3A_105 : memref<80x128xf32, #tpu.memory_space<vmem_shared>>)
    %mul3A_106 = arith.constant 640 : i32
    %mul3A_107 = arith.muli %arg1, %mul3A_106 : i32
    %add3A_108 = arith.constant 160 : i32
    %add3A_109 = arith.addi %mul3A_107, %add3A_108 : i32
    %dma_wait3A_110 = arith.constant 0 : i32
    %dma_wait3A_111 = tpu.memref_slice %arg12[%add3A_109, %dma_wait3A_110] : memref<10240x128xf32, #tpu.memory_space<vmem_shared>> -> memref<80x128xf32, #tpu.memory_space<vmem_shared>>
    %dma_wait3A_112 = arith.constant 0 : i32
    %dma_wait3A_113 = tpu.memref_slice %arg12[%add3A_109, %dma_wait3A_112] : memref<10240x128xf32, #tpu.memory_space<vmem_shared>> -> memref<80x128xf32, #tpu.memory_space<vmem_shared>>
    tpu.wait_dma2 semaphore(%arg17 : memref<!tpu.dma_semaphore, #tpu.memory_space<semaphore_mem>>) src(%arg11 : memref<80x128xf32, #tpu.memory_space<vmem>>) dst(%dma_wait3A_113 : memref<80x128xf32, #tpu.memory_space<vmem_shared>>)
    %mul3A_114 = arith.constant 640 : i32
    %mul3A_115 = arith.muli %arg1, %mul3A_114 : i32
    %add3A_116 = arith.constant 240 : i32
    %add3A_117 = arith.addi %mul3A_115, %add3A_116 : i32
    %dma_wait3A_118 = arith.constant 0 : i32
    %dma_wait3A_119 = tpu.memref_slice %arg12[%add3A_117, %dma_wait3A_118] : memref<10240x128xf32, #tpu.memory_space<vmem_shared>> -> memref<80x128xf32, #tpu.memory_space<vmem_shared>>
    %dma_wait3A_120 = arith.constant 0 : i32
    %dma_wait3A_121 = tpu.memref_slice %arg12[%add3A_117, %dma_wait3A_120] : memref<10240x128xf32, #tpu.memory_space<vmem_shared>> -> memref<80x128xf32, #tpu.memory_space<vmem_shared>>
    tpu.wait_dma2 semaphore(%arg17 : memref<!tpu.dma_semaphore, #tpu.memory_space<semaphore_mem>>) src(%arg11 : memref<80x128xf32, #tpu.memory_space<vmem>>) dst(%dma_wait3A_121 : memref<80x128xf32, #tpu.memory_space<vmem_shared>>)
    %mul3A_122 = arith.constant 640 : i32
    %mul3A_123 = arith.muli %arg1, %mul3A_122 : i32
    %add3A_124 = arith.constant 320 : i32
    %add3A_125 = arith.addi %mul3A_123, %add3A_124 : i32
    %dma_wait3A_126 = arith.constant 0 : i32
    %dma_wait3A_127 = tpu.memref_slice %arg12[%add3A_125, %dma_wait3A_126] : memref<10240x128xf32, #tpu.memory_space<vmem_shared>> -> memref<80x128xf32, #tpu.memory_space<vmem_shared>>
    %dma_wait3A_128 = arith.constant 0 : i32
    %dma_wait3A_129 = tpu.memref_slice %arg12[%add3A_125, %dma_wait3A_128] : memref<10240x128xf32, #tpu.memory_space<vmem_shared>> -> memref<80x128xf32, #tpu.memory_space<vmem_shared>>
    tpu.wait_dma2 semaphore(%arg17 : memref<!tpu.dma_semaphore, #tpu.memory_space<semaphore_mem>>) src(%arg11 : memref<80x128xf32, #tpu.memory_space<vmem>>) dst(%dma_wait3A_129 : memref<80x128xf32, #tpu.memory_space<vmem_shared>>)
    %mul3A_130 = arith.constant 640 : i32
    %mul3A_131 = arith.muli %arg1, %mul3A_130 : i32
    %add3A_132 = arith.constant 400 : i32
    %add3A_133 = arith.addi %mul3A_131, %add3A_132 : i32
    %dma_wait3A_134 = arith.constant 0 : i32
    %dma_wait3A_135 = tpu.memref_slice %arg12[%add3A_133, %dma_wait3A_134] : memref<10240x128xf32, #tpu.memory_space<vmem_shared>> -> memref<80x128xf32, #tpu.memory_space<vmem_shared>>
    %dma_wait3A_136 = arith.constant 0 : i32
    %dma_wait3A_137 = tpu.memref_slice %arg12[%add3A_133, %dma_wait3A_136] : memref<10240x128xf32, #tpu.memory_space<vmem_shared>> -> memref<80x128xf32, #tpu.memory_space<vmem_shared>>
    tpu.wait_dma2 semaphore(%arg17 : memref<!tpu.dma_semaphore, #tpu.memory_space<semaphore_mem>>) src(%arg11 : memref<80x128xf32, #tpu.memory_space<vmem>>) dst(%dma_wait3A_137 : memref<80x128xf32, #tpu.memory_space<vmem_shared>>)
    %mul3A_138 = arith.constant 640 : i32
    %mul3A_139 = arith.muli %arg1, %mul3A_138 : i32
    %add3A_140 = arith.constant 480 : i32
    %add3A_141 = arith.addi %mul3A_139, %add3A_140 : i32
    %dma_wait3A_142 = arith.constant 0 : i32
    %dma_wait3A_143 = tpu.memref_slice %arg12[%add3A_141, %dma_wait3A_142] : memref<10240x128xf32, #tpu.memory_space<vmem_shared>> -> memref<80x128xf32, #tpu.memory_space<vmem_shared>>
    %dma_wait3A_144 = arith.constant 0 : i32
    %dma_wait3A_145 = tpu.memref_slice %arg12[%add3A_141, %dma_wait3A_144] : memref<10240x128xf32, #tpu.memory_space<vmem_shared>> -> memref<80x128xf32, #tpu.memory_space<vmem_shared>>
    tpu.wait_dma2 semaphore(%arg17 : memref<!tpu.dma_semaphore, #tpu.memory_space<semaphore_mem>>) src(%arg11 : memref<80x128xf32, #tpu.memory_space<vmem>>) dst(%dma_wait3A_145 : memref<80x128xf32, #tpu.memory_space<vmem_shared>>)
    %mul3A_146 = arith.constant 640 : i32
    %mul3A_147 = arith.muli %arg1, %mul3A_146 : i32
    %add3A_148 = arith.constant 560 : i32
    %add3A_149 = arith.addi %mul3A_147, %add3A_148 : i32
    %dma_wait3A_150 = arith.constant 0 : i32
    %dma_wait3A_151 = tpu.memref_slice %arg12[%add3A_149, %dma_wait3A_150] : memref<10240x128xf32, #tpu.memory_space<vmem_shared>> -> memref<80x128xf32, #tpu.memory_space<vmem_shared>>
    %dma_wait3A_152 = arith.constant 0 : i32
    %dma_wait3A_153 = tpu.memref_slice %arg12[%add3A_149, %dma_wait3A_152] : memref<10240x128xf32, #tpu.memory_space<vmem_shared>> -> memref<80x128xf32, #tpu.memory_space<vmem_shared>>
    tpu.wait_dma2 semaphore(%arg17 : memref<!tpu.dma_semaphore, #tpu.memory_space<semaphore_mem>>) src(%arg11 : memref<80x128xf32, #tpu.memory_space<vmem>>) dst(%dma_wait3A_153 : memref<80x128xf32, #tpu.memory_space<vmem_shared>>)
    %barrier3A = arith.constant 0 : index
    tpu.barrier barrier_id(%barrier3A)
    %dma_start3A_154 = arith.constant 3 : i32
    %dma_start3A_155 = arith.constant 0 : i32
    %dma_start3A_156 = tpu.memref_slice %arg6[%dma_start3A_154, %dma_start3A_155] : memref<32x80xi32, #tpu.memory_space<vmem>> -> memref<1x80xi32, #tpu.memory_space<vmem>>
    %dma_start3A_157 = tpu.memref_squeeze %dma_start3A_156 : memref<1x80xi32, #tpu.memory_space<vmem>> -> memref<80xi32, #tpu.memory_space<vmem>>
    %dma_start3A_158 = arith.constant 0 : i32
    %dma_start3A_159 = arith.constant 0 : i32
    %dma_start3A_160 = tpu.memref_slice %arg2[%dma_start3A_158, %dma_start3A_159] : memref<10240x128xf32, #tpu.memory_space<hbm>> -> memref<10240x128xf32, #tpu.memory_space<hbm>>
    tpu.enqueue_indirect_dma source(%dma_start3A_160 : memref<10240x128xf32, #tpu.memory_space<hbm>>) target(%arg11 : memref<80x128xf32, #tpu.memory_space<vmem>>) offsets(%dma_start3A_157 : memref<80xi32, #tpu.memory_space<vmem>>) semaphore(%arg16 : memref<!tpu.dma_semaphore, #tpu.memory_space<semaphore_mem>>)
    %scan3A_161 = arith.constant 0 : i32
    %scan3A_162 = arith.constant 8 : i32
    %scan3A_163 = arith.addi %scan3A_161, %scan3A_162 : i32
    %scan3A_164 = arith.constant 1 : i32
    scf.for %scan3A_276 = %scan3A_161 to %scan3A_163 step %scan3A_164  : i32 {
      %mul3A_277 = arith.constant 4 : i32
      %mul3A_278 = arith.muli %scan3A_276, %mul3A_277 : i32
      %add3A_279 = arith.constant 0 : i32
      %add3A_280 = arith.addi %add3A_279, %mul3A_278 : i32
      %add3A_281 = arith.constant 0 : i32
      %add3A_282 = arith.addi %add3A_280, %add3A_281 : i32
      %dma_wait3A_283 = arith.constant 0 : i32
      %dma_wait3A_284 = tpu.memref_slice %arg6[%add3A_282, %dma_wait3A_283] : memref<32x80xi32, #tpu.memory_space<vmem>> -> memref<1x80xi32, #tpu.memory_space<vmem>>
      %dma_wait3A_285 = tpu.memref_squeeze %dma_wait3A_284 : memref<1x80xi32, #tpu.memory_space<vmem>> -> memref<80xi32, #tpu.memory_space<vmem>>
      %dma_wait3A_286 = arith.constant 0 : i32
      %dma_wait3A_287 = arith.constant 0 : i32
      %dma_wait3A_288 = tpu.memref_slice %arg2[%dma_wait3A_286, %dma_wait3A_287] : memref<10240x128xf32, #tpu.memory_space<hbm>> -> memref<10240x128xf32, #tpu.memory_space<hbm>>
      tpu.wait_indirect_dma semaphore(%arg13 : memref<!tpu.dma_semaphore, #tpu.memory_space<semaphore_mem>>) src(%dma_wait3A_288 : memref<10240x128xf32, #tpu.memory_space<hbm>>) dst(%arg8 : memref<80x128xf32, #tpu.memory_space<vmem>>)
      %add3A_289 = arith.constant 0 : i32
      %add3A_290 = arith.addi %add3A_280, %add3A_289 : i32
      "tpu.region"() ({
        %run_scoped3A_354 = tpu.sem_alloc : memref<!tpu.dma_semaphore, #tpu.memory_space<semaphore_mem>>
        %dma_start3A_355 = arith.constant 0 : i32
        %dma_start3A_356 = tpu.memref_slice %arg7[%add3A_290, %dma_start3A_355] : memref<32x80xi32, #tpu.memory_space<vmem>> -> memref<1x80xi32, #tpu.memory_space<vmem>>
        %dma_start3A_357 = tpu.memref_squeeze %dma_start3A_356 : memref<1x80xi32, #tpu.memory_space<vmem>> -> memref<80xi32, #tpu.memory_space<vmem>>
        %dma_start3A_358 = arith.constant 0 : i32
        %dma_start3A_359 = arith.constant 0 : i32
        %dma_start3A_360 = tpu.memref_slice %arg12[%dma_start3A_358, %dma_start3A_359] : memref<10240x128xf32, #tpu.memory_space<vmem_shared>> -> memref<10240x128xf32, #tpu.memory_space<vmem_shared>>
        tpu.enqueue_indirect_dma source(%arg8 : memref<80x128xf32, #tpu.memory_space<vmem>>) target(%dma_start3A_360 : memref<10240x128xf32, #tpu.memory_space<vmem_shared>>) offsets(%dma_start3A_357 : memref<80xi32, #tpu.memory_space<vmem>>) semaphore(%run_scoped3A_354 : memref<!tpu.dma_semaphore, #tpu.memory_space<semaphore_mem>>) {add = true}
        %dma_wait3A_361 = arith.constant 0 : i32
        %dma_wait3A_362 = tpu.memref_slice %arg7[%add3A_290, %dma_wait3A_361] : memref<32x80xi32, #tpu.memory_space<vmem>> -> memref<1x80xi32, #tpu.memory_space<vmem>>
        %dma_wait3A_363 = tpu.memref_squeeze %dma_wait3A_362 : memref<1x80xi32, #tpu.memory_space<vmem>> -> memref<80xi32, #tpu.memory_space<vmem>>
        %dma_wait3A_364 = arith.constant 0 : i32
        %dma_wait3A_365 = arith.constant 0 : i32
        %dma_wait3A_366 = tpu.memref_slice %arg12[%dma_wait3A_364, %dma_wait3A_365] : memref<10240x128xf32, #tpu.memory_space<vmem_shared>> -> memref<10240x128xf32, #tpu.memory_space<vmem_shared>>
        tpu.wait_indirect_dma semaphore(%run_scoped3A_354 : memref<!tpu.dma_semaphore, #tpu.memory_space<semaphore_mem>>) src(%arg8 : memref<80x128xf32, #tpu.memory_space<vmem>>) dst(%dma_wait3A_366 : memref<10240x128xf32, #tpu.memory_space<vmem_shared>>)
        tpu.yield
      }) : () -> ()
      %add3A_291 = arith.constant 0 : i32
      %add3A_292 = arith.addi %add3A_280, %add3A_291 : i32
      %add3A_293 = arith.constant 4 : i32
      %add3A_294 = arith.addi %add3A_292, %add3A_293 : i32
      %lt3A = arith.constant 32 : i32
      %lt3A_295 = arith.cmpi slt, %add3A_294, %lt3A : i32
      %convert_element_type3A = arith.extui %lt3A_295 : i1 to i32
      %cond3A = arith.constant 0 : i32
      %cond3A_296 = arith.cmpi ne, %convert_element_type3A, %cond3A : i32
      scf.if %cond3A_296 {
        %add3A_354 = arith.constant 0 : i32
        %add3A_355 = arith.addi %add3A_280, %add3A_354 : i32
        %add3A_356 = arith.constant 4 : i32
        %add3A_357 = arith.addi %add3A_355, %add3A_356 : i32
        %dma_start3A_358 = arith.constant 0 : i32
        %dma_start3A_359 = tpu.memref_slice %arg6[%add3A_357, %dma_start3A_358] : memref<32x80xi32, #tpu.memory_space<vmem>> -> memref<1x80xi32, #tpu.memory_space<vmem>>
        %dma_start3A_360 = tpu.memref_squeeze %dma_start3A_359 : memref<1x80xi32, #tpu.memory_space<vmem>> -> memref<80xi32, #tpu.memory_space<vmem>>
        %dma_start3A_361 = arith.constant 0 : i32
        %dma_start3A_362 = arith.constant 0 : i32
        %dma_start3A_363 = tpu.memref_slice %arg2[%dma_start3A_361, %dma_start3A_362] : memref<10240x128xf32, #tpu.memory_space<hbm>> -> memref<10240x128xf32, #tpu.memory_space<hbm>>
        tpu.enqueue_indirect_dma source(%dma_start3A_363 : memref<10240x128xf32, #tpu.memory_space<hbm>>) target(%arg8 : memref<80x128xf32, #tpu.memory_space<vmem>>) offsets(%dma_start3A_360 : memref<80xi32, #tpu.memory_space<vmem>>) semaphore(%arg13 : memref<!tpu.dma_semaphore, #tpu.memory_space<semaphore_mem>>)
      } else {
      }
      %add3A_297 = arith.constant 1 : i32
      %add3A_298 = arith.addi %add3A_280, %add3A_297 : i32
      %dma_wait3A_299 = arith.constant 0 : i32
      %dma_wait3A_300 = tpu.memref_slice %arg6[%add3A_298, %dma_wait3A_299] : memref<32x80xi32, #tpu.memory_space<vmem>> -> memref<1x80xi32, #tpu.memory_space<vmem>>
      %dma_wait3A_301 = tpu.memref_squeeze %dma_wait3A_300 : memref<1x80xi32, #tpu.memory_space<vmem>> -> memref<80xi32, #tpu.memory_space<vmem>>
      %dma_wait3A_302 = arith.constant 0 : i32
      %dma_wait3A_303 = arith.constant 0 : i32
      %dma_wait3A_304 = tpu.memref_slice %arg2[%dma_wait3A_302, %dma_wait3A_303] : memref<10240x128xf32, #tpu.memory_space<hbm>> -> memref<10240x128xf32, #tpu.memory_space<hbm>>
      tpu.wait_indirect_dma semaphore(%arg14 : memref<!tpu.dma_semaphore, #tpu.memory_space<semaphore_mem>>) src(%dma_wait3A_304 : memref<10240x128xf32, #tpu.memory_space<hbm>>) dst(%arg9 : memref<80x128xf32, #tpu.memory_space<vmem>>)
      %add3A_305 = arith.constant 1 : i32
      %add3A_306 = arith.addi %add3A_280, %add3A_305 : i32
      "tpu.region"() ({
        %run_scoped3A_354 = tpu.sem_alloc : memref<!tpu.dma_semaphore, #tpu.memory_space<semaphore_mem>>
        %dma_start3A_355 = arith.constant 0 : i32
        %dma_start3A_356 = tpu.memref_slice %arg7[%add3A_306, %dma_start3A_355] : memref<32x80xi32, #tpu.memory_space<vmem>> -> memref<1x80xi32, #tpu.memory_space<vmem>>
        %dma_start3A_357 = tpu.memref_squeeze %dma_start3A_356 : memref<1x80xi32, #tpu.memory_space<vmem>> -> memref<80xi32, #tpu.memory_space<vmem>>
        %dma_start3A_358 = arith.constant 0 : i32
        %dma_start3A_359 = arith.constant 0 : i32
        %dma_start3A_360 = tpu.memref_slice %arg12[%dma_start3A_358, %dma_start3A_359] : memref<10240x128xf32, #tpu.memory_space<vmem_shared>> -> memref<10240x128xf32, #tpu.memory_space<vmem_shared>>
        tpu.enqueue_indirect_dma source(%arg9 : memref<80x128xf32, #tpu.memory_space<vmem>>) target(%dma_start3A_360 : memref<10240x128xf32, #tpu.memory_space<vmem_shared>>) offsets(%dma_start3A_357 : memref<80xi32, #tpu.memory_space<vmem>>) semaphore(%run_scoped3A_354 : memref<!tpu.dma_semaphore, #tpu.memory_space<semaphore_mem>>) {add = true}
        %dma_wait3A_361 = arith.constant 0 : i32
        %dma_wait3A_362 = tpu.memref_slice %arg7[%add3A_306, %dma_wait3A_361] : memref<32x80xi32, #tpu.memory_space<vmem>> -> memref<1x80xi32, #tpu.memory_space<vmem>>
        %dma_wait3A_363 = tpu.memref_squeeze %dma_wait3A_362 : memref<1x80xi32, #tpu.memory_space<vmem>> -> memref<80xi32, #tpu.memory_space<vmem>>
        %dma_wait3A_364 = arith.constant 0 : i32
        %dma_wait3A_365 = arith.constant 0 : i32
        %dma_wait3A_366 = tpu.memref_slice %arg12[%dma_wait3A_364, %dma_wait3A_365] : memref<10240x128xf32, #tpu.memory_space<vmem_shared>> -> memref<10240x128xf32, #tpu.memory_space<vmem_shared>>
        tpu.wait_indirect_dma semaphore(%run_scoped3A_354 : memref<!tpu.dma_semaphore, #tpu.memory_space<semaphore_mem>>) src(%arg9 : memref<80x128xf32, #tpu.memory_space<vmem>>) dst(%dma_wait3A_366 : memref<10240x128xf32, #tpu.memory_space<vmem_shared>>)
        tpu.yield
      }) : () -> ()
      %add3A_307 = arith.constant 1 : i32
      %add3A_308 = arith.addi %add3A_280, %add3A_307 : i32
      %add3A_309 = arith.constant 4 : i32
      %add3A_310 = arith.addi %add3A_308, %add3A_309 : i32
      %lt3A_311 = arith.constant 32 : i32
      %lt3A_312 = arith.cmpi slt, %add3A_310, %lt3A_311 : i32
      %convert_element_type3A_313 = arith.extui %lt3A_312 : i1 to i32
      %cond3A_314 = arith.constant 0 : i32
      %cond3A_315 = arith.cmpi ne, %convert_element_type3A_313, %cond3A_314 : i32
      scf.if %cond3A_315 {
        %add3A_354 = arith.constant 1 : i32
        %add3A_355 = arith.addi %add3A_280, %add3A_354 : i32
        %add3A_356 = arith.constant 4 : i32
        %add3A_357 = arith.addi %add3A_355, %add3A_356 : i32
        %dma_start3A_358 = arith.constant 0 : i32
        %dma_start3A_359 = tpu.memref_slice %arg6[%add3A_357, %dma_start3A_358] : memref<32x80xi32, #tpu.memory_space<vmem>> -> memref<1x80xi32, #tpu.memory_space<vmem>>
        %dma_start3A_360 = tpu.memref_squeeze %dma_start3A_359 : memref<1x80xi32, #tpu.memory_space<vmem>> -> memref<80xi32, #tpu.memory_space<vmem>>
        %dma_start3A_361 = arith.constant 0 : i32
        %dma_start3A_362 = arith.constant 0 : i32
        %dma_start3A_363 = tpu.memref_slice %arg2[%dma_start3A_361, %dma_start3A_362] : memref<10240x128xf32, #tpu.memory_space<hbm>> -> memref<10240x128xf32, #tpu.memory_space<hbm>>
        tpu.enqueue_indirect_dma source(%dma_start3A_363 : memref<10240x128xf32, #tpu.memory_space<hbm>>) target(%arg9 : memref<80x128xf32, #tpu.memory_space<vmem>>) offsets(%dma_start3A_360 : memref<80xi32, #tpu.memory_space<vmem>>) semaphore(%arg14 : memref<!tpu.dma_semaphore, #tpu.memory_space<semaphore_mem>>)
      } else {
      }
      %add3A_316 = arith.constant 2 : i32
      %add3A_317 = arith.addi %add3A_280, %add3A_316 : i32
      %dma_wait3A_318 = arith.constant 0 : i32
      %dma_wait3A_319 = tpu.memref_slice %arg6[%add3A_317, %dma_wait3A_318] : memref<32x80xi32, #tpu.memory_space<vmem>> -> memref<1x80xi32, #tpu.memory_space<vmem>>
      %dma_wait3A_320 = tpu.memref_squeeze %dma_wait3A_319 : memref<1x80xi32, #tpu.memory_space<vmem>> -> memref<80xi32, #tpu.memory_space<vmem>>
      %dma_wait3A_321 = arith.constant 0 : i32
      %dma_wait3A_322 = arith.constant 0 : i32
      %dma_wait3A_323 = tpu.memref_slice %arg2[%dma_wait3A_321, %dma_wait3A_322] : memref<10240x128xf32, #tpu.memory_space<hbm>> -> memref<10240x128xf32, #tpu.memory_space<hbm>>
      tpu.wait_indirect_dma semaphore(%arg15 : memref<!tpu.dma_semaphore, #tpu.memory_space<semaphore_mem>>) src(%dma_wait3A_323 : memref<10240x128xf32, #tpu.memory_space<hbm>>) dst(%arg10 : memref<80x128xf32, #tpu.memory_space<vmem>>)
      %add3A_324 = arith.constant 2 : i32
      %add3A_325 = arith.addi %add3A_280, %add3A_324 : i32
      "tpu.region"() ({
        %run_scoped3A_354 = tpu.sem_alloc : memref<!tpu.dma_semaphore, #tpu.memory_space<semaphore_mem>>
        %dma_start3A_355 = arith.constant 0 : i32
        %dma_start3A_356 = tpu.memref_slice %arg7[%add3A_325, %dma_start3A_355] : memref<32x80xi32, #tpu.memory_space<vmem>> -> memref<1x80xi32, #tpu.memory_space<vmem>>
        %dma_start3A_357 = tpu.memref_squeeze %dma_start3A_356 : memref<1x80xi32, #tpu.memory_space<vmem>> -> memref<80xi32, #tpu.memory_space<vmem>>
        %dma_start3A_358 = arith.constant 0 : i32
        %dma_start3A_359 = arith.constant 0 : i32
        %dma_start3A_360 = tpu.memref_slice %arg12[%dma_start3A_358, %dma_start3A_359] : memref<10240x128xf32, #tpu.memory_space<vmem_shared>> -> memref<10240x128xf32, #tpu.memory_space<vmem_shared>>
        tpu.enqueue_indirect_dma source(%arg10 : memref<80x128xf32, #tpu.memory_space<vmem>>) target(%dma_start3A_360 : memref<10240x128xf32, #tpu.memory_space<vmem_shared>>) offsets(%dma_start3A_357 : memref<80xi32, #tpu.memory_space<vmem>>) semaphore(%run_scoped3A_354 : memref<!tpu.dma_semaphore, #tpu.memory_space<semaphore_mem>>) {add = true}
        %dma_wait3A_361 = arith.constant 0 : i32
        %dma_wait3A_362 = tpu.memref_slice %arg7[%add3A_325, %dma_wait3A_361] : memref<32x80xi32, #tpu.memory_space<vmem>> -> memref<1x80xi32, #tpu.memory_space<vmem>>
        %dma_wait3A_363 = tpu.memref_squeeze %dma_wait3A_362 : memref<1x80xi32, #tpu.memory_space<vmem>> -> memref<80xi32, #tpu.memory_space<vmem>>
        %dma_wait3A_364 = arith.constant 0 : i32
        %dma_wait3A_365 = arith.constant 0 : i32
        %dma_wait3A_366 = tpu.memref_slice %arg12[%dma_wait3A_364, %dma_wait3A_365] : memref<10240x128xf32, #tpu.memory_space<vmem_shared>> -> memref<10240x128xf32, #tpu.memory_space<vmem_shared>>
        tpu.wait_indirect_dma semaphore(%run_scoped3A_354 : memref<!tpu.dma_semaphore, #tpu.memory_space<semaphore_mem>>) src(%arg10 : memref<80x128xf32, #tpu.memory_space<vmem>>) dst(%dma_wait3A_366 : memref<10240x128xf32, #tpu.memory_space<vmem_shared>>)
        tpu.yield
      }) : () -> ()
      %add3A_326 = arith.constant 2 : i32
      %add3A_327 = arith.addi %add3A_280, %add3A_326 : i32
      %add3A_328 = arith.constant 4 : i32
      %add3A_329 = arith.addi %add3A_327, %add3A_328 : i32
      %lt3A_330 = arith.constant 32 : i32
      %lt3A_331 = arith.cmpi slt, %add3A_329, %lt3A_330 : i32
      %convert_element_type3A_332 = arith.extui %lt3A_331 : i1 to i32
      %cond3A_333 = arith.constant 0 : i32
      %cond3A_334 = arith.cmpi ne, %convert_element_type3A_332, %cond3A_333 : i32
      scf.if %cond3A_334 {
        %add3A_354 = arith.constant 2 : i32
        %add3A_355 = arith.addi %add3A_280, %add3A_354 : i32
        %add3A_356 = arith.constant 4 : i32
        %add3A_357 = arith.addi %add3A_355, %add3A_356 : i32
        %dma_start3A_358 = arith.constant 0 : i32
        %dma_start3A_359 = tpu.memref_slice %arg6[%add3A_357, %dma_start3A_358] : memref<32x80xi32, #tpu.memory_space<vmem>> -> memref<1x80xi32, #tpu.memory_space<vmem>>
        %dma_start3A_360 = tpu.memref_squeeze %dma_start3A_359 : memref<1x80xi32, #tpu.memory_space<vmem>> -> memref<80xi32, #tpu.memory_space<vmem>>
        %dma_start3A_361 = arith.constant 0 : i32
        %dma_start3A_362 = arith.constant 0 : i32
        %dma_start3A_363 = tpu.memref_slice %arg2[%dma_start3A_361, %dma_start3A_362] : memref<10240x128xf32, #tpu.memory_space<hbm>> -> memref<10240x128xf32, #tpu.memory_space<hbm>>
        tpu.enqueue_indirect_dma source(%dma_start3A_363 : memref<10240x128xf32, #tpu.memory_space<hbm>>) target(%arg10 : memref<80x128xf32, #tpu.memory_space<vmem>>) offsets(%dma_start3A_360 : memref<80xi32, #tpu.memory_space<vmem>>) semaphore(%arg15 : memref<!tpu.dma_semaphore, #tpu.memory_space<semaphore_mem>>)
      } else {
      }
      %add3A_335 = arith.constant 3 : i32
      %add3A_336 = arith.addi %add3A_280, %add3A_335 : i32
      %dma_wait3A_337 = arith.constant 0 : i32
      %dma_wait3A_338 = tpu.memref_slice %arg6[%add3A_336, %dma_wait3A_337] : memref<32x80xi32, #tpu.memory_space<vmem>> -> memref<1x80xi32, #tpu.memory_space<vmem>>
      %dma_wait3A_339 = tpu.memref_squeeze %dma_wait3A_338 : memref<1x80xi32, #tpu.memory_space<vmem>> -> memref<80xi32, #tpu.memory_space<vmem>>
      %dma_wait3A_340 = arith.constant 0 : i32
      %dma_wait3A_341 = arith.constant 0 : i32
      %dma_wait3A_342 = tpu.memref_slice %arg2[%dma_wait3A_340, %dma_wait3A_341] : memref<10240x128xf32, #tpu.memory_space<hbm>> -> memref<10240x128xf32, #tpu.memory_space<hbm>>
      tpu.wait_indirect_dma semaphore(%arg16 : memref<!tpu.dma_semaphore, #tpu.memory_space<semaphore_mem>>) src(%dma_wait3A_342 : memref<10240x128xf32, #tpu.memory_space<hbm>>) dst(%arg11 : memref<80x128xf32, #tpu.memory_space<vmem>>)
      %add3A_343 = arith.constant 3 : i32
      %add3A_344 = arith.addi %add3A_280, %add3A_343 : i32
      "tpu.region"() ({
        %run_scoped3A_354 = tpu.sem_alloc : memref<!tpu.dma_semaphore, #tpu.memory_space<semaphore_mem>>
        %dma_start3A_355 = arith.constant 0 : i32
        %dma_start3A_356 = tpu.memref_slice %arg7[%add3A_344, %dma_start3A_355] : memref<32x80xi32, #tpu.memory_space<vmem>> -> memref<1x80xi32, #tpu.memory_space<vmem>>
        %dma_start3A_357 = tpu.memref_squeeze %dma_start3A_356 : memref<1x80xi32, #tpu.memory_space<vmem>> -> memref<80xi32, #tpu.memory_space<vmem>>
        %dma_start3A_358 = arith.constant 0 : i32
        %dma_start3A_359 = arith.constant 0 : i32
        %dma_start3A_360 = tpu.memref_slice %arg12[%dma_start3A_358, %dma_start3A_359] : memref<10240x128xf32, #tpu.memory_space<vmem_shared>> -> memref<10240x128xf32, #tpu.memory_space<vmem_shared>>
        tpu.enqueue_indirect_dma source(%arg11 : memref<80x128xf32, #tpu.memory_space<vmem>>) target(%dma_start3A_360 : memref<10240x128xf32, #tpu.memory_space<vmem_shared>>) offsets(%dma_start3A_357 : memref<80xi32, #tpu.memory_space<vmem>>) semaphore(%run_scoped3A_354 : memref<!tpu.dma_semaphore, #tpu.memory_space<semaphore_mem>>) {add = true}
        %dma_wait3A_361 = arith.constant 0 : i32
        %dma_wait3A_362 = tpu.memref_slice %arg7[%add3A_344, %dma_wait3A_361] : memref<32x80xi32, #tpu.memory_space<vmem>> -> memref<1x80xi32, #tpu.memory_space<vmem>>
        %dma_wait3A_363 = tpu.memref_squeeze %dma_wait3A_362 : memref<1x80xi32, #tpu.memory_space<vmem>> -> memref<80xi32, #tpu.memory_space<vmem>>
        %dma_wait3A_364 = arith.constant 0 : i32
        %dma_wait3A_365 = arith.constant 0 : i32
        %dma_wait3A_366 = tpu.memref_slice %arg12[%dma_wait3A_364, %dma_wait3A_365] : memref<10240x128xf32, #tpu.memory_space<vmem_shared>> -> memref<10240x128xf32, #tpu.memory_space<vmem_shared>>
        tpu.wait_indirect_dma semaphore(%run_scoped3A_354 : memref<!tpu.dma_semaphore, #tpu.memory_space<semaphore_mem>>) src(%arg11 : memref<80x128xf32, #tpu.memory_space<vmem>>) dst(%dma_wait3A_366 : memref<10240x128xf32, #tpu.memory_space<vmem_shared>>)
        tpu.yield
      }) : () -> ()
      %add3A_345 = arith.constant 3 : i32
      %add3A_346 = arith.addi %add3A_280, %add3A_345 : i32
      %add3A_347 = arith.constant 4 : i32
      %add3A_348 = arith.addi %add3A_346, %add3A_347 : i32
      %lt3A_349 = arith.constant 32 : i32
      %lt3A_350 = arith.cmpi slt, %add3A_348, %lt3A_349 : i32
      %convert_element_type3A_351 = arith.extui %lt3A_350 : i1 to i32
      %cond3A_352 = arith.constant 0 : i32
      %cond3A_353 = arith.cmpi ne, %convert_element_type3A_351, %cond3A_352 : i32
      scf.if %cond3A_353 {
        %add3A_354 = arith.constant 3 : i32
        %add3A_355 = arith.addi %add3A_280, %add3A_354 : i32
        %add3A_356 = arith.constant 4 : i32
        %add3A_357 = arith.addi %add3A_355, %add3A_356 : i32
        %dma_start3A_358 = arith.constant 0 : i32
        %dma_start3A_359 = tpu.memref_slice %arg6[%add3A_357, %dma_start3A_358] : memref<32x80xi32, #tpu.memory_space<vmem>> -> memref<1x80xi32, #tpu.memory_space<vmem>>
        %dma_start3A_360 = tpu.memref_squeeze %dma_start3A_359 : memref<1x80xi32, #tpu.memory_space<vmem>> -> memref<80xi32, #tpu.memory_space<vmem>>
        %dma_start3A_361 = arith.constant 0 : i32
        %dma_start3A_362 = arith.constant 0 : i32
        %dma_start3A_363 = tpu.memref_slice %arg2[%dma_start3A_361, %dma_start3A_362] : memref<10240x128xf32, #tpu.memory_space<hbm>> -> memref<10240x128xf32, #tpu.memory_space<hbm>>
        tpu.enqueue_indirect_dma source(%dma_start3A_363 : memref<10240x128xf32, #tpu.memory_space<hbm>>) target(%arg11 : memref<80x128xf32, #tpu.memory_space<vmem>>) offsets(%dma_start3A_360 : memref<80xi32, #tpu.memory_space<vmem>>) semaphore(%arg16 : memref<!tpu.dma_semaphore, #tpu.memory_space<semaphore_mem>>)
      } else {
      }
    }
    %scan3A_165 = arith.constant 8 : i32
    %run_scoped3A_166 = arith.constant 1 : i32
    "tpu.region"() ({
      %run_scoped3A_276 = tpu.sem_alloc : memref<!tpu.dma_semaphore, #tpu.memory_space<semaphore_mem>>
      %dma_start3A_277 = arith.constant 0 : i32
      %dma_start3A_278 = arith.constant 0 : i32
      %dma_start3A_279 = arith.constant 0 : i32
      %dma_start3A_280 = tpu.memref_slice %arg3[%add3A, %dma_start3A_277, %dma_start3A_278, %dma_start3A_279] : memref<32x4x32x80xi32, #tpu.memory_space<hbm>> -> memref<1x4x32x80xi32, #tpu.memory_space<hbm>>
      %dma_start3A_281 = tpu.memref_squeeze %dma_start3A_280 : memref<1x4x32x80xi32, #tpu.memory_space<hbm>> -> memref<4x32x80xi32, #tpu.memory_space<hbm>>
      %dma_start3A_282 = arith.constant 0 : i32
      %dma_start3A_283 = arith.constant 0 : i32
      %dma_start3A_284 = tpu.memref_slice %dma_start3A_281[%run_scoped3A_166, %dma_start3A_282, %dma_start3A_283] : memref<4x32x80xi32, #tpu.memory_space<hbm>> -> memref<1x32x80xi32, #tpu.memory_space<hbm>>
      %dma_start3A_285 = tpu.memref_squeeze %dma_start3A_284 : memref<1x32x80xi32, #tpu.memory_space<hbm>> -> memref<32x80xi32, #tpu.memory_space<hbm>>
      %dma_start3A_286 = arith.constant 0 : i32
      %dma_start3A_287 = arith.constant 0 : i32
      %dma_start3A_288 = arith.constant 0 : i32
      %dma_start3A_289 = tpu.memref_slice %arg3[%add3A, %dma_start3A_286, %dma_start3A_287, %dma_start3A_288] : memref<32x4x32x80xi32, #tpu.memory_space<hbm>> -> memref<1x4x32x80xi32, #tpu.memory_space<hbm>>
      %dma_start3A_290 = tpu.memref_squeeze %dma_start3A_289 : memref<1x4x32x80xi32, #tpu.memory_space<hbm>> -> memref<4x32x80xi32, #tpu.memory_space<hbm>>
      %dma_start3A_291 = arith.constant 0 : i32
      %dma_start3A_292 = arith.constant 0 : i32
      %dma_start3A_293 = tpu.memref_slice %dma_start3A_290[%run_scoped3A_166, %dma_start3A_291, %dma_start3A_292] : memref<4x32x80xi32, #tpu.memory_space<hbm>> -> memref<1x32x80xi32, #tpu.memory_space<hbm>>
      %dma_start3A_294 = tpu.memref_squeeze %dma_start3A_293 : memref<1x32x80xi32, #tpu.memory_space<hbm>> -> memref<32x80xi32, #tpu.memory_space<hbm>>
      tpu.enqueue_dma source(%dma_start3A_294 : memref<32x80xi32, #tpu.memory_space<hbm>>) target(%arg6 : memref<32x80xi32, #tpu.memory_space<vmem>>) target_semaphore(%run_scoped3A_276 : memref<!tpu.dma_semaphore, #tpu.memory_space<semaphore_mem>>)
      %dma_wait3A_295 = arith.constant 0 : i32
      %dma_wait3A_296 = arith.constant 0 : i32
      %dma_wait3A_297 = arith.constant 0 : i32
      %dma_wait3A_298 = tpu.memref_slice %arg3[%add3A, %dma_wait3A_295, %dma_wait3A_296, %dma_wait3A_297] : memref<32x4x32x80xi32, #tpu.memory_space<hbm>> -> memref<1x4x32x80xi32, #tpu.memory_space<hbm>>
      %dma_wait3A_299 = tpu.memref_squeeze %dma_wait3A_298 : memref<1x4x32x80xi32, #tpu.memory_space<hbm>> -> memref<4x32x80xi32, #tpu.memory_space<hbm>>
      %dma_wait3A_300 = arith.constant 0 : i32
      %dma_wait3A_301 = arith.constant 0 : i32
      %dma_wait3A_302 = tpu.memref_slice %dma_wait3A_299[%run_scoped3A_166, %dma_wait3A_300, %dma_wait3A_301] : memref<4x32x80xi32, #tpu.memory_space<hbm>> -> memref<1x32x80xi32, #tpu.memory_space<hbm>>
      %dma_wait3A_303 = tpu.memref_squeeze %dma_wait3A_302 : memref<1x32x80xi32, #tpu.memory_space<hbm>> -> memref<32x80xi32, #tpu.memory_space<hbm>>
      %dma_wait3A_304 = arith.constant 0 : i32
      %dma_wait3A_305 = arith.constant 0 : i32
      %dma_wait3A_306 = arith.constant 0 : i32
      %dma_wait3A_307 = tpu.memref_slice %arg3[%add3A, %dma_wait3A_304, %dma_wait3A_305, %dma_wait3A_306] : memref<32x4x32x80xi32, #tpu.memory_space<hbm>> -> memref<1x4x32x80xi32, #tpu.memory_space<hbm>>
      %dma_wait3A_308 = tpu.memref_squeeze %dma_wait3A_307 : memref<1x4x32x80xi32, #tpu.memory_space<hbm>> -> memref<4x32x80xi32, #tpu.memory_space<hbm>>
      %dma_wait3A_309 = arith.constant 0 : i32
      %dma_wait3A_310 = arith.constant 0 : i32
      %dma_wait3A_311 = tpu.memref_slice %dma_wait3A_308[%run_scoped3A_166, %dma_wait3A_309, %dma_wait3A_310] : memref<4x32x80xi32, #tpu.memory_space<hbm>> -> memref<1x32x80xi32, #tpu.memory_space<hbm>>
      %dma_wait3A_312 = tpu.memref_squeeze %dma_wait3A_311 : memref<1x32x80xi32, #tpu.memory_space<hbm>> -> memref<32x80xi32, #tpu.memory_space<hbm>>
      tpu.wait_dma2 semaphore(%run_scoped3A_276 : memref<!tpu.dma_semaphore, #tpu.memory_space<semaphore_mem>>) src(%dma_wait3A_312 : memref<32x80xi32, #tpu.memory_space<hbm>>) dst(%arg6 : memref<32x80xi32, #tpu.memory_space<vmem>>)
      tpu.yield
    }) : () -> ()
    %run_scoped3A_167 = arith.constant 1 : i32
    "tpu.region"() ({
      %run_scoped3A_276 = tpu.sem_alloc : memref<!tpu.dma_semaphore, #tpu.memory_space<semaphore_mem>>
      %dma_start3A_277 = arith.constant 0 : i32
      %dma_start3A_278 = arith.constant 0 : i32
      %dma_start3A_279 = arith.constant 0 : i32
      %dma_start3A_280 = tpu.memref_slice %arg4[%add3A, %dma_start3A_277, %dma_start3A_278, %dma_start3A_279] : memref<32x4x32x80xi32, #tpu.memory_space<hbm>> -> memref<1x4x32x80xi32, #tpu.memory_space<hbm>>
      %dma_start3A_281 = tpu.memref_squeeze %dma_start3A_280 : memref<1x4x32x80xi32, #tpu.memory_space<hbm>> -> memref<4x32x80xi32, #tpu.memory_space<hbm>>
      %dma_start3A_282 = arith.constant 0 : i32
      %dma_start3A_283 = arith.constant 0 : i32
      %dma_start3A_284 = tpu.memref_slice %dma_start3A_281[%run_scoped3A_167, %dma_start3A_282, %dma_start3A_283] : memref<4x32x80xi32, #tpu.memory_space<hbm>> -> memref<1x32x80xi32, #tpu.memory_space<hbm>>
      %dma_start3A_285 = tpu.memref_squeeze %dma_start3A_284 : memref<1x32x80xi32, #tpu.memory_space<hbm>> -> memref<32x80xi32, #tpu.memory_space<hbm>>
      %dma_start3A_286 = arith.constant 0 : i32
      %dma_start3A_287 = arith.constant 0 : i32
      %dma_start3A_288 = arith.constant 0 : i32
      %dma_start3A_289 = tpu.memref_slice %arg4[%add3A, %dma_start3A_286, %dma_start3A_287, %dma_start3A_288] : memref<32x4x32x80xi32, #tpu.memory_space<hbm>> -> memref<1x4x32x80xi32, #tpu.memory_space<hbm>>
      %dma_start3A_290 = tpu.memref_squeeze %dma_start3A_289 : memref<1x4x32x80xi32, #tpu.memory_space<hbm>> -> memref<4x32x80xi32, #tpu.memory_space<hbm>>
      %dma_start3A_291 = arith.constant 0 : i32
      %dma_start3A_292 = arith.constant 0 : i32
      %dma_start3A_293 = tpu.memref_slice %dma_start3A_290[%run_scoped3A_167, %dma_start3A_291, %dma_start3A_292] : memref<4x32x80xi32, #tpu.memory_space<hbm>> -> memref<1x32x80xi32, #tpu.memory_space<hbm>>
      %dma_start3A_294 = tpu.memref_squeeze %dma_start3A_293 : memref<1x32x80xi32, #tpu.memory_space<hbm>> -> memref<32x80xi32, #tpu.memory_space<hbm>>
      tpu.enqueue_dma source(%dma_start3A_294 : memref<32x80xi32, #tpu.memory_space<hbm>>) target(%arg7 : memref<32x80xi32, #tpu.memory_space<vmem>>) target_semaphore(%run_scoped3A_276 : memref<!tpu.dma_semaphore, #tpu.memory_space<semaphore_mem>>)
      %dma_wait3A_295 = arith.constant 0 : i32
      %dma_wait3A_296 = arith.constant 0 : i32
      %dma_wait3A_297 = arith.constant 0 : i32
      %dma_wait3A_298 = tpu.memref_slice %arg4[%add3A, %dma_wait3A_295, %dma_wait3A_296, %dma_wait3A_297] : memref<32x4x32x80xi32, #tpu.memory_space<hbm>> -> memref<1x4x32x80xi32, #tpu.memory_space<hbm>>
      %dma_wait3A_299 = tpu.memref_squeeze %dma_wait3A_298 : memref<1x4x32x80xi32, #tpu.memory_space<hbm>> -> memref<4x32x80xi32, #tpu.memory_space<hbm>>
      %dma_wait3A_300 = arith.constant 0 : i32
      %dma_wait3A_301 = arith.constant 0 : i32
      %dma_wait3A_302 = tpu.memref_slice %dma_wait3A_299[%run_scoped3A_167, %dma_wait3A_300, %dma_wait3A_301] : memref<4x32x80xi32, #tpu.memory_space<hbm>> -> memref<1x32x80xi32, #tpu.memory_space<hbm>>
      %dma_wait3A_303 = tpu.memref_squeeze %dma_wait3A_302 : memref<1x32x80xi32, #tpu.memory_space<hbm>> -> memref<32x80xi32, #tpu.memory_space<hbm>>
      %dma_wait3A_304 = arith.constant 0 : i32
      %dma_wait3A_305 = arith.constant 0 : i32
      %dma_wait3A_306 = arith.constant 0 : i32
      %dma_wait3A_307 = tpu.memref_slice %arg4[%add3A, %dma_wait3A_304, %dma_wait3A_305, %dma_wait3A_306] : memref<32x4x32x80xi32, #tpu.memory_space<hbm>> -> memref<1x4x32x80xi32, #tpu.memory_space<hbm>>
      %dma_wait3A_308 = tpu.memref_squeeze %dma_wait3A_307 : memref<1x4x32x80xi32, #tpu.memory_space<hbm>> -> memref<4x32x80xi32, #tpu.memory_space<hbm>>
      %dma_wait3A_309 = arith.constant 0 : i32
      %dma_wait3A_310 = arith.constant 0 : i32
      %dma_wait3A_311 = tpu.memref_slice %dma_wait3A_308[%run_scoped3A_167, %dma_wait3A_309, %dma_wait3A_310] : memref<4x32x80xi32, #tpu.memory_space<hbm>> -> memref<1x32x80xi32, #tpu.memory_space<hbm>>
      %dma_wait3A_312 = tpu.memref_squeeze %dma_wait3A_311 : memref<1x32x80xi32, #tpu.memory_space<hbm>> -> memref<32x80xi32, #tpu.memory_space<hbm>>
      tpu.wait_dma2 semaphore(%run_scoped3A_276 : memref<!tpu.dma_semaphore, #tpu.memory_space<semaphore_mem>>) src(%dma_wait3A_312 : memref<32x80xi32, #tpu.memory_space<hbm>>) dst(%arg7 : memref<32x80xi32, #tpu.memory_space<vmem>>)
      tpu.yield
    }) : () -> ()
    %dma_start3A_168 = arith.constant 0 : i32
    %dma_start3A_169 = arith.constant 0 : i32
    %dma_start3A_170 = tpu.memref_slice %arg6[%dma_start3A_168, %dma_start3A_169] : memref<32x80xi32, #tpu.memory_space<vmem>> -> memref<1x80xi32, #tpu.memory_space<vmem>>
    %dma_start3A_171 = tpu.memref_squeeze %dma_start3A_170 : memref<1x80xi32, #tpu.memory_space<vmem>> -> memref<80xi32, #tpu.memory_space<vmem>>
    %dma_start3A_172 = arith.constant 0 : i32
    %dma_start3A_173 = arith.constant 0 : i32
    %dma_start3A_174 = tpu.memref_slice %arg2[%dma_start3A_172, %dma_start3A_173] : memref<10240x128xf32, #tpu.memory_space<hbm>> -> memref<10240x128xf32, #tpu.memory_space<hbm>>
    tpu.enqueue_indirect_dma source(%dma_start3A_174 : memref<10240x128xf32, #tpu.memory_space<hbm>>) target(%arg8 : memref<80x128xf32, #tpu.memory_space<vmem>>) offsets(%dma_start3A_171 : memref<80xi32, #tpu.memory_space<vmem>>) semaphore(%arg13 : memref<!tpu.dma_semaphore, #tpu.memory_space<semaphore_mem>>)
    %dma_start3A_175 = arith.constant 1 : i32
    %dma_start3A_176 = arith.constant 0 : i32
    %dma_start3A_177 = tpu.memref_slice %arg6[%dma_start3A_175, %dma_start3A_176] : memref<32x80xi32, #tpu.memory_space<vmem>> -> memref<1x80xi32, #tpu.memory_space<vmem>>
    %dma_start3A_178 = tpu.memref_squeeze %dma_start3A_177 : memref<1x80xi32, #tpu.memory_space<vmem>> -> memref<80xi32, #tpu.memory_space<vmem>>
    %dma_start3A_179 = arith.constant 0 : i32
    %dma_start3A_180 = arith.constant 0 : i32
    %dma_start3A_181 = tpu.memref_slice %arg2[%dma_start3A_179, %dma_start3A_180] : memref<10240x128xf32, #tpu.memory_space<hbm>> -> memref<10240x128xf32, #tpu.memory_space<hbm>>
    tpu.enqueue_indirect_dma source(%dma_start3A_181 : memref<10240x128xf32, #tpu.memory_space<hbm>>) target(%arg9 : memref<80x128xf32, #tpu.memory_space<vmem>>) offsets(%dma_start3A_178 : memref<80xi32, #tpu.memory_space<vmem>>) semaphore(%arg14 : memref<!tpu.dma_semaphore, #tpu.memory_space<semaphore_mem>>)
    %dma_start3A_182 = arith.constant 2 : i32
    %dma_start3A_183 = arith.constant 0 : i32
    %dma_start3A_184 = tpu.memref_slice %arg6[%dma_start3A_182, %dma_start3A_183] : memref<32x80xi32, #tpu.memory_space<vmem>> -> memref<1x80xi32, #tpu.memory_space<vmem>>
    %dma_start3A_185 = tpu.memref_squeeze %dma_start3A_184 : memref<1x80xi32, #tpu.memory_space<vmem>> -> memref<80xi32, #tpu.memory_space<vmem>>
    %dma_start3A_186 = arith.constant 0 : i32
    %dma_start3A_187 = arith.constant 0 : i32
    %dma_start3A_188 = tpu.memref_slice %arg2[%dma_start3A_186, %dma_start3A_187] : memref<10240x128xf32, #tpu.memory_space<hbm>> -> memref<10240x128xf32, #tpu.memory_space<hbm>>
    tpu.enqueue_indirect_dma source(%dma_start3A_188 : memref<10240x128xf32, #tpu.memory_space<hbm>>) target(%arg10 : memref<80x128xf32, #tpu.memory_space<vmem>>) offsets(%dma_start3A_185 : memref<80xi32, #tpu.memory_space<vmem>>) semaphore(%arg15 : memref<!tpu.dma_semaphore, #tpu.memory_space<semaphore_mem>>)
    %dma_start3A_189 = arith.constant 3 : i32
    %dma_start3A_190 = arith.constant 0 : i32
    %dma_start3A_191 = tpu.memref_slice %arg6[%dma_start3A_189, %dma_start3A_190] : memref<32x80xi32, #tpu.memory_space<vmem>> -> memref<1x80xi32, #tpu.memory_space<vmem>>
    %dma_start3A_192 = tpu.memref_squeeze %dma_start3A_191 : memref<1x80xi32, #tpu.memory_space<vmem>> -> memref<80xi32, #tpu.memory_space<vmem>>
    %dma_start3A_193 = arith.constant 0 : i32
    %dma_start3A_194 = arith.constant 0 : i32
    %dma_start3A_195 = tpu.memref_slice %arg2[%dma_start3A_193, %dma_start3A_194] : memref<10240x128xf32, #tpu.memory_space<hbm>> -> memref<10240x128xf32, #tpu.memory_space<hbm>>
    tpu.enqueue_indirect_dma source(%dma_start3A_195 : memref<10240x128xf32, #tpu.memory_space<hbm>>) target(%arg11 : memref<80x128xf32, #tpu.memory_space<vmem>>) offsets(%dma_start3A_192 : memref<80xi32, #tpu.memory_space<vmem>>) semaphore(%arg16 : memref<!tpu.dma_semaphore, #tpu.memory_space<semaphore_mem>>)
    %scan3A_196 = arith.constant 0 : i32
    %scan3A_197 = arith.constant 8 : i32
    %scan3A_198 = arith.addi %scan3A_196, %scan3A_197 : i32
    %scan3A_199 = arith.constant 1 : i32
    scf.for %scan3A_276 = %scan3A_196 to %scan3A_198 step %scan3A_199  : i32 {
      %mul3A_277 = arith.constant 4 : i32
      %mul3A_278 = arith.muli %scan3A_276, %mul3A_277 : i32
      %add3A_279 = arith.constant 0 : i32
      %add3A_280 = arith.addi %add3A_279, %mul3A_278 : i32
      %add3A_281 = arith.constant 0 : i32
      %add3A_282 = arith.addi %add3A_280, %add3A_281 : i32
      %dma_wait3A_283 = arith.constant 0 : i32
      %dma_wait3A_284 = tpu.memref_slice %arg6[%add3A_282, %dma_wait3A_283] : memref<32x80xi32, #tpu.memory_space<vmem>> -> memref<1x80xi32, #tpu.memory_space<vmem>>
      %dma_wait3A_285 = tpu.memref_squeeze %dma_wait3A_284 : memref<1x80xi32, #tpu.memory_space<vmem>> -> memref<80xi32, #tpu.memory_space<vmem>>
      %dma_wait3A_286 = arith.constant 0 : i32
      %dma_wait3A_287 = arith.constant 0 : i32
      %dma_wait3A_288 = tpu.memref_slice %arg2[%dma_wait3A_286, %dma_wait3A_287] : memref<10240x128xf32, #tpu.memory_space<hbm>> -> memref<10240x128xf32, #tpu.memory_space<hbm>>
      tpu.wait_indirect_dma semaphore(%arg13 : memref<!tpu.dma_semaphore, #tpu.memory_space<semaphore_mem>>) src(%dma_wait3A_288 : memref<10240x128xf32, #tpu.memory_space<hbm>>) dst(%arg8 : memref<80x128xf32, #tpu.memory_space<vmem>>)
      %add3A_289 = arith.constant 0 : i32
      %add3A_290 = arith.addi %add3A_280, %add3A_289 : i32
      "tpu.region"() ({
        %run_scoped3A_354 = tpu.sem_alloc : memref<!tpu.dma_semaphore, #tpu.memory_space<semaphore_mem>>
        %dma_start3A_355 = arith.constant 0 : i32
        %dma_start3A_356 = tpu.memref_slice %arg7[%add3A_290, %dma_start3A_355] : memref<32x80xi32, #tpu.memory_space<vmem>> -> memref<1x80xi32, #tpu.memory_space<vmem>>
        %dma_start3A_357 = tpu.memref_squeeze %dma_start3A_356 : memref<1x80xi32, #tpu.memory_space<vmem>> -> memref<80xi32, #tpu.memory_space<vmem>>
        %dma_start3A_358 = arith.constant 0 : i32
        %dma_start3A_359 = arith.constant 0 : i32
        %dma_start3A_360 = tpu.memref_slice %arg12[%dma_start3A_358, %dma_start3A_359] : memref<10240x128xf32, #tpu.memory_space<vmem_shared>> -> memref<10240x128xf32, #tpu.memory_space<vmem_shared>>
        tpu.enqueue_indirect_dma source(%arg8 : memref<80x128xf32, #tpu.memory_space<vmem>>) target(%dma_start3A_360 : memref<10240x128xf32, #tpu.memory_space<vmem_shared>>) offsets(%dma_start3A_357 : memref<80xi32, #tpu.memory_space<vmem>>) semaphore(%run_scoped3A_354 : memref<!tpu.dma_semaphore, #tpu.memory_space<semaphore_mem>>) {add = true}
        %dma_wait3A_361 = arith.constant 0 : i32
        %dma_wait3A_362 = tpu.memref_slice %arg7[%add3A_290, %dma_wait3A_361] : memref<32x80xi32, #tpu.memory_space<vmem>> -> memref<1x80xi32, #tpu.memory_space<vmem>>
        %dma_wait3A_363 = tpu.memref_squeeze %dma_wait3A_362 : memref<1x80xi32, #tpu.memory_space<vmem>> -> memref<80xi32, #tpu.memory_space<vmem>>
        %dma_wait3A_364 = arith.constant 0 : i32
        %dma_wait3A_365 = arith.constant 0 : i32
        %dma_wait3A_366 = tpu.memref_slice %arg12[%dma_wait3A_364, %dma_wait3A_365] : memref<10240x128xf32, #tpu.memory_space<vmem_shared>> -> memref<10240x128xf32, #tpu.memory_space<vmem_shared>>
        tpu.wait_indirect_dma semaphore(%run_scoped3A_354 : memref<!tpu.dma_semaphore, #tpu.memory_space<semaphore_mem>>) src(%arg8 : memref<80x128xf32, #tpu.memory_space<vmem>>) dst(%dma_wait3A_366 : memref<10240x128xf32, #tpu.memory_space<vmem_shared>>)
        tpu.yield
      }) : () -> ()
      %add3A_291 = arith.constant 0 : i32
      %add3A_292 = arith.addi %add3A_280, %add3A_291 : i32
      %add3A_293 = arith.constant 4 : i32
      %add3A_294 = arith.addi %add3A_292, %add3A_293 : i32
      %lt3A = arith.constant 32 : i32
      %lt3A_295 = arith.cmpi slt, %add3A_294, %lt3A : i32
      %convert_element_type3A = arith.extui %lt3A_295 : i1 to i32
      %cond3A = arith.constant 0 : i32
      %cond3A_296 = arith.cmpi ne, %convert_element_type3A, %cond3A : i32
      scf.if %cond3A_296 {
        %add3A_354 = arith.constant 0 : i32
        %add3A_355 = arith.addi %add3A_280, %add3A_354 : i32
        %add3A_356 = arith.constant 4 : i32
        %add3A_357 = arith.addi %add3A_355, %add3A_356 : i32
        %dma_start3A_358 = arith.constant 0 : i32
        %dma_start3A_359 = tpu.memref_slice %arg6[%add3A_357, %dma_start3A_358] : memref<32x80xi32, #tpu.memory_space<vmem>> -> memref<1x80xi32, #tpu.memory_space<vmem>>
        %dma_start3A_360 = tpu.memref_squeeze %dma_start3A_359 : memref<1x80xi32, #tpu.memory_space<vmem>> -> memref<80xi32, #tpu.memory_space<vmem>>
        %dma_start3A_361 = arith.constant 0 : i32
        %dma_start3A_362 = arith.constant 0 : i32
        %dma_start3A_363 = tpu.memref_slice %arg2[%dma_start3A_361, %dma_start3A_362] : memref<10240x128xf32, #tpu.memory_space<hbm>> -> memref<10240x128xf32, #tpu.memory_space<hbm>>
        tpu.enqueue_indirect_dma source(%dma_start3A_363 : memref<10240x128xf32, #tpu.memory_space<hbm>>) target(%arg8 : memref<80x128xf32, #tpu.memory_space<vmem>>) offsets(%dma_start3A_360 : memref<80xi32, #tpu.memory_space<vmem>>) semaphore(%arg13 : memref<!tpu.dma_semaphore, #tpu.memory_space<semaphore_mem>>)
      } else {
      }
      %add3A_297 = arith.constant 1 : i32
      %add3A_298 = arith.addi %add3A_280, %add3A_297 : i32
      %dma_wait3A_299 = arith.constant 0 : i32
      %dma_wait3A_300 = tpu.memref_slice %arg6[%add3A_298, %dma_wait3A_299] : memref<32x80xi32, #tpu.memory_space<vmem>> -> memref<1x80xi32, #tpu.memory_space<vmem>>
      %dma_wait3A_301 = tpu.memref_squeeze %dma_wait3A_300 : memref<1x80xi32, #tpu.memory_space<vmem>> -> memref<80xi32, #tpu.memory_space<vmem>>
      %dma_wait3A_302 = arith.constant 0 : i32
      %dma_wait3A_303 = arith.constant 0 : i32
      %dma_wait3A_304 = tpu.memref_slice %arg2[%dma_wait3A_302, %dma_wait3A_303] : memref<10240x128xf32, #tpu.memory_space<hbm>> -> memref<10240x128xf32, #tpu.memory_space<hbm>>
      tpu.wait_indirect_dma semaphore(%arg14 : memref<!tpu.dma_semaphore, #tpu.memory_space<semaphore_mem>>) src(%dma_wait3A_304 : memref<10240x128xf32, #tpu.memory_space<hbm>>) dst(%arg9 : memref<80x128xf32, #tpu.memory_space<vmem>>)
      %add3A_305 = arith.constant 1 : i32
      %add3A_306 = arith.addi %add3A_280, %add3A_305 : i32
      "tpu.region"() ({
        %run_scoped3A_354 = tpu.sem_alloc : memref<!tpu.dma_semaphore, #tpu.memory_space<semaphore_mem>>
        %dma_start3A_355 = arith.constant 0 : i32
        %dma_start3A_356 = tpu.memref_slice %arg7[%add3A_306, %dma_start3A_355] : memref<32x80xi32, #tpu.memory_space<vmem>> -> memref<1x80xi32, #tpu.memory_space<vmem>>
        %dma_start3A_357 = tpu.memref_squeeze %dma_start3A_356 : memref<1x80xi32, #tpu.memory_space<vmem>> -> memref<80xi32, #tpu.memory_space<vmem>>
        %dma_start3A_358 = arith.constant 0 : i32
        %dma_start3A_359 = arith.constant 0 : i32
        %dma_start3A_360 = tpu.memref_slice %arg12[%dma_start3A_358, %dma_start3A_359] : memref<10240x128xf32, #tpu.memory_space<vmem_shared>> -> memref<10240x128xf32, #tpu.memory_space<vmem_shared>>
        tpu.enqueue_indirect_dma source(%arg9 : memref<80x128xf32, #tpu.memory_space<vmem>>) target(%dma_start3A_360 : memref<10240x128xf32, #tpu.memory_space<vmem_shared>>) offsets(%dma_start3A_357 : memref<80xi32, #tpu.memory_space<vmem>>) semaphore(%run_scoped3A_354 : memref<!tpu.dma_semaphore, #tpu.memory_space<semaphore_mem>>) {add = true}
        %dma_wait3A_361 = arith.constant 0 : i32
        %dma_wait3A_362 = tpu.memref_slice %arg7[%add3A_306, %dma_wait3A_361] : memref<32x80xi32, #tpu.memory_space<vmem>> -> memref<1x80xi32, #tpu.memory_space<vmem>>
        %dma_wait3A_363 = tpu.memref_squeeze %dma_wait3A_362 : memref<1x80xi32, #tpu.memory_space<vmem>> -> memref<80xi32, #tpu.memory_space<vmem>>
        %dma_wait3A_364 = arith.constant 0 : i32
        %dma_wait3A_365 = arith.constant 0 : i32
        %dma_wait3A_366 = tpu.memref_slice %arg12[%dma_wait3A_364, %dma_wait3A_365] : memref<10240x128xf32, #tpu.memory_space<vmem_shared>> -> memref<10240x128xf32, #tpu.memory_space<vmem_shared>>
        tpu.wait_indirect_dma semaphore(%run_scoped3A_354 : memref<!tpu.dma_semaphore, #tpu.memory_space<semaphore_mem>>) src(%arg9 : memref<80x128xf32, #tpu.memory_space<vmem>>) dst(%dma_wait3A_366 : memref<10240x128xf32, #tpu.memory_space<vmem_shared>>)
        tpu.yield
      }) : () -> ()
      %add3A_307 = arith.constant 1 : i32
      %add3A_308 = arith.addi %add3A_280, %add3A_307 : i32
      %add3A_309 = arith.constant 4 : i32
      %add3A_310 = arith.addi %add3A_308, %add3A_309 : i32
      %lt3A_311 = arith.constant 32 : i32
      %lt3A_312 = arith.cmpi slt, %add3A_310, %lt3A_311 : i32
      %convert_element_type3A_313 = arith.extui %lt3A_312 : i1 to i32
      %cond3A_314 = arith.constant 0 : i32
      %cond3A_315 = arith.cmpi ne, %convert_element_type3A_313, %cond3A_314 : i32
      scf.if %cond3A_315 {
        %add3A_354 = arith.constant 1 : i32
        %add3A_355 = arith.addi %add3A_280, %add3A_354 : i32
        %add3A_356 = arith.constant 4 : i32
        %add3A_357 = arith.addi %add3A_355, %add3A_356 : i32
        %dma_start3A_358 = arith.constant 0 : i32
        %dma_start3A_359 = tpu.memref_slice %arg6[%add3A_357, %dma_start3A_358] : memref<32x80xi32, #tpu.memory_space<vmem>> -> memref<1x80xi32, #tpu.memory_space<vmem>>
        %dma_start3A_360 = tpu.memref_squeeze %dma_start3A_359 : memref<1x80xi32, #tpu.memory_space<vmem>> -> memref<80xi32, #tpu.memory_space<vmem>>
        %dma_start3A_361 = arith.constant 0 : i32
        %dma_start3A_362 = arith.constant 0 : i32
        %dma_start3A_363 = tpu.memref_slice %arg2[%dma_start3A_361, %dma_start3A_362] : memref<10240x128xf32, #tpu.memory_space<hbm>> -> memref<10240x128xf32, #tpu.memory_space<hbm>>
        tpu.enqueue_indirect_dma source(%dma_start3A_363 : memref<10240x128xf32, #tpu.memory_space<hbm>>) target(%arg9 : memref<80x128xf32, #tpu.memory_space<vmem>>) offsets(%dma_start3A_360 : memref<80xi32, #tpu.memory_space<vmem>>) semaphore(%arg14 : memref<!tpu.dma_semaphore, #tpu.memory_space<semaphore_mem>>)
      } else {
      }
      %add3A_316 = arith.constant 2 : i32
      %add3A_317 = arith.addi %add3A_280, %add3A_316 : i32
      %dma_wait3A_318 = arith.constant 0 : i32
      %dma_wait3A_319 = tpu.memref_slice %arg6[%add3A_317, %dma_wait3A_318] : memref<32x80xi32, #tpu.memory_space<vmem>> -> memref<1x80xi32, #tpu.memory_space<vmem>>
      %dma_wait3A_320 = tpu.memref_squeeze %dma_wait3A_319 : memref<1x80xi32, #tpu.memory_space<vmem>> -> memref<80xi32, #tpu.memory_space<vmem>>
      %dma_wait3A_321 = arith.constant 0 : i32
      %dma_wait3A_322 = arith.constant 0 : i32
      %dma_wait3A_323 = tpu.memref_slice %arg2[%dma_wait3A_321, %dma_wait3A_322] : memref<10240x128xf32, #tpu.memory_space<hbm>> -> memref<10240x128xf32, #tpu.memory_space<hbm>>
      tpu.wait_indirect_dma semaphore(%arg15 : memref<!tpu.dma_semaphore, #tpu.memory_space<semaphore_mem>>) src(%dma_wait3A_323 : memref<10240x128xf32, #tpu.memory_space<hbm>>) dst(%arg10 : memref<80x128xf32, #tpu.memory_space<vmem>>)
      %add3A_324 = arith.constant 2 : i32
      %add3A_325 = arith.addi %add3A_280, %add3A_324 : i32
      "tpu.region"() ({
        %run_scoped3A_354 = tpu.sem_alloc : memref<!tpu.dma_semaphore, #tpu.memory_space<semaphore_mem>>
        %dma_start3A_355 = arith.constant 0 : i32
        %dma_start3A_356 = tpu.memref_slice %arg7[%add3A_325, %dma_start3A_355] : memref<32x80xi32, #tpu.memory_space<vmem>> -> memref<1x80xi32, #tpu.memory_space<vmem>>
        %dma_start3A_357 = tpu.memref_squeeze %dma_start3A_356 : memref<1x80xi32, #tpu.memory_space<vmem>> -> memref<80xi32, #tpu.memory_space<vmem>>
        %dma_start3A_358 = arith.constant 0 : i32
        %dma_start3A_359 = arith.constant 0 : i32
        %dma_start3A_360 = tpu.memref_slice %arg12[%dma_start3A_358, %dma_start3A_359] : memref<10240x128xf32, #tpu.memory_space<vmem_shared>> -> memref<10240x128xf32, #tpu.memory_space<vmem_shared>>
        tpu.enqueue_indirect_dma source(%arg10 : memref<80x128xf32, #tpu.memory_space<vmem>>) target(%dma_start3A_360 : memref<10240x128xf32, #tpu.memory_space<vmem_shared>>) offsets(%dma_start3A_357 : memref<80xi32, #tpu.memory_space<vmem>>) semaphore(%run_scoped3A_354 : memref<!tpu.dma_semaphore, #tpu.memory_space<semaphore_mem>>) {add = true}
        %dma_wait3A_361 = arith.constant 0 : i32
        %dma_wait3A_362 = tpu.memref_slice %arg7[%add3A_325, %dma_wait3A_361] : memref<32x80xi32, #tpu.memory_space<vmem>> -> memref<1x80xi32, #tpu.memory_space<vmem>>
        %dma_wait3A_363 = tpu.memref_squeeze %dma_wait3A_362 : memref<1x80xi32, #tpu.memory_space<vmem>> -> memref<80xi32, #tpu.memory_space<vmem>>
        %dma_wait3A_364 = arith.constant 0 : i32
        %dma_wait3A_365 = arith.constant 0 : i32
        %dma_wait3A_366 = tpu.memref_slice %arg12[%dma_wait3A_364, %dma_wait3A_365] : memref<10240x128xf32, #tpu.memory_space<vmem_shared>> -> memref<10240x128xf32, #tpu.memory_space<vmem_shared>>
        tpu.wait_indirect_dma semaphore(%run_scoped3A_354 : memref<!tpu.dma_semaphore, #tpu.memory_space<semaphore_mem>>) src(%arg10 : memref<80x128xf32, #tpu.memory_space<vmem>>) dst(%dma_wait3A_366 : memref<10240x128xf32, #tpu.memory_space<vmem_shared>>)
        tpu.yield
      }) : () -> ()
      %add3A_326 = arith.constant 2 : i32
      %add3A_327 = arith.addi %add3A_280, %add3A_326 : i32
      %add3A_328 = arith.constant 4 : i32
      %add3A_329 = arith.addi %add3A_327, %add3A_328 : i32
      %lt3A_330 = arith.constant 32 : i32
      %lt3A_331 = arith.cmpi slt, %add3A_329, %lt3A_330 : i32
      %convert_element_type3A_332 = arith.extui %lt3A_331 : i1 to i32
      %cond3A_333 = arith.constant 0 : i32
      %cond3A_334 = arith.cmpi ne, %convert_element_type3A_332, %cond3A_333 : i32
      scf.if %cond3A_334 {
        %add3A_354 = arith.constant 2 : i32
        %add3A_355 = arith.addi %add3A_280, %add3A_354 : i32
        %add3A_356 = arith.constant 4 : i32
        %add3A_357 = arith.addi %add3A_355, %add3A_356 : i32
        %dma_start3A_358 = arith.constant 0 : i32
        %dma_start3A_359 = tpu.memref_slice %arg6[%add3A_357, %dma_start3A_358] : memref<32x80xi32, #tpu.memory_space<vmem>> -> memref<1x80xi32, #tpu.memory_space<vmem>>
        %dma_start3A_360 = tpu.memref_squeeze %dma_start3A_359 : memref<1x80xi32, #tpu.memory_space<vmem>> -> memref<80xi32, #tpu.memory_space<vmem>>
        %dma_start3A_361 = arith.constant 0 : i32
        %dma_start3A_362 = arith.constant 0 : i32
        %dma_start3A_363 = tpu.memref_slice %arg2[%dma_start3A_361, %dma_start3A_362] : memref<10240x128xf32, #tpu.memory_space<hbm>> -> memref<10240x128xf32, #tpu.memory_space<hbm>>
        tpu.enqueue_indirect_dma source(%dma_start3A_363 : memref<10240x128xf32, #tpu.memory_space<hbm>>) target(%arg10 : memref<80x128xf32, #tpu.memory_space<vmem>>) offsets(%dma_start3A_360 : memref<80xi32, #tpu.memory_space<vmem>>) semaphore(%arg15 : memref<!tpu.dma_semaphore, #tpu.memory_space<semaphore_mem>>)
      } else {
      }
      %add3A_335 = arith.constant 3 : i32
      %add3A_336 = arith.addi %add3A_280, %add3A_335 : i32
      %dma_wait3A_337 = arith.constant 0 : i32
      %dma_wait3A_338 = tpu.memref_slice %arg6[%add3A_336, %dma_wait3A_337] : memref<32x80xi32, #tpu.memory_space<vmem>> -> memref<1x80xi32, #tpu.memory_space<vmem>>
      %dma_wait3A_339 = tpu.memref_squeeze %dma_wait3A_338 : memref<1x80xi32, #tpu.memory_space<vmem>> -> memref<80xi32, #tpu.memory_space<vmem>>
      %dma_wait3A_340 = arith.constant 0 : i32
      %dma_wait3A_341 = arith.constant 0 : i32
      %dma_wait3A_342 = tpu.memref_slice %arg2[%dma_wait3A_340, %dma_wait3A_341] : memref<10240x128xf32, #tpu.memory_space<hbm>> -> memref<10240x128xf32, #tpu.memory_space<hbm>>
      tpu.wait_indirect_dma semaphore(%arg16 : memref<!tpu.dma_semaphore, #tpu.memory_space<semaphore_mem>>) src(%dma_wait3A_342 : memref<10240x128xf32, #tpu.memory_space<hbm>>) dst(%arg11 : memref<80x128xf32, #tpu.memory_space<vmem>>)
      %add3A_343 = arith.constant 3 : i32
      %add3A_344 = arith.addi %add3A_280, %add3A_343 : i32
      "tpu.region"() ({
        %run_scoped3A_354 = tpu.sem_alloc : memref<!tpu.dma_semaphore, #tpu.memory_space<semaphore_mem>>
        %dma_start3A_355 = arith.constant 0 : i32
        %dma_start3A_356 = tpu.memref_slice %arg7[%add3A_344, %dma_start3A_355] : memref<32x80xi32, #tpu.memory_space<vmem>> -> memref<1x80xi32, #tpu.memory_space<vmem>>
        %dma_start3A_357 = tpu.memref_squeeze %dma_start3A_356 : memref<1x80xi32, #tpu.memory_space<vmem>> -> memref<80xi32, #tpu.memory_space<vmem>>
        %dma_start3A_358 = arith.constant 0 : i32
        %dma_start3A_359 = arith.constant 0 : i32
        %dma_start3A_360 = tpu.memref_slice %arg12[%dma_start3A_358, %dma_start3A_359] : memref<10240x128xf32, #tpu.memory_space<vmem_shared>> -> memref<10240x128xf32, #tpu.memory_space<vmem_shared>>
        tpu.enqueue_indirect_dma source(%arg11 : memref<80x128xf32, #tpu.memory_space<vmem>>) target(%dma_start3A_360 : memref<10240x128xf32, #tpu.memory_space<vmem_shared>>) offsets(%dma_start3A_357 : memref<80xi32, #tpu.memory_space<vmem>>) semaphore(%run_scoped3A_354 : memref<!tpu.dma_semaphore, #tpu.memory_space<semaphore_mem>>) {add = true}
        %dma_wait3A_361 = arith.constant 0 : i32
        %dma_wait3A_362 = tpu.memref_slice %arg7[%add3A_344, %dma_wait3A_361] : memref<32x80xi32, #tpu.memory_space<vmem>> -> memref<1x80xi32, #tpu.memory_space<vmem>>
        %dma_wait3A_363 = tpu.memref_squeeze %dma_wait3A_362 : memref<1x80xi32, #tpu.memory_space<vmem>> -> memref<80xi32, #tpu.memory_space<vmem>>
        %dma_wait3A_364 = arith.constant 0 : i32
        %dma_wait3A_365 = arith.constant 0 : i32
        %dma_wait3A_366 = tpu.memref_slice %arg12[%dma_wait3A_364, %dma_wait3A_365] : memref<10240x128xf32, #tpu.memory_space<vmem_shared>> -> memref<10240x128xf32, #tpu.memory_space<vmem_shared>>
        tpu.wait_indirect_dma semaphore(%run_scoped3A_354 : memref<!tpu.dma_semaphore, #tpu.memory_space<semaphore_mem>>) src(%arg11 : memref<80x128xf32, #tpu.memory_space<vmem>>) dst(%dma_wait3A_366 : memref<10240x128xf32, #tpu.memory_space<vmem_shared>>)
        tpu.yield
      }) : () -> ()
      %add3A_345 = arith.constant 3 : i32
      %add3A_346 = arith.addi %add3A_280, %add3A_345 : i32
      %add3A_347 = arith.constant 4 : i32
      %add3A_348 = arith.addi %add3A_346, %add3A_347 : i32
      %lt3A_349 = arith.constant 32 : i32
      %lt3A_350 = arith.cmpi slt, %add3A_348, %lt3A_349 : i32
      %convert_element_type3A_351 = arith.extui %lt3A_350 : i1 to i32
      %cond3A_352 = arith.constant 0 : i32
      %cond3A_353 = arith.cmpi ne, %convert_element_type3A_351, %cond3A_352 : i32
      scf.if %cond3A_353 {
        %add3A_354 = arith.constant 3 : i32
        %add3A_355 = arith.addi %add3A_280, %add3A_354 : i32
        %add3A_356 = arith.constant 4 : i32
        %add3A_357 = arith.addi %add3A_355, %add3A_356 : i32
        %dma_start3A_358 = arith.constant 0 : i32
        %dma_start3A_359 = tpu.memref_slice %arg6[%add3A_357, %dma_start3A_358] : memref<32x80xi32, #tpu.memory_space<vmem>> -> memref<1x80xi32, #tpu.memory_space<vmem>>
        %dma_start3A_360 = tpu.memref_squeeze %dma_start3A_359 : memref<1x80xi32, #tpu.memory_space<vmem>> -> memref<80xi32, #tpu.memory_space<vmem>>
        %dma_start3A_361 = arith.constant 0 : i32
        %dma_start3A_362 = arith.constant 0 : i32
        %dma_start3A_363 = tpu.memref_slice %arg2[%dma_start3A_361, %dma_start3A_362] : memref<10240x128xf32, #tpu.memory_space<hbm>> -> memref<10240x128xf32, #tpu.memory_space<hbm>>
        tpu.enqueue_indirect_dma source(%dma_start3A_363 : memref<10240x128xf32, #tpu.memory_space<hbm>>) target(%arg11 : memref<80x128xf32, #tpu.memory_space<vmem>>) offsets(%dma_start3A_360 : memref<80xi32, #tpu.memory_space<vmem>>) semaphore(%arg16 : memref<!tpu.dma_semaphore, #tpu.memory_space<semaphore_mem>>)
      } else {
      }
    }
    %scan3A_200 = arith.constant 8 : i32
    %run_scoped3A_201 = arith.constant 2 : i32
    "tpu.region"() ({
      %run_scoped3A_276 = tpu.sem_alloc : memref<!tpu.dma_semaphore, #tpu.memory_space<semaphore_mem>>
      %dma_start3A_277 = arith.constant 0 : i32
      %dma_start3A_278 = arith.constant 0 : i32
      %dma_start3A_279 = arith.constant 0 : i32
      %dma_start3A_280 = tpu.memref_slice %arg3[%add3A, %dma_start3A_277, %dma_start3A_278, %dma_start3A_279] : memref<32x4x32x80xi32, #tpu.memory_space<hbm>> -> memref<1x4x32x80xi32, #tpu.memory_space<hbm>>
      %dma_start3A_281 = tpu.memref_squeeze %dma_start3A_280 : memref<1x4x32x80xi32, #tpu.memory_space<hbm>> -> memref<4x32x80xi32, #tpu.memory_space<hbm>>
      %dma_start3A_282 = arith.constant 0 : i32
      %dma_start3A_283 = arith.constant 0 : i32
      %dma_start3A_284 = tpu.memref_slice %dma_start3A_281[%run_scoped3A_201, %dma_start3A_282, %dma_start3A_283] : memref<4x32x80xi32, #tpu.memory_space<hbm>> -> memref<1x32x80xi32, #tpu.memory_space<hbm>>
      %dma_start3A_285 = tpu.memref_squeeze %dma_start3A_284 : memref<1x32x80xi32, #tpu.memory_space<hbm>> -> memref<32x80xi32, #tpu.memory_space<hbm>>
      %dma_start3A_286 = arith.constant 0 : i32
      %dma_start3A_287 = arith.constant 0 : i32
      %dma_start3A_288 = arith.constant 0 : i32
      %dma_start3A_289 = tpu.memref_slice %arg3[%add3A, %dma_start3A_286, %dma_start3A_287, %dma_start3A_288] : memref<32x4x32x80xi32, #tpu.memory_space<hbm>> -> memref<1x4x32x80xi32, #tpu.memory_space<hbm>>
      %dma_start3A_290 = tpu.memref_squeeze %dma_start3A_289 : memref<1x4x32x80xi32, #tpu.memory_space<hbm>> -> memref<4x32x80xi32, #tpu.memory_space<hbm>>
      %dma_start3A_291 = arith.constant 0 : i32
      %dma_start3A_292 = arith.constant 0 : i32
      %dma_start3A_293 = tpu.memref_slice %dma_start3A_290[%run_scoped3A_201, %dma_start3A_291, %dma_start3A_292] : memref<4x32x80xi32, #tpu.memory_space<hbm>> -> memref<1x32x80xi32, #tpu.memory_space<hbm>>
      %dma_start3A_294 = tpu.memref_squeeze %dma_start3A_293 : memref<1x32x80xi32, #tpu.memory_space<hbm>> -> memref<32x80xi32, #tpu.memory_space<hbm>>
      tpu.enqueue_dma source(%dma_start3A_294 : memref<32x80xi32, #tpu.memory_space<hbm>>) target(%arg6 : memref<32x80xi32, #tpu.memory_space<vmem>>) target_semaphore(%run_scoped3A_276 : memref<!tpu.dma_semaphore, #tpu.memory_space<semaphore_mem>>)
      %dma_wait3A_295 = arith.constant 0 : i32
      %dma_wait3A_296 = arith.constant 0 : i32
      %dma_wait3A_297 = arith.constant 0 : i32
      %dma_wait3A_298 = tpu.memref_slice %arg3[%add3A, %dma_wait3A_295, %dma_wait3A_296, %dma_wait3A_297] : memref<32x4x32x80xi32, #tpu.memory_space<hbm>> -> memref<1x4x32x80xi32, #tpu.memory_space<hbm>>
      %dma_wait3A_299 = tpu.memref_squeeze %dma_wait3A_298 : memref<1x4x32x80xi32, #tpu.memory_space<hbm>> -> memref<4x32x80xi32, #tpu.memory_space<hbm>>
      %dma_wait3A_300 = arith.constant 0 : i32
      %dma_wait3A_301 = arith.constant 0 : i32
      %dma_wait3A_302 = tpu.memref_slice %dma_wait3A_299[%run_scoped3A_201, %dma_wait3A_300, %dma_wait3A_301] : memref<4x32x80xi32, #tpu.memory_space<hbm>> -> memref<1x32x80xi32, #tpu.memory_space<hbm>>
      %dma_wait3A_303 = tpu.memref_squeeze %dma_wait3A_302 : memref<1x32x80xi32, #tpu.memory_space<hbm>> -> memref<32x80xi32, #tpu.memory_space<hbm>>
      %dma_wait3A_304 = arith.constant 0 : i32
      %dma_wait3A_305 = arith.constant 0 : i32
      %dma_wait3A_306 = arith.constant 0 : i32
      %dma_wait3A_307 = tpu.memref_slice %arg3[%add3A, %dma_wait3A_304, %dma_wait3A_305, %dma_wait3A_306] : memref<32x4x32x80xi32, #tpu.memory_space<hbm>> -> memref<1x4x32x80xi32, #tpu.memory_space<hbm>>
      %dma_wait3A_308 = tpu.memref_squeeze %dma_wait3A_307 : memref<1x4x32x80xi32, #tpu.memory_space<hbm>> -> memref<4x32x80xi32, #tpu.memory_space<hbm>>
      %dma_wait3A_309 = arith.constant 0 : i32
      %dma_wait3A_310 = arith.constant 0 : i32
      %dma_wait3A_311 = tpu.memref_slice %dma_wait3A_308[%run_scoped3A_201, %dma_wait3A_309, %dma_wait3A_310] : memref<4x32x80xi32, #tpu.memory_space<hbm>> -> memref<1x32x80xi32, #tpu.memory_space<hbm>>
      %dma_wait3A_312 = tpu.memref_squeeze %dma_wait3A_311 : memref<1x32x80xi32, #tpu.memory_space<hbm>> -> memref<32x80xi32, #tpu.memory_space<hbm>>
      tpu.wait_dma2 semaphore(%run_scoped3A_276 : memref<!tpu.dma_semaphore, #tpu.memory_space<semaphore_mem>>) src(%dma_wait3A_312 : memref<32x80xi32, #tpu.memory_space<hbm>>) dst(%arg6 : memref<32x80xi32, #tpu.memory_space<vmem>>)
      tpu.yield
    }) : () -> ()
    %run_scoped3A_202 = arith.constant 2 : i32
    "tpu.region"() ({
      %run_scoped3A_276 = tpu.sem_alloc : memref<!tpu.dma_semaphore, #tpu.memory_space<semaphore_mem>>
      %dma_start3A_277 = arith.constant 0 : i32
      %dma_start3A_278 = arith.constant 0 : i32
      %dma_start3A_279 = arith.constant 0 : i32
      %dma_start3A_280 = tpu.memref_slice %arg4[%add3A, %dma_start3A_277, %dma_start3A_278, %dma_start3A_279] : memref<32x4x32x80xi32, #tpu.memory_space<hbm>> -> memref<1x4x32x80xi32, #tpu.memory_space<hbm>>
      %dma_start3A_281 = tpu.memref_squeeze %dma_start3A_280 : memref<1x4x32x80xi32, #tpu.memory_space<hbm>> -> memref<4x32x80xi32, #tpu.memory_space<hbm>>
      %dma_start3A_282 = arith.constant 0 : i32
      %dma_start3A_283 = arith.constant 0 : i32
      %dma_start3A_284 = tpu.memref_slice %dma_start3A_281[%run_scoped3A_202, %dma_start3A_282, %dma_start3A_283] : memref<4x32x80xi32, #tpu.memory_space<hbm>> -> memref<1x32x80xi32, #tpu.memory_space<hbm>>
      %dma_start3A_285 = tpu.memref_squeeze %dma_start3A_284 : memref<1x32x80xi32, #tpu.memory_space<hbm>> -> memref<32x80xi32, #tpu.memory_space<hbm>>
      %dma_start3A_286 = arith.constant 0 : i32
      %dma_start3A_287 = arith.constant 0 : i32
      %dma_start3A_288 = arith.constant 0 : i32
      %dma_start3A_289 = tpu.memref_slice %arg4[%add3A, %dma_start3A_286, %dma_start3A_287, %dma_start3A_288] : memref<32x4x32x80xi32, #tpu.memory_space<hbm>> -> memref<1x4x32x80xi32, #tpu.memory_space<hbm>>
      %dma_start3A_290 = tpu.memref_squeeze %dma_start3A_289 : memref<1x4x32x80xi32, #tpu.memory_space<hbm>> -> memref<4x32x80xi32, #tpu.memory_space<hbm>>
      %dma_start3A_291 = arith.constant 0 : i32
      %dma_start3A_292 = arith.constant 0 : i32
      %dma_start3A_293 = tpu.memref_slice %dma_start3A_290[%run_scoped3A_202, %dma_start3A_291, %dma_start3A_292] : memref<4x32x80xi32, #tpu.memory_space<hbm>> -> memref<1x32x80xi32, #tpu.memory_space<hbm>>
      %dma_start3A_294 = tpu.memref_squeeze %dma_start3A_293 : memref<1x32x80xi32, #tpu.memory_space<hbm>> -> memref<32x80xi32, #tpu.memory_space<hbm>>
      tpu.enqueue_dma source(%dma_start3A_294 : memref<32x80xi32, #tpu.memory_space<hbm>>) target(%arg7 : memref<32x80xi32, #tpu.memory_space<vmem>>) target_semaphore(%run_scoped3A_276 : memref<!tpu.dma_semaphore, #tpu.memory_space<semaphore_mem>>)
      %dma_wait3A_295 = arith.constant 0 : i32
      %dma_wait3A_296 = arith.constant 0 : i32
      %dma_wait3A_297 = arith.constant 0 : i32
      %dma_wait3A_298 = tpu.memref_slice %arg4[%add3A, %dma_wait3A_295, %dma_wait3A_296, %dma_wait3A_297] : memref<32x4x32x80xi32, #tpu.memory_space<hbm>> -> memref<1x4x32x80xi32, #tpu.memory_space<hbm>>
      %dma_wait3A_299 = tpu.memref_squeeze %dma_wait3A_298 : memref<1x4x32x80xi32, #tpu.memory_space<hbm>> -> memref<4x32x80xi32, #tpu.memory_space<hbm>>
      %dma_wait3A_300 = arith.constant 0 : i32
      %dma_wait3A_301 = arith.constant 0 : i32
      %dma_wait3A_302 = tpu.memref_slice %dma_wait3A_299[%run_scoped3A_202, %dma_wait3A_300, %dma_wait3A_301] : memref<4x32x80xi32, #tpu.memory_space<hbm>> -> memref<1x32x80xi32, #tpu.memory_space<hbm>>
      %dma_wait3A_303 = tpu.memref_squeeze %dma_wait3A_302 : memref<1x32x80xi32, #tpu.memory_space<hbm>> -> memref<32x80xi32, #tpu.memory_space<hbm>>
      %dma_wait3A_304 = arith.constant 0 : i32
      %dma_wait3A_305 = arith.constant 0 : i32
      %dma_wait3A_306 = arith.constant 0 : i32
      %dma_wait3A_307 = tpu.memref_slice %arg4[%add3A, %dma_wait3A_304, %dma_wait3A_305, %dma_wait3A_306] : memref<32x4x32x80xi32, #tpu.memory_space<hbm>> -> memref<1x4x32x80xi32, #tpu.memory_space<hbm>>
      %dma_wait3A_308 = tpu.memref_squeeze %dma_wait3A_307 : memref<1x4x32x80xi32, #tpu.memory_space<hbm>> -> memref<4x32x80xi32, #tpu.memory_space<hbm>>
      %dma_wait3A_309 = arith.constant 0 : i32
      %dma_wait3A_310 = arith.constant 0 : i32
      %dma_wait3A_311 = tpu.memref_slice %dma_wait3A_308[%run_scoped3A_202, %dma_wait3A_309, %dma_wait3A_310] : memref<4x32x80xi32, #tpu.memory_space<hbm>> -> memref<1x32x80xi32, #tpu.memory_space<hbm>>
      %dma_wait3A_312 = tpu.memref_squeeze %dma_wait3A_311 : memref<1x32x80xi32, #tpu.memory_space<hbm>> -> memref<32x80xi32, #tpu.memory_space<hbm>>
      tpu.wait_dma2 semaphore(%run_scoped3A_276 : memref<!tpu.dma_semaphore, #tpu.memory_space<semaphore_mem>>) src(%dma_wait3A_312 : memref<32x80xi32, #tpu.memory_space<hbm>>) dst(%arg7 : memref<32x80xi32, #tpu.memory_space<vmem>>)
      tpu.yield
    }) : () -> ()
    %dma_start3A_203 = arith.constant 0 : i32
    %dma_start3A_204 = arith.constant 0 : i32
    %dma_start3A_205 = tpu.memref_slice %arg6[%dma_start3A_203, %dma_start3A_204] : memref<32x80xi32, #tpu.memory_space<vmem>> -> memref<1x80xi32, #tpu.memory_space<vmem>>
    %dma_start3A_206 = tpu.memref_squeeze %dma_start3A_205 : memref<1x80xi32, #tpu.memory_space<vmem>> -> memref<80xi32, #tpu.memory_space<vmem>>
    %dma_start3A_207 = arith.constant 0 : i32
    %dma_start3A_208 = arith.constant 0 : i32
    %dma_start3A_209 = tpu.memref_slice %arg2[%dma_start3A_207, %dma_start3A_208] : memref<10240x128xf32, #tpu.memory_space<hbm>> -> memref<10240x128xf32, #tpu.memory_space<hbm>>
    tpu.enqueue_indirect_dma source(%dma_start3A_209 : memref<10240x128xf32, #tpu.memory_space<hbm>>) target(%arg8 : memref<80x128xf32, #tpu.memory_space<vmem>>) offsets(%dma_start3A_206 : memref<80xi32, #tpu.memory_space<vmem>>) semaphore(%arg13 : memref<!tpu.dma_semaphore, #tpu.memory_space<semaphore_mem>>)
    %dma_start3A_210 = arith.constant 1 : i32
    %dma_start3A_211 = arith.constant 0 : i32
    %dma_start3A_212 = tpu.memref_slice %arg6[%dma_start3A_210, %dma_start3A_211] : memref<32x80xi32, #tpu.memory_space<vmem>> -> memref<1x80xi32, #tpu.memory_space<vmem>>
    %dma_start3A_213 = tpu.memref_squeeze %dma_start3A_212 : memref<1x80xi32, #tpu.memory_space<vmem>> -> memref<80xi32, #tpu.memory_space<vmem>>
    %dma_start3A_214 = arith.constant 0 : i32
    %dma_start3A_215 = arith.constant 0 : i32
    %dma_start3A_216 = tpu.memref_slice %arg2[%dma_start3A_214, %dma_start3A_215] : memref<10240x128xf32, #tpu.memory_space<hbm>> -> memref<10240x128xf32, #tpu.memory_space<hbm>>
    tpu.enqueue_indirect_dma source(%dma_start3A_216 : memref<10240x128xf32, #tpu.memory_space<hbm>>) target(%arg9 : memref<80x128xf32, #tpu.memory_space<vmem>>) offsets(%dma_start3A_213 : memref<80xi32, #tpu.memory_space<vmem>>) semaphore(%arg14 : memref<!tpu.dma_semaphore, #tpu.memory_space<semaphore_mem>>)
    %dma_start3A_217 = arith.constant 2 : i32
    %dma_start3A_218 = arith.constant 0 : i32
    %dma_start3A_219 = tpu.memref_slice %arg6[%dma_start3A_217, %dma_start3A_218] : memref<32x80xi32, #tpu.memory_space<vmem>> -> memref<1x80xi32, #tpu.memory_space<vmem>>
    %dma_start3A_220 = tpu.memref_squeeze %dma_start3A_219 : memref<1x80xi32, #tpu.memory_space<vmem>> -> memref<80xi32, #tpu.memory_space<vmem>>
    %dma_start3A_221 = arith.constant 0 : i32
    %dma_start3A_222 = arith.constant 0 : i32
    %dma_start3A_223 = tpu.memref_slice %arg2[%dma_start3A_221, %dma_start3A_222] : memref<10240x128xf32, #tpu.memory_space<hbm>> -> memref<10240x128xf32, #tpu.memory_space<hbm>>
    tpu.enqueue_indirect_dma source(%dma_start3A_223 : memref<10240x128xf32, #tpu.memory_space<hbm>>) target(%arg10 : memref<80x128xf32, #tpu.memory_space<vmem>>) offsets(%dma_start3A_220 : memref<80xi32, #tpu.memory_space<vmem>>) semaphore(%arg15 : memref<!tpu.dma_semaphore, #tpu.memory_space<semaphore_mem>>)
    %dma_start3A_224 = arith.constant 3 : i32
    %dma_start3A_225 = arith.constant 0 : i32
    %dma_start3A_226 = tpu.memref_slice %arg6[%dma_start3A_224, %dma_start3A_225] : memref<32x80xi32, #tpu.memory_space<vmem>> -> memref<1x80xi32, #tpu.memory_space<vmem>>
    %dma_start3A_227 = tpu.memref_squeeze %dma_start3A_226 : memref<1x80xi32, #tpu.memory_space<vmem>> -> memref<80xi32, #tpu.memory_space<vmem>>
    %dma_start3A_228 = arith.constant 0 : i32
    %dma_start3A_229 = arith.constant 0 : i32
    %dma_start3A_230 = tpu.memref_slice %arg2[%dma_start3A_228, %dma_start3A_229] : memref<10240x128xf32, #tpu.memory_space<hbm>> -> memref<10240x128xf32, #tpu.memory_space<hbm>>
    tpu.enqueue_indirect_dma source(%dma_start3A_230 : memref<10240x128xf32, #tpu.memory_space<hbm>>) target(%arg11 : memref<80x128xf32, #tpu.memory_space<vmem>>) offsets(%dma_start3A_227 : memref<80xi32, #tpu.memory_space<vmem>>) semaphore(%arg16 : memref<!tpu.dma_semaphore, #tpu.memory_space<semaphore_mem>>)
    %scan3A_231 = arith.constant 0 : i32
    %scan3A_232 = arith.constant 8 : i32
    %scan3A_233 = arith.addi %scan3A_231, %scan3A_232 : i32
    %scan3A_234 = arith.constant 1 : i32
    scf.for %scan3A_276 = %scan3A_231 to %scan3A_233 step %scan3A_234  : i32 {
      %mul3A_277 = arith.constant 4 : i32
      %mul3A_278 = arith.muli %scan3A_276, %mul3A_277 : i32
      %add3A_279 = arith.constant 0 : i32
      %add3A_280 = arith.addi %add3A_279, %mul3A_278 : i32
      %add3A_281 = arith.constant 0 : i32
      %add3A_282 = arith.addi %add3A_280, %add3A_281 : i32
      %dma_wait3A_283 = arith.constant 0 : i32
      %dma_wait3A_284 = tpu.memref_slice %arg6[%add3A_282, %dma_wait3A_283] : memref<32x80xi32, #tpu.memory_space<vmem>> -> memref<1x80xi32, #tpu.memory_space<vmem>>
      %dma_wait3A_285 = tpu.memref_squeeze %dma_wait3A_284 : memref<1x80xi32, #tpu.memory_space<vmem>> -> memref<80xi32, #tpu.memory_space<vmem>>
      %dma_wait3A_286 = arith.constant 0 : i32
      %dma_wait3A_287 = arith.constant 0 : i32
      %dma_wait3A_288 = tpu.memref_slice %arg2[%dma_wait3A_286, %dma_wait3A_287] : memref<10240x128xf32, #tpu.memory_space<hbm>> -> memref<10240x128xf32, #tpu.memory_space<hbm>>
      tpu.wait_indirect_dma semaphore(%arg13 : memref<!tpu.dma_semaphore, #tpu.memory_space<semaphore_mem>>) src(%dma_wait3A_288 : memref<10240x128xf32, #tpu.memory_space<hbm>>) dst(%arg8 : memref<80x128xf32, #tpu.memory_space<vmem>>)
      %add3A_289 = arith.constant 0 : i32
      %add3A_290 = arith.addi %add3A_280, %add3A_289 : i32
      "tpu.region"() ({
        %run_scoped3A_354 = tpu.sem_alloc : memref<!tpu.dma_semaphore, #tpu.memory_space<semaphore_mem>>
        %dma_start3A_355 = arith.constant 0 : i32
        %dma_start3A_356 = tpu.memref_slice %arg7[%add3A_290, %dma_start3A_355] : memref<32x80xi32, #tpu.memory_space<vmem>> -> memref<1x80xi32, #tpu.memory_space<vmem>>
        %dma_start3A_357 = tpu.memref_squeeze %dma_start3A_356 : memref<1x80xi32, #tpu.memory_space<vmem>> -> memref<80xi32, #tpu.memory_space<vmem>>
        %dma_start3A_358 = arith.constant 0 : i32
        %dma_start3A_359 = arith.constant 0 : i32
        %dma_start3A_360 = tpu.memref_slice %arg12[%dma_start3A_358, %dma_start3A_359] : memref<10240x128xf32, #tpu.memory_space<vmem_shared>> -> memref<10240x128xf32, #tpu.memory_space<vmem_shared>>
        tpu.enqueue_indirect_dma source(%arg8 : memref<80x128xf32, #tpu.memory_space<vmem>>) target(%dma_start3A_360 : memref<10240x128xf32, #tpu.memory_space<vmem_shared>>) offsets(%dma_start3A_357 : memref<80xi32, #tpu.memory_space<vmem>>) semaphore(%run_scoped3A_354 : memref<!tpu.dma_semaphore, #tpu.memory_space<semaphore_mem>>) {add = true}
        %dma_wait3A_361 = arith.constant 0 : i32
        %dma_wait3A_362 = tpu.memref_slice %arg7[%add3A_290, %dma_wait3A_361] : memref<32x80xi32, #tpu.memory_space<vmem>> -> memref<1x80xi32, #tpu.memory_space<vmem>>
        %dma_wait3A_363 = tpu.memref_squeeze %dma_wait3A_362 : memref<1x80xi32, #tpu.memory_space<vmem>> -> memref<80xi32, #tpu.memory_space<vmem>>
        %dma_wait3A_364 = arith.constant 0 : i32
        %dma_wait3A_365 = arith.constant 0 : i32
        %dma_wait3A_366 = tpu.memref_slice %arg12[%dma_wait3A_364, %dma_wait3A_365] : memref<10240x128xf32, #tpu.memory_space<vmem_shared>> -> memref<10240x128xf32, #tpu.memory_space<vmem_shared>>
        tpu.wait_indirect_dma semaphore(%run_scoped3A_354 : memref<!tpu.dma_semaphore, #tpu.memory_space<semaphore_mem>>) src(%arg8 : memref<80x128xf32, #tpu.memory_space<vmem>>) dst(%dma_wait3A_366 : memref<10240x128xf32, #tpu.memory_space<vmem_shared>>)
        tpu.yield
      }) : () -> ()
      %add3A_291 = arith.constant 0 : i32
      %add3A_292 = arith.addi %add3A_280, %add3A_291 : i32
      %add3A_293 = arith.constant 4 : i32
      %add3A_294 = arith.addi %add3A_292, %add3A_293 : i32
      %lt3A = arith.constant 32 : i32
      %lt3A_295 = arith.cmpi slt, %add3A_294, %lt3A : i32
      %convert_element_type3A = arith.extui %lt3A_295 : i1 to i32
      %cond3A = arith.constant 0 : i32
      %cond3A_296 = arith.cmpi ne, %convert_element_type3A, %cond3A : i32
      scf.if %cond3A_296 {
        %add3A_354 = arith.constant 0 : i32
        %add3A_355 = arith.addi %add3A_280, %add3A_354 : i32
        %add3A_356 = arith.constant 4 : i32
        %add3A_357 = arith.addi %add3A_355, %add3A_356 : i32
        %dma_start3A_358 = arith.constant 0 : i32
        %dma_start3A_359 = tpu.memref_slice %arg6[%add3A_357, %dma_start3A_358] : memref<32x80xi32, #tpu.memory_space<vmem>> -> memref<1x80xi32, #tpu.memory_space<vmem>>
        %dma_start3A_360 = tpu.memref_squeeze %dma_start3A_359 : memref<1x80xi32, #tpu.memory_space<vmem>> -> memref<80xi32, #tpu.memory_space<vmem>>
        %dma_start3A_361 = arith.constant 0 : i32
        %dma_start3A_362 = arith.constant 0 : i32
        %dma_start3A_363 = tpu.memref_slice %arg2[%dma_start3A_361, %dma_start3A_362] : memref<10240x128xf32, #tpu.memory_space<hbm>> -> memref<10240x128xf32, #tpu.memory_space<hbm>>
        tpu.enqueue_indirect_dma source(%dma_start3A_363 : memref<10240x128xf32, #tpu.memory_space<hbm>>) target(%arg8 : memref<80x128xf32, #tpu.memory_space<vmem>>) offsets(%dma_start3A_360 : memref<80xi32, #tpu.memory_space<vmem>>) semaphore(%arg13 : memref<!tpu.dma_semaphore, #tpu.memory_space<semaphore_mem>>)
      } else {
      }
      %add3A_297 = arith.constant 1 : i32
      %add3A_298 = arith.addi %add3A_280, %add3A_297 : i32
      %dma_wait3A_299 = arith.constant 0 : i32
      %dma_wait3A_300 = tpu.memref_slice %arg6[%add3A_298, %dma_wait3A_299] : memref<32x80xi32, #tpu.memory_space<vmem>> -> memref<1x80xi32, #tpu.memory_space<vmem>>
      %dma_wait3A_301 = tpu.memref_squeeze %dma_wait3A_300 : memref<1x80xi32, #tpu.memory_space<vmem>> -> memref<80xi32, #tpu.memory_space<vmem>>
      %dma_wait3A_302 = arith.constant 0 : i32
      %dma_wait3A_303 = arith.constant 0 : i32
      %dma_wait3A_304 = tpu.memref_slice %arg2[%dma_wait3A_302, %dma_wait3A_303] : memref<10240x128xf32, #tpu.memory_space<hbm>> -> memref<10240x128xf32, #tpu.memory_space<hbm>>
      tpu.wait_indirect_dma semaphore(%arg14 : memref<!tpu.dma_semaphore, #tpu.memory_space<semaphore_mem>>) src(%dma_wait3A_304 : memref<10240x128xf32, #tpu.memory_space<hbm>>) dst(%arg9 : memref<80x128xf32, #tpu.memory_space<vmem>>)
      %add3A_305 = arith.constant 1 : i32
      %add3A_306 = arith.addi %add3A_280, %add3A_305 : i32
      "tpu.region"() ({
        %run_scoped3A_354 = tpu.sem_alloc : memref<!tpu.dma_semaphore, #tpu.memory_space<semaphore_mem>>
        %dma_start3A_355 = arith.constant 0 : i32
        %dma_start3A_356 = tpu.memref_slice %arg7[%add3A_306, %dma_start3A_355] : memref<32x80xi32, #tpu.memory_space<vmem>> -> memref<1x80xi32, #tpu.memory_space<vmem>>
        %dma_start3A_357 = tpu.memref_squeeze %dma_start3A_356 : memref<1x80xi32, #tpu.memory_space<vmem>> -> memref<80xi32, #tpu.memory_space<vmem>>
        %dma_start3A_358 = arith.constant 0 : i32
        %dma_start3A_359 = arith.constant 0 : i32
        %dma_start3A_360 = tpu.memref_slice %arg12[%dma_start3A_358, %dma_start3A_359] : memref<10240x128xf32, #tpu.memory_space<vmem_shared>> -> memref<10240x128xf32, #tpu.memory_space<vmem_shared>>
        tpu.enqueue_indirect_dma source(%arg9 : memref<80x128xf32, #tpu.memory_space<vmem>>) target(%dma_start3A_360 : memref<10240x128xf32, #tpu.memory_space<vmem_shared>>) offsets(%dma_start3A_357 : memref<80xi32, #tpu.memory_space<vmem>>) semaphore(%run_scoped3A_354 : memref<!tpu.dma_semaphore, #tpu.memory_space<semaphore_mem>>) {add = true}
        %dma_wait3A_361 = arith.constant 0 : i32
        %dma_wait3A_362 = tpu.memref_slice %arg7[%add3A_306, %dma_wait3A_361] : memref<32x80xi32, #tpu.memory_space<vmem>> -> memref<1x80xi32, #tpu.memory_space<vmem>>
        %dma_wait3A_363 = tpu.memref_squeeze %dma_wait3A_362 : memref<1x80xi32, #tpu.memory_space<vmem>> -> memref<80xi32, #tpu.memory_space<vmem>>
        %dma_wait3A_364 = arith.constant 0 : i32
        %dma_wait3A_365 = arith.constant 0 : i32
        %dma_wait3A_366 = tpu.memref_slice %arg12[%dma_wait3A_364, %dma_wait3A_365] : memref<10240x128xf32, #tpu.memory_space<vmem_shared>> -> memref<10240x128xf32, #tpu.memory_space<vmem_shared>>
        tpu.wait_indirect_dma semaphore(%run_scoped3A_354 : memref<!tpu.dma_semaphore, #tpu.memory_space<semaphore_mem>>) src(%arg9 : memref<80x128xf32, #tpu.memory_space<vmem>>) dst(%dma_wait3A_366 : memref<10240x128xf32, #tpu.memory_space<vmem_shared>>)
        tpu.yield
      }) : () -> ()
      %add3A_307 = arith.constant 1 : i32
      %add3A_308 = arith.addi %add3A_280, %add3A_307 : i32
      %add3A_309 = arith.constant 4 : i32
      %add3A_310 = arith.addi %add3A_308, %add3A_309 : i32
      %lt3A_311 = arith.constant 32 : i32
      %lt3A_312 = arith.cmpi slt, %add3A_310, %lt3A_311 : i32
      %convert_element_type3A_313 = arith.extui %lt3A_312 : i1 to i32
      %cond3A_314 = arith.constant 0 : i32
      %cond3A_315 = arith.cmpi ne, %convert_element_type3A_313, %cond3A_314 : i32
      scf.if %cond3A_315 {
        %add3A_354 = arith.constant 1 : i32
        %add3A_355 = arith.addi %add3A_280, %add3A_354 : i32
        %add3A_356 = arith.constant 4 : i32
        %add3A_357 = arith.addi %add3A_355, %add3A_356 : i32
        %dma_start3A_358 = arith.constant 0 : i32
        %dma_start3A_359 = tpu.memref_slice %arg6[%add3A_357, %dma_start3A_358] : memref<32x80xi32, #tpu.memory_space<vmem>> -> memref<1x80xi32, #tpu.memory_space<vmem>>
        %dma_start3A_360 = tpu.memref_squeeze %dma_start3A_359 : memref<1x80xi32, #tpu.memory_space<vmem>> -> memref<80xi32, #tpu.memory_space<vmem>>
        %dma_start3A_361 = arith.constant 0 : i32
        %dma_start3A_362 = arith.constant 0 : i32
        %dma_start3A_363 = tpu.memref_slice %arg2[%dma_start3A_361, %dma_start3A_362] : memref<10240x128xf32, #tpu.memory_space<hbm>> -> memref<10240x128xf32, #tpu.memory_space<hbm>>
        tpu.enqueue_indirect_dma source(%dma_start3A_363 : memref<10240x128xf32, #tpu.memory_space<hbm>>) target(%arg9 : memref<80x128xf32, #tpu.memory_space<vmem>>) offsets(%dma_start3A_360 : memref<80xi32, #tpu.memory_space<vmem>>) semaphore(%arg14 : memref<!tpu.dma_semaphore, #tpu.memory_space<semaphore_mem>>)
      } else {
      }
      %add3A_316 = arith.constant 2 : i32
      %add3A_317 = arith.addi %add3A_280, %add3A_316 : i32
      %dma_wait3A_318 = arith.constant 0 : i32
      %dma_wait3A_319 = tpu.memref_slice %arg6[%add3A_317, %dma_wait3A_318] : memref<32x80xi32, #tpu.memory_space<vmem>> -> memref<1x80xi32, #tpu.memory_space<vmem>>
      %dma_wait3A_320 = tpu.memref_squeeze %dma_wait3A_319 : memref<1x80xi32, #tpu.memory_space<vmem>> -> memref<80xi32, #tpu.memory_space<vmem>>
      %dma_wait3A_321 = arith.constant 0 : i32
      %dma_wait3A_322 = arith.constant 0 : i32
      %dma_wait3A_323 = tpu.memref_slice %arg2[%dma_wait3A_321, %dma_wait3A_322] : memref<10240x128xf32, #tpu.memory_space<hbm>> -> memref<10240x128xf32, #tpu.memory_space<hbm>>
      tpu.wait_indirect_dma semaphore(%arg15 : memref<!tpu.dma_semaphore, #tpu.memory_space<semaphore_mem>>) src(%dma_wait3A_323 : memref<10240x128xf32, #tpu.memory_space<hbm>>) dst(%arg10 : memref<80x128xf32, #tpu.memory_space<vmem>>)
      %add3A_324 = arith.constant 2 : i32
      %add3A_325 = arith.addi %add3A_280, %add3A_324 : i32
      "tpu.region"() ({
        %run_scoped3A_354 = tpu.sem_alloc : memref<!tpu.dma_semaphore, #tpu.memory_space<semaphore_mem>>
        %dma_start3A_355 = arith.constant 0 : i32
        %dma_start3A_356 = tpu.memref_slice %arg7[%add3A_325, %dma_start3A_355] : memref<32x80xi32, #tpu.memory_space<vmem>> -> memref<1x80xi32, #tpu.memory_space<vmem>>
        %dma_start3A_357 = tpu.memref_squeeze %dma_start3A_356 : memref<1x80xi32, #tpu.memory_space<vmem>> -> memref<80xi32, #tpu.memory_space<vmem>>
        %dma_start3A_358 = arith.constant 0 : i32
        %dma_start3A_359 = arith.constant 0 : i32
        %dma_start3A_360 = tpu.memref_slice %arg12[%dma_start3A_358, %dma_start3A_359] : memref<10240x128xf32, #tpu.memory_space<vmem_shared>> -> memref<10240x128xf32, #tpu.memory_space<vmem_shared>>
        tpu.enqueue_indirect_dma source(%arg10 : memref<80x128xf32, #tpu.memory_space<vmem>>) target(%dma_start3A_360 : memref<10240x128xf32, #tpu.memory_space<vmem_shared>>) offsets(%dma_start3A_357 : memref<80xi32, #tpu.memory_space<vmem>>) semaphore(%run_scoped3A_354 : memref<!tpu.dma_semaphore, #tpu.memory_space<semaphore_mem>>) {add = true}
        %dma_wait3A_361 = arith.constant 0 : i32
        %dma_wait3A_362 = tpu.memref_slice %arg7[%add3A_325, %dma_wait3A_361] : memref<32x80xi32, #tpu.memory_space<vmem>> -> memref<1x80xi32, #tpu.memory_space<vmem>>
        %dma_wait3A_363 = tpu.memref_squeeze %dma_wait3A_362 : memref<1x80xi32, #tpu.memory_space<vmem>> -> memref<80xi32, #tpu.memory_space<vmem>>
        %dma_wait3A_364 = arith.constant 0 : i32
        %dma_wait3A_365 = arith.constant 0 : i32
        %dma_wait3A_366 = tpu.memref_slice %arg12[%dma_wait3A_364, %dma_wait3A_365] : memref<10240x128xf32, #tpu.memory_space<vmem_shared>> -> memref<10240x128xf32, #tpu.memory_space<vmem_shared>>
        tpu.wait_indirect_dma semaphore(%run_scoped3A_354 : memref<!tpu.dma_semaphore, #tpu.memory_space<semaphore_mem>>) src(%arg10 : memref<80x128xf32, #tpu.memory_space<vmem>>) dst(%dma_wait3A_366 : memref<10240x128xf32, #tpu.memory_space<vmem_shared>>)
        tpu.yield
      }) : () -> ()
      %add3A_326 = arith.constant 2 : i32
      %add3A_327 = arith.addi %add3A_280, %add3A_326 : i32
      %add3A_328 = arith.constant 4 : i32
      %add3A_329 = arith.addi %add3A_327, %add3A_328 : i32
      %lt3A_330 = arith.constant 32 : i32
      %lt3A_331 = arith.cmpi slt, %add3A_329, %lt3A_330 : i32
      %convert_element_type3A_332 = arith.extui %lt3A_331 : i1 to i32
      %cond3A_333 = arith.constant 0 : i32
      %cond3A_334 = arith.cmpi ne, %convert_element_type3A_332, %cond3A_333 : i32
      scf.if %cond3A_334 {
        %add3A_354 = arith.constant 2 : i32
        %add3A_355 = arith.addi %add3A_280, %add3A_354 : i32
        %add3A_356 = arith.constant 4 : i32
        %add3A_357 = arith.addi %add3A_355, %add3A_356 : i32
        %dma_start3A_358 = arith.constant 0 : i32
        %dma_start3A_359 = tpu.memref_slice %arg6[%add3A_357, %dma_start3A_358] : memref<32x80xi32, #tpu.memory_space<vmem>> -> memref<1x80xi32, #tpu.memory_space<vmem>>
        %dma_start3A_360 = tpu.memref_squeeze %dma_start3A_359 : memref<1x80xi32, #tpu.memory_space<vmem>> -> memref<80xi32, #tpu.memory_space<vmem>>
        %dma_start3A_361 = arith.constant 0 : i32
        %dma_start3A_362 = arith.constant 0 : i32
        %dma_start3A_363 = tpu.memref_slice %arg2[%dma_start3A_361, %dma_start3A_362] : memref<10240x128xf32, #tpu.memory_space<hbm>> -> memref<10240x128xf32, #tpu.memory_space<hbm>>
        tpu.enqueue_indirect_dma source(%dma_start3A_363 : memref<10240x128xf32, #tpu.memory_space<hbm>>) target(%arg10 : memref<80x128xf32, #tpu.memory_space<vmem>>) offsets(%dma_start3A_360 : memref<80xi32, #tpu.memory_space<vmem>>) semaphore(%arg15 : memref<!tpu.dma_semaphore, #tpu.memory_space<semaphore_mem>>)
      } else {
      }
      %add3A_335 = arith.constant 3 : i32
      %add3A_336 = arith.addi %add3A_280, %add3A_335 : i32
      %dma_wait3A_337 = arith.constant 0 : i32
      %dma_wait3A_338 = tpu.memref_slice %arg6[%add3A_336, %dma_wait3A_337] : memref<32x80xi32, #tpu.memory_space<vmem>> -> memref<1x80xi32, #tpu.memory_space<vmem>>
      %dma_wait3A_339 = tpu.memref_squeeze %dma_wait3A_338 : memref<1x80xi32, #tpu.memory_space<vmem>> -> memref<80xi32, #tpu.memory_space<vmem>>
      %dma_wait3A_340 = arith.constant 0 : i32
      %dma_wait3A_341 = arith.constant 0 : i32
      %dma_wait3A_342 = tpu.memref_slice %arg2[%dma_wait3A_340, %dma_wait3A_341] : memref<10240x128xf32, #tpu.memory_space<hbm>> -> memref<10240x128xf32, #tpu.memory_space<hbm>>
      tpu.wait_indirect_dma semaphore(%arg16 : memref<!tpu.dma_semaphore, #tpu.memory_space<semaphore_mem>>) src(%dma_wait3A_342 : memref<10240x128xf32, #tpu.memory_space<hbm>>) dst(%arg11 : memref<80x128xf32, #tpu.memory_space<vmem>>)
      %add3A_343 = arith.constant 3 : i32
      %add3A_344 = arith.addi %add3A_280, %add3A_343 : i32
      "tpu.region"() ({
        %run_scoped3A_354 = tpu.sem_alloc : memref<!tpu.dma_semaphore, #tpu.memory_space<semaphore_mem>>
        %dma_start3A_355 = arith.constant 0 : i32
        %dma_start3A_356 = tpu.memref_slice %arg7[%add3A_344, %dma_start3A_355] : memref<32x80xi32, #tpu.memory_space<vmem>> -> memref<1x80xi32, #tpu.memory_space<vmem>>
        %dma_start3A_357 = tpu.memref_squeeze %dma_start3A_356 : memref<1x80xi32, #tpu.memory_space<vmem>> -> memref<80xi32, #tpu.memory_space<vmem>>
        %dma_start3A_358 = arith.constant 0 : i32
        %dma_start3A_359 = arith.constant 0 : i32
        %dma_start3A_360 = tpu.memref_slice %arg12[%dma_start3A_358, %dma_start3A_359] : memref<10240x128xf32, #tpu.memory_space<vmem_shared>> -> memref<10240x128xf32, #tpu.memory_space<vmem_shared>>
        tpu.enqueue_indirect_dma source(%arg11 : memref<80x128xf32, #tpu.memory_space<vmem>>) target(%dma_start3A_360 : memref<10240x128xf32, #tpu.memory_space<vmem_shared>>) offsets(%dma_start3A_357 : memref<80xi32, #tpu.memory_space<vmem>>) semaphore(%run_scoped3A_354 : memref<!tpu.dma_semaphore, #tpu.memory_space<semaphore_mem>>) {add = true}
        %dma_wait3A_361 = arith.constant 0 : i32
        %dma_wait3A_362 = tpu.memref_slice %arg7[%add3A_344, %dma_wait3A_361] : memref<32x80xi32, #tpu.memory_space<vmem>> -> memref<1x80xi32, #tpu.memory_space<vmem>>
        %dma_wait3A_363 = tpu.memref_squeeze %dma_wait3A_362 : memref<1x80xi32, #tpu.memory_space<vmem>> -> memref<80xi32, #tpu.memory_space<vmem>>
        %dma_wait3A_364 = arith.constant 0 : i32
        %dma_wait3A_365 = arith.constant 0 : i32
        %dma_wait3A_366 = tpu.memref_slice %arg12[%dma_wait3A_364, %dma_wait3A_365] : memref<10240x128xf32, #tpu.memory_space<vmem_shared>> -> memref<10240x128xf32, #tpu.memory_space<vmem_shared>>
        tpu.wait_indirect_dma semaphore(%run_scoped3A_354 : memref<!tpu.dma_semaphore, #tpu.memory_space<semaphore_mem>>) src(%arg11 : memref<80x128xf32, #tpu.memory_space<vmem>>) dst(%dma_wait3A_366 : memref<10240x128xf32, #tpu.memory_space<vmem_shared>>)
        tpu.yield
      }) : () -> ()
      %add3A_345 = arith.constant 3 : i32
      %add3A_346 = arith.addi %add3A_280, %add3A_345 : i32
      %add3A_347 = arith.constant 4 : i32
      %add3A_348 = arith.addi %add3A_346, %add3A_347 : i32
      %lt3A_349 = arith.constant 32 : i32
      %lt3A_350 = arith.cmpi slt, %add3A_348, %lt3A_349 : i32
      %convert_element_type3A_351 = arith.extui %lt3A_350 : i1 to i32
      %cond3A_352 = arith.constant 0 : i32
      %cond3A_353 = arith.cmpi ne, %convert_element_type3A_351, %cond3A_352 : i32
      scf.if %cond3A_353 {
        %add3A_354 = arith.constant 3 : i32
        %add3A_355 = arith.addi %add3A_280, %add3A_354 : i32
        %add3A_356 = arith.constant 4 : i32
        %add3A_357 = arith.addi %add3A_355, %add3A_356 : i32
        %dma_start3A_358 = arith.constant 0 : i32
        %dma_start3A_359 = tpu.memref_slice %arg6[%add3A_357, %dma_start3A_358] : memref<32x80xi32, #tpu.memory_space<vmem>> -> memref<1x80xi32, #tpu.memory_space<vmem>>
        %dma_start3A_360 = tpu.memref_squeeze %dma_start3A_359 : memref<1x80xi32, #tpu.memory_space<vmem>> -> memref<80xi32, #tpu.memory_space<vmem>>
        %dma_start3A_361 = arith.constant 0 : i32
        %dma_start3A_362 = arith.constant 0 : i32
        %dma_start3A_363 = tpu.memref_slice %arg2[%dma_start3A_361, %dma_start3A_362] : memref<10240x128xf32, #tpu.memory_space<hbm>> -> memref<10240x128xf32, #tpu.memory_space<hbm>>
        tpu.enqueue_indirect_dma source(%dma_start3A_363 : memref<10240x128xf32, #tpu.memory_space<hbm>>) target(%arg11 : memref<80x128xf32, #tpu.memory_space<vmem>>) offsets(%dma_start3A_360 : memref<80xi32, #tpu.memory_space<vmem>>) semaphore(%arg16 : memref<!tpu.dma_semaphore, #tpu.memory_space<semaphore_mem>>)
      } else {
      }
    }
    %scan3A_235 = arith.constant 8 : i32
    %run_scoped3A_236 = arith.constant 3 : i32
    "tpu.region"() ({
      %run_scoped3A_276 = tpu.sem_alloc : memref<!tpu.dma_semaphore, #tpu.memory_space<semaphore_mem>>
      %dma_start3A_277 = arith.constant 0 : i32
      %dma_start3A_278 = arith.constant 0 : i32
      %dma_start3A_279 = arith.constant 0 : i32
      %dma_start3A_280 = tpu.memref_slice %arg3[%add3A, %dma_start3A_277, %dma_start3A_278, %dma_start3A_279] : memref<32x4x32x80xi32, #tpu.memory_space<hbm>> -> memref<1x4x32x80xi32, #tpu.memory_space<hbm>>
      %dma_start3A_281 = tpu.memref_squeeze %dma_start3A_280 : memref<1x4x32x80xi32, #tpu.memory_space<hbm>> -> memref<4x32x80xi32, #tpu.memory_space<hbm>>
      %dma_start3A_282 = arith.constant 0 : i32
      %dma_start3A_283 = arith.constant 0 : i32
      %dma_start3A_284 = tpu.memref_slice %dma_start3A_281[%run_scoped3A_236, %dma_start3A_282, %dma_start3A_283] : memref<4x32x80xi32, #tpu.memory_space<hbm>> -> memref<1x32x80xi32, #tpu.memory_space<hbm>>
      %dma_start3A_285 = tpu.memref_squeeze %dma_start3A_284 : memref<1x32x80xi32, #tpu.memory_space<hbm>> -> memref<32x80xi32, #tpu.memory_space<hbm>>
      %dma_start3A_286 = arith.constant 0 : i32
      %dma_start3A_287 = arith.constant 0 : i32
      %dma_start3A_288 = arith.constant 0 : i32
      %dma_start3A_289 = tpu.memref_slice %arg3[%add3A, %dma_start3A_286, %dma_start3A_287, %dma_start3A_288] : memref<32x4x32x80xi32, #tpu.memory_space<hbm>> -> memref<1x4x32x80xi32, #tpu.memory_space<hbm>>
      %dma_start3A_290 = tpu.memref_squeeze %dma_start3A_289 : memref<1x4x32x80xi32, #tpu.memory_space<hbm>> -> memref<4x32x80xi32, #tpu.memory_space<hbm>>
      %dma_start3A_291 = arith.constant 0 : i32
      %dma_start3A_292 = arith.constant 0 : i32
      %dma_start3A_293 = tpu.memref_slice %dma_start3A_290[%run_scoped3A_236, %dma_start3A_291, %dma_start3A_292] : memref<4x32x80xi32, #tpu.memory_space<hbm>> -> memref<1x32x80xi32, #tpu.memory_space<hbm>>
      %dma_start3A_294 = tpu.memref_squeeze %dma_start3A_293 : memref<1x32x80xi32, #tpu.memory_space<hbm>> -> memref<32x80xi32, #tpu.memory_space<hbm>>
      tpu.enqueue_dma source(%dma_start3A_294 : memref<32x80xi32, #tpu.memory_space<hbm>>) target(%arg6 : memref<32x80xi32, #tpu.memory_space<vmem>>) target_semaphore(%run_scoped3A_276 : memref<!tpu.dma_semaphore, #tpu.memory_space<semaphore_mem>>)
      %dma_wait3A_295 = arith.constant 0 : i32
      %dma_wait3A_296 = arith.constant 0 : i32
      %dma_wait3A_297 = arith.constant 0 : i32
      %dma_wait3A_298 = tpu.memref_slice %arg3[%add3A, %dma_wait3A_295, %dma_wait3A_296, %dma_wait3A_297] : memref<32x4x32x80xi32, #tpu.memory_space<hbm>> -> memref<1x4x32x80xi32, #tpu.memory_space<hbm>>
      %dma_wait3A_299 = tpu.memref_squeeze %dma_wait3A_298 : memref<1x4x32x80xi32, #tpu.memory_space<hbm>> -> memref<4x32x80xi32, #tpu.memory_space<hbm>>
      %dma_wait3A_300 = arith.constant 0 : i32
      %dma_wait3A_301 = arith.constant 0 : i32
      %dma_wait3A_302 = tpu.memref_slice %dma_wait3A_299[%run_scoped3A_236, %dma_wait3A_300, %dma_wait3A_301] : memref<4x32x80xi32, #tpu.memory_space<hbm>> -> memref<1x32x80xi32, #tpu.memory_space<hbm>>
      %dma_wait3A_303 = tpu.memref_squeeze %dma_wait3A_302 : memref<1x32x80xi32, #tpu.memory_space<hbm>> -> memref<32x80xi32, #tpu.memory_space<hbm>>
      %dma_wait3A_304 = arith.constant 0 : i32
      %dma_wait3A_305 = arith.constant 0 : i32
      %dma_wait3A_306 = arith.constant 0 : i32
      %dma_wait3A_307 = tpu.memref_slice %arg3[%add3A, %dma_wait3A_304, %dma_wait3A_305, %dma_wait3A_306] : memref<32x4x32x80xi32, #tpu.memory_space<hbm>> -> memref<1x4x32x80xi32, #tpu.memory_space<hbm>>
      %dma_wait3A_308 = tpu.memref_squeeze %dma_wait3A_307 : memref<1x4x32x80xi32, #tpu.memory_space<hbm>> -> memref<4x32x80xi32, #tpu.memory_space<hbm>>
      %dma_wait3A_309 = arith.constant 0 : i32
      %dma_wait3A_310 = arith.constant 0 : i32
      %dma_wait3A_311 = tpu.memref_slice %dma_wait3A_308[%run_scoped3A_236, %dma_wait3A_309, %dma_wait3A_310] : memref<4x32x80xi32, #tpu.memory_space<hbm>> -> memref<1x32x80xi32, #tpu.memory_space<hbm>>
      %dma_wait3A_312 = tpu.memref_squeeze %dma_wait3A_311 : memref<1x32x80xi32, #tpu.memory_space<hbm>> -> memref<32x80xi32, #tpu.memory_space<hbm>>
      tpu.wait_dma2 semaphore(%run_scoped3A_276 : memref<!tpu.dma_semaphore, #tpu.memory_space<semaphore_mem>>) src(%dma_wait3A_312 : memref<32x80xi32, #tpu.memory_space<hbm>>) dst(%arg6 : memref<32x80xi32, #tpu.memory_space<vmem>>)
      tpu.yield
    }) : () -> ()
    %run_scoped3A_237 = arith.constant 3 : i32
    "tpu.region"() ({
      %run_scoped3A_276 = tpu.sem_alloc : memref<!tpu.dma_semaphore, #tpu.memory_space<semaphore_mem>>
      %dma_start3A_277 = arith.constant 0 : i32
      %dma_start3A_278 = arith.constant 0 : i32
      %dma_start3A_279 = arith.constant 0 : i32
      %dma_start3A_280 = tpu.memref_slice %arg4[%add3A, %dma_start3A_277, %dma_start3A_278, %dma_start3A_279] : memref<32x4x32x80xi32, #tpu.memory_space<hbm>> -> memref<1x4x32x80xi32, #tpu.memory_space<hbm>>
      %dma_start3A_281 = tpu.memref_squeeze %dma_start3A_280 : memref<1x4x32x80xi32, #tpu.memory_space<hbm>> -> memref<4x32x80xi32, #tpu.memory_space<hbm>>
      %dma_start3A_282 = arith.constant 0 : i32
      %dma_start3A_283 = arith.constant 0 : i32
      %dma_start3A_284 = tpu.memref_slice %dma_start3A_281[%run_scoped3A_237, %dma_start3A_282, %dma_start3A_283] : memref<4x32x80xi32, #tpu.memory_space<hbm>> -> memref<1x32x80xi32, #tpu.memory_space<hbm>>
      %dma_start3A_285 = tpu.memref_squeeze %dma_start3A_284 : memref<1x32x80xi32, #tpu.memory_space<hbm>> -> memref<32x80xi32, #tpu.memory_space<hbm>>
      %dma_start3A_286 = arith.constant 0 : i32
      %dma_start3A_287 = arith.constant 0 : i32
      %dma_start3A_288 = arith.constant 0 : i32
      %dma_start3A_289 = tpu.memref_slice %arg4[%add3A, %dma_start3A_286, %dma_start3A_287, %dma_start3A_288] : memref<32x4x32x80xi32, #tpu.memory_space<hbm>> -> memref<1x4x32x80xi32, #tpu.memory_space<hbm>>
      %dma_start3A_290 = tpu.memref_squeeze %dma_start3A_289 : memref<1x4x32x80xi32, #tpu.memory_space<hbm>> -> memref<4x32x80xi32, #tpu.memory_space<hbm>>
      %dma_start3A_291 = arith.constant 0 : i32
      %dma_start3A_292 = arith.constant 0 : i32
      %dma_start3A_293 = tpu.memref_slice %dma_start3A_290[%run_scoped3A_237, %dma_start3A_291, %dma_start3A_292] : memref<4x32x80xi32, #tpu.memory_space<hbm>> -> memref<1x32x80xi32, #tpu.memory_space<hbm>>
      %dma_start3A_294 = tpu.memref_squeeze %dma_start3A_293 : memref<1x32x80xi32, #tpu.memory_space<hbm>> -> memref<32x80xi32, #tpu.memory_space<hbm>>
      tpu.enqueue_dma source(%dma_start3A_294 : memref<32x80xi32, #tpu.memory_space<hbm>>) target(%arg7 : memref<32x80xi32, #tpu.memory_space<vmem>>) target_semaphore(%run_scoped3A_276 : memref<!tpu.dma_semaphore, #tpu.memory_space<semaphore_mem>>)
      %dma_wait3A_295 = arith.constant 0 : i32
      %dma_wait3A_296 = arith.constant 0 : i32
      %dma_wait3A_297 = arith.constant 0 : i32
      %dma_wait3A_298 = tpu.memref_slice %arg4[%add3A, %dma_wait3A_295, %dma_wait3A_296, %dma_wait3A_297] : memref<32x4x32x80xi32, #tpu.memory_space<hbm>> -> memref<1x4x32x80xi32, #tpu.memory_space<hbm>>
      %dma_wait3A_299 = tpu.memref_squeeze %dma_wait3A_298 : memref<1x4x32x80xi32, #tpu.memory_space<hbm>> -> memref<4x32x80xi32, #tpu.memory_space<hbm>>
      %dma_wait3A_300 = arith.constant 0 : i32
      %dma_wait3A_301 = arith.constant 0 : i32
      %dma_wait3A_302 = tpu.memref_slice %dma_wait3A_299[%run_scoped3A_237, %dma_wait3A_300, %dma_wait3A_301] : memref<4x32x80xi32, #tpu.memory_space<hbm>> -> memref<1x32x80xi32, #tpu.memory_space<hbm>>
      %dma_wait3A_303 = tpu.memref_squeeze %dma_wait3A_302 : memref<1x32x80xi32, #tpu.memory_space<hbm>> -> memref<32x80xi32, #tpu.memory_space<hbm>>
      %dma_wait3A_304 = arith.constant 0 : i32
      %dma_wait3A_305 = arith.constant 0 : i32
      %dma_wait3A_306 = arith.constant 0 : i32
      %dma_wait3A_307 = tpu.memref_slice %arg4[%add3A, %dma_wait3A_304, %dma_wait3A_305, %dma_wait3A_306] : memref<32x4x32x80xi32, #tpu.memory_space<hbm>> -> memref<1x4x32x80xi32, #tpu.memory_space<hbm>>
      %dma_wait3A_308 = tpu.memref_squeeze %dma_wait3A_307 : memref<1x4x32x80xi32, #tpu.memory_space<hbm>> -> memref<4x32x80xi32, #tpu.memory_space<hbm>>
      %dma_wait3A_309 = arith.constant 0 : i32
      %dma_wait3A_310 = arith.constant 0 : i32
      %dma_wait3A_311 = tpu.memref_slice %dma_wait3A_308[%run_scoped3A_237, %dma_wait3A_309, %dma_wait3A_310] : memref<4x32x80xi32, #tpu.memory_space<hbm>> -> memref<1x32x80xi32, #tpu.memory_space<hbm>>
      %dma_wait3A_312 = tpu.memref_squeeze %dma_wait3A_311 : memref<1x32x80xi32, #tpu.memory_space<hbm>> -> memref<32x80xi32, #tpu.memory_space<hbm>>
      tpu.wait_dma2 semaphore(%run_scoped3A_276 : memref<!tpu.dma_semaphore, #tpu.memory_space<semaphore_mem>>) src(%dma_wait3A_312 : memref<32x80xi32, #tpu.memory_space<hbm>>) dst(%arg7 : memref<32x80xi32, #tpu.memory_space<vmem>>)
      tpu.yield
    }) : () -> ()
    %dma_start3A_238 = arith.constant 0 : i32
    %dma_start3A_239 = arith.constant 0 : i32
    %dma_start3A_240 = tpu.memref_slice %arg6[%dma_start3A_238, %dma_start3A_239] : memref<32x80xi32, #tpu.memory_space<vmem>> -> memref<1x80xi32, #tpu.memory_space<vmem>>
    %dma_start3A_241 = tpu.memref_squeeze %dma_start3A_240 : memref<1x80xi32, #tpu.memory_space<vmem>> -> memref<80xi32, #tpu.memory_space<vmem>>
    %dma_start3A_242 = arith.constant 0 : i32
    %dma_start3A_243 = arith.constant 0 : i32
    %dma_start3A_244 = tpu.memref_slice %arg2[%dma_start3A_242, %dma_start3A_243] : memref<10240x128xf32, #tpu.memory_space<hbm>> -> memref<10240x128xf32, #tpu.memory_space<hbm>>
    tpu.enqueue_indirect_dma source(%dma_start3A_244 : memref<10240x128xf32, #tpu.memory_space<hbm>>) target(%arg8 : memref<80x128xf32, #tpu.memory_space<vmem>>) offsets(%dma_start3A_241 : memref<80xi32, #tpu.memory_space<vmem>>) semaphore(%arg13 : memref<!tpu.dma_semaphore, #tpu.memory_space<semaphore_mem>>)
    %dma_start3A_245 = arith.constant 1 : i32
    %dma_start3A_246 = arith.constant 0 : i32
    %dma_start3A_247 = tpu.memref_slice %arg6[%dma_start3A_245, %dma_start3A_246] : memref<32x80xi32, #tpu.memory_space<vmem>> -> memref<1x80xi32, #tpu.memory_space<vmem>>
    %dma_start3A_248 = tpu.memref_squeeze %dma_start3A_247 : memref<1x80xi32, #tpu.memory_space<vmem>> -> memref<80xi32, #tpu.memory_space<vmem>>
    %dma_start3A_249 = arith.constant 0 : i32
    %dma_start3A_250 = arith.constant 0 : i32
    %dma_start3A_251 = tpu.memref_slice %arg2[%dma_start3A_249, %dma_start3A_250] : memref<10240x128xf32, #tpu.memory_space<hbm>> -> memref<10240x128xf32, #tpu.memory_space<hbm>>
    tpu.enqueue_indirect_dma source(%dma_start3A_251 : memref<10240x128xf32, #tpu.memory_space<hbm>>) target(%arg9 : memref<80x128xf32, #tpu.memory_space<vmem>>) offsets(%dma_start3A_248 : memref<80xi32, #tpu.memory_space<vmem>>) semaphore(%arg14 : memref<!tpu.dma_semaphore, #tpu.memory_space<semaphore_mem>>)
    %dma_start3A_252 = arith.constant 2 : i32
    %dma_start3A_253 = arith.constant 0 : i32
    %dma_start3A_254 = tpu.memref_slice %arg6[%dma_start3A_252, %dma_start3A_253] : memref<32x80xi32, #tpu.memory_space<vmem>> -> memref<1x80xi32, #tpu.memory_space<vmem>>
    %dma_start3A_255 = tpu.memref_squeeze %dma_start3A_254 : memref<1x80xi32, #tpu.memory_space<vmem>> -> memref<80xi32, #tpu.memory_space<vmem>>
    %dma_start3A_256 = arith.constant 0 : i32
    %dma_start3A_257 = arith.constant 0 : i32
    %dma_start3A_258 = tpu.memref_slice %arg2[%dma_start3A_256, %dma_start3A_257] : memref<10240x128xf32, #tpu.memory_space<hbm>> -> memref<10240x128xf32, #tpu.memory_space<hbm>>
    tpu.enqueue_indirect_dma source(%dma_start3A_258 : memref<10240x128xf32, #tpu.memory_space<hbm>>) target(%arg10 : memref<80x128xf32, #tpu.memory_space<vmem>>) offsets(%dma_start3A_255 : memref<80xi32, #tpu.memory_space<vmem>>) semaphore(%arg15 : memref<!tpu.dma_semaphore, #tpu.memory_space<semaphore_mem>>)
    %dma_start3A_259 = arith.constant 3 : i32
    %dma_start3A_260 = arith.constant 0 : i32
    %dma_start3A_261 = tpu.memref_slice %arg6[%dma_start3A_259, %dma_start3A_260] : memref<32x80xi32, #tpu.memory_space<vmem>> -> memref<1x80xi32, #tpu.memory_space<vmem>>
    %dma_start3A_262 = tpu.memref_squeeze %dma_start3A_261 : memref<1x80xi32, #tpu.memory_space<vmem>> -> memref<80xi32, #tpu.memory_space<vmem>>
    %dma_start3A_263 = arith.constant 0 : i32
    %dma_start3A_264 = arith.constant 0 : i32
    %dma_start3A_265 = tpu.memref_slice %arg2[%dma_start3A_263, %dma_start3A_264] : memref<10240x128xf32, #tpu.memory_space<hbm>> -> memref<10240x128xf32, #tpu.memory_space<hbm>>
    tpu.enqueue_indirect_dma source(%dma_start3A_265 : memref<10240x128xf32, #tpu.memory_space<hbm>>) target(%arg11 : memref<80x128xf32, #tpu.memory_space<vmem>>) offsets(%dma_start3A_262 : memref<80xi32, #tpu.memory_space<vmem>>) semaphore(%arg16 : memref<!tpu.dma_semaphore, #tpu.memory_space<semaphore_mem>>)
    %scan3A_266 = arith.constant 0 : i32
    %scan3A_267 = arith.constant 8 : i32
    %scan3A_268 = arith.addi %scan3A_266, %scan3A_267 : i32
    %scan3A_269 = arith.constant 1 : i32
    scf.for %scan3A_276 = %scan3A_266 to %scan3A_268 step %scan3A_269  : i32 {
      %mul3A_277 = arith.constant 4 : i32
      %mul3A_278 = arith.muli %scan3A_276, %mul3A_277 : i32
      %add3A_279 = arith.constant 0 : i32
      %add3A_280 = arith.addi %add3A_279, %mul3A_278 : i32
      %add3A_281 = arith.constant 0 : i32
      %add3A_282 = arith.addi %add3A_280, %add3A_281 : i32
      %dma_wait3A_283 = arith.constant 0 : i32
      %dma_wait3A_284 = tpu.memref_slice %arg6[%add3A_282, %dma_wait3A_283] : memref<32x80xi32, #tpu.memory_space<vmem>> -> memref<1x80xi32, #tpu.memory_space<vmem>>
      %dma_wait3A_285 = tpu.memref_squeeze %dma_wait3A_284 : memref<1x80xi32, #tpu.memory_space<vmem>> -> memref<80xi32, #tpu.memory_space<vmem>>
      %dma_wait3A_286 = arith.constant 0 : i32
      %dma_wait3A_287 = arith.constant 0 : i32
      %dma_wait3A_288 = tpu.memref_slice %arg2[%dma_wait3A_286, %dma_wait3A_287] : memref<10240x128xf32, #tpu.memory_space<hbm>> -> memref<10240x128xf32, #tpu.memory_space<hbm>>
      tpu.wait_indirect_dma semaphore(%arg13 : memref<!tpu.dma_semaphore, #tpu.memory_space<semaphore_mem>>) src(%dma_wait3A_288 : memref<10240x128xf32, #tpu.memory_space<hbm>>) dst(%arg8 : memref<80x128xf32, #tpu.memory_space<vmem>>)
      %add3A_289 = arith.constant 0 : i32
      %add3A_290 = arith.addi %add3A_280, %add3A_289 : i32
      "tpu.region"() ({
        %run_scoped3A_354 = tpu.sem_alloc : memref<!tpu.dma_semaphore, #tpu.memory_space<semaphore_mem>>
        %dma_start3A_355 = arith.constant 0 : i32
        %dma_start3A_356 = tpu.memref_slice %arg7[%add3A_290, %dma_start3A_355] : memref<32x80xi32, #tpu.memory_space<vmem>> -> memref<1x80xi32, #tpu.memory_space<vmem>>
        %dma_start3A_357 = tpu.memref_squeeze %dma_start3A_356 : memref<1x80xi32, #tpu.memory_space<vmem>> -> memref<80xi32, #tpu.memory_space<vmem>>
        %dma_start3A_358 = arith.constant 0 : i32
        %dma_start3A_359 = arith.constant 0 : i32
        %dma_start3A_360 = tpu.memref_slice %arg12[%dma_start3A_358, %dma_start3A_359] : memref<10240x128xf32, #tpu.memory_space<vmem_shared>> -> memref<10240x128xf32, #tpu.memory_space<vmem_shared>>
        tpu.enqueue_indirect_dma source(%arg8 : memref<80x128xf32, #tpu.memory_space<vmem>>) target(%dma_start3A_360 : memref<10240x128xf32, #tpu.memory_space<vmem_shared>>) offsets(%dma_start3A_357 : memref<80xi32, #tpu.memory_space<vmem>>) semaphore(%run_scoped3A_354 : memref<!tpu.dma_semaphore, #tpu.memory_space<semaphore_mem>>) {add = true}
        %dma_wait3A_361 = arith.constant 0 : i32
        %dma_wait3A_362 = tpu.memref_slice %arg7[%add3A_290, %dma_wait3A_361] : memref<32x80xi32, #tpu.memory_space<vmem>> -> memref<1x80xi32, #tpu.memory_space<vmem>>
        %dma_wait3A_363 = tpu.memref_squeeze %dma_wait3A_362 : memref<1x80xi32, #tpu.memory_space<vmem>> -> memref<80xi32, #tpu.memory_space<vmem>>
        %dma_wait3A_364 = arith.constant 0 : i32
        %dma_wait3A_365 = arith.constant 0 : i32
        %dma_wait3A_366 = tpu.memref_slice %arg12[%dma_wait3A_364, %dma_wait3A_365] : memref<10240x128xf32, #tpu.memory_space<vmem_shared>> -> memref<10240x128xf32, #tpu.memory_space<vmem_shared>>
        tpu.wait_indirect_dma semaphore(%run_scoped3A_354 : memref<!tpu.dma_semaphore, #tpu.memory_space<semaphore_mem>>) src(%arg8 : memref<80x128xf32, #tpu.memory_space<vmem>>) dst(%dma_wait3A_366 : memref<10240x128xf32, #tpu.memory_space<vmem_shared>>)
        tpu.yield
      }) : () -> ()
      %add3A_291 = arith.constant 0 : i32
      %add3A_292 = arith.addi %add3A_280, %add3A_291 : i32
      %add3A_293 = arith.constant 4 : i32
      %add3A_294 = arith.addi %add3A_292, %add3A_293 : i32
      %lt3A = arith.constant 32 : i32
      %lt3A_295 = arith.cmpi slt, %add3A_294, %lt3A : i32
      %convert_element_type3A = arith.extui %lt3A_295 : i1 to i32
      %cond3A = arith.constant 0 : i32
      %cond3A_296 = arith.cmpi ne, %convert_element_type3A, %cond3A : i32
      scf.if %cond3A_296 {
        %add3A_354 = arith.constant 0 : i32
        %add3A_355 = arith.addi %add3A_280, %add3A_354 : i32
        %add3A_356 = arith.constant 4 : i32
        %add3A_357 = arith.addi %add3A_355, %add3A_356 : i32
        %dma_start3A_358 = arith.constant 0 : i32
        %dma_start3A_359 = tpu.memref_slice %arg6[%add3A_357, %dma_start3A_358] : memref<32x80xi32, #tpu.memory_space<vmem>> -> memref<1x80xi32, #tpu.memory_space<vmem>>
        %dma_start3A_360 = tpu.memref_squeeze %dma_start3A_359 : memref<1x80xi32, #tpu.memory_space<vmem>> -> memref<80xi32, #tpu.memory_space<vmem>>
        %dma_start3A_361 = arith.constant 0 : i32
        %dma_start3A_362 = arith.constant 0 : i32
        %dma_start3A_363 = tpu.memref_slice %arg2[%dma_start3A_361, %dma_start3A_362] : memref<10240x128xf32, #tpu.memory_space<hbm>> -> memref<10240x128xf32, #tpu.memory_space<hbm>>
        tpu.enqueue_indirect_dma source(%dma_start3A_363 : memref<10240x128xf32, #tpu.memory_space<hbm>>) target(%arg8 : memref<80x128xf32, #tpu.memory_space<vmem>>) offsets(%dma_start3A_360 : memref<80xi32, #tpu.memory_space<vmem>>) semaphore(%arg13 : memref<!tpu.dma_semaphore, #tpu.memory_space<semaphore_mem>>)
      } else {
      }
      %add3A_297 = arith.constant 1 : i32
      %add3A_298 = arith.addi %add3A_280, %add3A_297 : i32
      %dma_wait3A_299 = arith.constant 0 : i32
      %dma_wait3A_300 = tpu.memref_slice %arg6[%add3A_298, %dma_wait3A_299] : memref<32x80xi32, #tpu.memory_space<vmem>> -> memref<1x80xi32, #tpu.memory_space<vmem>>
      %dma_wait3A_301 = tpu.memref_squeeze %dma_wait3A_300 : memref<1x80xi32, #tpu.memory_space<vmem>> -> memref<80xi32, #tpu.memory_space<vmem>>
      %dma_wait3A_302 = arith.constant 0 : i32
      %dma_wait3A_303 = arith.constant 0 : i32
      %dma_wait3A_304 = tpu.memref_slice %arg2[%dma_wait3A_302, %dma_wait3A_303] : memref<10240x128xf32, #tpu.memory_space<hbm>> -> memref<10240x128xf32, #tpu.memory_space<hbm>>
      tpu.wait_indirect_dma semaphore(%arg14 : memref<!tpu.dma_semaphore, #tpu.memory_space<semaphore_mem>>) src(%dma_wait3A_304 : memref<10240x128xf32, #tpu.memory_space<hbm>>) dst(%arg9 : memref<80x128xf32, #tpu.memory_space<vmem>>)
      %add3A_305 = arith.constant 1 : i32
      %add3A_306 = arith.addi %add3A_280, %add3A_305 : i32
      "tpu.region"() ({
        %run_scoped3A_354 = tpu.sem_alloc : memref<!tpu.dma_semaphore, #tpu.memory_space<semaphore_mem>>
        %dma_start3A_355 = arith.constant 0 : i32
        %dma_start3A_356 = tpu.memref_slice %arg7[%add3A_306, %dma_start3A_355] : memref<32x80xi32, #tpu.memory_space<vmem>> -> memref<1x80xi32, #tpu.memory_space<vmem>>
        %dma_start3A_357 = tpu.memref_squeeze %dma_start3A_356 : memref<1x80xi32, #tpu.memory_space<vmem>> -> memref<80xi32, #tpu.memory_space<vmem>>
        %dma_start3A_358 = arith.constant 0 : i32
        %dma_start3A_359 = arith.constant 0 : i32
        %dma_start3A_360 = tpu.memref_slice %arg12[%dma_start3A_358, %dma_start3A_359] : memref<10240x128xf32, #tpu.memory_space<vmem_shared>> -> memref<10240x128xf32, #tpu.memory_space<vmem_shared>>
        tpu.enqueue_indirect_dma source(%arg9 : memref<80x128xf32, #tpu.memory_space<vmem>>) target(%dma_start3A_360 : memref<10240x128xf32, #tpu.memory_space<vmem_shared>>) offsets(%dma_start3A_357 : memref<80xi32, #tpu.memory_space<vmem>>) semaphore(%run_scoped3A_354 : memref<!tpu.dma_semaphore, #tpu.memory_space<semaphore_mem>>) {add = true}
        %dma_wait3A_361 = arith.constant 0 : i32
        %dma_wait3A_362 = tpu.memref_slice %arg7[%add3A_306, %dma_wait3A_361] : memref<32x80xi32, #tpu.memory_space<vmem>> -> memref<1x80xi32, #tpu.memory_space<vmem>>
        %dma_wait3A_363 = tpu.memref_squeeze %dma_wait3A_362 : memref<1x80xi32, #tpu.memory_space<vmem>> -> memref<80xi32, #tpu.memory_space<vmem>>
        %dma_wait3A_364 = arith.constant 0 : i32
        %dma_wait3A_365 = arith.constant 0 : i32
        %dma_wait3A_366 = tpu.memref_slice %arg12[%dma_wait3A_364, %dma_wait3A_365] : memref<10240x128xf32, #tpu.memory_space<vmem_shared>> -> memref<10240x128xf32, #tpu.memory_space<vmem_shared>>
        tpu.wait_indirect_dma semaphore(%run_scoped3A_354 : memref<!tpu.dma_semaphore, #tpu.memory_space<semaphore_mem>>) src(%arg9 : memref<80x128xf32, #tpu.memory_space<vmem>>) dst(%dma_wait3A_366 : memref<10240x128xf32, #tpu.memory_space<vmem_shared>>)
        tpu.yield
      }) : () -> ()
      %add3A_307 = arith.constant 1 : i32
      %add3A_308 = arith.addi %add3A_280, %add3A_307 : i32
      %add3A_309 = arith.constant 4 : i32
      %add3A_310 = arith.addi %add3A_308, %add3A_309 : i32
      %lt3A_311 = arith.constant 32 : i32
      %lt3A_312 = arith.cmpi slt, %add3A_310, %lt3A_311 : i32
      %convert_element_type3A_313 = arith.extui %lt3A_312 : i1 to i32
      %cond3A_314 = arith.constant 0 : i32
      %cond3A_315 = arith.cmpi ne, %convert_element_type3A_313, %cond3A_314 : i32
      scf.if %cond3A_315 {
        %add3A_354 = arith.constant 1 : i32
        %add3A_355 = arith.addi %add3A_280, %add3A_354 : i32
        %add3A_356 = arith.constant 4 : i32
        %add3A_357 = arith.addi %add3A_355, %add3A_356 : i32
        %dma_start3A_358 = arith.constant 0 : i32
        %dma_start3A_359 = tpu.memref_slice %arg6[%add3A_357, %dma_start3A_358] : memref<32x80xi32, #tpu.memory_space<vmem>> -> memref<1x80xi32, #tpu.memory_space<vmem>>
        %dma_start3A_360 = tpu.memref_squeeze %dma_start3A_359 : memref<1x80xi32, #tpu.memory_space<vmem>> -> memref<80xi32, #tpu.memory_space<vmem>>
        %dma_start3A_361 = arith.constant 0 : i32
        %dma_start3A_362 = arith.constant 0 : i32
        %dma_start3A_363 = tpu.memref_slice %arg2[%dma_start3A_361, %dma_start3A_362] : memref<10240x128xf32, #tpu.memory_space<hbm>> -> memref<10240x128xf32, #tpu.memory_space<hbm>>
        tpu.enqueue_indirect_dma source(%dma_start3A_363 : memref<10240x128xf32, #tpu.memory_space<hbm>>) target(%arg9 : memref<80x128xf32, #tpu.memory_space<vmem>>) offsets(%dma_start3A_360 : memref<80xi32, #tpu.memory_space<vmem>>) semaphore(%arg14 : memref<!tpu.dma_semaphore, #tpu.memory_space<semaphore_mem>>)
      } else {
      }
      %add3A_316 = arith.constant 2 : i32
      %add3A_317 = arith.addi %add3A_280, %add3A_316 : i32
      %dma_wait3A_318 = arith.constant 0 : i32
      %dma_wait3A_319 = tpu.memref_slice %arg6[%add3A_317, %dma_wait3A_318] : memref<32x80xi32, #tpu.memory_space<vmem>> -> memref<1x80xi32, #tpu.memory_space<vmem>>
      %dma_wait3A_320 = tpu.memref_squeeze %dma_wait3A_319 : memref<1x80xi32, #tpu.memory_space<vmem>> -> memref<80xi32, #tpu.memory_space<vmem>>
      %dma_wait3A_321 = arith.constant 0 : i32
      %dma_wait3A_322 = arith.constant 0 : i32
      %dma_wait3A_323 = tpu.memref_slice %arg2[%dma_wait3A_321, %dma_wait3A_322] : memref<10240x128xf32, #tpu.memory_space<hbm>> -> memref<10240x128xf32, #tpu.memory_space<hbm>>
      tpu.wait_indirect_dma semaphore(%arg15 : memref<!tpu.dma_semaphore, #tpu.memory_space<semaphore_mem>>) src(%dma_wait3A_323 : memref<10240x128xf32, #tpu.memory_space<hbm>>) dst(%arg10 : memref<80x128xf32, #tpu.memory_space<vmem>>)
      %add3A_324 = arith.constant 2 : i32
      %add3A_325 = arith.addi %add3A_280, %add3A_324 : i32
      "tpu.region"() ({
        %run_scoped3A_354 = tpu.sem_alloc : memref<!tpu.dma_semaphore, #tpu.memory_space<semaphore_mem>>
        %dma_start3A_355 = arith.constant 0 : i32
        %dma_start3A_356 = tpu.memref_slice %arg7[%add3A_325, %dma_start3A_355] : memref<32x80xi32, #tpu.memory_space<vmem>> -> memref<1x80xi32, #tpu.memory_space<vmem>>
        %dma_start3A_357 = tpu.memref_squeeze %dma_start3A_356 : memref<1x80xi32, #tpu.memory_space<vmem>> -> memref<80xi32, #tpu.memory_space<vmem>>
        %dma_start3A_358 = arith.constant 0 : i32
        %dma_start3A_359 = arith.constant 0 : i32
        %dma_start3A_360 = tpu.memref_slice %arg12[%dma_start3A_358, %dma_start3A_359] : memref<10240x128xf32, #tpu.memory_space<vmem_shared>> -> memref<10240x128xf32, #tpu.memory_space<vmem_shared>>
        tpu.enqueue_indirect_dma source(%arg10 : memref<80x128xf32, #tpu.memory_space<vmem>>) target(%dma_start3A_360 : memref<10240x128xf32, #tpu.memory_space<vmem_shared>>) offsets(%dma_start3A_357 : memref<80xi32, #tpu.memory_space<vmem>>) semaphore(%run_scoped3A_354 : memref<!tpu.dma_semaphore, #tpu.memory_space<semaphore_mem>>) {add = true}
        %dma_wait3A_361 = arith.constant 0 : i32
        %dma_wait3A_362 = tpu.memref_slice %arg7[%add3A_325, %dma_wait3A_361] : memref<32x80xi32, #tpu.memory_space<vmem>> -> memref<1x80xi32, #tpu.memory_space<vmem>>
        %dma_wait3A_363 = tpu.memref_squeeze %dma_wait3A_362 : memref<1x80xi32, #tpu.memory_space<vmem>> -> memref<80xi32, #tpu.memory_space<vmem>>
        %dma_wait3A_364 = arith.constant 0 : i32
        %dma_wait3A_365 = arith.constant 0 : i32
        %dma_wait3A_366 = tpu.memref_slice %arg12[%dma_wait3A_364, %dma_wait3A_365] : memref<10240x128xf32, #tpu.memory_space<vmem_shared>> -> memref<10240x128xf32, #tpu.memory_space<vmem_shared>>
        tpu.wait_indirect_dma semaphore(%run_scoped3A_354 : memref<!tpu.dma_semaphore, #tpu.memory_space<semaphore_mem>>) src(%arg10 : memref<80x128xf32, #tpu.memory_space<vmem>>) dst(%dma_wait3A_366 : memref<10240x128xf32, #tpu.memory_space<vmem_shared>>)
        tpu.yield
      }) : () -> ()
      %add3A_326 = arith.constant 2 : i32
      %add3A_327 = arith.addi %add3A_280, %add3A_326 : i32
      %add3A_328 = arith.constant 4 : i32
      %add3A_329 = arith.addi %add3A_327, %add3A_328 : i32
      %lt3A_330 = arith.constant 32 : i32
      %lt3A_331 = arith.cmpi slt, %add3A_329, %lt3A_330 : i32
      %convert_element_type3A_332 = arith.extui %lt3A_331 : i1 to i32
      %cond3A_333 = arith.constant 0 : i32
      %cond3A_334 = arith.cmpi ne, %convert_element_type3A_332, %cond3A_333 : i32
      scf.if %cond3A_334 {
        %add3A_354 = arith.constant 2 : i32
        %add3A_355 = arith.addi %add3A_280, %add3A_354 : i32
        %add3A_356 = arith.constant 4 : i32
        %add3A_357 = arith.addi %add3A_355, %add3A_356 : i32
        %dma_start3A_358 = arith.constant 0 : i32
        %dma_start3A_359 = tpu.memref_slice %arg6[%add3A_357, %dma_start3A_358] : memref<32x80xi32, #tpu.memory_space<vmem>> -> memref<1x80xi32, #tpu.memory_space<vmem>>
        %dma_start3A_360 = tpu.memref_squeeze %dma_start3A_359 : memref<1x80xi32, #tpu.memory_space<vmem>> -> memref<80xi32, #tpu.memory_space<vmem>>
        %dma_start3A_361 = arith.constant 0 : i32
        %dma_start3A_362 = arith.constant 0 : i32
        %dma_start3A_363 = tpu.memref_slice %arg2[%dma_start3A_361, %dma_start3A_362] : memref<10240x128xf32, #tpu.memory_space<hbm>> -> memref<10240x128xf32, #tpu.memory_space<hbm>>
        tpu.enqueue_indirect_dma source(%dma_start3A_363 : memref<10240x128xf32, #tpu.memory_space<hbm>>) target(%arg10 : memref<80x128xf32, #tpu.memory_space<vmem>>) offsets(%dma_start3A_360 : memref<80xi32, #tpu.memory_space<vmem>>) semaphore(%arg15 : memref<!tpu.dma_semaphore, #tpu.memory_space<semaphore_mem>>)
      } else {
      }
      %add3A_335 = arith.constant 3 : i32
      %add3A_336 = arith.addi %add3A_280, %add3A_335 : i32
      %dma_wait3A_337 = arith.constant 0 : i32
      %dma_wait3A_338 = tpu.memref_slice %arg6[%add3A_336, %dma_wait3A_337] : memref<32x80xi32, #tpu.memory_space<vmem>> -> memref<1x80xi32, #tpu.memory_space<vmem>>
      %dma_wait3A_339 = tpu.memref_squeeze %dma_wait3A_338 : memref<1x80xi32, #tpu.memory_space<vmem>> -> memref<80xi32, #tpu.memory_space<vmem>>
      %dma_wait3A_340 = arith.constant 0 : i32
      %dma_wait3A_341 = arith.constant 0 : i32
      %dma_wait3A_342 = tpu.memref_slice %arg2[%dma_wait3A_340, %dma_wait3A_341] : memref<10240x128xf32, #tpu.memory_space<hbm>> -> memref<10240x128xf32, #tpu.memory_space<hbm>>
      tpu.wait_indirect_dma semaphore(%arg16 : memref<!tpu.dma_semaphore, #tpu.memory_space<semaphore_mem>>) src(%dma_wait3A_342 : memref<10240x128xf32, #tpu.memory_space<hbm>>) dst(%arg11 : memref<80x128xf32, #tpu.memory_space<vmem>>)
      %add3A_343 = arith.constant 3 : i32
      %add3A_344 = arith.addi %add3A_280, %add3A_343 : i32
      "tpu.region"() ({
        %run_scoped3A_354 = tpu.sem_alloc : memref<!tpu.dma_semaphore, #tpu.memory_space<semaphore_mem>>
        %dma_start3A_355 = arith.constant 0 : i32
        %dma_start3A_356 = tpu.memref_slice %arg7[%add3A_344, %dma_start3A_355] : memref<32x80xi32, #tpu.memory_space<vmem>> -> memref<1x80xi32, #tpu.memory_space<vmem>>
        %dma_start3A_357 = tpu.memref_squeeze %dma_start3A_356 : memref<1x80xi32, #tpu.memory_space<vmem>> -> memref<80xi32, #tpu.memory_space<vmem>>
        %dma_start3A_358 = arith.constant 0 : i32
        %dma_start3A_359 = arith.constant 0 : i32
        %dma_start3A_360 = tpu.memref_slice %arg12[%dma_start3A_358, %dma_start3A_359] : memref<10240x128xf32, #tpu.memory_space<vmem_shared>> -> memref<10240x128xf32, #tpu.memory_space<vmem_shared>>
        tpu.enqueue_indirect_dma source(%arg11 : memref<80x128xf32, #tpu.memory_space<vmem>>) target(%dma_start3A_360 : memref<10240x128xf32, #tpu.memory_space<vmem_shared>>) offsets(%dma_start3A_357 : memref<80xi32, #tpu.memory_space<vmem>>) semaphore(%run_scoped3A_354 : memref<!tpu.dma_semaphore, #tpu.memory_space<semaphore_mem>>) {add = true}
        %dma_wait3A_361 = arith.constant 0 : i32
        %dma_wait3A_362 = tpu.memref_slice %arg7[%add3A_344, %dma_wait3A_361] : memref<32x80xi32, #tpu.memory_space<vmem>> -> memref<1x80xi32, #tpu.memory_space<vmem>>
        %dma_wait3A_363 = tpu.memref_squeeze %dma_wait3A_362 : memref<1x80xi32, #tpu.memory_space<vmem>> -> memref<80xi32, #tpu.memory_space<vmem>>
        %dma_wait3A_364 = arith.constant 0 : i32
        %dma_wait3A_365 = arith.constant 0 : i32
        %dma_wait3A_366 = tpu.memref_slice %arg12[%dma_wait3A_364, %dma_wait3A_365] : memref<10240x128xf32, #tpu.memory_space<vmem_shared>> -> memref<10240x128xf32, #tpu.memory_space<vmem_shared>>
        tpu.wait_indirect_dma semaphore(%run_scoped3A_354 : memref<!tpu.dma_semaphore, #tpu.memory_space<semaphore_mem>>) src(%arg11 : memref<80x128xf32, #tpu.memory_space<vmem>>) dst(%dma_wait3A_366 : memref<10240x128xf32, #tpu.memory_space<vmem_shared>>)
        tpu.yield
      }) : () -> ()
      %add3A_345 = arith.constant 3 : i32
      %add3A_346 = arith.addi %add3A_280, %add3A_345 : i32
      %add3A_347 = arith.constant 4 : i32
      %add3A_348 = arith.addi %add3A_346, %add3A_347 : i32
      %lt3A_349 = arith.constant 32 : i32
      %lt3A_350 = arith.cmpi slt, %add3A_348, %lt3A_349 : i32
      %convert_element_type3A_351 = arith.extui %lt3A_350 : i1 to i32
      %cond3A_352 = arith.constant 0 : i32
      %cond3A_353 = arith.cmpi ne, %convert_element_type3A_351, %cond3A_352 : i32
      scf.if %cond3A_353 {
        %add3A_354 = arith.constant 3 : i32
        %add3A_355 = arith.addi %add3A_280, %add3A_354 : i32
        %add3A_356 = arith.constant 4 : i32
        %add3A_357 = arith.addi %add3A_355, %add3A_356 : i32
        %dma_start3A_358 = arith.constant 0 : i32
        %dma_start3A_359 = tpu.memref_slice %arg6[%add3A_357, %dma_start3A_358] : memref<32x80xi32, #tpu.memory_space<vmem>> -> memref<1x80xi32, #tpu.memory_space<vmem>>
        %dma_start3A_360 = tpu.memref_squeeze %dma_start3A_359 : memref<1x80xi32, #tpu.memory_space<vmem>> -> memref<80xi32, #tpu.memory_space<vmem>>
        %dma_start3A_361 = arith.constant 0 : i32
        %dma_start3A_362 = arith.constant 0 : i32
        %dma_start3A_363 = tpu.memref_slice %arg2[%dma_start3A_361, %dma_start3A_362] : memref<10240x128xf32, #tpu.memory_space<hbm>> -> memref<10240x128xf32, #tpu.memory_space<hbm>>
        tpu.enqueue_indirect_dma source(%dma_start3A_363 : memref<10240x128xf32, #tpu.memory_space<hbm>>) target(%arg11 : memref<80x128xf32, #tpu.memory_space<vmem>>) offsets(%dma_start3A_360 : memref<80xi32, #tpu.memory_space<vmem>>) semaphore(%arg16 : memref<!tpu.dma_semaphore, #tpu.memory_space<semaphore_mem>>)
      } else {
      }
    }
    %scan3A_270 = arith.constant 8 : i32
    %barrier3A_271 = arith.constant 0 : index
    tpu.barrier barrier_id(%barrier3A_271)
    %mul3A_272 = arith.constant 640 : i32
    %mul3A_273 = arith.muli %arg1, %mul3A_272 : i32
    %mul3A_274 = arith.constant 640 : i32
    %mul3A_275 = arith.muli %arg1, %mul3A_274 : i32
    "tpu.region"() ({
      %run_scoped3A_276 = tpu.sem_alloc : memref<!tpu.dma_semaphore, #tpu.memory_space<semaphore_mem>>
      %dma_start3A_277 = arith.constant 0 : i32
      %dma_start3A_278 = arith.constant 0 : i32
      %dma_start3A_279 = tpu.memref_slice %arg5[%arg0, %dma_start3A_277, %dma_start3A_278] : memref<2x10240x128xf32, #tpu.memory_space<hbm>> -> memref<1x10240x128xf32, #tpu.memory_space<hbm>>
      %dma_start3A_280 = tpu.memref_squeeze %dma_start3A_279 : memref<1x10240x128xf32, #tpu.memory_space<hbm>> -> memref<10240x128xf32, #tpu.memory_space<hbm>>
      %dma_start3A_281 = arith.constant 0 : i32
      %dma_start3A_282 = tpu.memref_slice %dma_start3A_280[%mul3A_275, %dma_start3A_281] : memref<10240x128xf32, #tpu.memory_space<hbm>> -> memref<640x128xf32, #tpu.memory_space<hbm>>
      %dma_start3A_283 = arith.constant 0 : i32
      %dma_start3A_284 = tpu.memref_slice %arg12[%mul3A_273, %dma_start3A_283] : memref<10240x128xf32, #tpu.memory_space<vmem_shared>> -> memref<640x128xf32, #tpu.memory_space<vmem_shared>>
      tpu.enqueue_dma source(%dma_start3A_284 : memref<640x128xf32, #tpu.memory_space<vmem_shared>>) target(%dma_start3A_282 : memref<640x128xf32, #tpu.memory_space<hbm>>) target_semaphore(%run_scoped3A_276 : memref<!tpu.dma_semaphore, #tpu.memory_space<semaphore_mem>>)
      %dma_wait3A_285 = arith.constant 0 : i32
      %dma_wait3A_286 = arith.constant 0 : i32
      %dma_wait3A_287 = tpu.memref_slice %arg5[%arg0, %dma_wait3A_285, %dma_wait3A_286] : memref<2x10240x128xf32, #tpu.memory_space<hbm>> -> memref<1x10240x128xf32, #tpu.memory_space<hbm>>
      %dma_wait3A_288 = tpu.memref_squeeze %dma_wait3A_287 : memref<1x10240x128xf32, #tpu.memory_space<hbm>> -> memref<10240x128xf32, #tpu.memory_space<hbm>>
      %dma_wait3A_289 = arith.constant 0 : i32
      %dma_wait3A_290 = tpu.memref_slice %dma_wait3A_288[%mul3A_275, %dma_wait3A_289] : memref<10240x128xf32, #tpu.memory_space<hbm>> -> memref<640x128xf32, #tpu.memory_space<hbm>>
      %dma_wait3A_291 = arith.constant 0 : i32
      %dma_wait3A_292 = tpu.memref_slice %arg12[%mul3A_273, %dma_wait3A_291] : memref<10240x128xf32, #tpu.memory_space<vmem_shared>> -> memref<640x128xf32, #tpu.memory_space<vmem_shared>>
      tpu.wait_dma2 semaphore(%run_scoped3A_276 : memref<!tpu.dma_semaphore, #tpu.memory_space<semaphore_mem>>) src(%dma_wait3A_292 : memref<640x128xf32, #tpu.memory_space<vmem_shared>>) dst(%dma_wait3A_290 : memref<640x128xf32, #tpu.memory_space<hbm>>)
      tpu.yield
    }) : () -> ()
    return
  }
}

#map = affine_map<(d0, d1) -> (0, 0)>
#map1 = affine_map<(d0, d1) -> (0, 0, 0, 0)>
#map2 = affine_map<(d0, d1) -> (0, 0, 0)>
module attributes {stable_mosaic.version = 14 : i64} {
  func.func @_agg_body(%arg0: i32, %arg1: i32, %arg2: memref<10240x128xf32, #tpu.memory_space<hbm>>, %arg3: memref<32x4x32x80xi32, #tpu.memory_space<hbm>>, %arg4: memref<32x4x32x80xi32, #tpu.memory_space<hbm>>, %arg5: memref<2x10240x128xf32, #tpu.memory_space<hbm>>, %arg6: memref<32x80xi32, #tpu.memory_space<vmem>>, %arg7: memref<32x80xi32, #tpu.memory_space<vmem>>, %arg8: memref<80x128xf32, #tpu.memory_space<vmem>>, %arg9: memref<80x128xf32, #tpu.memory_space<vmem>>, %arg10: memref<80x128xf32, #tpu.memory_space<vmem>>, %arg11: memref<80x128xf32, #tpu.memory_space<vmem>>, %arg12: memref<10240x128xf32, #tpu.memory_space<vmem_shared>>, %arg13: memref<!tpu.dma_semaphore, #tpu.memory_space<semaphore_mem>>, %arg14: memref<!tpu.dma_semaphore, #tpu.memory_space<semaphore_mem>>, %arg15: memref<!tpu.dma_semaphore, #tpu.memory_space<semaphore_mem>>, %arg16: memref<!tpu.dma_semaphore, #tpu.memory_space<semaphore_mem>>, %arg17: memref<!tpu.dma_semaphore, #tpu.memory_space<semaphore_mem>>) attributes {dimension_semantics = [#tpu.dimension_semantics<core_parallel>, #tpu.dimension_semantics<subcore_parallel>], iteration_bounds = array<i64: 2, 16>, scalar_prefetch = 0 : i64, scratch_operands = 12 : i64, tpu.core_type = #tpu.core_type<sc_vector_subcore>, window_params = [{transform_indices = #map}, {transform_indices = #map1}, {transform_indices = #map1}, {transform_indices = #map2}]} {
    %mul3A = arith.constant 16 : i32
    %mul3A_0 = arith.muli %arg0, %mul3A : i32
    %add3A = arith.addi %mul3A_0, %arg1 : i32
    %run_scoped3A = arith.constant 0 : i32
    "tpu.region"() ({
      %run_scoped3A_276 = tpu.sem_alloc : memref<!tpu.dma_semaphore, #tpu.memory_space<semaphore_mem>>
      %dma_start3A_277 = arith.constant 0 : i32
      %dma_start3A_278 = arith.constant 0 : i32
      %dma_start3A_279 = arith.constant 0 : i32
      %dma_start3A_280 = tpu.memref_slice %arg3[%add3A, %dma_start3A_277, %dma_start3A_278, %dma_start3A_279] : memref<32x4x32x80xi32, #tpu.memory_space<hbm>> -> memref<1x4x32x80xi32, #tpu.memory_space<hbm>>
      %dma_start3A_281 = tpu.memref_squeeze %dma_start3A_280 : memref<1x4x32x80xi32, #tpu.memory_space<hbm>> -> memref<4x32x80xi32, #tpu.memory_space<hbm>>
      %dma_start3A_282 = arith.constant 0 : i32
      %dma_start3A_283 = arith.constant 0 : i32
      %dma_start3A_284 = tpu.memref_slice %dma_start3A_281[%run_scoped3A, %dma_start3A_282, %dma_start3A_283] : memref<4x32x80xi32, #tpu.memory_space<hbm>> -> memref<1x32x80xi32, #tpu.memory_space<hbm>>
      %dma_start3A_285 = tpu.memref_squeeze %dma_start3A_284 : memref<1x32x80xi32, #tpu.memory_space<hbm>> -> memref<32x80xi32, #tpu.memory_space<hbm>>
      %dma_start3A_286 = arith.constant 0 : i32
      %dma_start3A_287 = arith.constant 0 : i32
      %dma_start3A_288 = arith.constant 0 : i32
      %dma_start3A_289 = tpu.memref_slice %arg3[%add3A, %dma_start3A_286, %dma_start3A_287, %dma_start3A_288] : memref<32x4x32x80xi32, #tpu.memory_space<hbm>> -> memref<1x4x32x80xi32, #tpu.memory_space<hbm>>
      %dma_start3A_290 = tpu.memref_squeeze %dma_start3A_289 : memref<1x4x32x80xi32, #tpu.memory_space<hbm>> -> memref<4x32x80xi32, #tpu.memory_space<hbm>>
      %dma_start3A_291 = arith.constant 0 : i32
      %dma_start3A_292 = arith.constant 0 : i32
      %dma_start3A_293 = tpu.memref_slice %dma_start3A_290[%run_scoped3A, %dma_start3A_291, %dma_start3A_292] : memref<4x32x80xi32, #tpu.memory_space<hbm>> -> memref<1x32x80xi32, #tpu.memory_space<hbm>>
      %dma_start3A_294 = tpu.memref_squeeze %dma_start3A_293 : memref<1x32x80xi32, #tpu.memory_space<hbm>> -> memref<32x80xi32, #tpu.memory_space<hbm>>
      tpu.enqueue_dma source(%dma_start3A_294 : memref<32x80xi32, #tpu.memory_space<hbm>>) target(%arg6 : memref<32x80xi32, #tpu.memory_space<vmem>>) target_semaphore(%run_scoped3A_276 : memref<!tpu.dma_semaphore, #tpu.memory_space<semaphore_mem>>)
      %dma_wait3A_295 = arith.constant 0 : i32
      %dma_wait3A_296 = arith.constant 0 : i32
      %dma_wait3A_297 = arith.constant 0 : i32
      %dma_wait3A_298 = tpu.memref_slice %arg3[%add3A, %dma_wait3A_295, %dma_wait3A_296, %dma_wait3A_297] : memref<32x4x32x80xi32, #tpu.memory_space<hbm>> -> memref<1x4x32x80xi32, #tpu.memory_space<hbm>>
      %dma_wait3A_299 = tpu.memref_squeeze %dma_wait3A_298 : memref<1x4x32x80xi32, #tpu.memory_space<hbm>> -> memref<4x32x80xi32, #tpu.memory_space<hbm>>
      %dma_wait3A_300 = arith.constant 0 : i32
      %dma_wait3A_301 = arith.constant 0 : i32
      %dma_wait3A_302 = tpu.memref_slice %dma_wait3A_299[%run_scoped3A, %dma_wait3A_300, %dma_wait3A_301] : memref<4x32x80xi32, #tpu.memory_space<hbm>> -> memref<1x32x80xi32, #tpu.memory_space<hbm>>
      %dma_wait3A_303 = tpu.memref_squeeze %dma_wait3A_302 : memref<1x32x80xi32, #tpu.memory_space<hbm>> -> memref<32x80xi32, #tpu.memory_space<hbm>>
      %dma_wait3A_304 = arith.constant 0 : i32
      %dma_wait3A_305 = arith.constant 0 : i32
      %dma_wait3A_306 = arith.constant 0 : i32
      %dma_wait3A_307 = tpu.memref_slice %arg3[%add3A, %dma_wait3A_304, %dma_wait3A_305, %dma_wait3A_306] : memref<32x4x32x80xi32, #tpu.memory_space<hbm>> -> memref<1x4x32x80xi32, #tpu.memory_space<hbm>>
      %dma_wait3A_308 = tpu.memref_squeeze %dma_wait3A_307 : memref<1x4x32x80xi32, #tpu.memory_space<hbm>> -> memref<4x32x80xi32, #tpu.memory_space<hbm>>
      %dma_wait3A_309 = arith.constant 0 : i32
      %dma_wait3A_310 = arith.constant 0 : i32
      %dma_wait3A_311 = tpu.memref_slice %dma_wait3A_308[%run_scoped3A, %dma_wait3A_309, %dma_wait3A_310] : memref<4x32x80xi32, #tpu.memory_space<hbm>> -> memref<1x32x80xi32, #tpu.memory_space<hbm>>
      %dma_wait3A_312 = tpu.memref_squeeze %dma_wait3A_311 : memref<1x32x80xi32, #tpu.memory_space<hbm>> -> memref<32x80xi32, #tpu.memory_space<hbm>>
      tpu.wait_dma2 semaphore(%run_scoped3A_276 : memref<!tpu.dma_semaphore, #tpu.memory_space<semaphore_mem>>) src(%dma_wait3A_312 : memref<32x80xi32, #tpu.memory_space<hbm>>) dst(%arg6 : memref<32x80xi32, #tpu.memory_space<vmem>>)
      tpu.yield
    }) : () -> ()
    %run_scoped3A_1 = arith.constant 0 : i32
    "tpu.region"() ({
      %run_scoped3A_276 = tpu.sem_alloc : memref<!tpu.dma_semaphore, #tpu.memory_space<semaphore_mem>>
      %dma_start3A_277 = arith.constant 0 : i32
      %dma_start3A_278 = arith.constant 0 : i32
      %dma_start3A_279 = arith.constant 0 : i32
      %dma_start3A_280 = tpu.memref_slice %arg4[%add3A, %dma_start3A_277, %dma_start3A_278, %dma_start3A_279] : memref<32x4x32x80xi32, #tpu.memory_space<hbm>> -> memref<1x4x32x80xi32, #tpu.memory_space<hbm>>
      %dma_start3A_281 = tpu.memref_squeeze %dma_start3A_280 : memref<1x4x32x80xi32, #tpu.memory_space<hbm>> -> memref<4x32x80xi32, #tpu.memory_space<hbm>>
      %dma_start3A_282 = arith.constant 0 : i32
      %dma_start3A_283 = arith.constant 0 : i32
      %dma_start3A_284 = tpu.memref_slice %dma_start3A_281[%run_scoped3A_1, %dma_start3A_282, %dma_start3A_283] : memref<4x32x80xi32, #tpu.memory_space<hbm>> -> memref<1x32x80xi32, #tpu.memory_space<hbm>>
      %dma_start3A_285 = tpu.memref_squeeze %dma_start3A_284 : memref<1x32x80xi32, #tpu.memory_space<hbm>> -> memref<32x80xi32, #tpu.memory_space<hbm>>
      %dma_start3A_286 = arith.constant 0 : i32
      %dma_start3A_287 = arith.constant 0 : i32
      %dma_start3A_288 = arith.constant 0 : i32
      %dma_start3A_289 = tpu.memref_slice %arg4[%add3A, %dma_start3A_286, %dma_start3A_287, %dma_start3A_288] : memref<32x4x32x80xi32, #tpu.memory_space<hbm>> -> memref<1x4x32x80xi32, #tpu.memory_space<hbm>>
      %dma_start3A_290 = tpu.memref_squeeze %dma_start3A_289 : memref<1x4x32x80xi32, #tpu.memory_space<hbm>> -> memref<4x32x80xi32, #tpu.memory_space<hbm>>
      %dma_start3A_291 = arith.constant 0 : i32
      %dma_start3A_292 = arith.constant 0 : i32
      %dma_start3A_293 = tpu.memref_slice %dma_start3A_290[%run_scoped3A_1, %dma_start3A_291, %dma_start3A_292] : memref<4x32x80xi32, #tpu.memory_space<hbm>> -> memref<1x32x80xi32, #tpu.memory_space<hbm>>
      %dma_start3A_294 = tpu.memref_squeeze %dma_start3A_293 : memref<1x32x80xi32, #tpu.memory_space<hbm>> -> memref<32x80xi32, #tpu.memory_space<hbm>>
      tpu.enqueue_dma source(%dma_start3A_294 : memref<32x80xi32, #tpu.memory_space<hbm>>) target(%arg7 : memref<32x80xi32, #tpu.memory_space<vmem>>) target_semaphore(%run_scoped3A_276 : memref<!tpu.dma_semaphore, #tpu.memory_space<semaphore_mem>>)
      %dma_wait3A_295 = arith.constant 0 : i32
      %dma_wait3A_296 = arith.constant 0 : i32
      %dma_wait3A_297 = arith.constant 0 : i32
      %dma_wait3A_298 = tpu.memref_slice %arg4[%add3A, %dma_wait3A_295, %dma_wait3A_296, %dma_wait3A_297] : memref<32x4x32x80xi32, #tpu.memory_space<hbm>> -> memref<1x4x32x80xi32, #tpu.memory_space<hbm>>
      %dma_wait3A_299 = tpu.memref_squeeze %dma_wait3A_298 : memref<1x4x32x80xi32, #tpu.memory_space<hbm>> -> memref<4x32x80xi32, #tpu.memory_space<hbm>>
      %dma_wait3A_300 = arith.constant 0 : i32
      %dma_wait3A_301 = arith.constant 0 : i32
      %dma_wait3A_302 = tpu.memref_slice %dma_wait3A_299[%run_scoped3A_1, %dma_wait3A_300, %dma_wait3A_301] : memref<4x32x80xi32, #tpu.memory_space<hbm>> -> memref<1x32x80xi32, #tpu.memory_space<hbm>>
      %dma_wait3A_303 = tpu.memref_squeeze %dma_wait3A_302 : memref<1x32x80xi32, #tpu.memory_space<hbm>> -> memref<32x80xi32, #tpu.memory_space<hbm>>
      %dma_wait3A_304 = arith.constant 0 : i32
      %dma_wait3A_305 = arith.constant 0 : i32
      %dma_wait3A_306 = arith.constant 0 : i32
      %dma_wait3A_307 = tpu.memref_slice %arg4[%add3A, %dma_wait3A_304, %dma_wait3A_305, %dma_wait3A_306] : memref<32x4x32x80xi32, #tpu.memory_space<hbm>> -> memref<1x4x32x80xi32, #tpu.memory_space<hbm>>
      %dma_wait3A_308 = tpu.memref_squeeze %dma_wait3A_307 : memref<1x4x32x80xi32, #tpu.memory_space<hbm>> -> memref<4x32x80xi32, #tpu.memory_space<hbm>>
      %dma_wait3A_309 = arith.constant 0 : i32
      %dma_wait3A_310 = arith.constant 0 : i32
      %dma_wait3A_311 = tpu.memref_slice %dma_wait3A_308[%run_scoped3A_1, %dma_wait3A_309, %dma_wait3A_310] : memref<4x32x80xi32, #tpu.memory_space<hbm>> -> memref<1x32x80xi32, #tpu.memory_space<hbm>>
      %dma_wait3A_312 = tpu.memref_squeeze %dma_wait3A_311 : memref<1x32x80xi32, #tpu.memory_space<hbm>> -> memref<32x80xi32, #tpu.memory_space<hbm>>
      tpu.wait_dma2 semaphore(%run_scoped3A_276 : memref<!tpu.dma_semaphore, #tpu.memory_space<semaphore_mem>>) src(%dma_wait3A_312 : memref<32x80xi32, #tpu.memory_space<hbm>>) dst(%arg7 : memref<32x80xi32, #tpu.memory_space<vmem>>)
      tpu.yield
    }) : () -> ()
    %dma_start3A = arith.constant 0 : i32
    %dma_start3A_2 = arith.constant 0 : i32
    %dma_start3A_3 = tpu.memref_slice %arg6[%dma_start3A, %dma_start3A_2] : memref<32x80xi32, #tpu.memory_space<vmem>> -> memref<1x80xi32, #tpu.memory_space<vmem>>
    %dma_start3A_4 = tpu.memref_squeeze %dma_start3A_3 : memref<1x80xi32, #tpu.memory_space<vmem>> -> memref<80xi32, #tpu.memory_space<vmem>>
    %dma_start3A_5 = arith.constant 0 : i32
    %dma_start3A_6 = arith.constant 0 : i32
    %dma_start3A_7 = tpu.memref_slice %arg2[%dma_start3A_5, %dma_start3A_6] : memref<10240x128xf32, #tpu.memory_space<hbm>> -> memref<10240x128xf32, #tpu.memory_space<hbm>>
    tpu.enqueue_indirect_dma source(%dma_start3A_7 : memref<10240x128xf32, #tpu.memory_space<hbm>>) target(%arg8 : memref<80x128xf32, #tpu.memory_space<vmem>>) offsets(%dma_start3A_4 : memref<80xi32, #tpu.memory_space<vmem>>) semaphore(%arg13 : memref<!tpu.dma_semaphore, #tpu.memory_space<semaphore_mem>>)
    %dma_start3A_8 = arith.constant 1 : i32
    %dma_start3A_9 = arith.constant 0 : i32
    %dma_start3A_10 = tpu.memref_slice %arg6[%dma_start3A_8, %dma_start3A_9] : memref<32x80xi32, #tpu.memory_space<vmem>> -> memref<1x80xi32, #tpu.memory_space<vmem>>
    %dma_start3A_11 = tpu.memref_squeeze %dma_start3A_10 : memref<1x80xi32, #tpu.memory_space<vmem>> -> memref<80xi32, #tpu.memory_space<vmem>>
    %dma_start3A_12 = arith.constant 0 : i32
    %dma_start3A_13 = arith.constant 0 : i32
    %dma_start3A_14 = tpu.memref_slice %arg2[%dma_start3A_12, %dma_start3A_13] : memref<10240x128xf32, #tpu.memory_space<hbm>> -> memref<10240x128xf32, #tpu.memory_space<hbm>>
    tpu.enqueue_indirect_dma source(%dma_start3A_14 : memref<10240x128xf32, #tpu.memory_space<hbm>>) target(%arg9 : memref<80x128xf32, #tpu.memory_space<vmem>>) offsets(%dma_start3A_11 : memref<80xi32, #tpu.memory_space<vmem>>) semaphore(%arg14 : memref<!tpu.dma_semaphore, #tpu.memory_space<semaphore_mem>>)
    %dma_start3A_15 = arith.constant 2 : i32
    %dma_start3A_16 = arith.constant 0 : i32
    %dma_start3A_17 = tpu.memref_slice %arg6[%dma_start3A_15, %dma_start3A_16] : memref<32x80xi32, #tpu.memory_space<vmem>> -> memref<1x80xi32, #tpu.memory_space<vmem>>
    %dma_start3A_18 = tpu.memref_squeeze %dma_start3A_17 : memref<1x80xi32, #tpu.memory_space<vmem>> -> memref<80xi32, #tpu.memory_space<vmem>>
    %dma_start3A_19 = arith.constant 0 : i32
    %dma_start3A_20 = arith.constant 0 : i32
    %dma_start3A_21 = tpu.memref_slice %arg2[%dma_start3A_19, %dma_start3A_20] : memref<10240x128xf32, #tpu.memory_space<hbm>> -> memref<10240x128xf32, #tpu.memory_space<hbm>>
    tpu.enqueue_indirect_dma source(%dma_start3A_21 : memref<10240x128xf32, #tpu.memory_space<hbm>>) target(%arg10 : memref<80x128xf32, #tpu.memory_space<vmem>>) offsets(%dma_start3A_18 : memref<80xi32, #tpu.memory_space<vmem>>) semaphore(%arg15 : memref<!tpu.dma_semaphore, #tpu.memory_space<semaphore_mem>>)
    %broadcast_in_dim3A = arith.constant 0.000000e+00 : f32
    %broadcast_in_dim3A_22 = vector.broadcast %broadcast_in_dim3A : f32 to vector<16xf32>
    %scan3A = arith.constant 0 : i32
    %scan3A_23 = arith.constant 80 : i32
    %scan3A_24 = arith.addi %scan3A, %scan3A_23 : i32
    %scan3A_25 = arith.constant 1 : i32
    scf.for %scan3A_276 = %scan3A to %scan3A_24 step %scan3A_25  : i32 {
      %mul3A_277 = arith.constant 1 : i32
      %mul3A_278 = arith.muli %scan3A_276, %mul3A_277 : i32
      %add3A_279 = arith.constant 0 : i32
      %add3A_280 = arith.addi %add3A_279, %mul3A_278 : i32
      %swap3A = arith.index_cast %add3A_280 : i32 to index
      %swap3A_281 = arith.constant 0 : index
      %swap3A_282 = tpu.vector_load %arg11[%swap3A, %swap3A_281] {strides = array<i32>} : memref<80x128xf32, #tpu.memory_space<vmem>>, vector<1x16xf32>,
      %swap3A_283 = vector.shape_cast %swap3A_282 : vector<1x16xf32> to vector<16xf32>
      %swap3A_284 = vector.shape_cast %broadcast_in_dim3A_22 : vector<16xf32> to vector<1x16xf32>
      tpu.vector_store %arg11[%swap3A, %swap3A_281], %swap3A_284 {strides = array<i32>} : memref<80x128xf32, #tpu.memory_space<vmem>>, vector<1x16xf32>,
      %swap3A_285 = arith.index_cast %add3A_280 : i32 to index
      %swap3A_286 = arith.constant 16 : index
      %swap3A_287 = tpu.vector_load %arg11[%swap3A_285, %swap3A_286] {strides = array<i32>} : memref<80x128xf32, #tpu.memory_space<vmem>>, vector<1x16xf32>,
      %swap3A_288 = vector.shape_cast %swap3A_287 : vector<1x16xf32> to vector<16xf32>
      %swap3A_289 = vector.shape_cast %broadcast_in_dim3A_22 : vector<16xf32> to vector<1x16xf32>
      tpu.vector_store %arg11[%swap3A_285, %swap3A_286], %swap3A_289 {strides = array<i32>} : memref<80x128xf32, #tpu.memory_space<vmem>>, vector<1x16xf32>,
      %swap3A_290 = arith.index_cast %add3A_280 : i32 to index
      %swap3A_291 = arith.constant 32 : index
      %swap3A_292 = tpu.vector_load %arg11[%swap3A_290, %swap3A_291] {strides = array<i32>} : memref<80x128xf32, #tpu.memory_space<vmem>>, vector<1x16xf32>,
      %swap3A_293 = vector.shape_cast %swap3A_292 : vector<1x16xf32> to vector<16xf32>
      %swap3A_294 = vector.shape_cast %broadcast_in_dim3A_22 : vector<16xf32> to vector<1x16xf32>
      tpu.vector_store %arg11[%swap3A_290, %swap3A_291], %swap3A_294 {strides = array<i32>} : memref<80x128xf32, #tpu.memory_space<vmem>>, vector<1x16xf32>,
      %swap3A_295 = arith.index_cast %add3A_280 : i32 to index
      %swap3A_296 = arith.constant 48 : index
      %swap3A_297 = tpu.vector_load %arg11[%swap3A_295, %swap3A_296] {strides = array<i32>} : memref<80x128xf32, #tpu.memory_space<vmem>>, vector<1x16xf32>,
      %swap3A_298 = vector.shape_cast %swap3A_297 : vector<1x16xf32> to vector<16xf32>
      %swap3A_299 = vector.shape_cast %broadcast_in_dim3A_22 : vector<16xf32> to vector<1x16xf32>
      tpu.vector_store %arg11[%swap3A_295, %swap3A_296], %swap3A_299 {strides = array<i32>} : memref<80x128xf32, #tpu.memory_space<vmem>>, vector<1x16xf32>,
      %swap3A_300 = arith.index_cast %add3A_280 : i32 to index
      %swap3A_301 = arith.constant 64 : index
      %swap3A_302 = tpu.vector_load %arg11[%swap3A_300, %swap3A_301] {strides = array<i32>} : memref<80x128xf32, #tpu.memory_space<vmem>>, vector<1x16xf32>,
      %swap3A_303 = vector.shape_cast %swap3A_302 : vector<1x16xf32> to vector<16xf32>
      %swap3A_304 = vector.shape_cast %broadcast_in_dim3A_22 : vector<16xf32> to vector<1x16xf32>
      tpu.vector_store %arg11[%swap3A_300, %swap3A_301], %swap3A_304 {strides = array<i32>} : memref<80x128xf32, #tpu.memory_space<vmem>>, vector<1x16xf32>,
      %swap3A_305 = arith.index_cast %add3A_280 : i32 to index
      %swap3A_306 = arith.constant 80 : index
      %swap3A_307 = tpu.vector_load %arg11[%swap3A_305, %swap3A_306] {strides = array<i32>} : memref<80x128xf32, #tpu.memory_space<vmem>>, vector<1x16xf32>,
      %swap3A_308 = vector.shape_cast %swap3A_307 : vector<1x16xf32> to vector<16xf32>
      %swap3A_309 = vector.shape_cast %broadcast_in_dim3A_22 : vector<16xf32> to vector<1x16xf32>
      tpu.vector_store %arg11[%swap3A_305, %swap3A_306], %swap3A_309 {strides = array<i32>} : memref<80x128xf32, #tpu.memory_space<vmem>>, vector<1x16xf32>,
      %swap3A_310 = arith.index_cast %add3A_280 : i32 to index
      %swap3A_311 = arith.constant 96 : index
      %swap3A_312 = tpu.vector_load %arg11[%swap3A_310, %swap3A_311] {strides = array<i32>} : memref<80x128xf32, #tpu.memory_space<vmem>>, vector<1x16xf32>,
      %swap3A_313 = vector.shape_cast %swap3A_312 : vector<1x16xf32> to vector<16xf32>
      %swap3A_314 = vector.shape_cast %broadcast_in_dim3A_22 : vector<16xf32> to vector<1x16xf32>
      tpu.vector_store %arg11[%swap3A_310, %swap3A_311], %swap3A_314 {strides = array<i32>} : memref<80x128xf32, #tpu.memory_space<vmem>>, vector<1x16xf32>,
      %swap3A_315 = arith.index_cast %add3A_280 : i32 to index
      %swap3A_316 = arith.constant 112 : index
      %swap3A_317 = tpu.vector_load %arg11[%swap3A_315, %swap3A_316] {strides = array<i32>} : memref<80x128xf32, #tpu.memory_space<vmem>>, vector<1x16xf32>,
      %swap3A_318 = vector.shape_cast %swap3A_317 : vector<1x16xf32> to vector<16xf32>
      %swap3A_319 = vector.shape_cast %broadcast_in_dim3A_22 : vector<16xf32> to vector<1x16xf32>
      tpu.vector_store %arg11[%swap3A_315, %swap3A_316], %swap3A_319 {strides = array<i32>} : memref<80x128xf32, #tpu.memory_space<vmem>>, vector<1x16xf32>,
    }
    %scan3A_26 = arith.constant 80 : i32
    %mul3A_27 = arith.constant 640 : i32
    %mul3A_28 = arith.muli %arg1, %mul3A_27 : i32
    %add3A_29 = arith.constant 0 : i32
    %add3A_30 = arith.addi %mul3A_28, %add3A_29 : i32
    %dma_start3A_31 = arith.constant 0 : i32
    %dma_start3A_32 = tpu.memref_slice %arg12[%add3A_30, %dma_start3A_31] : memref<10240x128xf32, #tpu.memory_space<vmem_shared>> -> memref<80x128xf32, #tpu.memory_space<vmem_shared>>
    %dma_start3A_33 = arith.constant 0 : i32
    %dma_start3A_34 = tpu.memref_slice %arg12[%add3A_30, %dma_start3A_33] : memref<10240x128xf32, #tpu.memory_space<vmem_shared>> -> memref<80x128xf32, #tpu.memory_space<vmem_shared>>
    tpu.enqueue_dma source(%arg11 : memref<80x128xf32, #tpu.memory_space<vmem>>) target(%dma_start3A_34 : memref<80x128xf32, #tpu.memory_space<vmem_shared>>) target_semaphore(%arg17 : memref<!tpu.dma_semaphore, #tpu.memory_space<semaphore_mem>>)
    %mul3A_35 = arith.constant 640 : i32
    %mul3A_36 = arith.muli %arg1, %mul3A_35 : i32
    %add3A_37 = arith.constant 80 : i32
    %add3A_38 = arith.addi %mul3A_36, %add3A_37 : i32
    %dma_start3A_39 = arith.constant 0 : i32
    %dma_start3A_40 = tpu.memref_slice %arg12[%add3A_38, %dma_start3A_39] : memref<10240x128xf32, #tpu.memory_space<vmem_shared>> -> memref<80x128xf32, #tpu.memory_space<vmem_shared>>
    %dma_start3A_41 = arith.constant 0 : i32
    %dma_start3A_42 = tpu.memref_slice %arg12[%add3A_38, %dma_start3A_41] : memref<10240x128xf32, #tpu.memory_space<vmem_shared>> -> memref<80x128xf32, #tpu.memory_space<vmem_shared>>
    tpu.enqueue_dma source(%arg11 : memref<80x128xf32, #tpu.memory_space<vmem>>) target(%dma_start3A_42 : memref<80x128xf32, #tpu.memory_space<vmem_shared>>) target_semaphore(%arg17 : memref<!tpu.dma_semaphore, #tpu.memory_space<semaphore_mem>>)
    %mul3A_43 = arith.constant 640 : i32
    %mul3A_44 = arith.muli %arg1, %mul3A_43 : i32
    %add3A_45 = arith.constant 160 : i32
    %add3A_46 = arith.addi %mul3A_44, %add3A_45 : i32
    %dma_start3A_47 = arith.constant 0 : i32
    %dma_start3A_48 = tpu.memref_slice %arg12[%add3A_46, %dma_start3A_47] : memref<10240x128xf32, #tpu.memory_space<vmem_shared>> -> memref<80x128xf32, #tpu.memory_space<vmem_shared>>
    %dma_start3A_49 = arith.constant 0 : i32
    %dma_start3A_50 = tpu.memref_slice %arg12[%add3A_46, %dma_start3A_49] : memref<10240x128xf32, #tpu.memory_space<vmem_shared>> -> memref<80x128xf32, #tpu.memory_space<vmem_shared>>
    tpu.enqueue_dma source(%arg11 : memref<80x128xf32, #tpu.memory_space<vmem>>) target(%dma_start3A_50 : memref<80x128xf32, #tpu.memory_space<vmem_shared>>) target_semaphore(%arg17 : memref<!tpu.dma_semaphore, #tpu.memory_space<semaphore_mem>>)
    %mul3A_51 = arith.constant 640 : i32
    %mul3A_52 = arith.muli %arg1, %mul3A_51 : i32
    %add3A_53 = arith.constant 240 : i32
    %add3A_54 = arith.addi %mul3A_52, %add3A_53 : i32
    %dma_start3A_55 = arith.constant 0 : i32
    %dma_start3A_56 = tpu.memref_slice %arg12[%add3A_54, %dma_start3A_55] : memref<10240x128xf32, #tpu.memory_space<vmem_shared>> -> memref<80x128xf32, #tpu.memory_space<vmem_shared>>
    %dma_start3A_57 = arith.constant 0 : i32
    %dma_start3A_58 = tpu.memref_slice %arg12[%add3A_54, %dma_start3A_57] : memref<10240x128xf32, #tpu.memory_space<vmem_shared>> -> memref<80x128xf32, #tpu.memory_space<vmem_shared>>
    tpu.enqueue_dma source(%arg11 : memref<80x128xf32, #tpu.memory_space<vmem>>) target(%dma_start3A_58 : memref<80x128xf32, #tpu.memory_space<vmem_shared>>) target_semaphore(%arg17 : memref<!tpu.dma_semaphore, #tpu.memory_space<semaphore_mem>>)
    %mul3A_59 = arith.constant 640 : i32
    %mul3A_60 = arith.muli %arg1, %mul3A_59 : i32
    %add3A_61 = arith.constant 320 : i32
    %add3A_62 = arith.addi %mul3A_60, %add3A_61 : i32
    %dma_start3A_63 = arith.constant 0 : i32
    %dma_start3A_64 = tpu.memref_slice %arg12[%add3A_62, %dma_start3A_63] : memref<10240x128xf32, #tpu.memory_space<vmem_shared>> -> memref<80x128xf32, #tpu.memory_space<vmem_shared>>
    %dma_start3A_65 = arith.constant 0 : i32
    %dma_start3A_66 = tpu.memref_slice %arg12[%add3A_62, %dma_start3A_65] : memref<10240x128xf32, #tpu.memory_space<vmem_shared>> -> memref<80x128xf32, #tpu.memory_space<vmem_shared>>
    tpu.enqueue_dma source(%arg11 : memref<80x128xf32, #tpu.memory_space<vmem>>) target(%dma_start3A_66 : memref<80x128xf32, #tpu.memory_space<vmem_shared>>) target_semaphore(%arg17 : memref<!tpu.dma_semaphore, #tpu.memory_space<semaphore_mem>>)
    %mul3A_67 = arith.constant 640 : i32
    %mul3A_68 = arith.muli %arg1, %mul3A_67 : i32
    %add3A_69 = arith.constant 400 : i32
    %add3A_70 = arith.addi %mul3A_68, %add3A_69 : i32
    %dma_start3A_71 = arith.constant 0 : i32
    %dma_start3A_72 = tpu.memref_slice %arg12[%add3A_70, %dma_start3A_71] : memref<10240x128xf32, #tpu.memory_space<vmem_shared>> -> memref<80x128xf32, #tpu.memory_space<vmem_shared>>
    %dma_start3A_73 = arith.constant 0 : i32
    %dma_start3A_74 = tpu.memref_slice %arg12[%add3A_70, %dma_start3A_73] : memref<10240x128xf32, #tpu.memory_space<vmem_shared>> -> memref<80x128xf32, #tpu.memory_space<vmem_shared>>
    tpu.enqueue_dma source(%arg11 : memref<80x128xf32, #tpu.memory_space<vmem>>) target(%dma_start3A_74 : memref<80x128xf32, #tpu.memory_space<vmem_shared>>) target_semaphore(%arg17 : memref<!tpu.dma_semaphore, #tpu.memory_space<semaphore_mem>>)
    %mul3A_75 = arith.constant 640 : i32
    %mul3A_76 = arith.muli %arg1, %mul3A_75 : i32
    %add3A_77 = arith.constant 480 : i32
    %add3A_78 = arith.addi %mul3A_76, %add3A_77 : i32
    %dma_start3A_79 = arith.constant 0 : i32
    %dma_start3A_80 = tpu.memref_slice %arg12[%add3A_78, %dma_start3A_79] : memref<10240x128xf32, #tpu.memory_space<vmem_shared>> -> memref<80x128xf32, #tpu.memory_space<vmem_shared>>
    %dma_start3A_81 = arith.constant 0 : i32
    %dma_start3A_82 = tpu.memref_slice %arg12[%add3A_78, %dma_start3A_81] : memref<10240x128xf32, #tpu.memory_space<vmem_shared>> -> memref<80x128xf32, #tpu.memory_space<vmem_shared>>
    tpu.enqueue_dma source(%arg11 : memref<80x128xf32, #tpu.memory_space<vmem>>) target(%dma_start3A_82 : memref<80x128xf32, #tpu.memory_space<vmem_shared>>) target_semaphore(%arg17 : memref<!tpu.dma_semaphore, #tpu.memory_space<semaphore_mem>>)
    %mul3A_83 = arith.constant 640 : i32
    %mul3A_84 = arith.muli %arg1, %mul3A_83 : i32
    %add3A_85 = arith.constant 560 : i32
    %add3A_86 = arith.addi %mul3A_84, %add3A_85 : i32
    %dma_start3A_87 = arith.constant 0 : i32
    %dma_start3A_88 = tpu.memref_slice %arg12[%add3A_86, %dma_start3A_87] : memref<10240x128xf32, #tpu.memory_space<vmem_shared>> -> memref<80x128xf32, #tpu.memory_space<vmem_shared>>
    %dma_start3A_89 = arith.constant 0 : i32
    %dma_start3A_90 = tpu.memref_slice %arg12[%add3A_86, %dma_start3A_89] : memref<10240x128xf32, #tpu.memory_space<vmem_shared>> -> memref<80x128xf32, #tpu.memory_space<vmem_shared>>
    tpu.enqueue_dma source(%arg11 : memref<80x128xf32, #tpu.memory_space<vmem>>) target(%dma_start3A_90 : memref<80x128xf32, #tpu.memory_space<vmem_shared>>) target_semaphore(%arg17 : memref<!tpu.dma_semaphore, #tpu.memory_space<semaphore_mem>>)
    %mul3A_91 = arith.constant 640 : i32
    %mul3A_92 = arith.muli %arg1, %mul3A_91 : i32
    %add3A_93 = arith.constant 0 : i32
    %add3A_94 = arith.addi %mul3A_92, %add3A_93 : i32
    %dma_wait3A = arith.constant 0 : i32
    %dma_wait3A_95 = tpu.memref_slice %arg12[%add3A_94, %dma_wait3A] : memref<10240x128xf32, #tpu.memory_space<vmem_shared>> -> memref<80x128xf32, #tpu.memory_space<vmem_shared>>
    %dma_wait3A_96 = arith.constant 0 : i32
    %dma_wait3A_97 = tpu.memref_slice %arg12[%add3A_94, %dma_wait3A_96] : memref<10240x128xf32, #tpu.memory_space<vmem_shared>> -> memref<80x128xf32, #tpu.memory_space<vmem_shared>>
    tpu.wait_dma2 semaphore(%arg17 : memref<!tpu.dma_semaphore, #tpu.memory_space<semaphore_mem>>) src(%arg11 : memref<80x128xf32, #tpu.memory_space<vmem>>) dst(%dma_wait3A_97 : memref<80x128xf32, #tpu.memory_space<vmem_shared>>)
    %mul3A_98 = arith.constant 640 : i32
    %mul3A_99 = arith.muli %arg1, %mul3A_98 : i32
    %add3A_100 = arith.constant 80 : i32
    %add3A_101 = arith.addi %mul3A_99, %add3A_100 : i32
    %dma_wait3A_102 = arith.constant 0 : i32
    %dma_wait3A_103 = tpu.memref_slice %arg12[%add3A_101, %dma_wait3A_102] : memref<10240x128xf32, #tpu.memory_space<vmem_shared>> -> memref<80x128xf32, #tpu.memory_space<vmem_shared>>
    %dma_wait3A_104 = arith.constant 0 : i32
    %dma_wait3A_105 = tpu.memref_slice %arg12[%add3A_101, %dma_wait3A_104] : memref<10240x128xf32, #tpu.memory_space<vmem_shared>> -> memref<80x128xf32, #tpu.memory_space<vmem_shared>>
    tpu.wait_dma2 semaphore(%arg17 : memref<!tpu.dma_semaphore, #tpu.memory_space<semaphore_mem>>) src(%arg11 : memref<80x128xf32, #tpu.memory_space<vmem>>) dst(%dma_wait3A_105 : memref<80x128xf32, #tpu.memory_space<vmem_shared>>)
    %mul3A_106 = arith.constant 640 : i32
    %mul3A_107 = arith.muli %arg1, %mul3A_106 : i32
    %add3A_108 = arith.constant 160 : i32
    %add3A_109 = arith.addi %mul3A_107, %add3A_108 : i32
    %dma_wait3A_110 = arith.constant 0 : i32
    %dma_wait3A_111 = tpu.memref_slice %arg12[%add3A_109, %dma_wait3A_110] : memref<10240x128xf32, #tpu.memory_space<vmem_shared>> -> memref<80x128xf32, #tpu.memory_space<vmem_shared>>
    %dma_wait3A_112 = arith.constant 0 : i32
    %dma_wait3A_113 = tpu.memref_slice %arg12[%add3A_109, %dma_wait3A_112] : memref<10240x128xf32, #tpu.memory_space<vmem_shared>> -> memref<80x128xf32, #tpu.memory_space<vmem_shared>>
    tpu.wait_dma2 semaphore(%arg17 : memref<!tpu.dma_semaphore, #tpu.memory_space<semaphore_mem>>) src(%arg11 : memref<80x128xf32, #tpu.memory_space<vmem>>) dst(%dma_wait3A_113 : memref<80x128xf32, #tpu.memory_space<vmem_shared>>)
    %mul3A_114 = arith.constant 640 : i32
    %mul3A_115 = arith.muli %arg1, %mul3A_114 : i32
    %add3A_116 = arith.constant 240 : i32
    %add3A_117 = arith.addi %mul3A_115, %add3A_116 : i32
    %dma_wait3A_118 = arith.constant 0 : i32
    %dma_wait3A_119 = tpu.memref_slice %arg12[%add3A_117, %dma_wait3A_118] : memref<10240x128xf32, #tpu.memory_space<vmem_shared>> -> memref<80x128xf32, #tpu.memory_space<vmem_shared>>
    %dma_wait3A_120 = arith.constant 0 : i32
    %dma_wait3A_121 = tpu.memref_slice %arg12[%add3A_117, %dma_wait3A_120] : memref<10240x128xf32, #tpu.memory_space<vmem_shared>> -> memref<80x128xf32, #tpu.memory_space<vmem_shared>>
    tpu.wait_dma2 semaphore(%arg17 : memref<!tpu.dma_semaphore, #tpu.memory_space<semaphore_mem>>) src(%arg11 : memref<80x128xf32, #tpu.memory_space<vmem>>) dst(%dma_wait3A_121 : memref<80x128xf32, #tpu.memory_space<vmem_shared>>)
    %mul3A_122 = arith.constant 640 : i32
    %mul3A_123 = arith.muli %arg1, %mul3A_122 : i32
    %add3A_124 = arith.constant 320 : i32
    %add3A_125 = arith.addi %mul3A_123, %add3A_124 : i32
    %dma_wait3A_126 = arith.constant 0 : i32
    %dma_wait3A_127 = tpu.memref_slice %arg12[%add3A_125, %dma_wait3A_126] : memref<10240x128xf32, #tpu.memory_space<vmem_shared>> -> memref<80x128xf32, #tpu.memory_space<vmem_shared>>
    %dma_wait3A_128 = arith.constant 0 : i32
    %dma_wait3A_129 = tpu.memref_slice %arg12[%add3A_125, %dma_wait3A_128] : memref<10240x128xf32, #tpu.memory_space<vmem_shared>> -> memref<80x128xf32, #tpu.memory_space<vmem_shared>>
    tpu.wait_dma2 semaphore(%arg17 : memref<!tpu.dma_semaphore, #tpu.memory_space<semaphore_mem>>) src(%arg11 : memref<80x128xf32, #tpu.memory_space<vmem>>) dst(%dma_wait3A_129 : memref<80x128xf32, #tpu.memory_space<vmem_shared>>)
    %mul3A_130 = arith.constant 640 : i32
    %mul3A_131 = arith.muli %arg1, %mul3A_130 : i32
    %add3A_132 = arith.constant 400 : i32
    %add3A_133 = arith.addi %mul3A_131, %add3A_132 : i32
    %dma_wait3A_134 = arith.constant 0 : i32
    %dma_wait3A_135 = tpu.memref_slice %arg12[%add3A_133, %dma_wait3A_134] : memref<10240x128xf32, #tpu.memory_space<vmem_shared>> -> memref<80x128xf32, #tpu.memory_space<vmem_shared>>
    %dma_wait3A_136 = arith.constant 0 : i32
    %dma_wait3A_137 = tpu.memref_slice %arg12[%add3A_133, %dma_wait3A_136] : memref<10240x128xf32, #tpu.memory_space<vmem_shared>> -> memref<80x128xf32, #tpu.memory_space<vmem_shared>>
    tpu.wait_dma2 semaphore(%arg17 : memref<!tpu.dma_semaphore, #tpu.memory_space<semaphore_mem>>) src(%arg11 : memref<80x128xf32, #tpu.memory_space<vmem>>) dst(%dma_wait3A_137 : memref<80x128xf32, #tpu.memory_space<vmem_shared>>)
    %mul3A_138 = arith.constant 640 : i32
    %mul3A_139 = arith.muli %arg1, %mul3A_138 : i32
    %add3A_140 = arith.constant 480 : i32
    %add3A_141 = arith.addi %mul3A_139, %add3A_140 : i32
    %dma_wait3A_142 = arith.constant 0 : i32
    %dma_wait3A_143 = tpu.memref_slice %arg12[%add3A_141, %dma_wait3A_142] : memref<10240x128xf32, #tpu.memory_space<vmem_shared>> -> memref<80x128xf32, #tpu.memory_space<vmem_shared>>
    %dma_wait3A_144 = arith.constant 0 : i32
    %dma_wait3A_145 = tpu.memref_slice %arg12[%add3A_141, %dma_wait3A_144] : memref<10240x128xf32, #tpu.memory_space<vmem_shared>> -> memref<80x128xf32, #tpu.memory_space<vmem_shared>>
    tpu.wait_dma2 semaphore(%arg17 : memref<!tpu.dma_semaphore, #tpu.memory_space<semaphore_mem>>) src(%arg11 : memref<80x128xf32, #tpu.memory_space<vmem>>) dst(%dma_wait3A_145 : memref<80x128xf32, #tpu.memory_space<vmem_shared>>)
    %mul3A_146 = arith.constant 640 : i32
    %mul3A_147 = arith.muli %arg1, %mul3A_146 : i32
    %add3A_148 = arith.constant 560 : i32
    %add3A_149 = arith.addi %mul3A_147, %add3A_148 : i32
    %dma_wait3A_150 = arith.constant 0 : i32
    %dma_wait3A_151 = tpu.memref_slice %arg12[%add3A_149, %dma_wait3A_150] : memref<10240x128xf32, #tpu.memory_space<vmem_shared>> -> memref<80x128xf32, #tpu.memory_space<vmem_shared>>
    %dma_wait3A_152 = arith.constant 0 : i32
    %dma_wait3A_153 = tpu.memref_slice %arg12[%add3A_149, %dma_wait3A_152] : memref<10240x128xf32, #tpu.memory_space<vmem_shared>> -> memref<80x128xf32, #tpu.memory_space<vmem_shared>>
    tpu.wait_dma2 semaphore(%arg17 : memref<!tpu.dma_semaphore, #tpu.memory_space<semaphore_mem>>) src(%arg11 : memref<80x128xf32, #tpu.memory_space<vmem>>) dst(%dma_wait3A_153 : memref<80x128xf32, #tpu.memory_space<vmem_shared>>)
    %barrier3A = arith.constant 0 : index
    tpu.barrier barrier_id(%barrier3A)
    %dma_start3A_154 = arith.constant 3 : i32
    %dma_start3A_155 = arith.constant 0 : i32
    %dma_start3A_156 = tpu.memref_slice %arg6[%dma_start3A_154, %dma_start3A_155] : memref<32x80xi32, #tpu.memory_space<vmem>> -> memref<1x80xi32, #tpu.memory_space<vmem>>
    %dma_start3A_157 = tpu.memref_squeeze %dma_start3A_156 : memref<1x80xi32, #tpu.memory_space<vmem>> -> memref<80xi32, #tpu.memory_space<vmem>>
    %dma_start3A_158 = arith.constant 0 : i32
    %dma_start3A_159 = arith.constant 0 : i32
    %dma_start3A_160 = tpu.memref_slice %arg2[%dma_start3A_158, %dma_start3A_159] : memref<10240x128xf32, #tpu.memory_space<hbm>> -> memref<10240x128xf32, #tpu.memory_space<hbm>>
    tpu.enqueue_indirect_dma source(%dma_start3A_160 : memref<10240x128xf32, #tpu.memory_space<hbm>>) target(%arg11 : memref<80x128xf32, #tpu.memory_space<vmem>>) offsets(%dma_start3A_157 : memref<80xi32, #tpu.memory_space<vmem>>) semaphore(%arg16 : memref<!tpu.dma_semaphore, #tpu.memory_space<semaphore_mem>>)
    %scan3A_161 = arith.constant 0 : i32
    %scan3A_162 = arith.constant 8 : i32
    %scan3A_163 = arith.addi %scan3A_161, %scan3A_162 : i32
    %scan3A_164 = arith.constant 1 : i32
    scf.for %scan3A_276 = %scan3A_161 to %scan3A_163 step %scan3A_164  : i32 {
      %mul3A_277 = arith.constant 4 : i32
      %mul3A_278 = arith.muli %scan3A_276, %mul3A_277 : i32
      %add3A_279 = arith.constant 0 : i32
      %add3A_280 = arith.addi %add3A_279, %mul3A_278 : i32
      %add3A_281 = arith.constant 0 : i32
      %add3A_282 = arith.addi %add3A_280, %add3A_281 : i32
      %dma_wait3A_283 = arith.constant 0 : i32
      %dma_wait3A_284 = tpu.memref_slice %arg6[%add3A_282, %dma_wait3A_283] : memref<32x80xi32, #tpu.memory_space<vmem>> -> memref<1x80xi32, #tpu.memory_space<vmem>>
      %dma_wait3A_285 = tpu.memref_squeeze %dma_wait3A_284 : memref<1x80xi32, #tpu.memory_space<vmem>> -> memref<80xi32, #tpu.memory_space<vmem>>
      %dma_wait3A_286 = arith.constant 0 : i32
      %dma_wait3A_287 = arith.constant 0 : i32
      %dma_wait3A_288 = tpu.memref_slice %arg2[%dma_wait3A_286, %dma_wait3A_287] : memref<10240x128xf32, #tpu.memory_space<hbm>> -> memref<10240x128xf32, #tpu.memory_space<hbm>>
      tpu.wait_indirect_dma semaphore(%arg13 : memref<!tpu.dma_semaphore, #tpu.memory_space<semaphore_mem>>) src(%dma_wait3A_288 : memref<10240x128xf32, #tpu.memory_space<hbm>>) dst(%arg8 : memref<80x128xf32, #tpu.memory_space<vmem>>)
      %add3A_289 = arith.constant 0 : i32
      %add3A_290 = arith.addi %add3A_280, %add3A_289 : i32
      "tpu.region"() ({
        %run_scoped3A_354 = tpu.sem_alloc : memref<!tpu.dma_semaphore, #tpu.memory_space<semaphore_mem>>
        %dma_start3A_355 = arith.constant 0 : i32
        %dma_start3A_356 = tpu.memref_slice %arg7[%add3A_290, %dma_start3A_355] : memref<32x80xi32, #tpu.memory_space<vmem>> -> memref<1x80xi32, #tpu.memory_space<vmem>>
        %dma_start3A_357 = tpu.memref_squeeze %dma_start3A_356 : memref<1x80xi32, #tpu.memory_space<vmem>> -> memref<80xi32, #tpu.memory_space<vmem>>
        %dma_start3A_358 = arith.constant 0 : i32
        %dma_start3A_359 = arith.constant 0 : i32
        %dma_start3A_360 = tpu.memref_slice %arg12[%dma_start3A_358, %dma_start3A_359] : memref<10240x128xf32, #tpu.memory_space<vmem_shared>> -> memref<10240x128xf32, #tpu.memory_space<vmem_shared>>
        tpu.enqueue_indirect_dma source(%arg8 : memref<80x128xf32, #tpu.memory_space<vmem>>) target(%dma_start3A_360 : memref<10240x128xf32, #tpu.memory_space<vmem_shared>>) offsets(%dma_start3A_357 : memref<80xi32, #tpu.memory_space<vmem>>) semaphore(%run_scoped3A_354 : memref<!tpu.dma_semaphore, #tpu.memory_space<semaphore_mem>>) {add = true}
        %dma_wait3A_361 = arith.constant 0 : i32
        %dma_wait3A_362 = tpu.memref_slice %arg7[%add3A_290, %dma_wait3A_361] : memref<32x80xi32, #tpu.memory_space<vmem>> -> memref<1x80xi32, #tpu.memory_space<vmem>>
        %dma_wait3A_363 = tpu.memref_squeeze %dma_wait3A_362 : memref<1x80xi32, #tpu.memory_space<vmem>> -> memref<80xi32, #tpu.memory_space<vmem>>
        %dma_wait3A_364 = arith.constant 0 : i32
        %dma_wait3A_365 = arith.constant 0 : i32
        %dma_wait3A_366 = tpu.memref_slice %arg12[%dma_wait3A_364, %dma_wait3A_365] : memref<10240x128xf32, #tpu.memory_space<vmem_shared>> -> memref<10240x128xf32, #tpu.memory_space<vmem_shared>>
        tpu.wait_indirect_dma semaphore(%run_scoped3A_354 : memref<!tpu.dma_semaphore, #tpu.memory_space<semaphore_mem>>) src(%arg8 : memref<80x128xf32, #tpu.memory_space<vmem>>) dst(%dma_wait3A_366 : memref<10240x128xf32, #tpu.memory_space<vmem_shared>>)
        tpu.yield
      }) : () -> ()
      %add3A_291 = arith.constant 0 : i32
      %add3A_292 = arith.addi %add3A_280, %add3A_291 : i32
      %add3A_293 = arith.constant 4 : i32
      %add3A_294 = arith.addi %add3A_292, %add3A_293 : i32
      %lt3A = arith.constant 32 : i32
      %lt3A_295 = arith.cmpi slt, %add3A_294, %lt3A : i32
      %convert_element_type3A = arith.extui %lt3A_295 : i1 to i32
      %cond3A = arith.constant 0 : i32
      %cond3A_296 = arith.cmpi ne, %convert_element_type3A, %cond3A : i32
      scf.if %cond3A_296 {
        %add3A_354 = arith.constant 0 : i32
        %add3A_355 = arith.addi %add3A_280, %add3A_354 : i32
        %add3A_356 = arith.constant 4 : i32
        %add3A_357 = arith.addi %add3A_355, %add3A_356 : i32
        %dma_start3A_358 = arith.constant 0 : i32
        %dma_start3A_359 = tpu.memref_slice %arg6[%add3A_357, %dma_start3A_358] : memref<32x80xi32, #tpu.memory_space<vmem>> -> memref<1x80xi32, #tpu.memory_space<vmem>>
        %dma_start3A_360 = tpu.memref_squeeze %dma_start3A_359 : memref<1x80xi32, #tpu.memory_space<vmem>> -> memref<80xi32, #tpu.memory_space<vmem>>
        %dma_start3A_361 = arith.constant 0 : i32
        %dma_start3A_362 = arith.constant 0 : i32
        %dma_start3A_363 = tpu.memref_slice %arg2[%dma_start3A_361, %dma_start3A_362] : memref<10240x128xf32, #tpu.memory_space<hbm>> -> memref<10240x128xf32, #tpu.memory_space<hbm>>
        tpu.enqueue_indirect_dma source(%dma_start3A_363 : memref<10240x128xf32, #tpu.memory_space<hbm>>) target(%arg8 : memref<80x128xf32, #tpu.memory_space<vmem>>) offsets(%dma_start3A_360 : memref<80xi32, #tpu.memory_space<vmem>>) semaphore(%arg13 : memref<!tpu.dma_semaphore, #tpu.memory_space<semaphore_mem>>)
      } else {
      }
      %add3A_297 = arith.constant 1 : i32
      %add3A_298 = arith.addi %add3A_280, %add3A_297 : i32
      %dma_wait3A_299 = arith.constant 0 : i32
      %dma_wait3A_300 = tpu.memref_slice %arg6[%add3A_298, %dma_wait3A_299] : memref<32x80xi32, #tpu.memory_space<vmem>> -> memref<1x80xi32, #tpu.memory_space<vmem>>
      %dma_wait3A_301 = tpu.memref_squeeze %dma_wait3A_300 : memref<1x80xi32, #tpu.memory_space<vmem>> -> memref<80xi32, #tpu.memory_space<vmem>>
      %dma_wait3A_302 = arith.constant 0 : i32
      %dma_wait3A_303 = arith.constant 0 : i32
      %dma_wait3A_304 = tpu.memref_slice %arg2[%dma_wait3A_302, %dma_wait3A_303] : memref<10240x128xf32, #tpu.memory_space<hbm>> -> memref<10240x128xf32, #tpu.memory_space<hbm>>
      tpu.wait_indirect_dma semaphore(%arg14 : memref<!tpu.dma_semaphore, #tpu.memory_space<semaphore_mem>>) src(%dma_wait3A_304 : memref<10240x128xf32, #tpu.memory_space<hbm>>) dst(%arg9 : memref<80x128xf32, #tpu.memory_space<vmem>>)
      %add3A_305 = arith.constant 1 : i32
      %add3A_306 = arith.addi %add3A_280, %add3A_305 : i32
      "tpu.region"() ({
        %run_scoped3A_354 = tpu.sem_alloc : memref<!tpu.dma_semaphore, #tpu.memory_space<semaphore_mem>>
        %dma_start3A_355 = arith.constant 0 : i32
        %dma_start3A_356 = tpu.memref_slice %arg7[%add3A_306, %dma_start3A_355] : memref<32x80xi32, #tpu.memory_space<vmem>> -> memref<1x80xi32, #tpu.memory_space<vmem>>
        %dma_start3A_357 = tpu.memref_squeeze %dma_start3A_356 : memref<1x80xi32, #tpu.memory_space<vmem>> -> memref<80xi32, #tpu.memory_space<vmem>>
        %dma_start3A_358 = arith.constant 0 : i32
        %dma_start3A_359 = arith.constant 0 : i32
        %dma_start3A_360 = tpu.memref_slice %arg12[%dma_start3A_358, %dma_start3A_359] : memref<10240x128xf32, #tpu.memory_space<vmem_shared>> -> memref<10240x128xf32, #tpu.memory_space<vmem_shared>>
        tpu.enqueue_indirect_dma source(%arg9 : memref<80x128xf32, #tpu.memory_space<vmem>>) target(%dma_start3A_360 : memref<10240x128xf32, #tpu.memory_space<vmem_shared>>) offsets(%dma_start3A_357 : memref<80xi32, #tpu.memory_space<vmem>>) semaphore(%run_scoped3A_354 : memref<!tpu.dma_semaphore, #tpu.memory_space<semaphore_mem>>) {add = true}
        %dma_wait3A_361 = arith.constant 0 : i32
        %dma_wait3A_362 = tpu.memref_slice %arg7[%add3A_306, %dma_wait3A_361] : memref<32x80xi32, #tpu.memory_space<vmem>> -> memref<1x80xi32, #tpu.memory_space<vmem>>
        %dma_wait3A_363 = tpu.memref_squeeze %dma_wait3A_362 : memref<1x80xi32, #tpu.memory_space<vmem>> -> memref<80xi32, #tpu.memory_space<vmem>>
        %dma_wait3A_364 = arith.constant 0 : i32
        %dma_wait3A_365 = arith.constant 0 : i32
        %dma_wait3A_366 = tpu.memref_slice %arg12[%dma_wait3A_364, %dma_wait3A_365] : memref<10240x128xf32, #tpu.memory_space<vmem_shared>> -> memref<10240x128xf32, #tpu.memory_space<vmem_shared>>
        tpu.wait_indirect_dma semaphore(%run_scoped3A_354 : memref<!tpu.dma_semaphore, #tpu.memory_space<semaphore_mem>>) src(%arg9 : memref<80x128xf32, #tpu.memory_space<vmem>>) dst(%dma_wait3A_366 : memref<10240x128xf32, #tpu.memory_space<vmem_shared>>)
        tpu.yield
      }) : () -> ()
      %add3A_307 = arith.constant 1 : i32
      %add3A_308 = arith.addi %add3A_280, %add3A_307 : i32
      %add3A_309 = arith.constant 4 : i32
      %add3A_310 = arith.addi %add3A_308, %add3A_309 : i32
      %lt3A_311 = arith.constant 32 : i32
      %lt3A_312 = arith.cmpi slt, %add3A_310, %lt3A_311 : i32
      %convert_element_type3A_313 = arith.extui %lt3A_312 : i1 to i32
      %cond3A_314 = arith.constant 0 : i32
      %cond3A_315 = arith.cmpi ne, %convert_element_type3A_313, %cond3A_314 : i32
      scf.if %cond3A_315 {
        %add3A_354 = arith.constant 1 : i32
        %add3A_355 = arith.addi %add3A_280, %add3A_354 : i32
        %add3A_356 = arith.constant 4 : i32
        %add3A_357 = arith.addi %add3A_355, %add3A_356 : i32
        %dma_start3A_358 = arith.constant 0 : i32
        %dma_start3A_359 = tpu.memref_slice %arg6[%add3A_357, %dma_start3A_358] : memref<32x80xi32, #tpu.memory_space<vmem>> -> memref<1x80xi32, #tpu.memory_space<vmem>>
        %dma_start3A_360 = tpu.memref_squeeze %dma_start3A_359 : memref<1x80xi32, #tpu.memory_space<vmem>> -> memref<80xi32, #tpu.memory_space<vmem>>
        %dma_start3A_361 = arith.constant 0 : i32
        %dma_start3A_362 = arith.constant 0 : i32
        %dma_start3A_363 = tpu.memref_slice %arg2[%dma_start3A_361, %dma_start3A_362] : memref<10240x128xf32, #tpu.memory_space<hbm>> -> memref<10240x128xf32, #tpu.memory_space<hbm>>
        tpu.enqueue_indirect_dma source(%dma_start3A_363 : memref<10240x128xf32, #tpu.memory_space<hbm>>) target(%arg9 : memref<80x128xf32, #tpu.memory_space<vmem>>) offsets(%dma_start3A_360 : memref<80xi32, #tpu.memory_space<vmem>>) semaphore(%arg14 : memref<!tpu.dma_semaphore, #tpu.memory_space<semaphore_mem>>)
      } else {
      }
      %add3A_316 = arith.constant 2 : i32
      %add3A_317 = arith.addi %add3A_280, %add3A_316 : i32
      %dma_wait3A_318 = arith.constant 0 : i32
      %dma_wait3A_319 = tpu.memref_slice %arg6[%add3A_317, %dma_wait3A_318] : memref<32x80xi32, #tpu.memory_space<vmem>> -> memref<1x80xi32, #tpu.memory_space<vmem>>
      %dma_wait3A_320 = tpu.memref_squeeze %dma_wait3A_319 : memref<1x80xi32, #tpu.memory_space<vmem>> -> memref<80xi32, #tpu.memory_space<vmem>>
      %dma_wait3A_321 = arith.constant 0 : i32
      %dma_wait3A_322 = arith.constant 0 : i32
      %dma_wait3A_323 = tpu.memref_slice %arg2[%dma_wait3A_321, %dma_wait3A_322] : memref<10240x128xf32, #tpu.memory_space<hbm>> -> memref<10240x128xf32, #tpu.memory_space<hbm>>
      tpu.wait_indirect_dma semaphore(%arg15 : memref<!tpu.dma_semaphore, #tpu.memory_space<semaphore_mem>>) src(%dma_wait3A_323 : memref<10240x128xf32, #tpu.memory_space<hbm>>) dst(%arg10 : memref<80x128xf32, #tpu.memory_space<vmem>>)
      %add3A_324 = arith.constant 2 : i32
      %add3A_325 = arith.addi %add3A_280, %add3A_324 : i32
      "tpu.region"() ({
        %run_scoped3A_354 = tpu.sem_alloc : memref<!tpu.dma_semaphore, #tpu.memory_space<semaphore_mem>>
        %dma_start3A_355 = arith.constant 0 : i32
        %dma_start3A_356 = tpu.memref_slice %arg7[%add3A_325, %dma_start3A_355] : memref<32x80xi32, #tpu.memory_space<vmem>> -> memref<1x80xi32, #tpu.memory_space<vmem>>
        %dma_start3A_357 = tpu.memref_squeeze %dma_start3A_356 : memref<1x80xi32, #tpu.memory_space<vmem>> -> memref<80xi32, #tpu.memory_space<vmem>>
        %dma_start3A_358 = arith.constant 0 : i32
        %dma_start3A_359 = arith.constant 0 : i32
        %dma_start3A_360 = tpu.memref_slice %arg12[%dma_start3A_358, %dma_start3A_359] : memref<10240x128xf32, #tpu.memory_space<vmem_shared>> -> memref<10240x128xf32, #tpu.memory_space<vmem_shared>>
        tpu.enqueue_indirect_dma source(%arg10 : memref<80x128xf32, #tpu.memory_space<vmem>>) target(%dma_start3A_360 : memref<10240x128xf32, #tpu.memory_space<vmem_shared>>) offsets(%dma_start3A_357 : memref<80xi32, #tpu.memory_space<vmem>>) semaphore(%run_scoped3A_354 : memref<!tpu.dma_semaphore, #tpu.memory_space<semaphore_mem>>) {add = true}
        %dma_wait3A_361 = arith.constant 0 : i32
        %dma_wait3A_362 = tpu.memref_slice %arg7[%add3A_325, %dma_wait3A_361] : memref<32x80xi32, #tpu.memory_space<vmem>> -> memref<1x80xi32, #tpu.memory_space<vmem>>
        %dma_wait3A_363 = tpu.memref_squeeze %dma_wait3A_362 : memref<1x80xi32, #tpu.memory_space<vmem>> -> memref<80xi32, #tpu.memory_space<vmem>>
        %dma_wait3A_364 = arith.constant 0 : i32
        %dma_wait3A_365 = arith.constant 0 : i32
        %dma_wait3A_366 = tpu.memref_slice %arg12[%dma_wait3A_364, %dma_wait3A_365] : memref<10240x128xf32, #tpu.memory_space<vmem_shared>> -> memref<10240x128xf32, #tpu.memory_space<vmem_shared>>
        tpu.wait_indirect_dma semaphore(%run_scoped3A_354 : memref<!tpu.dma_semaphore, #tpu.memory_space<semaphore_mem>>) src(%arg10 : memref<80x128xf32, #tpu.memory_space<vmem>>) dst(%dma_wait3A_366 : memref<10240x128xf32, #tpu.memory_space<vmem_shared>>)
        tpu.yield
      }) : () -> ()
      %add3A_326 = arith.constant 2 : i32
      %add3A_327 = arith.addi %add3A_280, %add3A_326 : i32
      %add3A_328 = arith.constant 4 : i32
      %add3A_329 = arith.addi %add3A_327, %add3A_328 : i32
      %lt3A_330 = arith.constant 32 : i32
      %lt3A_331 = arith.cmpi slt, %add3A_329, %lt3A_330 : i32
      %convert_element_type3A_332 = arith.extui %lt3A_331 : i1 to i32
      %cond3A_333 = arith.constant 0 : i32
      %cond3A_334 = arith.cmpi ne, %convert_element_type3A_332, %cond3A_333 : i32
      scf.if %cond3A_334 {
        %add3A_354 = arith.constant 2 : i32
        %add3A_355 = arith.addi %add3A_280, %add3A_354 : i32
        %add3A_356 = arith.constant 4 : i32
        %add3A_357 = arith.addi %add3A_355, %add3A_356 : i32
        %dma_start3A_358 = arith.constant 0 : i32
        %dma_start3A_359 = tpu.memref_slice %arg6[%add3A_357, %dma_start3A_358] : memref<32x80xi32, #tpu.memory_space<vmem>> -> memref<1x80xi32, #tpu.memory_space<vmem>>
        %dma_start3A_360 = tpu.memref_squeeze %dma_start3A_359 : memref<1x80xi32, #tpu.memory_space<vmem>> -> memref<80xi32, #tpu.memory_space<vmem>>
        %dma_start3A_361 = arith.constant 0 : i32
        %dma_start3A_362 = arith.constant 0 : i32
        %dma_start3A_363 = tpu.memref_slice %arg2[%dma_start3A_361, %dma_start3A_362] : memref<10240x128xf32, #tpu.memory_space<hbm>> -> memref<10240x128xf32, #tpu.memory_space<hbm>>
        tpu.enqueue_indirect_dma source(%dma_start3A_363 : memref<10240x128xf32, #tpu.memory_space<hbm>>) target(%arg10 : memref<80x128xf32, #tpu.memory_space<vmem>>) offsets(%dma_start3A_360 : memref<80xi32, #tpu.memory_space<vmem>>) semaphore(%arg15 : memref<!tpu.dma_semaphore, #tpu.memory_space<semaphore_mem>>)
      } else {
      }
      %add3A_335 = arith.constant 3 : i32
      %add3A_336 = arith.addi %add3A_280, %add3A_335 : i32
      %dma_wait3A_337 = arith.constant 0 : i32
      %dma_wait3A_338 = tpu.memref_slice %arg6[%add3A_336, %dma_wait3A_337] : memref<32x80xi32, #tpu.memory_space<vmem>> -> memref<1x80xi32, #tpu.memory_space<vmem>>
      %dma_wait3A_339 = tpu.memref_squeeze %dma_wait3A_338 : memref<1x80xi32, #tpu.memory_space<vmem>> -> memref<80xi32, #tpu.memory_space<vmem>>
      %dma_wait3A_340 = arith.constant 0 : i32
      %dma_wait3A_341 = arith.constant 0 : i32
      %dma_wait3A_342 = tpu.memref_slice %arg2[%dma_wait3A_340, %dma_wait3A_341] : memref<10240x128xf32, #tpu.memory_space<hbm>> -> memref<10240x128xf32, #tpu.memory_space<hbm>>
      tpu.wait_indirect_dma semaphore(%arg16 : memref<!tpu.dma_semaphore, #tpu.memory_space<semaphore_mem>>) src(%dma_wait3A_342 : memref<10240x128xf32, #tpu.memory_space<hbm>>) dst(%arg11 : memref<80x128xf32, #tpu.memory_space<vmem>>)
      %add3A_343 = arith.constant 3 : i32
      %add3A_344 = arith.addi %add3A_280, %add3A_343 : i32
      "tpu.region"() ({
        %run_scoped3A_354 = tpu.sem_alloc : memref<!tpu.dma_semaphore, #tpu.memory_space<semaphore_mem>>
        %dma_start3A_355 = arith.constant 0 : i32
        %dma_start3A_356 = tpu.memref_slice %arg7[%add3A_344, %dma_start3A_355] : memref<32x80xi32, #tpu.memory_space<vmem>> -> memref<1x80xi32, #tpu.memory_space<vmem>>
        %dma_start3A_357 = tpu.memref_squeeze %dma_start3A_356 : memref<1x80xi32, #tpu.memory_space<vmem>> -> memref<80xi32, #tpu.memory_space<vmem>>
        %dma_start3A_358 = arith.constant 0 : i32
        %dma_start3A_359 = arith.constant 0 : i32
        %dma_start3A_360 = tpu.memref_slice %arg12[%dma_start3A_358, %dma_start3A_359] : memref<10240x128xf32, #tpu.memory_space<vmem_shared>> -> memref<10240x128xf32, #tpu.memory_space<vmem_shared>>
        tpu.enqueue_indirect_dma source(%arg11 : memref<80x128xf32, #tpu.memory_space<vmem>>) target(%dma_start3A_360 : memref<10240x128xf32, #tpu.memory_space<vmem_shared>>) offsets(%dma_start3A_357 : memref<80xi32, #tpu.memory_space<vmem>>) semaphore(%run_scoped3A_354 : memref<!tpu.dma_semaphore, #tpu.memory_space<semaphore_mem>>) {add = true}
        %dma_wait3A_361 = arith.constant 0 : i32
        %dma_wait3A_362 = tpu.memref_slice %arg7[%add3A_344, %dma_wait3A_361] : memref<32x80xi32, #tpu.memory_space<vmem>> -> memref<1x80xi32, #tpu.memory_space<vmem>>
        %dma_wait3A_363 = tpu.memref_squeeze %dma_wait3A_362 : memref<1x80xi32, #tpu.memory_space<vmem>> -> memref<80xi32, #tpu.memory_space<vmem>>
        %dma_wait3A_364 = arith.constant 0 : i32
        %dma_wait3A_365 = arith.constant 0 : i32
        %dma_wait3A_366 = tpu.memref_slice %arg12[%dma_wait3A_364, %dma_wait3A_365] : memref<10240x128xf32, #tpu.memory_space<vmem_shared>> -> memref<10240x128xf32, #tpu.memory_space<vmem_shared>>
        tpu.wait_indirect_dma semaphore(%run_scoped3A_354 : memref<!tpu.dma_semaphore, #tpu.memory_space<semaphore_mem>>) src(%arg11 : memref<80x128xf32, #tpu.memory_space<vmem>>) dst(%dma_wait3A_366 : memref<10240x128xf32, #tpu.memory_space<vmem_shared>>)
        tpu.yield
      }) : () -> ()
      %add3A_345 = arith.constant 3 : i32
      %add3A_346 = arith.addi %add3A_280, %add3A_345 : i32
      %add3A_347 = arith.constant 4 : i32
      %add3A_348 = arith.addi %add3A_346, %add3A_347 : i32
      %lt3A_349 = arith.constant 32 : i32
      %lt3A_350 = arith.cmpi slt, %add3A_348, %lt3A_349 : i32
      %convert_element_type3A_351 = arith.extui %lt3A_350 : i1 to i32
      %cond3A_352 = arith.constant 0 : i32
      %cond3A_353 = arith.cmpi ne, %convert_element_type3A_351, %cond3A_352 : i32
      scf.if %cond3A_353 {
        %add3A_354 = arith.constant 3 : i32
        %add3A_355 = arith.addi %add3A_280, %add3A_354 : i32
        %add3A_356 = arith.constant 4 : i32
        %add3A_357 = arith.addi %add3A_355, %add3A_356 : i32
        %dma_start3A_358 = arith.constant 0 : i32
        %dma_start3A_359 = tpu.memref_slice %arg6[%add3A_357, %dma_start3A_358] : memref<32x80xi32, #tpu.memory_space<vmem>> -> memref<1x80xi32, #tpu.memory_space<vmem>>
        %dma_start3A_360 = tpu.memref_squeeze %dma_start3A_359 : memref<1x80xi32, #tpu.memory_space<vmem>> -> memref<80xi32, #tpu.memory_space<vmem>>
        %dma_start3A_361 = arith.constant 0 : i32
        %dma_start3A_362 = arith.constant 0 : i32
        %dma_start3A_363 = tpu.memref_slice %arg2[%dma_start3A_361, %dma_start3A_362] : memref<10240x128xf32, #tpu.memory_space<hbm>> -> memref<10240x128xf32, #tpu.memory_space<hbm>>
        tpu.enqueue_indirect_dma source(%dma_start3A_363 : memref<10240x128xf32, #tpu.memory_space<hbm>>) target(%arg11 : memref<80x128xf32, #tpu.memory_space<vmem>>) offsets(%dma_start3A_360 : memref<80xi32, #tpu.memory_space<vmem>>) semaphore(%arg16 : memref<!tpu.dma_semaphore, #tpu.memory_space<semaphore_mem>>)
      } else {
      }
    }
    %scan3A_165 = arith.constant 8 : i32
    %run_scoped3A_166 = arith.constant 1 : i32
    "tpu.region"() ({
      %run_scoped3A_276 = tpu.sem_alloc : memref<!tpu.dma_semaphore, #tpu.memory_space<semaphore_mem>>
      %dma_start3A_277 = arith.constant 0 : i32
      %dma_start3A_278 = arith.constant 0 : i32
      %dma_start3A_279 = arith.constant 0 : i32
      %dma_start3A_280 = tpu.memref_slice %arg3[%add3A, %dma_start3A_277, %dma_start3A_278, %dma_start3A_279] : memref<32x4x32x80xi32, #tpu.memory_space<hbm>> -> memref<1x4x32x80xi32, #tpu.memory_space<hbm>>
      %dma_start3A_281 = tpu.memref_squeeze %dma_start3A_280 : memref<1x4x32x80xi32, #tpu.memory_space<hbm>> -> memref<4x32x80xi32, #tpu.memory_space<hbm>>
      %dma_start3A_282 = arith.constant 0 : i32
      %dma_start3A_283 = arith.constant 0 : i32
      %dma_start3A_284 = tpu.memref_slice %dma_start3A_281[%run_scoped3A_166, %dma_start3A_282, %dma_start3A_283] : memref<4x32x80xi32, #tpu.memory_space<hbm>> -> memref<1x32x80xi32, #tpu.memory_space<hbm>>
      %dma_start3A_285 = tpu.memref_squeeze %dma_start3A_284 : memref<1x32x80xi32, #tpu.memory_space<hbm>> -> memref<32x80xi32, #tpu.memory_space<hbm>>
      %dma_start3A_286 = arith.constant 0 : i32
      %dma_start3A_287 = arith.constant 0 : i32
      %dma_start3A_288 = arith.constant 0 : i32
      %dma_start3A_289 = tpu.memref_slice %arg3[%add3A, %dma_start3A_286, %dma_start3A_287, %dma_start3A_288] : memref<32x4x32x80xi32, #tpu.memory_space<hbm>> -> memref<1x4x32x80xi32, #tpu.memory_space<hbm>>
      %dma_start3A_290 = tpu.memref_squeeze %dma_start3A_289 : memref<1x4x32x80xi32, #tpu.memory_space<hbm>> -> memref<4x32x80xi32, #tpu.memory_space<hbm>>
      %dma_start3A_291 = arith.constant 0 : i32
      %dma_start3A_292 = arith.constant 0 : i32
      %dma_start3A_293 = tpu.memref_slice %dma_start3A_290[%run_scoped3A_166, %dma_start3A_291, %dma_start3A_292] : memref<4x32x80xi32, #tpu.memory_space<hbm>> -> memref<1x32x80xi32, #tpu.memory_space<hbm>>
      %dma_start3A_294 = tpu.memref_squeeze %dma_start3A_293 : memref<1x32x80xi32, #tpu.memory_space<hbm>> -> memref<32x80xi32, #tpu.memory_space<hbm>>
      tpu.enqueue_dma source(%dma_start3A_294 : memref<32x80xi32, #tpu.memory_space<hbm>>) target(%arg6 : memref<32x80xi32, #tpu.memory_space<vmem>>) target_semaphore(%run_scoped3A_276 : memref<!tpu.dma_semaphore, #tpu.memory_space<semaphore_mem>>)
      %dma_wait3A_295 = arith.constant 0 : i32
      %dma_wait3A_296 = arith.constant 0 : i32
      %dma_wait3A_297 = arith.constant 0 : i32
      %dma_wait3A_298 = tpu.memref_slice %arg3[%add3A, %dma_wait3A_295, %dma_wait3A_296, %dma_wait3A_297] : memref<32x4x32x80xi32, #tpu.memory_space<hbm>> -> memref<1x4x32x80xi32, #tpu.memory_space<hbm>>
      %dma_wait3A_299 = tpu.memref_squeeze %dma_wait3A_298 : memref<1x4x32x80xi32, #tpu.memory_space<hbm>> -> memref<4x32x80xi32, #tpu.memory_space<hbm>>
      %dma_wait3A_300 = arith.constant 0 : i32
      %dma_wait3A_301 = arith.constant 0 : i32
      %dma_wait3A_302 = tpu.memref_slice %dma_wait3A_299[%run_scoped3A_166, %dma_wait3A_300, %dma_wait3A_301] : memref<4x32x80xi32, #tpu.memory_space<hbm>> -> memref<1x32x80xi32, #tpu.memory_space<hbm>>
      %dma_wait3A_303 = tpu.memref_squeeze %dma_wait3A_302 : memref<1x32x80xi32, #tpu.memory_space<hbm>> -> memref<32x80xi32, #tpu.memory_space<hbm>>
      %dma_wait3A_304 = arith.constant 0 : i32
      %dma_wait3A_305 = arith.constant 0 : i32
      %dma_wait3A_306 = arith.constant 0 : i32
      %dma_wait3A_307 = tpu.memref_slice %arg3[%add3A, %dma_wait3A_304, %dma_wait3A_305, %dma_wait3A_306] : memref<32x4x32x80xi32, #tpu.memory_space<hbm>> -> memref<1x4x32x80xi32, #tpu.memory_space<hbm>>
      %dma_wait3A_308 = tpu.memref_squeeze %dma_wait3A_307 : memref<1x4x32x80xi32, #tpu.memory_space<hbm>> -> memref<4x32x80xi32, #tpu.memory_space<hbm>>
      %dma_wait3A_309 = arith.constant 0 : i32
      %dma_wait3A_310 = arith.constant 0 : i32
      %dma_wait3A_311 = tpu.memref_slice %dma_wait3A_308[%run_scoped3A_166, %dma_wait3A_309, %dma_wait3A_310] : memref<4x32x80xi32, #tpu.memory_space<hbm>> -> memref<1x32x80xi32, #tpu.memory_space<hbm>>
      %dma_wait3A_312 = tpu.memref_squeeze %dma_wait3A_311 : memref<1x32x80xi32, #tpu.memory_space<hbm>> -> memref<32x80xi32, #tpu.memory_space<hbm>>
      tpu.wait_dma2 semaphore(%run_scoped3A_276 : memref<!tpu.dma_semaphore, #tpu.memory_space<semaphore_mem>>) src(%dma_wait3A_312 : memref<32x80xi32, #tpu.memory_space<hbm>>) dst(%arg6 : memref<32x80xi32, #tpu.memory_space<vmem>>)
      tpu.yield
    }) : () -> ()
    %run_scoped3A_167 = arith.constant 1 : i32
    "tpu.region"() ({
      %run_scoped3A_276 = tpu.sem_alloc : memref<!tpu.dma_semaphore, #tpu.memory_space<semaphore_mem>>
      %dma_start3A_277 = arith.constant 0 : i32
      %dma_start3A_278 = arith.constant 0 : i32
      %dma_start3A_279 = arith.constant 0 : i32
      %dma_start3A_280 = tpu.memref_slice %arg4[%add3A, %dma_start3A_277, %dma_start3A_278, %dma_start3A_279] : memref<32x4x32x80xi32, #tpu.memory_space<hbm>> -> memref<1x4x32x80xi32, #tpu.memory_space<hbm>>
      %dma_start3A_281 = tpu.memref_squeeze %dma_start3A_280 : memref<1x4x32x80xi32, #tpu.memory_space<hbm>> -> memref<4x32x80xi32, #tpu.memory_space<hbm>>
      %dma_start3A_282 = arith.constant 0 : i32
      %dma_start3A_283 = arith.constant 0 : i32
      %dma_start3A_284 = tpu.memref_slice %dma_start3A_281[%run_scoped3A_167, %dma_start3A_282, %dma_start3A_283] : memref<4x32x80xi32, #tpu.memory_space<hbm>> -> memref<1x32x80xi32, #tpu.memory_space<hbm>>
      %dma_start3A_285 = tpu.memref_squeeze %dma_start3A_284 : memref<1x32x80xi32, #tpu.memory_space<hbm>> -> memref<32x80xi32, #tpu.memory_space<hbm>>
      %dma_start3A_286 = arith.constant 0 : i32
      %dma_start3A_287 = arith.constant 0 : i32
      %dma_start3A_288 = arith.constant 0 : i32
      %dma_start3A_289 = tpu.memref_slice %arg4[%add3A, %dma_start3A_286, %dma_start3A_287, %dma_start3A_288] : memref<32x4x32x80xi32, #tpu.memory_space<hbm>> -> memref<1x4x32x80xi32, #tpu.memory_space<hbm>>
      %dma_start3A_290 = tpu.memref_squeeze %dma_start3A_289 : memref<1x4x32x80xi32, #tpu.memory_space<hbm>> -> memref<4x32x80xi32, #tpu.memory_space<hbm>>
      %dma_start3A_291 = arith.constant 0 : i32
      %dma_start3A_292 = arith.constant 0 : i32
      %dma_start3A_293 = tpu.memref_slice %dma_start3A_290[%run_scoped3A_167, %dma_start3A_291, %dma_start3A_292] : memref<4x32x80xi32, #tpu.memory_space<hbm>> -> memref<1x32x80xi32, #tpu.memory_space<hbm>>
      %dma_start3A_294 = tpu.memref_squeeze %dma_start3A_293 : memref<1x32x80xi32, #tpu.memory_space<hbm>> -> memref<32x80xi32, #tpu.memory_space<hbm>>
      tpu.enqueue_dma source(%dma_start3A_294 : memref<32x80xi32, #tpu.memory_space<hbm>>) target(%arg7 : memref<32x80xi32, #tpu.memory_space<vmem>>) target_semaphore(%run_scoped3A_276 : memref<!tpu.dma_semaphore, #tpu.memory_space<semaphore_mem>>)
      %dma_wait3A_295 = arith.constant 0 : i32
      %dma_wait3A_296 = arith.constant 0 : i32
      %dma_wait3A_297 = arith.constant 0 : i32
      %dma_wait3A_298 = tpu.memref_slice %arg4[%add3A, %dma_wait3A_295, %dma_wait3A_296, %dma_wait3A_297] : memref<32x4x32x80xi32, #tpu.memory_space<hbm>> -> memref<1x4x32x80xi32, #tpu.memory_space<hbm>>
      %dma_wait3A_299 = tpu.memref_squeeze %dma_wait3A_298 : memref<1x4x32x80xi32, #tpu.memory_space<hbm>> -> memref<4x32x80xi32, #tpu.memory_space<hbm>>
      %dma_wait3A_300 = arith.constant 0 : i32
      %dma_wait3A_301 = arith.constant 0 : i32
      %dma_wait3A_302 = tpu.memref_slice %dma_wait3A_299[%run_scoped3A_167, %dma_wait3A_300, %dma_wait3A_301] : memref<4x32x80xi32, #tpu.memory_space<hbm>> -> memref<1x32x80xi32, #tpu.memory_space<hbm>>
      %dma_wait3A_303 = tpu.memref_squeeze %dma_wait3A_302 : memref<1x32x80xi32, #tpu.memory_space<hbm>> -> memref<32x80xi32, #tpu.memory_space<hbm>>
      %dma_wait3A_304 = arith.constant 0 : i32
      %dma_wait3A_305 = arith.constant 0 : i32
      %dma_wait3A_306 = arith.constant 0 : i32
      %dma_wait3A_307 = tpu.memref_slice %arg4[%add3A, %dma_wait3A_304, %dma_wait3A_305, %dma_wait3A_306] : memref<32x4x32x80xi32, #tpu.memory_space<hbm>> -> memref<1x4x32x80xi32, #tpu.memory_space<hbm>>
      %dma_wait3A_308 = tpu.memref_squeeze %dma_wait3A_307 : memref<1x4x32x80xi32, #tpu.memory_space<hbm>> -> memref<4x32x80xi32, #tpu.memory_space<hbm>>
      %dma_wait3A_309 = arith.constant 0 : i32
      %dma_wait3A_310 = arith.constant 0 : i32
      %dma_wait3A_311 = tpu.memref_slice %dma_wait3A_308[%run_scoped3A_167, %dma_wait3A_309, %dma_wait3A_310] : memref<4x32x80xi32, #tpu.memory_space<hbm>> -> memref<1x32x80xi32, #tpu.memory_space<hbm>>
      %dma_wait3A_312 = tpu.memref_squeeze %dma_wait3A_311 : memref<1x32x80xi32, #tpu.memory_space<hbm>> -> memref<32x80xi32, #tpu.memory_space<hbm>>
      tpu.wait_dma2 semaphore(%run_scoped3A_276 : memref<!tpu.dma_semaphore, #tpu.memory_space<semaphore_mem>>) src(%dma_wait3A_312 : memref<32x80xi32, #tpu.memory_space<hbm>>) dst(%arg7 : memref<32x80xi32, #tpu.memory_space<vmem>>)
      tpu.yield
    }) : () -> ()
    %dma_start3A_168 = arith.constant 0 : i32
    %dma_start3A_169 = arith.constant 0 : i32
    %dma_start3A_170 = tpu.memref_slice %arg6[%dma_start3A_168, %dma_start3A_169] : memref<32x80xi32, #tpu.memory_space<vmem>> -> memref<1x80xi32, #tpu.memory_space<vmem>>
    %dma_start3A_171 = tpu.memref_squeeze %dma_start3A_170 : memref<1x80xi32, #tpu.memory_space<vmem>> -> memref<80xi32, #tpu.memory_space<vmem>>
    %dma_start3A_172 = arith.constant 0 : i32
    %dma_start3A_173 = arith.constant 0 : i32
    %dma_start3A_174 = tpu.memref_slice %arg2[%dma_start3A_172, %dma_start3A_173] : memref<10240x128xf32, #tpu.memory_space<hbm>> -> memref<10240x128xf32, #tpu.memory_space<hbm>>
    tpu.enqueue_indirect_dma source(%dma_start3A_174 : memref<10240x128xf32, #tpu.memory_space<hbm>>) target(%arg8 : memref<80x128xf32, #tpu.memory_space<vmem>>) offsets(%dma_start3A_171 : memref<80xi32, #tpu.memory_space<vmem>>) semaphore(%arg13 : memref<!tpu.dma_semaphore, #tpu.memory_space<semaphore_mem>>)
    %dma_start3A_175 = arith.constant 1 : i32
    %dma_start3A_176 = arith.constant 0 : i32
    %dma_start3A_177 = tpu.memref_slice %arg6[%dma_start3A_175, %dma_start3A_176] : memref<32x80xi32, #tpu.memory_space<vmem>> -> memref<1x80xi32, #tpu.memory_space<vmem>>
    %dma_start3A_178 = tpu.memref_squeeze %dma_start3A_177 : memref<1x80xi32, #tpu.memory_space<vmem>> -> memref<80xi32, #tpu.memory_space<vmem>>
    %dma_start3A_179 = arith.constant 0 : i32
    %dma_start3A_180 = arith.constant 0 : i32
    %dma_start3A_181 = tpu.memref_slice %arg2[%dma_start3A_179, %dma_start3A_180] : memref<10240x128xf32, #tpu.memory_space<hbm>> -> memref<10240x128xf32, #tpu.memory_space<hbm>>
    tpu.enqueue_indirect_dma source(%dma_start3A_181 : memref<10240x128xf32, #tpu.memory_space<hbm>>) target(%arg9 : memref<80x128xf32, #tpu.memory_space<vmem>>) offsets(%dma_start3A_178 : memref<80xi32, #tpu.memory_space<vmem>>) semaphore(%arg14 : memref<!tpu.dma_semaphore, #tpu.memory_space<semaphore_mem>>)
    %dma_start3A_182 = arith.constant 2 : i32
    %dma_start3A_183 = arith.constant 0 : i32
    %dma_start3A_184 = tpu.memref_slice %arg6[%dma_start3A_182, %dma_start3A_183] : memref<32x80xi32, #tpu.memory_space<vmem>> -> memref<1x80xi32, #tpu.memory_space<vmem>>
    %dma_start3A_185 = tpu.memref_squeeze %dma_start3A_184 : memref<1x80xi32, #tpu.memory_space<vmem>> -> memref<80xi32, #tpu.memory_space<vmem>>
    %dma_start3A_186 = arith.constant 0 : i32
    %dma_start3A_187 = arith.constant 0 : i32
    %dma_start3A_188 = tpu.memref_slice %arg2[%dma_start3A_186, %dma_start3A_187] : memref<10240x128xf32, #tpu.memory_space<hbm>> -> memref<10240x128xf32, #tpu.memory_space<hbm>>
    tpu.enqueue_indirect_dma source(%dma_start3A_188 : memref<10240x128xf32, #tpu.memory_space<hbm>>) target(%arg10 : memref<80x128xf32, #tpu.memory_space<vmem>>) offsets(%dma_start3A_185 : memref<80xi32, #tpu.memory_space<vmem>>) semaphore(%arg15 : memref<!tpu.dma_semaphore, #tpu.memory_space<semaphore_mem>>)
    %dma_start3A_189 = arith.constant 3 : i32
    %dma_start3A_190 = arith.constant 0 : i32
    %dma_start3A_191 = tpu.memref_slice %arg6[%dma_start3A_189, %dma_start3A_190] : memref<32x80xi32, #tpu.memory_space<vmem>> -> memref<1x80xi32, #tpu.memory_space<vmem>>
    %dma_start3A_192 = tpu.memref_squeeze %dma_start3A_191 : memref<1x80xi32, #tpu.memory_space<vmem>> -> memref<80xi32, #tpu.memory_space<vmem>>
    %dma_start3A_193 = arith.constant 0 : i32
    %dma_start3A_194 = arith.constant 0 : i32
    %dma_start3A_195 = tpu.memref_slice %arg2[%dma_start3A_193, %dma_start3A_194] : memref<10240x128xf32, #tpu.memory_space<hbm>> -> memref<10240x128xf32, #tpu.memory_space<hbm>>
    tpu.enqueue_indirect_dma source(%dma_start3A_195 : memref<10240x128xf32, #tpu.memory_space<hbm>>) target(%arg11 : memref<80x128xf32, #tpu.memory_space<vmem>>) offsets(%dma_start3A_192 : memref<80xi32, #tpu.memory_space<vmem>>) semaphore(%arg16 : memref<!tpu.dma_semaphore, #tpu.memory_space<semaphore_mem>>)
    %scan3A_196 = arith.constant 0 : i32
    %scan3A_197 = arith.constant 8 : i32
    %scan3A_198 = arith.addi %scan3A_196, %scan3A_197 : i32
    %scan3A_199 = arith.constant 1 : i32
    scf.for %scan3A_276 = %scan3A_196 to %scan3A_198 step %scan3A_199  : i32 {
      %mul3A_277 = arith.constant 4 : i32
      %mul3A_278 = arith.muli %scan3A_276, %mul3A_277 : i32
      %add3A_279 = arith.constant 0 : i32
      %add3A_280 = arith.addi %add3A_279, %mul3A_278 : i32
      %add3A_281 = arith.constant 0 : i32
      %add3A_282 = arith.addi %add3A_280, %add3A_281 : i32
      %dma_wait3A_283 = arith.constant 0 : i32
      %dma_wait3A_284 = tpu.memref_slice %arg6[%add3A_282, %dma_wait3A_283] : memref<32x80xi32, #tpu.memory_space<vmem>> -> memref<1x80xi32, #tpu.memory_space<vmem>>
      %dma_wait3A_285 = tpu.memref_squeeze %dma_wait3A_284 : memref<1x80xi32, #tpu.memory_space<vmem>> -> memref<80xi32, #tpu.memory_space<vmem>>
      %dma_wait3A_286 = arith.constant 0 : i32
      %dma_wait3A_287 = arith.constant 0 : i32
      %dma_wait3A_288 = tpu.memref_slice %arg2[%dma_wait3A_286, %dma_wait3A_287] : memref<10240x128xf32, #tpu.memory_space<hbm>> -> memref<10240x128xf32, #tpu.memory_space<hbm>>
      tpu.wait_indirect_dma semaphore(%arg13 : memref<!tpu.dma_semaphore, #tpu.memory_space<semaphore_mem>>) src(%dma_wait3A_288 : memref<10240x128xf32, #tpu.memory_space<hbm>>) dst(%arg8 : memref<80x128xf32, #tpu.memory_space<vmem>>)
      %add3A_289 = arith.constant 0 : i32
      %add3A_290 = arith.addi %add3A_280, %add3A_289 : i32
      "tpu.region"() ({
        %run_scoped3A_354 = tpu.sem_alloc : memref<!tpu.dma_semaphore, #tpu.memory_space<semaphore_mem>>
        %dma_start3A_355 = arith.constant 0 : i32
        %dma_start3A_356 = tpu.memref_slice %arg7[%add3A_290, %dma_start3A_355] : memref<32x80xi32, #tpu.memory_space<vmem>> -> memref<1x80xi32, #tpu.memory_space<vmem>>
        %dma_start3A_357 = tpu.memref_squeeze %dma_start3A_356 : memref<1x80xi32, #tpu.memory_space<vmem>> -> memref<80xi32, #tpu.memory_space<vmem>>
        %dma_start3A_358 = arith.constant 0 : i32
        %dma_start3A_359 = arith.constant 0 : i32
        %dma_start3A_360 = tpu.memref_slice %arg12[%dma_start3A_358, %dma_start3A_359] : memref<10240x128xf32, #tpu.memory_space<vmem_shared>> -> memref<10240x128xf32, #tpu.memory_space<vmem_shared>>
        tpu.enqueue_indirect_dma source(%arg8 : memref<80x128xf32, #tpu.memory_space<vmem>>) target(%dma_start3A_360 : memref<10240x128xf32, #tpu.memory_space<vmem_shared>>) offsets(%dma_start3A_357 : memref<80xi32, #tpu.memory_space<vmem>>) semaphore(%run_scoped3A_354 : memref<!tpu.dma_semaphore, #tpu.memory_space<semaphore_mem>>) {add = true}
        %dma_wait3A_361 = arith.constant 0 : i32
        %dma_wait3A_362 = tpu.memref_slice %arg7[%add3A_290, %dma_wait3A_361] : memref<32x80xi32, #tpu.memory_space<vmem>> -> memref<1x80xi32, #tpu.memory_space<vmem>>
        %dma_wait3A_363 = tpu.memref_squeeze %dma_wait3A_362 : memref<1x80xi32, #tpu.memory_space<vmem>> -> memref<80xi32, #tpu.memory_space<vmem>>
        %dma_wait3A_364 = arith.constant 0 : i32
        %dma_wait3A_365 = arith.constant 0 : i32
        %dma_wait3A_366 = tpu.memref_slice %arg12[%dma_wait3A_364, %dma_wait3A_365] : memref<10240x128xf32, #tpu.memory_space<vmem_shared>> -> memref<10240x128xf32, #tpu.memory_space<vmem_shared>>
        tpu.wait_indirect_dma semaphore(%run_scoped3A_354 : memref<!tpu.dma_semaphore, #tpu.memory_space<semaphore_mem>>) src(%arg8 : memref<80x128xf32, #tpu.memory_space<vmem>>) dst(%dma_wait3A_366 : memref<10240x128xf32, #tpu.memory_space<vmem_shared>>)
        tpu.yield
      }) : () -> ()
      %add3A_291 = arith.constant 0 : i32
      %add3A_292 = arith.addi %add3A_280, %add3A_291 : i32
      %add3A_293 = arith.constant 4 : i32
      %add3A_294 = arith.addi %add3A_292, %add3A_293 : i32
      %lt3A = arith.constant 32 : i32
      %lt3A_295 = arith.cmpi slt, %add3A_294, %lt3A : i32
      %convert_element_type3A = arith.extui %lt3A_295 : i1 to i32
      %cond3A = arith.constant 0 : i32
      %cond3A_296 = arith.cmpi ne, %convert_element_type3A, %cond3A : i32
      scf.if %cond3A_296 {
        %add3A_354 = arith.constant 0 : i32
        %add3A_355 = arith.addi %add3A_280, %add3A_354 : i32
        %add3A_356 = arith.constant 4 : i32
        %add3A_357 = arith.addi %add3A_355, %add3A_356 : i32
        %dma_start3A_358 = arith.constant 0 : i32
        %dma_start3A_359 = tpu.memref_slice %arg6[%add3A_357, %dma_start3A_358] : memref<32x80xi32, #tpu.memory_space<vmem>> -> memref<1x80xi32, #tpu.memory_space<vmem>>
        %dma_start3A_360 = tpu.memref_squeeze %dma_start3A_359 : memref<1x80xi32, #tpu.memory_space<vmem>> -> memref<80xi32, #tpu.memory_space<vmem>>
        %dma_start3A_361 = arith.constant 0 : i32
        %dma_start3A_362 = arith.constant 0 : i32
        %dma_start3A_363 = tpu.memref_slice %arg2[%dma_start3A_361, %dma_start3A_362] : memref<10240x128xf32, #tpu.memory_space<hbm>> -> memref<10240x128xf32, #tpu.memory_space<hbm>>
        tpu.enqueue_indirect_dma source(%dma_start3A_363 : memref<10240x128xf32, #tpu.memory_space<hbm>>) target(%arg8 : memref<80x128xf32, #tpu.memory_space<vmem>>) offsets(%dma_start3A_360 : memref<80xi32, #tpu.memory_space<vmem>>) semaphore(%arg13 : memref<!tpu.dma_semaphore, #tpu.memory_space<semaphore_mem>>)
      } else {
      }
      %add3A_297 = arith.constant 1 : i32
      %add3A_298 = arith.addi %add3A_280, %add3A_297 : i32
      %dma_wait3A_299 = arith.constant 0 : i32
      %dma_wait3A_300 = tpu.memref_slice %arg6[%add3A_298, %dma_wait3A_299] : memref<32x80xi32, #tpu.memory_space<vmem>> -> memref<1x80xi32, #tpu.memory_space<vmem>>
      %dma_wait3A_301 = tpu.memref_squeeze %dma_wait3A_300 : memref<1x80xi32, #tpu.memory_space<vmem>> -> memref<80xi32, #tpu.memory_space<vmem>>
      %dma_wait3A_302 = arith.constant 0 : i32
      %dma_wait3A_303 = arith.constant 0 : i32
      %dma_wait3A_304 = tpu.memref_slice %arg2[%dma_wait3A_302, %dma_wait3A_303] : memref<10240x128xf32, #tpu.memory_space<hbm>> -> memref<10240x128xf32, #tpu.memory_space<hbm>>
      tpu.wait_indirect_dma semaphore(%arg14 : memref<!tpu.dma_semaphore, #tpu.memory_space<semaphore_mem>>) src(%dma_wait3A_304 : memref<10240x128xf32, #tpu.memory_space<hbm>>) dst(%arg9 : memref<80x128xf32, #tpu.memory_space<vmem>>)
      %add3A_305 = arith.constant 1 : i32
      %add3A_306 = arith.addi %add3A_280, %add3A_305 : i32
      "tpu.region"() ({
        %run_scoped3A_354 = tpu.sem_alloc : memref<!tpu.dma_semaphore, #tpu.memory_space<semaphore_mem>>
        %dma_start3A_355 = arith.constant 0 : i32
        %dma_start3A_356 = tpu.memref_slice %arg7[%add3A_306, %dma_start3A_355] : memref<32x80xi32, #tpu.memory_space<vmem>> -> memref<1x80xi32, #tpu.memory_space<vmem>>
        %dma_start3A_357 = tpu.memref_squeeze %dma_start3A_356 : memref<1x80xi32, #tpu.memory_space<vmem>> -> memref<80xi32, #tpu.memory_space<vmem>>
        %dma_start3A_358 = arith.constant 0 : i32
        %dma_start3A_359 = arith.constant 0 : i32
        %dma_start3A_360 = tpu.memref_slice %arg12[%dma_start3A_358, %dma_start3A_359] : memref<10240x128xf32, #tpu.memory_space<vmem_shared>> -> memref<10240x128xf32, #tpu.memory_space<vmem_shared>>
        tpu.enqueue_indirect_dma source(%arg9 : memref<80x128xf32, #tpu.memory_space<vmem>>) target(%dma_start3A_360 : memref<10240x128xf32, #tpu.memory_space<vmem_shared>>) offsets(%dma_start3A_357 : memref<80xi32, #tpu.memory_space<vmem>>) semaphore(%run_scoped3A_354 : memref<!tpu.dma_semaphore, #tpu.memory_space<semaphore_mem>>) {add = true}
        %dma_wait3A_361 = arith.constant 0 : i32
        %dma_wait3A_362 = tpu.memref_slice %arg7[%add3A_306, %dma_wait3A_361] : memref<32x80xi32, #tpu.memory_space<vmem>> -> memref<1x80xi32, #tpu.memory_space<vmem>>
        %dma_wait3A_363 = tpu.memref_squeeze %dma_wait3A_362 : memref<1x80xi32, #tpu.memory_space<vmem>> -> memref<80xi32, #tpu.memory_space<vmem>>
        %dma_wait3A_364 = arith.constant 0 : i32
        %dma_wait3A_365 = arith.constant 0 : i32
        %dma_wait3A_366 = tpu.memref_slice %arg12[%dma_wait3A_364, %dma_wait3A_365] : memref<10240x128xf32, #tpu.memory_space<vmem_shared>> -> memref<10240x128xf32, #tpu.memory_space<vmem_shared>>
        tpu.wait_indirect_dma semaphore(%run_scoped3A_354 : memref<!tpu.dma_semaphore, #tpu.memory_space<semaphore_mem>>) src(%arg9 : memref<80x128xf32, #tpu.memory_space<vmem>>) dst(%dma_wait3A_366 : memref<10240x128xf32, #tpu.memory_space<vmem_shared>>)
        tpu.yield
      }) : () -> ()
      %add3A_307 = arith.constant 1 : i32
      %add3A_308 = arith.addi %add3A_280, %add3A_307 : i32
      %add3A_309 = arith.constant 4 : i32
      %add3A_310 = arith.addi %add3A_308, %add3A_309 : i32
      %lt3A_311 = arith.constant 32 : i32
      %lt3A_312 = arith.cmpi slt, %add3A_310, %lt3A_311 : i32
      %convert_element_type3A_313 = arith.extui %lt3A_312 : i1 to i32
      %cond3A_314 = arith.constant 0 : i32
      %cond3A_315 = arith.cmpi ne, %convert_element_type3A_313, %cond3A_314 : i32
      scf.if %cond3A_315 {
        %add3A_354 = arith.constant 1 : i32
        %add3A_355 = arith.addi %add3A_280, %add3A_354 : i32
        %add3A_356 = arith.constant 4 : i32
        %add3A_357 = arith.addi %add3A_355, %add3A_356 : i32
        %dma_start3A_358 = arith.constant 0 : i32
        %dma_start3A_359 = tpu.memref_slice %arg6[%add3A_357, %dma_start3A_358] : memref<32x80xi32, #tpu.memory_space<vmem>> -> memref<1x80xi32, #tpu.memory_space<vmem>>
        %dma_start3A_360 = tpu.memref_squeeze %dma_start3A_359 : memref<1x80xi32, #tpu.memory_space<vmem>> -> memref<80xi32, #tpu.memory_space<vmem>>
        %dma_start3A_361 = arith.constant 0 : i32
        %dma_start3A_362 = arith.constant 0 : i32
        %dma_start3A_363 = tpu.memref_slice %arg2[%dma_start3A_361, %dma_start3A_362] : memref<10240x128xf32, #tpu.memory_space<hbm>> -> memref<10240x128xf32, #tpu.memory_space<hbm>>
        tpu.enqueue_indirect_dma source(%dma_start3A_363 : memref<10240x128xf32, #tpu.memory_space<hbm>>) target(%arg9 : memref<80x128xf32, #tpu.memory_space<vmem>>) offsets(%dma_start3A_360 : memref<80xi32, #tpu.memory_space<vmem>>) semaphore(%arg14 : memref<!tpu.dma_semaphore, #tpu.memory_space<semaphore_mem>>)
      } else {
      }
      %add3A_316 = arith.constant 2 : i32
      %add3A_317 = arith.addi %add3A_280, %add3A_316 : i32
      %dma_wait3A_318 = arith.constant 0 : i32
      %dma_wait3A_319 = tpu.memref_slice %arg6[%add3A_317, %dma_wait3A_318] : memref<32x80xi32, #tpu.memory_space<vmem>> -> memref<1x80xi32, #tpu.memory_space<vmem>>
      %dma_wait3A_320 = tpu.memref_squeeze %dma_wait3A_319 : memref<1x80xi32, #tpu.memory_space<vmem>> -> memref<80xi32, #tpu.memory_space<vmem>>
      %dma_wait3A_321 = arith.constant 0 : i32
      %dma_wait3A_322 = arith.constant 0 : i32
      %dma_wait3A_323 = tpu.memref_slice %arg2[%dma_wait3A_321, %dma_wait3A_322] : memref<10240x128xf32, #tpu.memory_space<hbm>> -> memref<10240x128xf32, #tpu.memory_space<hbm>>
      tpu.wait_indirect_dma semaphore(%arg15 : memref<!tpu.dma_semaphore, #tpu.memory_space<semaphore_mem>>) src(%dma_wait3A_323 : memref<10240x128xf32, #tpu.memory_space<hbm>>) dst(%arg10 : memref<80x128xf32, #tpu.memory_space<vmem>>)
      %add3A_324 = arith.constant 2 : i32
      %add3A_325 = arith.addi %add3A_280, %add3A_324 : i32
      "tpu.region"() ({
        %run_scoped3A_354 = tpu.sem_alloc : memref<!tpu.dma_semaphore, #tpu.memory_space<semaphore_mem>>
        %dma_start3A_355 = arith.constant 0 : i32
        %dma_start3A_356 = tpu.memref_slice %arg7[%add3A_325, %dma_start3A_355] : memref<32x80xi32, #tpu.memory_space<vmem>> -> memref<1x80xi32, #tpu.memory_space<vmem>>
        %dma_start3A_357 = tpu.memref_squeeze %dma_start3A_356 : memref<1x80xi32, #tpu.memory_space<vmem>> -> memref<80xi32, #tpu.memory_space<vmem>>
        %dma_start3A_358 = arith.constant 0 : i32
        %dma_start3A_359 = arith.constant 0 : i32
        %dma_start3A_360 = tpu.memref_slice %arg12[%dma_start3A_358, %dma_start3A_359] : memref<10240x128xf32, #tpu.memory_space<vmem_shared>> -> memref<10240x128xf32, #tpu.memory_space<vmem_shared>>
        tpu.enqueue_indirect_dma source(%arg10 : memref<80x128xf32, #tpu.memory_space<vmem>>) target(%dma_start3A_360 : memref<10240x128xf32, #tpu.memory_space<vmem_shared>>) offsets(%dma_start3A_357 : memref<80xi32, #tpu.memory_space<vmem>>) semaphore(%run_scoped3A_354 : memref<!tpu.dma_semaphore, #tpu.memory_space<semaphore_mem>>) {add = true}
        %dma_wait3A_361 = arith.constant 0 : i32
        %dma_wait3A_362 = tpu.memref_slice %arg7[%add3A_325, %dma_wait3A_361] : memref<32x80xi32, #tpu.memory_space<vmem>> -> memref<1x80xi32, #tpu.memory_space<vmem>>
        %dma_wait3A_363 = tpu.memref_squeeze %dma_wait3A_362 : memref<1x80xi32, #tpu.memory_space<vmem>> -> memref<80xi32, #tpu.memory_space<vmem>>
        %dma_wait3A_364 = arith.constant 0 : i32
        %dma_wait3A_365 = arith.constant 0 : i32
        %dma_wait3A_366 = tpu.memref_slice %arg12[%dma_wait3A_364, %dma_wait3A_365] : memref<10240x128xf32, #tpu.memory_space<vmem_shared>> -> memref<10240x128xf32, #tpu.memory_space<vmem_shared>>
        tpu.wait_indirect_dma semaphore(%run_scoped3A_354 : memref<!tpu.dma_semaphore, #tpu.memory_space<semaphore_mem>>) src(%arg10 : memref<80x128xf32, #tpu.memory_space<vmem>>) dst(%dma_wait3A_366 : memref<10240x128xf32, #tpu.memory_space<vmem_shared>>)
        tpu.yield
      }) : () -> ()
      %add3A_326 = arith.constant 2 : i32
      %add3A_327 = arith.addi %add3A_280, %add3A_326 : i32
      %add3A_328 = arith.constant 4 : i32
      %add3A_329 = arith.addi %add3A_327, %add3A_328 : i32
      %lt3A_330 = arith.constant 32 : i32
      %lt3A_331 = arith.cmpi slt, %add3A_329, %lt3A_330 : i32
      %convert_element_type3A_332 = arith.extui %lt3A_331 : i1 to i32
      %cond3A_333 = arith.constant 0 : i32
      %cond3A_334 = arith.cmpi ne, %convert_element_type3A_332, %cond3A_333 : i32
      scf.if %cond3A_334 {
        %add3A_354 = arith.constant 2 : i32
        %add3A_355 = arith.addi %add3A_280, %add3A_354 : i32
        %add3A_356 = arith.constant 4 : i32
        %add3A_357 = arith.addi %add3A_355, %add3A_356 : i32
        %dma_start3A_358 = arith.constant 0 : i32
        %dma_start3A_359 = tpu.memref_slice %arg6[%add3A_357, %dma_start3A_358] : memref<32x80xi32, #tpu.memory_space<vmem>> -> memref<1x80xi32, #tpu.memory_space<vmem>>
        %dma_start3A_360 = tpu.memref_squeeze %dma_start3A_359 : memref<1x80xi32, #tpu.memory_space<vmem>> -> memref<80xi32, #tpu.memory_space<vmem>>
        %dma_start3A_361 = arith.constant 0 : i32
        %dma_start3A_362 = arith.constant 0 : i32
        %dma_start3A_363 = tpu.memref_slice %arg2[%dma_start3A_361, %dma_start3A_362] : memref<10240x128xf32, #tpu.memory_space<hbm>> -> memref<10240x128xf32, #tpu.memory_space<hbm>>
        tpu.enqueue_indirect_dma source(%dma_start3A_363 : memref<10240x128xf32, #tpu.memory_space<hbm>>) target(%arg10 : memref<80x128xf32, #tpu.memory_space<vmem>>) offsets(%dma_start3A_360 : memref<80xi32, #tpu.memory_space<vmem>>) semaphore(%arg15 : memref<!tpu.dma_semaphore, #tpu.memory_space<semaphore_mem>>)
      } else {
      }
      %add3A_335 = arith.constant 3 : i32
      %add3A_336 = arith.addi %add3A_280, %add3A_335 : i32
      %dma_wait3A_337 = arith.constant 0 : i32
      %dma_wait3A_338 = tpu.memref_slice %arg6[%add3A_336, %dma_wait3A_337] : memref<32x80xi32, #tpu.memory_space<vmem>> -> memref<1x80xi32, #tpu.memory_space<vmem>>
      %dma_wait3A_339 = tpu.memref_squeeze %dma_wait3A_338 : memref<1x80xi32, #tpu.memory_space<vmem>> -> memref<80xi32, #tpu.memory_space<vmem>>
      %dma_wait3A_340 = arith.constant 0 : i32
      %dma_wait3A_341 = arith.constant 0 : i32
      %dma_wait3A_342 = tpu.memref_slice %arg2[%dma_wait3A_340, %dma_wait3A_341] : memref<10240x128xf32, #tpu.memory_space<hbm>> -> memref<10240x128xf32, #tpu.memory_space<hbm>>
      tpu.wait_indirect_dma semaphore(%arg16 : memref<!tpu.dma_semaphore, #tpu.memory_space<semaphore_mem>>) src(%dma_wait3A_342 : memref<10240x128xf32, #tpu.memory_space<hbm>>) dst(%arg11 : memref<80x128xf32, #tpu.memory_space<vmem>>)
      %add3A_343 = arith.constant 3 : i32
      %add3A_344 = arith.addi %add3A_280, %add3A_343 : i32
      "tpu.region"() ({
        %run_scoped3A_354 = tpu.sem_alloc : memref<!tpu.dma_semaphore, #tpu.memory_space<semaphore_mem>>
        %dma_start3A_355 = arith.constant 0 : i32
        %dma_start3A_356 = tpu.memref_slice %arg7[%add3A_344, %dma_start3A_355] : memref<32x80xi32, #tpu.memory_space<vmem>> -> memref<1x80xi32, #tpu.memory_space<vmem>>
        %dma_start3A_357 = tpu.memref_squeeze %dma_start3A_356 : memref<1x80xi32, #tpu.memory_space<vmem>> -> memref<80xi32, #tpu.memory_space<vmem>>
        %dma_start3A_358 = arith.constant 0 : i32
        %dma_start3A_359 = arith.constant 0 : i32
        %dma_start3A_360 = tpu.memref_slice %arg12[%dma_start3A_358, %dma_start3A_359] : memref<10240x128xf32, #tpu.memory_space<vmem_shared>> -> memref<10240x128xf32, #tpu.memory_space<vmem_shared>>
        tpu.enqueue_indirect_dma source(%arg11 : memref<80x128xf32, #tpu.memory_space<vmem>>) target(%dma_start3A_360 : memref<10240x128xf32, #tpu.memory_space<vmem_shared>>) offsets(%dma_start3A_357 : memref<80xi32, #tpu.memory_space<vmem>>) semaphore(%run_scoped3A_354 : memref<!tpu.dma_semaphore, #tpu.memory_space<semaphore_mem>>) {add = true}
        %dma_wait3A_361 = arith.constant 0 : i32
        %dma_wait3A_362 = tpu.memref_slice %arg7[%add3A_344, %dma_wait3A_361] : memref<32x80xi32, #tpu.memory_space<vmem>> -> memref<1x80xi32, #tpu.memory_space<vmem>>
        %dma_wait3A_363 = tpu.memref_squeeze %dma_wait3A_362 : memref<1x80xi32, #tpu.memory_space<vmem>> -> memref<80xi32, #tpu.memory_space<vmem>>
        %dma_wait3A_364 = arith.constant 0 : i32
        %dma_wait3A_365 = arith.constant 0 : i32
        %dma_wait3A_366 = tpu.memref_slice %arg12[%dma_wait3A_364, %dma_wait3A_365] : memref<10240x128xf32, #tpu.memory_space<vmem_shared>> -> memref<10240x128xf32, #tpu.memory_space<vmem_shared>>
        tpu.wait_indirect_dma semaphore(%run_scoped3A_354 : memref<!tpu.dma_semaphore, #tpu.memory_space<semaphore_mem>>) src(%arg11 : memref<80x128xf32, #tpu.memory_space<vmem>>) dst(%dma_wait3A_366 : memref<10240x128xf32, #tpu.memory_space<vmem_shared>>)
        tpu.yield
      }) : () -> ()
      %add3A_345 = arith.constant 3 : i32
      %add3A_346 = arith.addi %add3A_280, %add3A_345 : i32
      %add3A_347 = arith.constant 4 : i32
      %add3A_348 = arith.addi %add3A_346, %add3A_347 : i32
      %lt3A_349 = arith.constant 32 : i32
      %lt3A_350 = arith.cmpi slt, %add3A_348, %lt3A_349 : i32
      %convert_element_type3A_351 = arith.extui %lt3A_350 : i1 to i32
      %cond3A_352 = arith.constant 0 : i32
      %cond3A_353 = arith.cmpi ne, %convert_element_type3A_351, %cond3A_352 : i32
      scf.if %cond3A_353 {
        %add3A_354 = arith.constant 3 : i32
        %add3A_355 = arith.addi %add3A_280, %add3A_354 : i32
        %add3A_356 = arith.constant 4 : i32
        %add3A_357 = arith.addi %add3A_355, %add3A_356 : i32
        %dma_start3A_358 = arith.constant 0 : i32
        %dma_start3A_359 = tpu.memref_slice %arg6[%add3A_357, %dma_start3A_358] : memref<32x80xi32, #tpu.memory_space<vmem>> -> memref<1x80xi32, #tpu.memory_space<vmem>>
        %dma_start3A_360 = tpu.memref_squeeze %dma_start3A_359 : memref<1x80xi32, #tpu.memory_space<vmem>> -> memref<80xi32, #tpu.memory_space<vmem>>
        %dma_start3A_361 = arith.constant 0 : i32
        %dma_start3A_362 = arith.constant 0 : i32
        %dma_start3A_363 = tpu.memref_slice %arg2[%dma_start3A_361, %dma_start3A_362] : memref<10240x128xf32, #tpu.memory_space<hbm>> -> memref<10240x128xf32, #tpu.memory_space<hbm>>
        tpu.enqueue_indirect_dma source(%dma_start3A_363 : memref<10240x128xf32, #tpu.memory_space<hbm>>) target(%arg11 : memref<80x128xf32, #tpu.memory_space<vmem>>) offsets(%dma_start3A_360 : memref<80xi32, #tpu.memory_space<vmem>>) semaphore(%arg16 : memref<!tpu.dma_semaphore, #tpu.memory_space<semaphore_mem>>)
      } else {
      }
    }
    %scan3A_200 = arith.constant 8 : i32
    %run_scoped3A_201 = arith.constant 2 : i32
    "tpu.region"() ({
      %run_scoped3A_276 = tpu.sem_alloc : memref<!tpu.dma_semaphore, #tpu.memory_space<semaphore_mem>>
      %dma_start3A_277 = arith.constant 0 : i32
      %dma_start3A_278 = arith.constant 0 : i32
      %dma_start3A_279 = arith.constant 0 : i32
      %dma_start3A_280 = tpu.memref_slice %arg3[%add3A, %dma_start3A_277, %dma_start3A_278, %dma_start3A_279] : memref<32x4x32x80xi32, #tpu.memory_space<hbm>> -> memref<1x4x32x80xi32, #tpu.memory_space<hbm>>
      %dma_start3A_281 = tpu.memref_squeeze %dma_start3A_280 : memref<1x4x32x80xi32, #tpu.memory_space<hbm>> -> memref<4x32x80xi32, #tpu.memory_space<hbm>>
      %dma_start3A_282 = arith.constant 0 : i32
      %dma_start3A_283 = arith.constant 0 : i32
      %dma_start3A_284 = tpu.memref_slice %dma_start3A_281[%run_scoped3A_201, %dma_start3A_282, %dma_start3A_283] : memref<4x32x80xi32, #tpu.memory_space<hbm>> -> memref<1x32x80xi32, #tpu.memory_space<hbm>>
      %dma_start3A_285 = tpu.memref_squeeze %dma_start3A_284 : memref<1x32x80xi32, #tpu.memory_space<hbm>> -> memref<32x80xi32, #tpu.memory_space<hbm>>
      %dma_start3A_286 = arith.constant 0 : i32
      %dma_start3A_287 = arith.constant 0 : i32
      %dma_start3A_288 = arith.constant 0 : i32
      %dma_start3A_289 = tpu.memref_slice %arg3[%add3A, %dma_start3A_286, %dma_start3A_287, %dma_start3A_288] : memref<32x4x32x80xi32, #tpu.memory_space<hbm>> -> memref<1x4x32x80xi32, #tpu.memory_space<hbm>>
      %dma_start3A_290 = tpu.memref_squeeze %dma_start3A_289 : memref<1x4x32x80xi32, #tpu.memory_space<hbm>> -> memref<4x32x80xi32, #tpu.memory_space<hbm>>
      %dma_start3A_291 = arith.constant 0 : i32
      %dma_start3A_292 = arith.constant 0 : i32
      %dma_start3A_293 = tpu.memref_slice %dma_start3A_290[%run_scoped3A_201, %dma_start3A_291, %dma_start3A_292] : memref<4x32x80xi32, #tpu.memory_space<hbm>> -> memref<1x32x80xi32, #tpu.memory_space<hbm>>
      %dma_start3A_294 = tpu.memref_squeeze %dma_start3A_293 : memref<1x32x80xi32, #tpu.memory_space<hbm>> -> memref<32x80xi32, #tpu.memory_space<hbm>>
      tpu.enqueue_dma source(%dma_start3A_294 : memref<32x80xi32, #tpu.memory_space<hbm>>) target(%arg6 : memref<32x80xi32, #tpu.memory_space<vmem>>) target_semaphore(%run_scoped3A_276 : memref<!tpu.dma_semaphore, #tpu.memory_space<semaphore_mem>>)
      %dma_wait3A_295 = arith.constant 0 : i32
      %dma_wait3A_296 = arith.constant 0 : i32
      %dma_wait3A_297 = arith.constant 0 : i32
      %dma_wait3A_298 = tpu.memref_slice %arg3[%add3A, %dma_wait3A_295, %dma_wait3A_296, %dma_wait3A_297] : memref<32x4x32x80xi32, #tpu.memory_space<hbm>> -> memref<1x4x32x80xi32, #tpu.memory_space<hbm>>
      %dma_wait3A_299 = tpu.memref_squeeze %dma_wait3A_298 : memref<1x4x32x80xi32, #tpu.memory_space<hbm>> -> memref<4x32x80xi32, #tpu.memory_space<hbm>>
      %dma_wait3A_300 = arith.constant 0 : i32
      %dma_wait3A_301 = arith.constant 0 : i32
      %dma_wait3A_302 = tpu.memref_slice %dma_wait3A_299[%run_scoped3A_201, %dma_wait3A_300, %dma_wait3A_301] : memref<4x32x80xi32, #tpu.memory_space<hbm>> -> memref<1x32x80xi32, #tpu.memory_space<hbm>>
      %dma_wait3A_303 = tpu.memref_squeeze %dma_wait3A_302 : memref<1x32x80xi32, #tpu.memory_space<hbm>> -> memref<32x80xi32, #tpu.memory_space<hbm>>
      %dma_wait3A_304 = arith.constant 0 : i32
      %dma_wait3A_305 = arith.constant 0 : i32
      %dma_wait3A_306 = arith.constant 0 : i32
      %dma_wait3A_307 = tpu.memref_slice %arg3[%add3A, %dma_wait3A_304, %dma_wait3A_305, %dma_wait3A_306] : memref<32x4x32x80xi32, #tpu.memory_space<hbm>> -> memref<1x4x32x80xi32, #tpu.memory_space<hbm>>
      %dma_wait3A_308 = tpu.memref_squeeze %dma_wait3A_307 : memref<1x4x32x80xi32, #tpu.memory_space<hbm>> -> memref<4x32x80xi32, #tpu.memory_space<hbm>>
      %dma_wait3A_309 = arith.constant 0 : i32
      %dma_wait3A_310 = arith.constant 0 : i32
      %dma_wait3A_311 = tpu.memref_slice %dma_wait3A_308[%run_scoped3A_201, %dma_wait3A_309, %dma_wait3A_310] : memref<4x32x80xi32, #tpu.memory_space<hbm>> -> memref<1x32x80xi32, #tpu.memory_space<hbm>>
      %dma_wait3A_312 = tpu.memref_squeeze %dma_wait3A_311 : memref<1x32x80xi32, #tpu.memory_space<hbm>> -> memref<32x80xi32, #tpu.memory_space<hbm>>
      tpu.wait_dma2 semaphore(%run_scoped3A_276 : memref<!tpu.dma_semaphore, #tpu.memory_space<semaphore_mem>>) src(%dma_wait3A_312 : memref<32x80xi32, #tpu.memory_space<hbm>>) dst(%arg6 : memref<32x80xi32, #tpu.memory_space<vmem>>)
      tpu.yield
    }) : () -> ()
    %run_scoped3A_202 = arith.constant 2 : i32
    "tpu.region"() ({
      %run_scoped3A_276 = tpu.sem_alloc : memref<!tpu.dma_semaphore, #tpu.memory_space<semaphore_mem>>
      %dma_start3A_277 = arith.constant 0 : i32
      %dma_start3A_278 = arith.constant 0 : i32
      %dma_start3A_279 = arith.constant 0 : i32
      %dma_start3A_280 = tpu.memref_slice %arg4[%add3A, %dma_start3A_277, %dma_start3A_278, %dma_start3A_279] : memref<32x4x32x80xi32, #tpu.memory_space<hbm>> -> memref<1x4x32x80xi32, #tpu.memory_space<hbm>>
      %dma_start3A_281 = tpu.memref_squeeze %dma_start3A_280 : memref<1x4x32x80xi32, #tpu.memory_space<hbm>> -> memref<4x32x80xi32, #tpu.memory_space<hbm>>
      %dma_start3A_282 = arith.constant 0 : i32
      %dma_start3A_283 = arith.constant 0 : i32
      %dma_start3A_284 = tpu.memref_slice %dma_start3A_281[%run_scoped3A_202, %dma_start3A_282, %dma_start3A_283] : memref<4x32x80xi32, #tpu.memory_space<hbm>> -> memref<1x32x80xi32, #tpu.memory_space<hbm>>
      %dma_start3A_285 = tpu.memref_squeeze %dma_start3A_284 : memref<1x32x80xi32, #tpu.memory_space<hbm>> -> memref<32x80xi32, #tpu.memory_space<hbm>>
      %dma_start3A_286 = arith.constant 0 : i32
      %dma_start3A_287 = arith.constant 0 : i32
      %dma_start3A_288 = arith.constant 0 : i32
      %dma_start3A_289 = tpu.memref_slice %arg4[%add3A, %dma_start3A_286, %dma_start3A_287, %dma_start3A_288] : memref<32x4x32x80xi32, #tpu.memory_space<hbm>> -> memref<1x4x32x80xi32, #tpu.memory_space<hbm>>
      %dma_start3A_290 = tpu.memref_squeeze %dma_start3A_289 : memref<1x4x32x80xi32, #tpu.memory_space<hbm>> -> memref<4x32x80xi32, #tpu.memory_space<hbm>>
      %dma_start3A_291 = arith.constant 0 : i32
      %dma_start3A_292 = arith.constant 0 : i32
      %dma_start3A_293 = tpu.memref_slice %dma_start3A_290[%run_scoped3A_202, %dma_start3A_291, %dma_start3A_292] : memref<4x32x80xi32, #tpu.memory_space<hbm>> -> memref<1x32x80xi32, #tpu.memory_space<hbm>>
      %dma_start3A_294 = tpu.memref_squeeze %dma_start3A_293 : memref<1x32x80xi32, #tpu.memory_space<hbm>> -> memref<32x80xi32, #tpu.memory_space<hbm>>
      tpu.enqueue_dma source(%dma_start3A_294 : memref<32x80xi32, #tpu.memory_space<hbm>>) target(%arg7 : memref<32x80xi32, #tpu.memory_space<vmem>>) target_semaphore(%run_scoped3A_276 : memref<!tpu.dma_semaphore, #tpu.memory_space<semaphore_mem>>)
      %dma_wait3A_295 = arith.constant 0 : i32
      %dma_wait3A_296 = arith.constant 0 : i32
      %dma_wait3A_297 = arith.constant 0 : i32
      %dma_wait3A_298 = tpu.memref_slice %arg4[%add3A, %dma_wait3A_295, %dma_wait3A_296, %dma_wait3A_297] : memref<32x4x32x80xi32, #tpu.memory_space<hbm>> -> memref<1x4x32x80xi32, #tpu.memory_space<hbm>>
      %dma_wait3A_299 = tpu.memref_squeeze %dma_wait3A_298 : memref<1x4x32x80xi32, #tpu.memory_space<hbm>> -> memref<4x32x80xi32, #tpu.memory_space<hbm>>
      %dma_wait3A_300 = arith.constant 0 : i32
      %dma_wait3A_301 = arith.constant 0 : i32
      %dma_wait3A_302 = tpu.memref_slice %dma_wait3A_299[%run_scoped3A_202, %dma_wait3A_300, %dma_wait3A_301] : memref<4x32x80xi32, #tpu.memory_space<hbm>> -> memref<1x32x80xi32, #tpu.memory_space<hbm>>
      %dma_wait3A_303 = tpu.memref_squeeze %dma_wait3A_302 : memref<1x32x80xi32, #tpu.memory_space<hbm>> -> memref<32x80xi32, #tpu.memory_space<hbm>>
      %dma_wait3A_304 = arith.constant 0 : i32
      %dma_wait3A_305 = arith.constant 0 : i32
      %dma_wait3A_306 = arith.constant 0 : i32
      %dma_wait3A_307 = tpu.memref_slice %arg4[%add3A, %dma_wait3A_304, %dma_wait3A_305, %dma_wait3A_306] : memref<32x4x32x80xi32, #tpu.memory_space<hbm>> -> memref<1x4x32x80xi32, #tpu.memory_space<hbm>>
      %dma_wait3A_308 = tpu.memref_squeeze %dma_wait3A_307 : memref<1x4x32x80xi32, #tpu.memory_space<hbm>> -> memref<4x32x80xi32, #tpu.memory_space<hbm>>
      %dma_wait3A_309 = arith.constant 0 : i32
      %dma_wait3A_310 = arith.constant 0 : i32
      %dma_wait3A_311 = tpu.memref_slice %dma_wait3A_308[%run_scoped3A_202, %dma_wait3A_309, %dma_wait3A_310] : memref<4x32x80xi32, #tpu.memory_space<hbm>> -> memref<1x32x80xi32, #tpu.memory_space<hbm>>
      %dma_wait3A_312 = tpu.memref_squeeze %dma_wait3A_311 : memref<1x32x80xi32, #tpu.memory_space<hbm>> -> memref<32x80xi32, #tpu.memory_space<hbm>>
      tpu.wait_dma2 semaphore(%run_scoped3A_276 : memref<!tpu.dma_semaphore, #tpu.memory_space<semaphore_mem>>) src(%dma_wait3A_312 : memref<32x80xi32, #tpu.memory_space<hbm>>) dst(%arg7 : memref<32x80xi32, #tpu.memory_space<vmem>>)
      tpu.yield
    }) : () -> ()
    %dma_start3A_203 = arith.constant 0 : i32
    %dma_start3A_204 = arith.constant 0 : i32
    %dma_start3A_205 = tpu.memref_slice %arg6[%dma_start3A_203, %dma_start3A_204] : memref<32x80xi32, #tpu.memory_space<vmem>> -> memref<1x80xi32, #tpu.memory_space<vmem>>
    %dma_start3A_206 = tpu.memref_squeeze %dma_start3A_205 : memref<1x80xi32, #tpu.memory_space<vmem>> -> memref<80xi32, #tpu.memory_space<vmem>>
    %dma_start3A_207 = arith.constant 0 : i32
    %dma_start3A_208 = arith.constant 0 : i32
    %dma_start3A_209 = tpu.memref_slice %arg2[%dma_start3A_207, %dma_start3A_208] : memref<10240x128xf32, #tpu.memory_space<hbm>> -> memref<10240x128xf32, #tpu.memory_space<hbm>>
    tpu.enqueue_indirect_dma source(%dma_start3A_209 : memref<10240x128xf32, #tpu.memory_space<hbm>>) target(%arg8 : memref<80x128xf32, #tpu.memory_space<vmem>>) offsets(%dma_start3A_206 : memref<80xi32, #tpu.memory_space<vmem>>) semaphore(%arg13 : memref<!tpu.dma_semaphore, #tpu.memory_space<semaphore_mem>>)
    %dma_start3A_210 = arith.constant 1 : i32
    %dma_start3A_211 = arith.constant 0 : i32
    %dma_start3A_212 = tpu.memref_slice %arg6[%dma_start3A_210, %dma_start3A_211] : memref<32x80xi32, #tpu.memory_space<vmem>> -> memref<1x80xi32, #tpu.memory_space<vmem>>
    %dma_start3A_213 = tpu.memref_squeeze %dma_start3A_212 : memref<1x80xi32, #tpu.memory_space<vmem>> -> memref<80xi32, #tpu.memory_space<vmem>>
    %dma_start3A_214 = arith.constant 0 : i32
    %dma_start3A_215 = arith.constant 0 : i32
    %dma_start3A_216 = tpu.memref_slice %arg2[%dma_start3A_214, %dma_start3A_215] : memref<10240x128xf32, #tpu.memory_space<hbm>> -> memref<10240x128xf32, #tpu.memory_space<hbm>>
    tpu.enqueue_indirect_dma source(%dma_start3A_216 : memref<10240x128xf32, #tpu.memory_space<hbm>>) target(%arg9 : memref<80x128xf32, #tpu.memory_space<vmem>>) offsets(%dma_start3A_213 : memref<80xi32, #tpu.memory_space<vmem>>) semaphore(%arg14 : memref<!tpu.dma_semaphore, #tpu.memory_space<semaphore_mem>>)
    %dma_start3A_217 = arith.constant 2 : i32
    %dma_start3A_218 = arith.constant 0 : i32
    %dma_start3A_219 = tpu.memref_slice %arg6[%dma_start3A_217, %dma_start3A_218] : memref<32x80xi32, #tpu.memory_space<vmem>> -> memref<1x80xi32, #tpu.memory_space<vmem>>
    %dma_start3A_220 = tpu.memref_squeeze %dma_start3A_219 : memref<1x80xi32, #tpu.memory_space<vmem>> -> memref<80xi32, #tpu.memory_space<vmem>>
    %dma_start3A_221 = arith.constant 0 : i32
    %dma_start3A_222 = arith.constant 0 : i32
    %dma_start3A_223 = tpu.memref_slice %arg2[%dma_start3A_221, %dma_start3A_222] : memref<10240x128xf32, #tpu.memory_space<hbm>> -> memref<10240x128xf32, #tpu.memory_space<hbm>>
    tpu.enqueue_indirect_dma source(%dma_start3A_223 : memref<10240x128xf32, #tpu.memory_space<hbm>>) target(%arg10 : memref<80x128xf32, #tpu.memory_space<vmem>>) offsets(%dma_start3A_220 : memref<80xi32, #tpu.memory_space<vmem>>) semaphore(%arg15 : memref<!tpu.dma_semaphore, #tpu.memory_space<semaphore_mem>>)
    %dma_start3A_224 = arith.constant 3 : i32
    %dma_start3A_225 = arith.constant 0 : i32
    %dma_start3A_226 = tpu.memref_slice %arg6[%dma_start3A_224, %dma_start3A_225] : memref<32x80xi32, #tpu.memory_space<vmem>> -> memref<1x80xi32, #tpu.memory_space<vmem>>
    %dma_start3A_227 = tpu.memref_squeeze %dma_start3A_226 : memref<1x80xi32, #tpu.memory_space<vmem>> -> memref<80xi32, #tpu.memory_space<vmem>>
    %dma_start3A_228 = arith.constant 0 : i32
    %dma_start3A_229 = arith.constant 0 : i32
    %dma_start3A_230 = tpu.memref_slice %arg2[%dma_start3A_228, %dma_start3A_229] : memref<10240x128xf32, #tpu.memory_space<hbm>> -> memref<10240x128xf32, #tpu.memory_space<hbm>>
    tpu.enqueue_indirect_dma source(%dma_start3A_230 : memref<10240x128xf32, #tpu.memory_space<hbm>>) target(%arg11 : memref<80x128xf32, #tpu.memory_space<vmem>>) offsets(%dma_start3A_227 : memref<80xi32, #tpu.memory_space<vmem>>) semaphore(%arg16 : memref<!tpu.dma_semaphore, #tpu.memory_space<semaphore_mem>>)
    %scan3A_231 = arith.constant 0 : i32
    %scan3A_232 = arith.constant 8 : i32
    %scan3A_233 = arith.addi %scan3A_231, %scan3A_232 : i32
    %scan3A_234 = arith.constant 1 : i32
    scf.for %scan3A_276 = %scan3A_231 to %scan3A_233 step %scan3A_234  : i32 {
      %mul3A_277 = arith.constant 4 : i32
      %mul3A_278 = arith.muli %scan3A_276, %mul3A_277 : i32
      %add3A_279 = arith.constant 0 : i32
      %add3A_280 = arith.addi %add3A_279, %mul3A_278 : i32
      %add3A_281 = arith.constant 0 : i32
      %add3A_282 = arith.addi %add3A_280, %add3A_281 : i32
      %dma_wait3A_283 = arith.constant 0 : i32
      %dma_wait3A_284 = tpu.memref_slice %arg6[%add3A_282, %dma_wait3A_283] : memref<32x80xi32, #tpu.memory_space<vmem>> -> memref<1x80xi32, #tpu.memory_space<vmem>>
      %dma_wait3A_285 = tpu.memref_squeeze %dma_wait3A_284 : memref<1x80xi32, #tpu.memory_space<vmem>> -> memref<80xi32, #tpu.memory_space<vmem>>
      %dma_wait3A_286 = arith.constant 0 : i32
      %dma_wait3A_287 = arith.constant 0 : i32
      %dma_wait3A_288 = tpu.memref_slice %arg2[%dma_wait3A_286, %dma_wait3A_287] : memref<10240x128xf32, #tpu.memory_space<hbm>> -> memref<10240x128xf32, #tpu.memory_space<hbm>>
      tpu.wait_indirect_dma semaphore(%arg13 : memref<!tpu.dma_semaphore, #tpu.memory_space<semaphore_mem>>) src(%dma_wait3A_288 : memref<10240x128xf32, #tpu.memory_space<hbm>>) dst(%arg8 : memref<80x128xf32, #tpu.memory_space<vmem>>)
      %add3A_289 = arith.constant 0 : i32
      %add3A_290 = arith.addi %add3A_280, %add3A_289 : i32
      "tpu.region"() ({
        %run_scoped3A_354 = tpu.sem_alloc : memref<!tpu.dma_semaphore, #tpu.memory_space<semaphore_mem>>
        %dma_start3A_355 = arith.constant 0 : i32
        %dma_start3A_356 = tpu.memref_slice %arg7[%add3A_290, %dma_start3A_355] : memref<32x80xi32, #tpu.memory_space<vmem>> -> memref<1x80xi32, #tpu.memory_space<vmem>>
        %dma_start3A_357 = tpu.memref_squeeze %dma_start3A_356 : memref<1x80xi32, #tpu.memory_space<vmem>> -> memref<80xi32, #tpu.memory_space<vmem>>
        %dma_start3A_358 = arith.constant 0 : i32
        %dma_start3A_359 = arith.constant 0 : i32
        %dma_start3A_360 = tpu.memref_slice %arg12[%dma_start3A_358, %dma_start3A_359] : memref<10240x128xf32, #tpu.memory_space<vmem_shared>> -> memref<10240x128xf32, #tpu.memory_space<vmem_shared>>
        tpu.enqueue_indirect_dma source(%arg8 : memref<80x128xf32, #tpu.memory_space<vmem>>) target(%dma_start3A_360 : memref<10240x128xf32, #tpu.memory_space<vmem_shared>>) offsets(%dma_start3A_357 : memref<80xi32, #tpu.memory_space<vmem>>) semaphore(%run_scoped3A_354 : memref<!tpu.dma_semaphore, #tpu.memory_space<semaphore_mem>>) {add = true}
        %dma_wait3A_361 = arith.constant 0 : i32
        %dma_wait3A_362 = tpu.memref_slice %arg7[%add3A_290, %dma_wait3A_361] : memref<32x80xi32, #tpu.memory_space<vmem>> -> memref<1x80xi32, #tpu.memory_space<vmem>>
        %dma_wait3A_363 = tpu.memref_squeeze %dma_wait3A_362 : memref<1x80xi32, #tpu.memory_space<vmem>> -> memref<80xi32, #tpu.memory_space<vmem>>
        %dma_wait3A_364 = arith.constant 0 : i32
        %dma_wait3A_365 = arith.constant 0 : i32
        %dma_wait3A_366 = tpu.memref_slice %arg12[%dma_wait3A_364, %dma_wait3A_365] : memref<10240x128xf32, #tpu.memory_space<vmem_shared>> -> memref<10240x128xf32, #tpu.memory_space<vmem_shared>>
        tpu.wait_indirect_dma semaphore(%run_scoped3A_354 : memref<!tpu.dma_semaphore, #tpu.memory_space<semaphore_mem>>) src(%arg8 : memref<80x128xf32, #tpu.memory_space<vmem>>) dst(%dma_wait3A_366 : memref<10240x128xf32, #tpu.memory_space<vmem_shared>>)
        tpu.yield
      }) : () -> ()
      %add3A_291 = arith.constant 0 : i32
      %add3A_292 = arith.addi %add3A_280, %add3A_291 : i32
      %add3A_293 = arith.constant 4 : i32
      %add3A_294 = arith.addi %add3A_292, %add3A_293 : i32
      %lt3A = arith.constant 32 : i32
      %lt3A_295 = arith.cmpi slt, %add3A_294, %lt3A : i32
      %convert_element_type3A = arith.extui %lt3A_295 : i1 to i32
      %cond3A = arith.constant 0 : i32
      %cond3A_296 = arith.cmpi ne, %convert_element_type3A, %cond3A : i32
      scf.if %cond3A_296 {
        %add3A_354 = arith.constant 0 : i32
        %add3A_355 = arith.addi %add3A_280, %add3A_354 : i32
        %add3A_356 = arith.constant 4 : i32
        %add3A_357 = arith.addi %add3A_355, %add3A_356 : i32
        %dma_start3A_358 = arith.constant 0 : i32
        %dma_start3A_359 = tpu.memref_slice %arg6[%add3A_357, %dma_start3A_358] : memref<32x80xi32, #tpu.memory_space<vmem>> -> memref<1x80xi32, #tpu.memory_space<vmem>>
        %dma_start3A_360 = tpu.memref_squeeze %dma_start3A_359 : memref<1x80xi32, #tpu.memory_space<vmem>> -> memref<80xi32, #tpu.memory_space<vmem>>
        %dma_start3A_361 = arith.constant 0 : i32
        %dma_start3A_362 = arith.constant 0 : i32
        %dma_start3A_363 = tpu.memref_slice %arg2[%dma_start3A_361, %dma_start3A_362] : memref<10240x128xf32, #tpu.memory_space<hbm>> -> memref<10240x128xf32, #tpu.memory_space<hbm>>
        tpu.enqueue_indirect_dma source(%dma_start3A_363 : memref<10240x128xf32, #tpu.memory_space<hbm>>) target(%arg8 : memref<80x128xf32, #tpu.memory_space<vmem>>) offsets(%dma_start3A_360 : memref<80xi32, #tpu.memory_space<vmem>>) semaphore(%arg13 : memref<!tpu.dma_semaphore, #tpu.memory_space<semaphore_mem>>)
      } else {
      }
      %add3A_297 = arith.constant 1 : i32
      %add3A_298 = arith.addi %add3A_280, %add3A_297 : i32
      %dma_wait3A_299 = arith.constant 0 : i32
      %dma_wait3A_300 = tpu.memref_slice %arg6[%add3A_298, %dma_wait3A_299] : memref<32x80xi32, #tpu.memory_space<vmem>> -> memref<1x80xi32, #tpu.memory_space<vmem>>
      %dma_wait3A_301 = tpu.memref_squeeze %dma_wait3A_300 : memref<1x80xi32, #tpu.memory_space<vmem>> -> memref<80xi32, #tpu.memory_space<vmem>>
      %dma_wait3A_302 = arith.constant 0 : i32
      %dma_wait3A_303 = arith.constant 0 : i32
      %dma_wait3A_304 = tpu.memref_slice %arg2[%dma_wait3A_302, %dma_wait3A_303] : memref<10240x128xf32, #tpu.memory_space<hbm>> -> memref<10240x128xf32, #tpu.memory_space<hbm>>
      tpu.wait_indirect_dma semaphore(%arg14 : memref<!tpu.dma_semaphore, #tpu.memory_space<semaphore_mem>>) src(%dma_wait3A_304 : memref<10240x128xf32, #tpu.memory_space<hbm>>) dst(%arg9 : memref<80x128xf32, #tpu.memory_space<vmem>>)
      %add3A_305 = arith.constant 1 : i32
      %add3A_306 = arith.addi %add3A_280, %add3A_305 : i32
      "tpu.region"() ({
        %run_scoped3A_354 = tpu.sem_alloc : memref<!tpu.dma_semaphore, #tpu.memory_space<semaphore_mem>>
        %dma_start3A_355 = arith.constant 0 : i32
        %dma_start3A_356 = tpu.memref_slice %arg7[%add3A_306, %dma_start3A_355] : memref<32x80xi32, #tpu.memory_space<vmem>> -> memref<1x80xi32, #tpu.memory_space<vmem>>
        %dma_start3A_357 = tpu.memref_squeeze %dma_start3A_356 : memref<1x80xi32, #tpu.memory_space<vmem>> -> memref<80xi32, #tpu.memory_space<vmem>>
        %dma_start3A_358 = arith.constant 0 : i32
        %dma_start3A_359 = arith.constant 0 : i32
        %dma_start3A_360 = tpu.memref_slice %arg12[%dma_start3A_358, %dma_start3A_359] : memref<10240x128xf32, #tpu.memory_space<vmem_shared>> -> memref<10240x128xf32, #tpu.memory_space<vmem_shared>>
        tpu.enqueue_indirect_dma source(%arg9 : memref<80x128xf32, #tpu.memory_space<vmem>>) target(%dma_start3A_360 : memref<10240x128xf32, #tpu.memory_space<vmem_shared>>) offsets(%dma_start3A_357 : memref<80xi32, #tpu.memory_space<vmem>>) semaphore(%run_scoped3A_354 : memref<!tpu.dma_semaphore, #tpu.memory_space<semaphore_mem>>) {add = true}
        %dma_wait3A_361 = arith.constant 0 : i32
        %dma_wait3A_362 = tpu.memref_slice %arg7[%add3A_306, %dma_wait3A_361] : memref<32x80xi32, #tpu.memory_space<vmem>> -> memref<1x80xi32, #tpu.memory_space<vmem>>
        %dma_wait3A_363 = tpu.memref_squeeze %dma_wait3A_362 : memref<1x80xi32, #tpu.memory_space<vmem>> -> memref<80xi32, #tpu.memory_space<vmem>>
        %dma_wait3A_364 = arith.constant 0 : i32
        %dma_wait3A_365 = arith.constant 0 : i32
        %dma_wait3A_366 = tpu.memref_slice %arg12[%dma_wait3A_364, %dma_wait3A_365] : memref<10240x128xf32, #tpu.memory_space<vmem_shared>> -> memref<10240x128xf32, #tpu.memory_space<vmem_shared>>
        tpu.wait_indirect_dma semaphore(%run_scoped3A_354 : memref<!tpu.dma_semaphore, #tpu.memory_space<semaphore_mem>>) src(%arg9 : memref<80x128xf32, #tpu.memory_space<vmem>>) dst(%dma_wait3A_366 : memref<10240x128xf32, #tpu.memory_space<vmem_shared>>)
        tpu.yield
      }) : () -> ()
      %add3A_307 = arith.constant 1 : i32
      %add3A_308 = arith.addi %add3A_280, %add3A_307 : i32
      %add3A_309 = arith.constant 4 : i32
      %add3A_310 = arith.addi %add3A_308, %add3A_309 : i32
      %lt3A_311 = arith.constant 32 : i32
      %lt3A_312 = arith.cmpi slt, %add3A_310, %lt3A_311 : i32
      %convert_element_type3A_313 = arith.extui %lt3A_312 : i1 to i32
      %cond3A_314 = arith.constant 0 : i32
      %cond3A_315 = arith.cmpi ne, %convert_element_type3A_313, %cond3A_314 : i32
      scf.if %cond3A_315 {
        %add3A_354 = arith.constant 1 : i32
        %add3A_355 = arith.addi %add3A_280, %add3A_354 : i32
        %add3A_356 = arith.constant 4 : i32
        %add3A_357 = arith.addi %add3A_355, %add3A_356 : i32
        %dma_start3A_358 = arith.constant 0 : i32
        %dma_start3A_359 = tpu.memref_slice %arg6[%add3A_357, %dma_start3A_358] : memref<32x80xi32, #tpu.memory_space<vmem>> -> memref<1x80xi32, #tpu.memory_space<vmem>>
        %dma_start3A_360 = tpu.memref_squeeze %dma_start3A_359 : memref<1x80xi32, #tpu.memory_space<vmem>> -> memref<80xi32, #tpu.memory_space<vmem>>
        %dma_start3A_361 = arith.constant 0 : i32
        %dma_start3A_362 = arith.constant 0 : i32
        %dma_start3A_363 = tpu.memref_slice %arg2[%dma_start3A_361, %dma_start3A_362] : memref<10240x128xf32, #tpu.memory_space<hbm>> -> memref<10240x128xf32, #tpu.memory_space<hbm>>
        tpu.enqueue_indirect_dma source(%dma_start3A_363 : memref<10240x128xf32, #tpu.memory_space<hbm>>) target(%arg9 : memref<80x128xf32, #tpu.memory_space<vmem>>) offsets(%dma_start3A_360 : memref<80xi32, #tpu.memory_space<vmem>>) semaphore(%arg14 : memref<!tpu.dma_semaphore, #tpu.memory_space<semaphore_mem>>)
      } else {
      }
      %add3A_316 = arith.constant 2 : i32
      %add3A_317 = arith.addi %add3A_280, %add3A_316 : i32
      %dma_wait3A_318 = arith.constant 0 : i32
      %dma_wait3A_319 = tpu.memref_slice %arg6[%add3A_317, %dma_wait3A_318] : memref<32x80xi32, #tpu.memory_space<vmem>> -> memref<1x80xi32, #tpu.memory_space<vmem>>
      %dma_wait3A_320 = tpu.memref_squeeze %dma_wait3A_319 : memref<1x80xi32, #tpu.memory_space<vmem>> -> memref<80xi32, #tpu.memory_space<vmem>>
      %dma_wait3A_321 = arith.constant 0 : i32
      %dma_wait3A_322 = arith.constant 0 : i32
      %dma_wait3A_323 = tpu.memref_slice %arg2[%dma_wait3A_321, %dma_wait3A_322] : memref<10240x128xf32, #tpu.memory_space<hbm>> -> memref<10240x128xf32, #tpu.memory_space<hbm>>
      tpu.wait_indirect_dma semaphore(%arg15 : memref<!tpu.dma_semaphore, #tpu.memory_space<semaphore_mem>>) src(%dma_wait3A_323 : memref<10240x128xf32, #tpu.memory_space<hbm>>) dst(%arg10 : memref<80x128xf32, #tpu.memory_space<vmem>>)
      %add3A_324 = arith.constant 2 : i32
      %add3A_325 = arith.addi %add3A_280, %add3A_324 : i32
      "tpu.region"() ({
        %run_scoped3A_354 = tpu.sem_alloc : memref<!tpu.dma_semaphore, #tpu.memory_space<semaphore_mem>>
        %dma_start3A_355 = arith.constant 0 : i32
        %dma_start3A_356 = tpu.memref_slice %arg7[%add3A_325, %dma_start3A_355] : memref<32x80xi32, #tpu.memory_space<vmem>> -> memref<1x80xi32, #tpu.memory_space<vmem>>
        %dma_start3A_357 = tpu.memref_squeeze %dma_start3A_356 : memref<1x80xi32, #tpu.memory_space<vmem>> -> memref<80xi32, #tpu.memory_space<vmem>>
        %dma_start3A_358 = arith.constant 0 : i32
        %dma_start3A_359 = arith.constant 0 : i32
        %dma_start3A_360 = tpu.memref_slice %arg12[%dma_start3A_358, %dma_start3A_359] : memref<10240x128xf32, #tpu.memory_space<vmem_shared>> -> memref<10240x128xf32, #tpu.memory_space<vmem_shared>>
        tpu.enqueue_indirect_dma source(%arg10 : memref<80x128xf32, #tpu.memory_space<vmem>>) target(%dma_start3A_360 : memref<10240x128xf32, #tpu.memory_space<vmem_shared>>) offsets(%dma_start3A_357 : memref<80xi32, #tpu.memory_space<vmem>>) semaphore(%run_scoped3A_354 : memref<!tpu.dma_semaphore, #tpu.memory_space<semaphore_mem>>) {add = true}
        %dma_wait3A_361 = arith.constant 0 : i32
        %dma_wait3A_362 = tpu.memref_slice %arg7[%add3A_325, %dma_wait3A_361] : memref<32x80xi32, #tpu.memory_space<vmem>> -> memref<1x80xi32, #tpu.memory_space<vmem>>
        %dma_wait3A_363 = tpu.memref_squeeze %dma_wait3A_362 : memref<1x80xi32, #tpu.memory_space<vmem>> -> memref<80xi32, #tpu.memory_space<vmem>>
        %dma_wait3A_364 = arith.constant 0 : i32
        %dma_wait3A_365 = arith.constant 0 : i32
        %dma_wait3A_366 = tpu.memref_slice %arg12[%dma_wait3A_364, %dma_wait3A_365] : memref<10240x128xf32, #tpu.memory_space<vmem_shared>> -> memref<10240x128xf32, #tpu.memory_space<vmem_shared>>
        tpu.wait_indirect_dma semaphore(%run_scoped3A_354 : memref<!tpu.dma_semaphore, #tpu.memory_space<semaphore_mem>>) src(%arg10 : memref<80x128xf32, #tpu.memory_space<vmem>>) dst(%dma_wait3A_366 : memref<10240x128xf32, #tpu.memory_space<vmem_shared>>)
        tpu.yield
      }) : () -> ()
      %add3A_326 = arith.constant 2 : i32
      %add3A_327 = arith.addi %add3A_280, %add3A_326 : i32
      %add3A_328 = arith.constant 4 : i32
      %add3A_329 = arith.addi %add3A_327, %add3A_328 : i32
      %lt3A_330 = arith.constant 32 : i32
      %lt3A_331 = arith.cmpi slt, %add3A_329, %lt3A_330 : i32
      %convert_element_type3A_332 = arith.extui %lt3A_331 : i1 to i32
      %cond3A_333 = arith.constant 0 : i32
      %cond3A_334 = arith.cmpi ne, %convert_element_type3A_332, %cond3A_333 : i32
      scf.if %cond3A_334 {
        %add3A_354 = arith.constant 2 : i32
        %add3A_355 = arith.addi %add3A_280, %add3A_354 : i32
        %add3A_356 = arith.constant 4 : i32
        %add3A_357 = arith.addi %add3A_355, %add3A_356 : i32
        %dma_start3A_358 = arith.constant 0 : i32
        %dma_start3A_359 = tpu.memref_slice %arg6[%add3A_357, %dma_start3A_358] : memref<32x80xi32, #tpu.memory_space<vmem>> -> memref<1x80xi32, #tpu.memory_space<vmem>>
        %dma_start3A_360 = tpu.memref_squeeze %dma_start3A_359 : memref<1x80xi32, #tpu.memory_space<vmem>> -> memref<80xi32, #tpu.memory_space<vmem>>
        %dma_start3A_361 = arith.constant 0 : i32
        %dma_start3A_362 = arith.constant 0 : i32
        %dma_start3A_363 = tpu.memref_slice %arg2[%dma_start3A_361, %dma_start3A_362] : memref<10240x128xf32, #tpu.memory_space<hbm>> -> memref<10240x128xf32, #tpu.memory_space<hbm>>
        tpu.enqueue_indirect_dma source(%dma_start3A_363 : memref<10240x128xf32, #tpu.memory_space<hbm>>) target(%arg10 : memref<80x128xf32, #tpu.memory_space<vmem>>) offsets(%dma_start3A_360 : memref<80xi32, #tpu.memory_space<vmem>>) semaphore(%arg15 : memref<!tpu.dma_semaphore, #tpu.memory_space<semaphore_mem>>)
      } else {
      }
      %add3A_335 = arith.constant 3 : i32
      %add3A_336 = arith.addi %add3A_280, %add3A_335 : i32
      %dma_wait3A_337 = arith.constant 0 : i32
      %dma_wait3A_338 = tpu.memref_slice %arg6[%add3A_336, %dma_wait3A_337] : memref<32x80xi32, #tpu.memory_space<vmem>> -> memref<1x80xi32, #tpu.memory_space<vmem>>
      %dma_wait3A_339 = tpu.memref_squeeze %dma_wait3A_338 : memref<1x80xi32, #tpu.memory_space<vmem>> -> memref<80xi32, #tpu.memory_space<vmem>>
      %dma_wait3A_340 = arith.constant 0 : i32
      %dma_wait3A_341 = arith.constant 0 : i32
      %dma_wait3A_342 = tpu.memref_slice %arg2[%dma_wait3A_340, %dma_wait3A_341] : memref<10240x128xf32, #tpu.memory_space<hbm>> -> memref<10240x128xf32, #tpu.memory_space<hbm>>
      tpu.wait_indirect_dma semaphore(%arg16 : memref<!tpu.dma_semaphore, #tpu.memory_space<semaphore_mem>>) src(%dma_wait3A_342 : memref<10240x128xf32, #tpu.memory_space<hbm>>) dst(%arg11 : memref<80x128xf32, #tpu.memory_space<vmem>>)
      %add3A_343 = arith.constant 3 : i32
      %add3A_344 = arith.addi %add3A_280, %add3A_343 : i32
      "tpu.region"() ({
        %run_scoped3A_354 = tpu.sem_alloc : memref<!tpu.dma_semaphore, #tpu.memory_space<semaphore_mem>>
        %dma_start3A_355 = arith.constant 0 : i32
        %dma_start3A_356 = tpu.memref_slice %arg7[%add3A_344, %dma_start3A_355] : memref<32x80xi32, #tpu.memory_space<vmem>> -> memref<1x80xi32, #tpu.memory_space<vmem>>
        %dma_start3A_357 = tpu.memref_squeeze %dma_start3A_356 : memref<1x80xi32, #tpu.memory_space<vmem>> -> memref<80xi32, #tpu.memory_space<vmem>>
        %dma_start3A_358 = arith.constant 0 : i32
        %dma_start3A_359 = arith.constant 0 : i32
        %dma_start3A_360 = tpu.memref_slice %arg12[%dma_start3A_358, %dma_start3A_359] : memref<10240x128xf32, #tpu.memory_space<vmem_shared>> -> memref<10240x128xf32, #tpu.memory_space<vmem_shared>>
        tpu.enqueue_indirect_dma source(%arg11 : memref<80x128xf32, #tpu.memory_space<vmem>>) target(%dma_start3A_360 : memref<10240x128xf32, #tpu.memory_space<vmem_shared>>) offsets(%dma_start3A_357 : memref<80xi32, #tpu.memory_space<vmem>>) semaphore(%run_scoped3A_354 : memref<!tpu.dma_semaphore, #tpu.memory_space<semaphore_mem>>) {add = true}
        %dma_wait3A_361 = arith.constant 0 : i32
        %dma_wait3A_362 = tpu.memref_slice %arg7[%add3A_344, %dma_wait3A_361] : memref<32x80xi32, #tpu.memory_space<vmem>> -> memref<1x80xi32, #tpu.memory_space<vmem>>
        %dma_wait3A_363 = tpu.memref_squeeze %dma_wait3A_362 : memref<1x80xi32, #tpu.memory_space<vmem>> -> memref<80xi32, #tpu.memory_space<vmem>>
        %dma_wait3A_364 = arith.constant 0 : i32
        %dma_wait3A_365 = arith.constant 0 : i32
        %dma_wait3A_366 = tpu.memref_slice %arg12[%dma_wait3A_364, %dma_wait3A_365] : memref<10240x128xf32, #tpu.memory_space<vmem_shared>> -> memref<10240x128xf32, #tpu.memory_space<vmem_shared>>
        tpu.wait_indirect_dma semaphore(%run_scoped3A_354 : memref<!tpu.dma_semaphore, #tpu.memory_space<semaphore_mem>>) src(%arg11 : memref<80x128xf32, #tpu.memory_space<vmem>>) dst(%dma_wait3A_366 : memref<10240x128xf32, #tpu.memory_space<vmem_shared>>)
        tpu.yield
      }) : () -> ()
      %add3A_345 = arith.constant 3 : i32
      %add3A_346 = arith.addi %add3A_280, %add3A_345 : i32
      %add3A_347 = arith.constant 4 : i32
      %add3A_348 = arith.addi %add3A_346, %add3A_347 : i32
      %lt3A_349 = arith.constant 32 : i32
      %lt3A_350 = arith.cmpi slt, %add3A_348, %lt3A_349 : i32
      %convert_element_type3A_351 = arith.extui %lt3A_350 : i1 to i32
      %cond3A_352 = arith.constant 0 : i32
      %cond3A_353 = arith.cmpi ne, %convert_element_type3A_351, %cond3A_352 : i32
      scf.if %cond3A_353 {
        %add3A_354 = arith.constant 3 : i32
        %add3A_355 = arith.addi %add3A_280, %add3A_354 : i32
        %add3A_356 = arith.constant 4 : i32
        %add3A_357 = arith.addi %add3A_355, %add3A_356 : i32
        %dma_start3A_358 = arith.constant 0 : i32
        %dma_start3A_359 = tpu.memref_slice %arg6[%add3A_357, %dma_start3A_358] : memref<32x80xi32, #tpu.memory_space<vmem>> -> memref<1x80xi32, #tpu.memory_space<vmem>>
        %dma_start3A_360 = tpu.memref_squeeze %dma_start3A_359 : memref<1x80xi32, #tpu.memory_space<vmem>> -> memref<80xi32, #tpu.memory_space<vmem>>
        %dma_start3A_361 = arith.constant 0 : i32
        %dma_start3A_362 = arith.constant 0 : i32
        %dma_start3A_363 = tpu.memref_slice %arg2[%dma_start3A_361, %dma_start3A_362] : memref<10240x128xf32, #tpu.memory_space<hbm>> -> memref<10240x128xf32, #tpu.memory_space<hbm>>
        tpu.enqueue_indirect_dma source(%dma_start3A_363 : memref<10240x128xf32, #tpu.memory_space<hbm>>) target(%arg11 : memref<80x128xf32, #tpu.memory_space<vmem>>) offsets(%dma_start3A_360 : memref<80xi32, #tpu.memory_space<vmem>>) semaphore(%arg16 : memref<!tpu.dma_semaphore, #tpu.memory_space<semaphore_mem>>)
      } else {
      }
    }
    %scan3A_235 = arith.constant 8 : i32
    %run_scoped3A_236 = arith.constant 3 : i32
    "tpu.region"() ({
      %run_scoped3A_276 = tpu.sem_alloc : memref<!tpu.dma_semaphore, #tpu.memory_space<semaphore_mem>>
      %dma_start3A_277 = arith.constant 0 : i32
      %dma_start3A_278 = arith.constant 0 : i32
      %dma_start3A_279 = arith.constant 0 : i32
      %dma_start3A_280 = tpu.memref_slice %arg3[%add3A, %dma_start3A_277, %dma_start3A_278, %dma_start3A_279] : memref<32x4x32x80xi32, #tpu.memory_space<hbm>> -> memref<1x4x32x80xi32, #tpu.memory_space<hbm>>
      %dma_start3A_281 = tpu.memref_squeeze %dma_start3A_280 : memref<1x4x32x80xi32, #tpu.memory_space<hbm>> -> memref<4x32x80xi32, #tpu.memory_space<hbm>>
      %dma_start3A_282 = arith.constant 0 : i32
      %dma_start3A_283 = arith.constant 0 : i32
      %dma_start3A_284 = tpu.memref_slice %dma_start3A_281[%run_scoped3A_236, %dma_start3A_282, %dma_start3A_283] : memref<4x32x80xi32, #tpu.memory_space<hbm>> -> memref<1x32x80xi32, #tpu.memory_space<hbm>>
      %dma_start3A_285 = tpu.memref_squeeze %dma_start3A_284 : memref<1x32x80xi32, #tpu.memory_space<hbm>> -> memref<32x80xi32, #tpu.memory_space<hbm>>
      %dma_start3A_286 = arith.constant 0 : i32
      %dma_start3A_287 = arith.constant 0 : i32
      %dma_start3A_288 = arith.constant 0 : i32
      %dma_start3A_289 = tpu.memref_slice %arg3[%add3A, %dma_start3A_286, %dma_start3A_287, %dma_start3A_288] : memref<32x4x32x80xi32, #tpu.memory_space<hbm>> -> memref<1x4x32x80xi32, #tpu.memory_space<hbm>>
      %dma_start3A_290 = tpu.memref_squeeze %dma_start3A_289 : memref<1x4x32x80xi32, #tpu.memory_space<hbm>> -> memref<4x32x80xi32, #tpu.memory_space<hbm>>
      %dma_start3A_291 = arith.constant 0 : i32
      %dma_start3A_292 = arith.constant 0 : i32
      %dma_start3A_293 = tpu.memref_slice %dma_start3A_290[%run_scoped3A_236, %dma_start3A_291, %dma_start3A_292] : memref<4x32x80xi32, #tpu.memory_space<hbm>> -> memref<1x32x80xi32, #tpu.memory_space<hbm>>
      %dma_start3A_294 = tpu.memref_squeeze %dma_start3A_293 : memref<1x32x80xi32, #tpu.memory_space<hbm>> -> memref<32x80xi32, #tpu.memory_space<hbm>>
      tpu.enqueue_dma source(%dma_start3A_294 : memref<32x80xi32, #tpu.memory_space<hbm>>) target(%arg6 : memref<32x80xi32, #tpu.memory_space<vmem>>) target_semaphore(%run_scoped3A_276 : memref<!tpu.dma_semaphore, #tpu.memory_space<semaphore_mem>>)
      %dma_wait3A_295 = arith.constant 0 : i32
      %dma_wait3A_296 = arith.constant 0 : i32
      %dma_wait3A_297 = arith.constant 0 : i32
      %dma_wait3A_298 = tpu.memref_slice %arg3[%add3A, %dma_wait3A_295, %dma_wait3A_296, %dma_wait3A_297] : memref<32x4x32x80xi32, #tpu.memory_space<hbm>> -> memref<1x4x32x80xi32, #tpu.memory_space<hbm>>
      %dma_wait3A_299 = tpu.memref_squeeze %dma_wait3A_298 : memref<1x4x32x80xi32, #tpu.memory_space<hbm>> -> memref<4x32x80xi32, #tpu.memory_space<hbm>>
      %dma_wait3A_300 = arith.constant 0 : i32
      %dma_wait3A_301 = arith.constant 0 : i32
      %dma_wait3A_302 = tpu.memref_slice %dma_wait3A_299[%run_scoped3A_236, %dma_wait3A_300, %dma_wait3A_301] : memref<4x32x80xi32, #tpu.memory_space<hbm>> -> memref<1x32x80xi32, #tpu.memory_space<hbm>>
      %dma_wait3A_303 = tpu.memref_squeeze %dma_wait3A_302 : memref<1x32x80xi32, #tpu.memory_space<hbm>> -> memref<32x80xi32, #tpu.memory_space<hbm>>
      %dma_wait3A_304 = arith.constant 0 : i32
      %dma_wait3A_305 = arith.constant 0 : i32
      %dma_wait3A_306 = arith.constant 0 : i32
      %dma_wait3A_307 = tpu.memref_slice %arg3[%add3A, %dma_wait3A_304, %dma_wait3A_305, %dma_wait3A_306] : memref<32x4x32x80xi32, #tpu.memory_space<hbm>> -> memref<1x4x32x80xi32, #tpu.memory_space<hbm>>
      %dma_wait3A_308 = tpu.memref_squeeze %dma_wait3A_307 : memref<1x4x32x80xi32, #tpu.memory_space<hbm>> -> memref<4x32x80xi32, #tpu.memory_space<hbm>>
      %dma_wait3A_309 = arith.constant 0 : i32
      %dma_wait3A_310 = arith.constant 0 : i32
      %dma_wait3A_311 = tpu.memref_slice %dma_wait3A_308[%run_scoped3A_236, %dma_wait3A_309, %dma_wait3A_310] : memref<4x32x80xi32, #tpu.memory_space<hbm>> -> memref<1x32x80xi32, #tpu.memory_space<hbm>>
      %dma_wait3A_312 = tpu.memref_squeeze %dma_wait3A_311 : memref<1x32x80xi32, #tpu.memory_space<hbm>> -> memref<32x80xi32, #tpu.memory_space<hbm>>
      tpu.wait_dma2 semaphore(%run_scoped3A_276 : memref<!tpu.dma_semaphore, #tpu.memory_space<semaphore_mem>>) src(%dma_wait3A_312 : memref<32x80xi32, #tpu.memory_space<hbm>>) dst(%arg6 : memref<32x80xi32, #tpu.memory_space<vmem>>)
      tpu.yield
    }) : () -> ()
    %run_scoped3A_237 = arith.constant 3 : i32
    "tpu.region"() ({
      %run_scoped3A_276 = tpu.sem_alloc : memref<!tpu.dma_semaphore, #tpu.memory_space<semaphore_mem>>
      %dma_start3A_277 = arith.constant 0 : i32
      %dma_start3A_278 = arith.constant 0 : i32
      %dma_start3A_279 = arith.constant 0 : i32
      %dma_start3A_280 = tpu.memref_slice %arg4[%add3A, %dma_start3A_277, %dma_start3A_278, %dma_start3A_279] : memref<32x4x32x80xi32, #tpu.memory_space<hbm>> -> memref<1x4x32x80xi32, #tpu.memory_space<hbm>>
      %dma_start3A_281 = tpu.memref_squeeze %dma_start3A_280 : memref<1x4x32x80xi32, #tpu.memory_space<hbm>> -> memref<4x32x80xi32, #tpu.memory_space<hbm>>
      %dma_start3A_282 = arith.constant 0 : i32
      %dma_start3A_283 = arith.constant 0 : i32
      %dma_start3A_284 = tpu.memref_slice %dma_start3A_281[%run_scoped3A_237, %dma_start3A_282, %dma_start3A_283] : memref<4x32x80xi32, #tpu.memory_space<hbm>> -> memref<1x32x80xi32, #tpu.memory_space<hbm>>
      %dma_start3A_285 = tpu.memref_squeeze %dma_start3A_284 : memref<1x32x80xi32, #tpu.memory_space<hbm>> -> memref<32x80xi32, #tpu.memory_space<hbm>>
      %dma_start3A_286 = arith.constant 0 : i32
      %dma_start3A_287 = arith.constant 0 : i32
      %dma_start3A_288 = arith.constant 0 : i32
      %dma_start3A_289 = tpu.memref_slice %arg4[%add3A, %dma_start3A_286, %dma_start3A_287, %dma_start3A_288] : memref<32x4x32x80xi32, #tpu.memory_space<hbm>> -> memref<1x4x32x80xi32, #tpu.memory_space<hbm>>
      %dma_start3A_290 = tpu.memref_squeeze %dma_start3A_289 : memref<1x4x32x80xi32, #tpu.memory_space<hbm>> -> memref<4x32x80xi32, #tpu.memory_space<hbm>>
      %dma_start3A_291 = arith.constant 0 : i32
      %dma_start3A_292 = arith.constant 0 : i32
      %dma_start3A_293 = tpu.memref_slice %dma_start3A_290[%run_scoped3A_237, %dma_start3A_291, %dma_start3A_292] : memref<4x32x80xi32, #tpu.memory_space<hbm>> -> memref<1x32x80xi32, #tpu.memory_space<hbm>>
      %dma_start3A_294 = tpu.memref_squeeze %dma_start3A_293 : memref<1x32x80xi32, #tpu.memory_space<hbm>> -> memref<32x80xi32, #tpu.memory_space<hbm>>
      tpu.enqueue_dma source(%dma_start3A_294 : memref<32x80xi32, #tpu.memory_space<hbm>>) target(%arg7 : memref<32x80xi32, #tpu.memory_space<vmem>>) target_semaphore(%run_scoped3A_276 : memref<!tpu.dma_semaphore, #tpu.memory_space<semaphore_mem>>)
      %dma_wait3A_295 = arith.constant 0 : i32
      %dma_wait3A_296 = arith.constant 0 : i32
      %dma_wait3A_297 = arith.constant 0 : i32
      %dma_wait3A_298 = tpu.memref_slice %arg4[%add3A, %dma_wait3A_295, %dma_wait3A_296, %dma_wait3A_297] : memref<32x4x32x80xi32, #tpu.memory_space<hbm>> -> memref<1x4x32x80xi32, #tpu.memory_space<hbm>>
      %dma_wait3A_299 = tpu.memref_squeeze %dma_wait3A_298 : memref<1x4x32x80xi32, #tpu.memory_space<hbm>> -> memref<4x32x80xi32, #tpu.memory_space<hbm>>
      %dma_wait3A_300 = arith.constant 0 : i32
      %dma_wait3A_301 = arith.constant 0 : i32
      %dma_wait3A_302 = tpu.memref_slice %dma_wait3A_299[%run_scoped3A_237, %dma_wait3A_300, %dma_wait3A_301] : memref<4x32x80xi32, #tpu.memory_space<hbm>> -> memref<1x32x80xi32, #tpu.memory_space<hbm>>
      %dma_wait3A_303 = tpu.memref_squeeze %dma_wait3A_302 : memref<1x32x80xi32, #tpu.memory_space<hbm>> -> memref<32x80xi32, #tpu.memory_space<hbm>>
      %dma_wait3A_304 = arith.constant 0 : i32
      %dma_wait3A_305 = arith.constant 0 : i32
      %dma_wait3A_306 = arith.constant 0 : i32
      %dma_wait3A_307 = tpu.memref_slice %arg4[%add3A, %dma_wait3A_304, %dma_wait3A_305, %dma_wait3A_306] : memref<32x4x32x80xi32, #tpu.memory_space<hbm>> -> memref<1x4x32x80xi32, #tpu.memory_space<hbm>>
      %dma_wait3A_308 = tpu.memref_squeeze %dma_wait3A_307 : memref<1x4x32x80xi32, #tpu.memory_space<hbm>> -> memref<4x32x80xi32, #tpu.memory_space<hbm>>
      %dma_wait3A_309 = arith.constant 0 : i32
      %dma_wait3A_310 = arith.constant 0 : i32
      %dma_wait3A_311 = tpu.memref_slice %dma_wait3A_308[%run_scoped3A_237, %dma_wait3A_309, %dma_wait3A_310] : memref<4x32x80xi32, #tpu.memory_space<hbm>> -> memref<1x32x80xi32, #tpu.memory_space<hbm>>
      %dma_wait3A_312 = tpu.memref_squeeze %dma_wait3A_311 : memref<1x32x80xi32, #tpu.memory_space<hbm>> -> memref<32x80xi32, #tpu.memory_space<hbm>>
      tpu.wait_dma2 semaphore(%run_scoped3A_276 : memref<!tpu.dma_semaphore, #tpu.memory_space<semaphore_mem>>) src(%dma_wait3A_312 : memref<32x80xi32, #tpu.memory_space<hbm>>) dst(%arg7 : memref<32x80xi32, #tpu.memory_space<vmem>>)
      tpu.yield
    }) : () -> ()
    %dma_start3A_238 = arith.constant 0 : i32
    %dma_start3A_239 = arith.constant 0 : i32
    %dma_start3A_240 = tpu.memref_slice %arg6[%dma_start3A_238, %dma_start3A_239] : memref<32x80xi32, #tpu.memory_space<vmem>> -> memref<1x80xi32, #tpu.memory_space<vmem>>
    %dma_start3A_241 = tpu.memref_squeeze %dma_start3A_240 : memref<1x80xi32, #tpu.memory_space<vmem>> -> memref<80xi32, #tpu.memory_space<vmem>>
    %dma_start3A_242 = arith.constant 0 : i32
    %dma_start3A_243 = arith.constant 0 : i32
    %dma_start3A_244 = tpu.memref_slice %arg2[%dma_start3A_242, %dma_start3A_243] : memref<10240x128xf32, #tpu.memory_space<hbm>> -> memref<10240x128xf32, #tpu.memory_space<hbm>>
    tpu.enqueue_indirect_dma source(%dma_start3A_244 : memref<10240x128xf32, #tpu.memory_space<hbm>>) target(%arg8 : memref<80x128xf32, #tpu.memory_space<vmem>>) offsets(%dma_start3A_241 : memref<80xi32, #tpu.memory_space<vmem>>) semaphore(%arg13 : memref<!tpu.dma_semaphore, #tpu.memory_space<semaphore_mem>>)
    %dma_start3A_245 = arith.constant 1 : i32
    %dma_start3A_246 = arith.constant 0 : i32
    %dma_start3A_247 = tpu.memref_slice %arg6[%dma_start3A_245, %dma_start3A_246] : memref<32x80xi32, #tpu.memory_space<vmem>> -> memref<1x80xi32, #tpu.memory_space<vmem>>
    %dma_start3A_248 = tpu.memref_squeeze %dma_start3A_247 : memref<1x80xi32, #tpu.memory_space<vmem>> -> memref<80xi32, #tpu.memory_space<vmem>>
    %dma_start3A_249 = arith.constant 0 : i32
    %dma_start3A_250 = arith.constant 0 : i32
    %dma_start3A_251 = tpu.memref_slice %arg2[%dma_start3A_249, %dma_start3A_250] : memref<10240x128xf32, #tpu.memory_space<hbm>> -> memref<10240x128xf32, #tpu.memory_space<hbm>>
    tpu.enqueue_indirect_dma source(%dma_start3A_251 : memref<10240x128xf32, #tpu.memory_space<hbm>>) target(%arg9 : memref<80x128xf32, #tpu.memory_space<vmem>>) offsets(%dma_start3A_248 : memref<80xi32, #tpu.memory_space<vmem>>) semaphore(%arg14 : memref<!tpu.dma_semaphore, #tpu.memory_space<semaphore_mem>>)
    %dma_start3A_252 = arith.constant 2 : i32
    %dma_start3A_253 = arith.constant 0 : i32
    %dma_start3A_254 = tpu.memref_slice %arg6[%dma_start3A_252, %dma_start3A_253] : memref<32x80xi32, #tpu.memory_space<vmem>> -> memref<1x80xi32, #tpu.memory_space<vmem>>
    %dma_start3A_255 = tpu.memref_squeeze %dma_start3A_254 : memref<1x80xi32, #tpu.memory_space<vmem>> -> memref<80xi32, #tpu.memory_space<vmem>>
    %dma_start3A_256 = arith.constant 0 : i32
    %dma_start3A_257 = arith.constant 0 : i32
    %dma_start3A_258 = tpu.memref_slice %arg2[%dma_start3A_256, %dma_start3A_257] : memref<10240x128xf32, #tpu.memory_space<hbm>> -> memref<10240x128xf32, #tpu.memory_space<hbm>>
    tpu.enqueue_indirect_dma source(%dma_start3A_258 : memref<10240x128xf32, #tpu.memory_space<hbm>>) target(%arg10 : memref<80x128xf32, #tpu.memory_space<vmem>>) offsets(%dma_start3A_255 : memref<80xi32, #tpu.memory_space<vmem>>) semaphore(%arg15 : memref<!tpu.dma_semaphore, #tpu.memory_space<semaphore_mem>>)
    %dma_start3A_259 = arith.constant 3 : i32
    %dma_start3A_260 = arith.constant 0 : i32
    %dma_start3A_261 = tpu.memref_slice %arg6[%dma_start3A_259, %dma_start3A_260] : memref<32x80xi32, #tpu.memory_space<vmem>> -> memref<1x80xi32, #tpu.memory_space<vmem>>
    %dma_start3A_262 = tpu.memref_squeeze %dma_start3A_261 : memref<1x80xi32, #tpu.memory_space<vmem>> -> memref<80xi32, #tpu.memory_space<vmem>>
    %dma_start3A_263 = arith.constant 0 : i32
    %dma_start3A_264 = arith.constant 0 : i32
    %dma_start3A_265 = tpu.memref_slice %arg2[%dma_start3A_263, %dma_start3A_264] : memref<10240x128xf32, #tpu.memory_space<hbm>> -> memref<10240x128xf32, #tpu.memory_space<hbm>>
    tpu.enqueue_indirect_dma source(%dma_start3A_265 : memref<10240x128xf32, #tpu.memory_space<hbm>>) target(%arg11 : memref<80x128xf32, #tpu.memory_space<vmem>>) offsets(%dma_start3A_262 : memref<80xi32, #tpu.memory_space<vmem>>) semaphore(%arg16 : memref<!tpu.dma_semaphore, #tpu.memory_space<semaphore_mem>>)
    %scan3A_266 = arith.constant 0 : i32
    %scan3A_267 = arith.constant 8 : i32
    %scan3A_268 = arith.addi %scan3A_266, %scan3A_267 : i32
    %scan3A_269 = arith.constant 1 : i32
    scf.for %scan3A_276 = %scan3A_266 to %scan3A_268 step %scan3A_269  : i32 {
      %mul3A_277 = arith.constant 4 : i32
      %mul3A_278 = arith.muli %scan3A_276, %mul3A_277 : i32
      %add3A_279 = arith.constant 0 : i32
      %add3A_280 = arith.addi %add3A_279, %mul3A_278 : i32
      %add3A_281 = arith.constant 0 : i32
      %add3A_282 = arith.addi %add3A_280, %add3A_281 : i32
      %dma_wait3A_283 = arith.constant 0 : i32
      %dma_wait3A_284 = tpu.memref_slice %arg6[%add3A_282, %dma_wait3A_283] : memref<32x80xi32, #tpu.memory_space<vmem>> -> memref<1x80xi32, #tpu.memory_space<vmem>>
      %dma_wait3A_285 = tpu.memref_squeeze %dma_wait3A_284 : memref<1x80xi32, #tpu.memory_space<vmem>> -> memref<80xi32, #tpu.memory_space<vmem>>
      %dma_wait3A_286 = arith.constant 0 : i32
      %dma_wait3A_287 = arith.constant 0 : i32
      %dma_wait3A_288 = tpu.memref_slice %arg2[%dma_wait3A_286, %dma_wait3A_287] : memref<10240x128xf32, #tpu.memory_space<hbm>> -> memref<10240x128xf32, #tpu.memory_space<hbm>>
      tpu.wait_indirect_dma semaphore(%arg13 : memref<!tpu.dma_semaphore, #tpu.memory_space<semaphore_mem>>) src(%dma_wait3A_288 : memref<10240x128xf32, #tpu.memory_space<hbm>>) dst(%arg8 : memref<80x128xf32, #tpu.memory_space<vmem>>)
      %add3A_289 = arith.constant 0 : i32
      %add3A_290 = arith.addi %add3A_280, %add3A_289 : i32
      "tpu.region"() ({
        %run_scoped3A_354 = tpu.sem_alloc : memref<!tpu.dma_semaphore, #tpu.memory_space<semaphore_mem>>
        %dma_start3A_355 = arith.constant 0 : i32
        %dma_start3A_356 = tpu.memref_slice %arg7[%add3A_290, %dma_start3A_355] : memref<32x80xi32, #tpu.memory_space<vmem>> -> memref<1x80xi32, #tpu.memory_space<vmem>>
        %dma_start3A_357 = tpu.memref_squeeze %dma_start3A_356 : memref<1x80xi32, #tpu.memory_space<vmem>> -> memref<80xi32, #tpu.memory_space<vmem>>
        %dma_start3A_358 = arith.constant 0 : i32
        %dma_start3A_359 = arith.constant 0 : i32
        %dma_start3A_360 = tpu.memref_slice %arg12[%dma_start3A_358, %dma_start3A_359] : memref<10240x128xf32, #tpu.memory_space<vmem_shared>> -> memref<10240x128xf32, #tpu.memory_space<vmem_shared>>
        tpu.enqueue_indirect_dma source(%arg8 : memref<80x128xf32, #tpu.memory_space<vmem>>) target(%dma_start3A_360 : memref<10240x128xf32, #tpu.memory_space<vmem_shared>>) offsets(%dma_start3A_357 : memref<80xi32, #tpu.memory_space<vmem>>) semaphore(%run_scoped3A_354 : memref<!tpu.dma_semaphore, #tpu.memory_space<semaphore_mem>>) {add = true}
        %dma_wait3A_361 = arith.constant 0 : i32
        %dma_wait3A_362 = tpu.memref_slice %arg7[%add3A_290, %dma_wait3A_361] : memref<32x80xi32, #tpu.memory_space<vmem>> -> memref<1x80xi32, #tpu.memory_space<vmem>>
        %dma_wait3A_363 = tpu.memref_squeeze %dma_wait3A_362 : memref<1x80xi32, #tpu.memory_space<vmem>> -> memref<80xi32, #tpu.memory_space<vmem>>
        %dma_wait3A_364 = arith.constant 0 : i32
        %dma_wait3A_365 = arith.constant 0 : i32
        %dma_wait3A_366 = tpu.memref_slice %arg12[%dma_wait3A_364, %dma_wait3A_365] : memref<10240x128xf32, #tpu.memory_space<vmem_shared>> -> memref<10240x128xf32, #tpu.memory_space<vmem_shared>>
        tpu.wait_indirect_dma semaphore(%run_scoped3A_354 : memref<!tpu.dma_semaphore, #tpu.memory_space<semaphore_mem>>) src(%arg8 : memref<80x128xf32, #tpu.memory_space<vmem>>) dst(%dma_wait3A_366 : memref<10240x128xf32, #tpu.memory_space<vmem_shared>>)
        tpu.yield
      }) : () -> ()
      %add3A_291 = arith.constant 0 : i32
      %add3A_292 = arith.addi %add3A_280, %add3A_291 : i32
      %add3A_293 = arith.constant 4 : i32
      %add3A_294 = arith.addi %add3A_292, %add3A_293 : i32
      %lt3A = arith.constant 32 : i32
      %lt3A_295 = arith.cmpi slt, %add3A_294, %lt3A : i32
      %convert_element_type3A = arith.extui %lt3A_295 : i1 to i32
      %cond3A = arith.constant 0 : i32
      %cond3A_296 = arith.cmpi ne, %convert_element_type3A, %cond3A : i32
      scf.if %cond3A_296 {
        %add3A_354 = arith.constant 0 : i32
        %add3A_355 = arith.addi %add3A_280, %add3A_354 : i32
        %add3A_356 = arith.constant 4 : i32
        %add3A_357 = arith.addi %add3A_355, %add3A_356 : i32
        %dma_start3A_358 = arith.constant 0 : i32
        %dma_start3A_359 = tpu.memref_slice %arg6[%add3A_357, %dma_start3A_358] : memref<32x80xi32, #tpu.memory_space<vmem>> -> memref<1x80xi32, #tpu.memory_space<vmem>>
        %dma_start3A_360 = tpu.memref_squeeze %dma_start3A_359 : memref<1x80xi32, #tpu.memory_space<vmem>> -> memref<80xi32, #tpu.memory_space<vmem>>
        %dma_start3A_361 = arith.constant 0 : i32
        %dma_start3A_362 = arith.constant 0 : i32
        %dma_start3A_363 = tpu.memref_slice %arg2[%dma_start3A_361, %dma_start3A_362] : memref<10240x128xf32, #tpu.memory_space<hbm>> -> memref<10240x128xf32, #tpu.memory_space<hbm>>
        tpu.enqueue_indirect_dma source(%dma_start3A_363 : memref<10240x128xf32, #tpu.memory_space<hbm>>) target(%arg8 : memref<80x128xf32, #tpu.memory_space<vmem>>) offsets(%dma_start3A_360 : memref<80xi32, #tpu.memory_space<vmem>>) semaphore(%arg13 : memref<!tpu.dma_semaphore, #tpu.memory_space<semaphore_mem>>)
      } else {
      }
      %add3A_297 = arith.constant 1 : i32
      %add3A_298 = arith.addi %add3A_280, %add3A_297 : i32
      %dma_wait3A_299 = arith.constant 0 : i32
      %dma_wait3A_300 = tpu.memref_slice %arg6[%add3A_298, %dma_wait3A_299] : memref<32x80xi32, #tpu.memory_space<vmem>> -> memref<1x80xi32, #tpu.memory_space<vmem>>
      %dma_wait3A_301 = tpu.memref_squeeze %dma_wait3A_300 : memref<1x80xi32, #tpu.memory_space<vmem>> -> memref<80xi32, #tpu.memory_space<vmem>>
      %dma_wait3A_302 = arith.constant 0 : i32
      %dma_wait3A_303 = arith.constant 0 : i32
      %dma_wait3A_304 = tpu.memref_slice %arg2[%dma_wait3A_302, %dma_wait3A_303] : memref<10240x128xf32, #tpu.memory_space<hbm>> -> memref<10240x128xf32, #tpu.memory_space<hbm>>
      tpu.wait_indirect_dma semaphore(%arg14 : memref<!tpu.dma_semaphore, #tpu.memory_space<semaphore_mem>>) src(%dma_wait3A_304 : memref<10240x128xf32, #tpu.memory_space<hbm>>) dst(%arg9 : memref<80x128xf32, #tpu.memory_space<vmem>>)
      %add3A_305 = arith.constant 1 : i32
      %add3A_306 = arith.addi %add3A_280, %add3A_305 : i32
      "tpu.region"() ({
        %run_scoped3A_354 = tpu.sem_alloc : memref<!tpu.dma_semaphore, #tpu.memory_space<semaphore_mem>>
        %dma_start3A_355 = arith.constant 0 : i32
        %dma_start3A_356 = tpu.memref_slice %arg7[%add3A_306, %dma_start3A_355] : memref<32x80xi32, #tpu.memory_space<vmem>> -> memref<1x80xi32, #tpu.memory_space<vmem>>
        %dma_start3A_357 = tpu.memref_squeeze %dma_start3A_356 : memref<1x80xi32, #tpu.memory_space<vmem>> -> memref<80xi32, #tpu.memory_space<vmem>>
        %dma_start3A_358 = arith.constant 0 : i32
        %dma_start3A_359 = arith.constant 0 : i32
        %dma_start3A_360 = tpu.memref_slice %arg12[%dma_start3A_358, %dma_start3A_359] : memref<10240x128xf32, #tpu.memory_space<vmem_shared>> -> memref<10240x128xf32, #tpu.memory_space<vmem_shared>>
        tpu.enqueue_indirect_dma source(%arg9 : memref<80x128xf32, #tpu.memory_space<vmem>>) target(%dma_start3A_360 : memref<10240x128xf32, #tpu.memory_space<vmem_shared>>) offsets(%dma_start3A_357 : memref<80xi32, #tpu.memory_space<vmem>>) semaphore(%run_scoped3A_354 : memref<!tpu.dma_semaphore, #tpu.memory_space<semaphore_mem>>) {add = true}
        %dma_wait3A_361 = arith.constant 0 : i32
        %dma_wait3A_362 = tpu.memref_slice %arg7[%add3A_306, %dma_wait3A_361] : memref<32x80xi32, #tpu.memory_space<vmem>> -> memref<1x80xi32, #tpu.memory_space<vmem>>
        %dma_wait3A_363 = tpu.memref_squeeze %dma_wait3A_362 : memref<1x80xi32, #tpu.memory_space<vmem>> -> memref<80xi32, #tpu.memory_space<vmem>>
        %dma_wait3A_364 = arith.constant 0 : i32
        %dma_wait3A_365 = arith.constant 0 : i32
        %dma_wait3A_366 = tpu.memref_slice %arg12[%dma_wait3A_364, %dma_wait3A_365] : memref<10240x128xf32, #tpu.memory_space<vmem_shared>> -> memref<10240x128xf32, #tpu.memory_space<vmem_shared>>
        tpu.wait_indirect_dma semaphore(%run_scoped3A_354 : memref<!tpu.dma_semaphore, #tpu.memory_space<semaphore_mem>>) src(%arg9 : memref<80x128xf32, #tpu.memory_space<vmem>>) dst(%dma_wait3A_366 : memref<10240x128xf32, #tpu.memory_space<vmem_shared>>)
        tpu.yield
      }) : () -> ()
      %add3A_307 = arith.constant 1 : i32
      %add3A_308 = arith.addi %add3A_280, %add3A_307 : i32
      %add3A_309 = arith.constant 4 : i32
      %add3A_310 = arith.addi %add3A_308, %add3A_309 : i32
      %lt3A_311 = arith.constant 32 : i32
      %lt3A_312 = arith.cmpi slt, %add3A_310, %lt3A_311 : i32
      %convert_element_type3A_313 = arith.extui %lt3A_312 : i1 to i32
      %cond3A_314 = arith.constant 0 : i32
      %cond3A_315 = arith.cmpi ne, %convert_element_type3A_313, %cond3A_314 : i32
      scf.if %cond3A_315 {
        %add3A_354 = arith.constant 1 : i32
        %add3A_355 = arith.addi %add3A_280, %add3A_354 : i32
        %add3A_356 = arith.constant 4 : i32
        %add3A_357 = arith.addi %add3A_355, %add3A_356 : i32
        %dma_start3A_358 = arith.constant 0 : i32
        %dma_start3A_359 = tpu.memref_slice %arg6[%add3A_357, %dma_start3A_358] : memref<32x80xi32, #tpu.memory_space<vmem>> -> memref<1x80xi32, #tpu.memory_space<vmem>>
        %dma_start3A_360 = tpu.memref_squeeze %dma_start3A_359 : memref<1x80xi32, #tpu.memory_space<vmem>> -> memref<80xi32, #tpu.memory_space<vmem>>
        %dma_start3A_361 = arith.constant 0 : i32
        %dma_start3A_362 = arith.constant 0 : i32
        %dma_start3A_363 = tpu.memref_slice %arg2[%dma_start3A_361, %dma_start3A_362] : memref<10240x128xf32, #tpu.memory_space<hbm>> -> memref<10240x128xf32, #tpu.memory_space<hbm>>
        tpu.enqueue_indirect_dma source(%dma_start3A_363 : memref<10240x128xf32, #tpu.memory_space<hbm>>) target(%arg9 : memref<80x128xf32, #tpu.memory_space<vmem>>) offsets(%dma_start3A_360 : memref<80xi32, #tpu.memory_space<vmem>>) semaphore(%arg14 : memref<!tpu.dma_semaphore, #tpu.memory_space<semaphore_mem>>)
      } else {
      }
      %add3A_316 = arith.constant 2 : i32
      %add3A_317 = arith.addi %add3A_280, %add3A_316 : i32
      %dma_wait3A_318 = arith.constant 0 : i32
      %dma_wait3A_319 = tpu.memref_slice %arg6[%add3A_317, %dma_wait3A_318] : memref<32x80xi32, #tpu.memory_space<vmem>> -> memref<1x80xi32, #tpu.memory_space<vmem>>
      %dma_wait3A_320 = tpu.memref_squeeze %dma_wait3A_319 : memref<1x80xi32, #tpu.memory_space<vmem>> -> memref<80xi32, #tpu.memory_space<vmem>>
      %dma_wait3A_321 = arith.constant 0 : i32
      %dma_wait3A_322 = arith.constant 0 : i32
      %dma_wait3A_323 = tpu.memref_slice %arg2[%dma_wait3A_321, %dma_wait3A_322] : memref<10240x128xf32, #tpu.memory_space<hbm>> -> memref<10240x128xf32, #tpu.memory_space<hbm>>
      tpu.wait_indirect_dma semaphore(%arg15 : memref<!tpu.dma_semaphore, #tpu.memory_space<semaphore_mem>>) src(%dma_wait3A_323 : memref<10240x128xf32, #tpu.memory_space<hbm>>) dst(%arg10 : memref<80x128xf32, #tpu.memory_space<vmem>>)
      %add3A_324 = arith.constant 2 : i32
      %add3A_325 = arith.addi %add3A_280, %add3A_324 : i32
      "tpu.region"() ({
        %run_scoped3A_354 = tpu.sem_alloc : memref<!tpu.dma_semaphore, #tpu.memory_space<semaphore_mem>>
        %dma_start3A_355 = arith.constant 0 : i32
        %dma_start3A_356 = tpu.memref_slice %arg7[%add3A_325, %dma_start3A_355] : memref<32x80xi32, #tpu.memory_space<vmem>> -> memref<1x80xi32, #tpu.memory_space<vmem>>
        %dma_start3A_357 = tpu.memref_squeeze %dma_start3A_356 : memref<1x80xi32, #tpu.memory_space<vmem>> -> memref<80xi32, #tpu.memory_space<vmem>>
        %dma_start3A_358 = arith.constant 0 : i32
        %dma_start3A_359 = arith.constant 0 : i32
        %dma_start3A_360 = tpu.memref_slice %arg12[%dma_start3A_358, %dma_start3A_359] : memref<10240x128xf32, #tpu.memory_space<vmem_shared>> -> memref<10240x128xf32, #tpu.memory_space<vmem_shared>>
        tpu.enqueue_indirect_dma source(%arg10 : memref<80x128xf32, #tpu.memory_space<vmem>>) target(%dma_start3A_360 : memref<10240x128xf32, #tpu.memory_space<vmem_shared>>) offsets(%dma_start3A_357 : memref<80xi32, #tpu.memory_space<vmem>>) semaphore(%run_scoped3A_354 : memref<!tpu.dma_semaphore, #tpu.memory_space<semaphore_mem>>) {add = true}
        %dma_wait3A_361 = arith.constant 0 : i32
        %dma_wait3A_362 = tpu.memref_slice %arg7[%add3A_325, %dma_wait3A_361] : memref<32x80xi32, #tpu.memory_space<vmem>> -> memref<1x80xi32, #tpu.memory_space<vmem>>
        %dma_wait3A_363 = tpu.memref_squeeze %dma_wait3A_362 : memref<1x80xi32, #tpu.memory_space<vmem>> -> memref<80xi32, #tpu.memory_space<vmem>>
        %dma_wait3A_364 = arith.constant 0 : i32
        %dma_wait3A_365 = arith.constant 0 : i32
        %dma_wait3A_366 = tpu.memref_slice %arg12[%dma_wait3A_364, %dma_wait3A_365] : memref<10240x128xf32, #tpu.memory_space<vmem_shared>> -> memref<10240x128xf32, #tpu.memory_space<vmem_shared>>
        tpu.wait_indirect_dma semaphore(%run_scoped3A_354 : memref<!tpu.dma_semaphore, #tpu.memory_space<semaphore_mem>>) src(%arg10 : memref<80x128xf32, #tpu.memory_space<vmem>>) dst(%dma_wait3A_366 : memref<10240x128xf32, #tpu.memory_space<vmem_shared>>)
        tpu.yield
      }) : () -> ()
      %add3A_326 = arith.constant 2 : i32
      %add3A_327 = arith.addi %add3A_280, %add3A_326 : i32
      %add3A_328 = arith.constant 4 : i32
      %add3A_329 = arith.addi %add3A_327, %add3A_328 : i32
      %lt3A_330 = arith.constant 32 : i32
      %lt3A_331 = arith.cmpi slt, %add3A_329, %lt3A_330 : i32
      %convert_element_type3A_332 = arith.extui %lt3A_331 : i1 to i32
      %cond3A_333 = arith.constant 0 : i32
      %cond3A_334 = arith.cmpi ne, %convert_element_type3A_332, %cond3A_333 : i32
      scf.if %cond3A_334 {
        %add3A_354 = arith.constant 2 : i32
        %add3A_355 = arith.addi %add3A_280, %add3A_354 : i32
        %add3A_356 = arith.constant 4 : i32
        %add3A_357 = arith.addi %add3A_355, %add3A_356 : i32
        %dma_start3A_358 = arith.constant 0 : i32
        %dma_start3A_359 = tpu.memref_slice %arg6[%add3A_357, %dma_start3A_358] : memref<32x80xi32, #tpu.memory_space<vmem>> -> memref<1x80xi32, #tpu.memory_space<vmem>>
        %dma_start3A_360 = tpu.memref_squeeze %dma_start3A_359 : memref<1x80xi32, #tpu.memory_space<vmem>> -> memref<80xi32, #tpu.memory_space<vmem>>
        %dma_start3A_361 = arith.constant 0 : i32
        %dma_start3A_362 = arith.constant 0 : i32
        %dma_start3A_363 = tpu.memref_slice %arg2[%dma_start3A_361, %dma_start3A_362] : memref<10240x128xf32, #tpu.memory_space<hbm>> -> memref<10240x128xf32, #tpu.memory_space<hbm>>
        tpu.enqueue_indirect_dma source(%dma_start3A_363 : memref<10240x128xf32, #tpu.memory_space<hbm>>) target(%arg10 : memref<80x128xf32, #tpu.memory_space<vmem>>) offsets(%dma_start3A_360 : memref<80xi32, #tpu.memory_space<vmem>>) semaphore(%arg15 : memref<!tpu.dma_semaphore, #tpu.memory_space<semaphore_mem>>)
      } else {
      }
      %add3A_335 = arith.constant 3 : i32
      %add3A_336 = arith.addi %add3A_280, %add3A_335 : i32
      %dma_wait3A_337 = arith.constant 0 : i32
      %dma_wait3A_338 = tpu.memref_slice %arg6[%add3A_336, %dma_wait3A_337] : memref<32x80xi32, #tpu.memory_space<vmem>> -> memref<1x80xi32, #tpu.memory_space<vmem>>
      %dma_wait3A_339 = tpu.memref_squeeze %dma_wait3A_338 : memref<1x80xi32, #tpu.memory_space<vmem>> -> memref<80xi32, #tpu.memory_space<vmem>>
      %dma_wait3A_340 = arith.constant 0 : i32
      %dma_wait3A_341 = arith.constant 0 : i32
      %dma_wait3A_342 = tpu.memref_slice %arg2[%dma_wait3A_340, %dma_wait3A_341] : memref<10240x128xf32, #tpu.memory_space<hbm>> -> memref<10240x128xf32, #tpu.memory_space<hbm>>
      tpu.wait_indirect_dma semaphore(%arg16 : memref<!tpu.dma_semaphore, #tpu.memory_space<semaphore_mem>>) src(%dma_wait3A_342 : memref<10240x128xf32, #tpu.memory_space<hbm>>) dst(%arg11 : memref<80x128xf32, #tpu.memory_space<vmem>>)
      %add3A_343 = arith.constant 3 : i32
      %add3A_344 = arith.addi %add3A_280, %add3A_343 : i32
      "tpu.region"() ({
        %run_scoped3A_354 = tpu.sem_alloc : memref<!tpu.dma_semaphore, #tpu.memory_space<semaphore_mem>>
        %dma_start3A_355 = arith.constant 0 : i32
        %dma_start3A_356 = tpu.memref_slice %arg7[%add3A_344, %dma_start3A_355] : memref<32x80xi32, #tpu.memory_space<vmem>> -> memref<1x80xi32, #tpu.memory_space<vmem>>
        %dma_start3A_357 = tpu.memref_squeeze %dma_start3A_356 : memref<1x80xi32, #tpu.memory_space<vmem>> -> memref<80xi32, #tpu.memory_space<vmem>>
        %dma_start3A_358 = arith.constant 0 : i32
        %dma_start3A_359 = arith.constant 0 : i32
        %dma_start3A_360 = tpu.memref_slice %arg12[%dma_start3A_358, %dma_start3A_359] : memref<10240x128xf32, #tpu.memory_space<vmem_shared>> -> memref<10240x128xf32, #tpu.memory_space<vmem_shared>>
        tpu.enqueue_indirect_dma source(%arg11 : memref<80x128xf32, #tpu.memory_space<vmem>>) target(%dma_start3A_360 : memref<10240x128xf32, #tpu.memory_space<vmem_shared>>) offsets(%dma_start3A_357 : memref<80xi32, #tpu.memory_space<vmem>>) semaphore(%run_scoped3A_354 : memref<!tpu.dma_semaphore, #tpu.memory_space<semaphore_mem>>) {add = true}
        %dma_wait3A_361 = arith.constant 0 : i32
        %dma_wait3A_362 = tpu.memref_slice %arg7[%add3A_344, %dma_wait3A_361] : memref<32x80xi32, #tpu.memory_space<vmem>> -> memref<1x80xi32, #tpu.memory_space<vmem>>
        %dma_wait3A_363 = tpu.memref_squeeze %dma_wait3A_362 : memref<1x80xi32, #tpu.memory_space<vmem>> -> memref<80xi32, #tpu.memory_space<vmem>>
        %dma_wait3A_364 = arith.constant 0 : i32
        %dma_wait3A_365 = arith.constant 0 : i32
        %dma_wait3A_366 = tpu.memref_slice %arg12[%dma_wait3A_364, %dma_wait3A_365] : memref<10240x128xf32, #tpu.memory_space<vmem_shared>> -> memref<10240x128xf32, #tpu.memory_space<vmem_shared>>
        tpu.wait_indirect_dma semaphore(%run_scoped3A_354 : memref<!tpu.dma_semaphore, #tpu.memory_space<semaphore_mem>>) src(%arg11 : memref<80x128xf32, #tpu.memory_space<vmem>>) dst(%dma_wait3A_366 : memref<10240x128xf32, #tpu.memory_space<vmem_shared>>)
        tpu.yield
      }) : () -> ()
      %add3A_345 = arith.constant 3 : i32
      %add3A_346 = arith.addi %add3A_280, %add3A_345 : i32
      %add3A_347 = arith.constant 4 : i32
      %add3A_348 = arith.addi %add3A_346, %add3A_347 : i32
      %lt3A_349 = arith.constant 32 : i32
      %lt3A_350 = arith.cmpi slt, %add3A_348, %lt3A_349 : i32
      %convert_element_type3A_351 = arith.extui %lt3A_350 : i1 to i32
      %cond3A_352 = arith.constant 0 : i32
      %cond3A_353 = arith.cmpi ne, %convert_element_type3A_351, %cond3A_352 : i32
      scf.if %cond3A_353 {
        %add3A_354 = arith.constant 3 : i32
        %add3A_355 = arith.addi %add3A_280, %add3A_354 : i32
        %add3A_356 = arith.constant 4 : i32
        %add3A_357 = arith.addi %add3A_355, %add3A_356 : i32
        %dma_start3A_358 = arith.constant 0 : i32
        %dma_start3A_359 = tpu.memref_slice %arg6[%add3A_357, %dma_start3A_358] : memref<32x80xi32, #tpu.memory_space<vmem>> -> memref<1x80xi32, #tpu.memory_space<vmem>>
        %dma_start3A_360 = tpu.memref_squeeze %dma_start3A_359 : memref<1x80xi32, #tpu.memory_space<vmem>> -> memref<80xi32, #tpu.memory_space<vmem>>
        %dma_start3A_361 = arith.constant 0 : i32
        %dma_start3A_362 = arith.constant 0 : i32
        %dma_start3A_363 = tpu.memref_slice %arg2[%dma_start3A_361, %dma_start3A_362] : memref<10240x128xf32, #tpu.memory_space<hbm>> -> memref<10240x128xf32, #tpu.memory_space<hbm>>
        tpu.enqueue_indirect_dma source(%dma_start3A_363 : memref<10240x128xf32, #tpu.memory_space<hbm>>) target(%arg11 : memref<80x128xf32, #tpu.memory_space<vmem>>) offsets(%dma_start3A_360 : memref<80xi32, #tpu.memory_space<vmem>>) semaphore(%arg16 : memref<!tpu.dma_semaphore, #tpu.memory_space<semaphore_mem>>)
      } else {
      }
    }
    %scan3A_270 = arith.constant 8 : i32
    %barrier3A_271 = arith.constant 0 : index
    tpu.barrier barrier_id(%barrier3A_271)
    %mul3A_272 = arith.constant 640 : i32
    %mul3A_273 = arith.muli %arg1, %mul3A_272 : i32
    %mul3A_274 = arith.constant 640 : i32
    %mul3A_275 = arith.muli %arg1, %mul3A_274 : i32
    "tpu.region"() ({
      %run_scoped3A_276 = tpu.sem_alloc : memref<!tpu.dma_semaphore, #tpu.memory_space<semaphore_mem>>
      %dma_start3A_277 = arith.constant 0 : i32
      %dma_start3A_278 = arith.constant 0 : i32
      %dma_start3A_279 = tpu.memref_slice %arg5[%arg0, %dma_start3A_277, %dma_start3A_278] : memref<2x10240x128xf32, #tpu.memory_space<hbm>> -> memref<1x10240x128xf32, #tpu.memory_space<hbm>>
      %dma_start3A_280 = tpu.memref_squeeze %dma_start3A_279 : memref<1x10240x128xf32, #tpu.memory_space<hbm>> -> memref<10240x128xf32, #tpu.memory_space<hbm>>
      %dma_start3A_281 = arith.constant 0 : i32
      %dma_start3A_282 = tpu.memref_slice %dma_start3A_280[%mul3A_275, %dma_start3A_281] : memref<10240x128xf32, #tpu.memory_space<hbm>> -> memref<640x128xf32, #tpu.memory_space<hbm>>
      %dma_start3A_283 = arith.constant 0 : i32
      %dma_start3A_284 = tpu.memref_slice %arg12[%mul3A_273, %dma_start3A_283] : memref<10240x128xf32, #tpu.memory_space<vmem_shared>> -> memref<640x128xf32, #tpu.memory_space<vmem_shared>>
      tpu.enqueue_dma source(%dma_start3A_284 : memref<640x128xf32, #tpu.memory_space<vmem_shared>>) target(%dma_start3A_282 : memref<640x128xf32, #tpu.memory_space<hbm>>) target_semaphore(%run_scoped3A_276 : memref<!tpu.dma_semaphore, #tpu.memory_space<semaphore_mem>>)
      %dma_wait3A_285 = arith.constant 0 : i32
      %dma_wait3A_286 = arith.constant 0 : i32
      %dma_wait3A_287 = tpu.memref_slice %arg5[%arg0, %dma_wait3A_285, %dma_wait3A_286] : memref<2x10240x128xf32, #tpu.memory_space<hbm>> -> memref<1x10240x128xf32, #tpu.memory_space<hbm>>
      %dma_wait3A_288 = tpu.memref_squeeze %dma_wait3A_287 : memref<1x10240x128xf32, #tpu.memory_space<hbm>> -> memref<10240x128xf32, #tpu.memory_space<hbm>>
      %dma_wait3A_289 = arith.constant 0 : i32
      %dma_wait3A_290 = tpu.memref_slice %dma_wait3A_288[%mul3A_275, %dma_wait3A_289] : memref<10240x128xf32, #tpu.memory_space<hbm>> -> memref<640x128xf32, #tpu.memory_space<hbm>>
      %dma_wait3A_291 = arith.constant 0 : i32
      %dma_wait3A_292 = tpu.memref_slice %arg12[%mul3A_273, %dma_wait3A_291] : memref<10240x128xf32, #tpu.memory_space<vmem_shared>> -> memref<640x128xf32, #tpu.memory_space<vmem_shared>>
      tpu.wait_dma2 semaphore(%run_scoped3A_276 : memref<!tpu.dma_semaphore, #tpu.memory_space<semaphore_mem>>) src(%dma_wait3A_292 : memref<640x128xf32, #tpu.memory_space<vmem_shared>>) dst(%dma_wait3A_290 : memref<640x128xf32, #tpu.memory_space<hbm>>)
      tpu.yield
    }) : () -> ()
    return
  }
}

module attributes {stable_mosaic.version = 14 : i64} {
  func.func @_prep_body(%arg0: i32, %arg1: memref<32x1024xf32, #tpu.memory_space<vmem>>, %arg2: memref<1024x128xf32, #tpu.memory_space<vmem>>, %arg3: memref<1024x128xf32, #tpu.memory_space<vmem>>, %arg4: memref<1024x1xf32, #tpu.memory_space<vmem>>) attributes {dimension_semantics = [#tpu.dimension_semantics<arbitrary>], iteration_bounds = array<i64: 10>, scalar_prefetch = 0 : i64, scratch_operands = 0 : i64, tpu.core_type = #tpu.core_type<tc>, window_params = [{transform_indices = @transform_0, window_bounds = array<i64: 32, 1024>}, {transform_indices = @transform_1, window_bounds = array<i64: 1024, 128>}, {transform_indices = @transform_2, window_bounds = array<i64: 1024, 128>}, {transform_indices = @transform_3, window_bounds = array<i64: 1024, 1>}]} {
    %get3A = arith.constant 0 : index
    %get3A_0 = arith.constant 0 : index
    %get3A_1 = vector.load %arg1[%get3A, %get3A_0] : memref<32x1024xf32, #tpu.memory_space<vmem>>, vector<32x1024xf32>
    %reduce_sum3A = arith.constant dense<0.000000e+00> : vector<1024xf32>
    %reduce_sum3A_2 = vector.multi_reduction <add>, %get3A_1, %reduce_sum3A [0] : vector<32x1024xf32> to vector<1024xf32>
    %add3A = arith.constant 1.000000e+00 : f32
    %add3A_3 = vector.broadcast %add3A : f32 to vector<1024xf32>
    %add3A_4 = arith.addf %reduce_sum3A_2, %add3A_3 : vector<1024xf32>
    %rsqrt3A = math.rsqrt %add3A_4 : vector<1024xf32>
    %broadcast_in_dim3A = vector.shape_cast %rsqrt3A : vector<1024xf32> to vector<1024x1xf32>
    %swap3A = arith.constant 0 : index
    %swap3A_5 = arith.constant 0 : index
    %swap3A_6 = vector.load %arg4[%swap3A, %swap3A_5] : memref<1024x1xf32, #tpu.memory_space<vmem>>, vector<1024x1xf32>
    tpu.vector_store %arg4[%swap3A, %swap3A_5], %broadcast_in_dim3A {strides = array<i32>} : memref<1024x1xf32, #tpu.memory_space<vmem>>, vector<1024x1xf32>,
    %get3A_7 = arith.constant 0 : index
    %get3A_8 = arith.constant 0 : index
    %get3A_9 = vector.load %arg2[%get3A_7, %get3A_8] : memref<1024x128xf32, #tpu.memory_space<vmem>>, vector<1024x128xf32>
    %mul3A = vector.broadcast %broadcast_in_dim3A : vector<1024x1xf32> to vector<1024x128xf32>
    %mul3A_10 = arith.mulf %get3A_9, %mul3A : vector<1024x128xf32>
    %swap3A_11 = arith.constant 0 : index
    %swap3A_12 = arith.constant 0 : index
    %swap3A_13 = vector.load %arg3[%swap3A_11, %swap3A_12] : memref<1024x128xf32, #tpu.memory_space<vmem>>, vector<1024x128xf32>
    tpu.vector_store %arg3[%swap3A_11, %swap3A_12], %mul3A_10 {strides = array<i32>} : memref<1024x128xf32, #tpu.memory_space<vmem>>, vector<1024x128xf32>,
    return
  }
  func.func @transform_0(%arg0: i32) -> (i32, i32) {
    %c0_i32 = arith.constant 0 : i32
    %c0_i32_0 = arith.constant 0 : i32
    return %c0_i32, %arg0 : i32, i32
  }
  func.func @transform_1(%arg0: i32) -> (i32, i32) {
    %c0_i32 = arith.constant 0 : i32
    %c0_i32_0 = arith.constant 0 : i32
    return %arg0, %c0_i32 : i32, i32
  }
  func.func @transform_2(%arg0: i32) -> (i32, i32) {
    %c0_i32 = arith.constant 0 : i32
    %c0_i32_0 = arith.constant 0 : i32
    return %arg0, %c0_i32 : i32, i32
  }
  func.func @transform_3(%arg0: i32) -> (i32, i32) {
    %c0_i32 = arith.constant 0 : i32
    %c0_i32_0 = arith.constant 0 : i32
    return %arg0, %c0_i32 : i32, i32
  }
}

module attributes {stable_mosaic.version = 14 : i64} {
  func.func @_mid_body(%arg0: i32, %arg1: memref<2x1000x128xf32, #tpu.memory_space<vmem>>, %arg2: memref<1000x128xf32, #tpu.memory_space<vmem>>, %arg3: memref<1000x1xf32, #tpu.memory_space<vmem>>, %arg4: memref<128x256xf32, #tpu.memory_space<vmem>>, %arg5: memref<1x256xf32, #tpu.memory_space<vmem>>, %arg6: memref<256x128xf32, #tpu.memory_space<vmem>>, %arg7: memref<1000x128xf32, #tpu.memory_space<vmem>>) attributes {dimension_semantics = [#tpu.dimension_semantics<arbitrary>], iteration_bounds = array<i64: 10>, scalar_prefetch = 0 : i64, scratch_operands = 0 : i64, tpu.core_type = #tpu.core_type<tc>, window_params = [{transform_indices = @transform_0, window_bounds = array<i64: 2, 1000, 128>}, {transform_indices = @transform_1, window_bounds = array<i64: 1000, 128>}, {transform_indices = @transform_2, window_bounds = array<i64: 1000, 1>}, {pipeline_mode = #tpu.pipeline_mode<synchronous>, transform_indices = @transform_3, window_bounds = array<i64: 128, 256>}, {pipeline_mode = #tpu.pipeline_mode<synchronous>, transform_indices = @transform_4, window_bounds = array<i64: 1, 256>}, {pipeline_mode = #tpu.pipeline_mode<synchronous>, transform_indices = @transform_5, window_bounds = array<i64: 256, 128>}, {transform_indices = @transform_6, window_bounds = array<i64: 1000, 128>}]} {
    %get3A = arith.constant 0 : index
    %get3A_0 = arith.constant 0 : index
    %get3A_1 = arith.constant 0 : index
    %get3A_2 = vector.load %arg1[%get3A, %get3A_0, %get3A_1] : memref<2x1000x128xf32, #tpu.memory_space<vmem>>, vector<1x1000x128xf32>
    %get3A_3 = vector.shape_cast %get3A_2 : vector<1x1000x128xf32> to vector<1000x128xf32>
    %get3A_4 = arith.constant 1 : index
    %get3A_5 = arith.constant 0 : index
    %get3A_6 = arith.constant 0 : index
    %get3A_7 = vector.load %arg1[%get3A_4, %get3A_5, %get3A_6] : memref<2x1000x128xf32, #tpu.memory_space<vmem>>, vector<1x1000x128xf32>
    %get3A_8 = vector.shape_cast %get3A_7 : vector<1x1000x128xf32> to vector<1000x128xf32>
    %add3A = arith.addf %get3A_3, %get3A_8 : vector<1000x128xf32>
    %get3A_9 = arith.constant 0 : index
    %get3A_10 = arith.constant 0 : index
    %get3A_11 = vector.load %arg2[%get3A_9, %get3A_10] : memref<1000x128xf32, #tpu.memory_space<vmem>>, vector<1000x128xf32>
    %add3A_12 = arith.addf %add3A, %get3A_11 : vector<1000x128xf32>
    %get3A_13 = arith.constant 0 : index
    %get3A_14 = arith.constant 0 : index
    %get3A_15 = vector.load %arg3[%get3A_13, %get3A_14] : memref<1000x1xf32, #tpu.memory_space<vmem>>, vector<1000x1xf32>
    %mul3A = vector.broadcast %get3A_15 : vector<1000x1xf32> to vector<1000x128xf32>
    %mul3A_16 = arith.mulf %add3A_12, %mul3A : vector<1000x128xf32>
    %get3A_17 = arith.constant 0 : index
    %get3A_18 = arith.constant 0 : index
    %get3A_19 = vector.load %arg4[%get3A_17, %get3A_18] : memref<128x256xf32, #tpu.memory_space<vmem>>, vector<128x256xf32>
    %dot_general3A = arith.constant dense<0.000000e+00> : vector<1000x256xf32>
    %dot_general3A_20 = tpu.matmul %mul3A_16, %get3A_19, %dot_general3A {dimension_numbers = #tpu.dot_dimension_numbers<[1], [0], [0], [1], [0, 0, 1, 1], [], []>, transpose_lhs_hint = false} : vector<1000x128xf32>, vector<128x256xf32>, vector<1000x256xf32> -> vector<1000x256xf32>
    %get3A_21 = arith.constant 0 : index
    %get3A_22 = arith.constant 0 : index
    %get3A_23 = vector.load %arg5[%get3A_21, %get3A_22] : memref<1x256xf32, #tpu.memory_space<vmem>>, vector<1x256xf32>
    %add3A_24 = vector.broadcast %get3A_23 : vector<1x256xf32> to vector<1000x256xf32>
    %add3A_25 = arith.addf %dot_general3A_20, %add3A_24 : vector<1000x256xf32>
    %gt3A = arith.constant 0.000000e+00 : f32
    %gt3A_26 = vector.broadcast %gt3A : f32 to vector<1000x256xf32>
    %gt3A_27 = arith.cmpf ogt, %add3A_25, %gt3A_26 : vector<1000x256xf32>
    %min3A = arith.constant 0.000000e+00 : f32
    %min3A_28 = vector.broadcast %min3A : f32 to vector<1000x256xf32>
    %min3A_29 = arith.minimumf %add3A_25, %min3A_28 : vector<1000x256xf32>
    %exp3A = math.exp %min3A_29 : vector<1000x256xf32>
    %sub3A = arith.constant 1.000000e+00 : f32
    %sub3A_30 = vector.broadcast %sub3A : f32 to vector<1000x256xf32>
    %sub3A_31 = arith.subf %exp3A, %sub3A_30 : vector<1000x256xf32>
    %select_n3A = arith.select %gt3A_27, %add3A_25, %sub3A_31 : vector<1000x256xi1>, vector<1000x256xf32>
    %get3A_32 = arith.constant 0 : index
    %get3A_33 = arith.constant 0 : index
    %get3A_34 = vector.load %arg6[%get3A_32, %get3A_33] : memref<256x128xf32, #tpu.memory_space<vmem>>, vector<256x128xf32>
    %dot_general3A_35 = arith.constant dense<0.000000e+00> : vector<1000x128xf32>
    %dot_general3A_36 = tpu.matmul %select_n3A, %get3A_34, %dot_general3A_35 {dimension_numbers = #tpu.dot_dimension_numbers<[1], [0], [0], [1], [0, 0, 1, 1], [], []>, transpose_lhs_hint = false} : vector<1000x256xf32>, vector<256x128xf32>, vector<1000x128xf32> -> vector<1000x128xf32>
    %get3A_37 = arith.constant 0 : index
    %get3A_38 = arith.constant 0 : index
    %get3A_39 = vector.load %arg3[%get3A_37, %get3A_38] : memref<1000x1xf32, #tpu.memory_space<vmem>>, vector<1000x1xf32>
    %mul3A_40 = vector.broadcast %get3A_39 : vector<1000x1xf32> to vector<1000x128xf32>
    %mul3A_41 = arith.mulf %dot_general3A_36, %mul3A_40 : vector<1000x128xf32>
    %swap3A = arith.constant 0 : index
    %swap3A_42 = arith.constant 0 : index
    %swap3A_43 = vector.load %arg7[%swap3A, %swap3A_42] : memref<1000x128xf32, #tpu.memory_space<vmem>>, vector<1000x128xf32>
    tpu.vector_store %arg7[%swap3A, %swap3A_42], %mul3A_41 {strides = array<i32>} : memref<1000x128xf32, #tpu.memory_space<vmem>>, vector<1000x128xf32>,
    return
  }
  func.func @transform_0(%arg0: i32) -> (i32, i32, i32) {
    %c0_i32 = arith.constant 0 : i32
    %c0_i32_0 = arith.constant 0 : i32
    %c0_i32_1 = arith.constant 0 : i32
    return %c0_i32, %arg0, %c0_i32_0 : i32, i32, i32
  }
  func.func @transform_1(%arg0: i32) -> (i32, i32) {
    %c0_i32 = arith.constant 0 : i32
    %c0_i32_0 = arith.constant 0 : i32
    return %arg0, %c0_i32 : i32, i32
  }
  func.func @transform_2(%arg0: i32) -> (i32, i32) {
    %c0_i32 = arith.constant 0 : i32
    %c0_i32_0 = arith.constant 0 : i32
    return %arg0, %c0_i32 : i32, i32
  }
  func.func @transform_3(%arg0: i32) -> (i32, i32) {
    %c0_i32 = arith.constant 0 : i32
    %c0_i32_0 = arith.constant 0 : i32
    %c0_i32_1 = arith.constant 0 : i32
    return %c0_i32, %c0_i32_0 : i32, i32
  }
  func.func @transform_4(%arg0: i32) -> (i32, i32) {
    %c0_i32 = arith.constant 0 : i32
    %c0_i32_0 = arith.constant 0 : i32
    %c0_i32_1 = arith.constant 0 : i32
    return %c0_i32, %c0_i32_0 : i32, i32
  }
  func.func @transform_5(%arg0: i32) -> (i32, i32) {
    %c0_i32 = arith.constant 0 : i32
    %c0_i32_0 = arith.constant 0 : i32
    %c0_i32_1 = arith.constant 0 : i32
    return %c0_i32, %c0_i32_0 : i32, i32
  }
  func.func @transform_6(%arg0: i32) -> (i32, i32) {
    %c0_i32 = arith.constant 0 : i32
    %c0_i32_0 = arith.constant 0 : i32
    return %arg0, %c0_i32 : i32, i32
  }
}

module attributes {stable_mosaic.version = 14 : i64} {
  func.func @_fin_body(%arg0: i32, %arg1: memref<2x2000x128xf32, #tpu.memory_space<vmem>>, %arg2: memref<2000x128xf32, #tpu.memory_space<vmem>>, %arg3: memref<2000x1xf32, #tpu.memory_space<vmem>>, %arg4: memref<1x128xf32, #tpu.memory_space<vmem>>, %arg5: memref<2000x128xf32, #tpu.memory_space<vmem>>) attributes {dimension_semantics = [#tpu.dimension_semantics<arbitrary>], iteration_bounds = array<i64: 5>, scalar_prefetch = 0 : i64, scratch_operands = 0 : i64, tpu.core_type = #tpu.core_type<tc>, window_params = [{transform_indices = @transform_0, window_bounds = array<i64: 2, 2000, 128>}, {transform_indices = @transform_1, window_bounds = array<i64: 2000, 128>}, {transform_indices = @transform_2, window_bounds = array<i64: 2000, 1>}, {pipeline_mode = #tpu.pipeline_mode<synchronous>, transform_indices = @transform_3, window_bounds = array<i64: 1, 128>}, {transform_indices = @transform_4, window_bounds = array<i64: 2000, 128>}]} {
    %get3A = arith.constant 0 : index
    %get3A_0 = arith.constant 0 : index
    %get3A_1 = arith.constant 0 : index
    %get3A_2 = vector.load %arg1[%get3A, %get3A_0, %get3A_1] : memref<2x2000x128xf32, #tpu.memory_space<vmem>>, vector<1x2000x128xf32>
    %get3A_3 = vector.shape_cast %get3A_2 : vector<1x2000x128xf32> to vector<2000x128xf32>
    %get3A_4 = arith.constant 1 : index
    %get3A_5 = arith.constant 0 : index
    %get3A_6 = arith.constant 0 : index
    %get3A_7 = vector.load %arg1[%get3A_4, %get3A_5, %get3A_6] : memref<2x2000x128xf32, #tpu.memory_space<vmem>>, vector<1x2000x128xf32>
    %get3A_8 = vector.shape_cast %get3A_7 : vector<1x2000x128xf32> to vector<2000x128xf32>
    %add3A = arith.addf %get3A_3, %get3A_8 : vector<2000x128xf32>
    %get3A_9 = arith.constant 0 : index
    %get3A_10 = arith.constant 0 : index
    %get3A_11 = vector.load %arg2[%get3A_9, %get3A_10] : memref<2000x128xf32, #tpu.memory_space<vmem>>, vector<2000x128xf32>
    %add3A_12 = arith.addf %add3A, %get3A_11 : vector<2000x128xf32>
    %get3A_13 = arith.constant 0 : index
    %get3A_14 = arith.constant 0 : index
    %get3A_15 = vector.load %arg3[%get3A_13, %get3A_14] : memref<2000x1xf32, #tpu.memory_space<vmem>>, vector<2000x1xf32>
    %mul3A = vector.broadcast %get3A_15 : vector<2000x1xf32> to vector<2000x128xf32>
    %mul3A_16 = arith.mulf %add3A_12, %mul3A : vector<2000x128xf32>
    %get3A_17 = arith.constant 0 : index
    %get3A_18 = arith.constant 0 : index
    %get3A_19 = vector.load %arg4[%get3A_17, %get3A_18] : memref<1x128xf32, #tpu.memory_space<vmem>>, vector<1x128xf32>
    %add3A_20 = vector.broadcast %get3A_19 : vector<1x128xf32> to vector<2000x128xf32>
    %add3A_21 = arith.addf %mul3A_16, %add3A_20 : vector<2000x128xf32>
    %gt3A = arith.constant 0.000000e+00 : f32
    %gt3A_22 = vector.broadcast %gt3A : f32 to vector<2000x128xf32>
    %gt3A_23 = arith.cmpf ogt, %add3A_21, %gt3A_22 : vector<2000x128xf32>
    %min3A = arith.constant 0.000000e+00 : f32
    %min3A_24 = vector.broadcast %min3A : f32 to vector<2000x128xf32>
    %min3A_25 = arith.minimumf %add3A_21, %min3A_24 : vector<2000x128xf32>
    %exp3A = math.exp %min3A_25 : vector<2000x128xf32>
    %sub3A = arith.constant 1.000000e+00 : f32
    %sub3A_26 = vector.broadcast %sub3A : f32 to vector<2000x128xf32>
    %sub3A_27 = arith.subf %exp3A, %sub3A_26 : vector<2000x128xf32>
    %select_n3A = arith.select %gt3A_23, %add3A_21, %sub3A_27 : vector<2000x128xi1>, vector<2000x128xf32>
    %swap3A = arith.constant 0 : index
    %swap3A_28 = arith.constant 0 : index
    %swap3A_29 = vector.load %arg5[%swap3A, %swap3A_28] : memref<2000x128xf32, #tpu.memory_space<vmem>>, vector<2000x128xf32>
    tpu.vector_store %arg5[%swap3A, %swap3A_28], %select_n3A {strides = array<i32>} : memref<2000x128xf32, #tpu.memory_space<vmem>>, vector<2000x128xf32>,
    return
  }
  func.func @transform_0(%arg0: i32) -> (i32, i32, i32) {
    %c0_i32 = arith.constant 0 : i32
    %c0_i32_0 = arith.constant 0 : i32
    %c0_i32_1 = arith.constant 0 : i32
    return %c0_i32, %arg0, %c0_i32_0 : i32, i32, i32
  }
  func.func @transform_1(%arg0: i32) -> (i32, i32) {
    %c0_i32 = arith.constant 0 : i32
    %c0_i32_0 = arith.constant 0 : i32
    return %arg0, %c0_i32 : i32, i32
  }
  func.func @transform_2(%arg0: i32) -> (i32, i32) {
    %c0_i32 = arith.constant 0 : i32
    %c0_i32_0 = arith.constant 0 : i32
    return %arg0, %c0_i32 : i32, i32
  }
  func.func @transform_3(%arg0: i32) -> (i32, i32) {
    %c0_i32 = arith.constant 0 : i32
    %c0_i32_0 = arith.constant 0 : i32
    %c0_i32_1 = arith.constant 0 : i32
    return %c0_i32, %c0_i32_0 : i32, i32
  }
  func.func @transform_4(%arg0: i32) -> (i32, i32) {
    %c0_i32 = arith.constant 0 : i32
    %c0_i32_0 = arith.constant 0 : i32
    return %arg0, %c0_i32 : i32, i32
  }
}

</mosaic_0001>

<sc_bundles>
// kernel: kernel.11.cloned.1.call-start
scs
__scs_entry_jumppad:
0x0: {  	(pc) =	sbr.rel $0x88, $3  }
0x1: {  	(tag) =	ssettag $0x0;
	lr =	simm.s32 $0x1  }
0x2: {  	[smem:$0x3F9B] =	sst lr;
	_ =	strace $0xD0000000  }
0x3: {  	_ = 	snop  }
0x4: {  	_ = 	snop  }
0x5: {  	_ = 	snop  }
0x6: {  	_ = 	snop  }
0x7: {  	_ = 	snop  }
__scs_overlays_trampoline_lowered:
0x8: {  	[smem:$0x3FAA] =	sst s0  }
0x9: {  	[smem:$0x3FAB] =	sst s1  }
0xa: {  	[smem:$0x3FAC] =	sst s2  }
0xb: {  	[smem:$0x3FAD] =	sst s3  }
0xc: {  	[smem:$0x3FAE] =	sst s4  }
0xd: {  	[smem:$0x3FAF] =	sst s5  }
0xe: {  	[smem:$0x3FB0] =	sst s6  }
0xf: {  	[smem:$0x3FB1] =	sst s7  }
0x10: {  	[smem:$0x3FB2] =	sst s8  }
0x11: {  	[smem:$0x3FB3] =	sst s9;
	s0 =	simm.s32 @!p0 $0x0  }
0x12: {  	s1 =	sld [smem:$0x3F99];
	s0 =	simm.s32 @p0 $0x1  }
0x13: {  	[smem:$0x3FB4] =	sst s0;
	s0 =	simm.s32 @!p1 $0x0  }
0x14: {  	s2 =	sld [smem:$0x3F98];
	s0 =	simm.s32 @p1 $0x1  }
0x15: {  	[smem:$0x3FB5] =	sst s0;
	s0 =	simm.s32 @!p2 $0x0  }
0x16: {  	s3 =	sld [smem:$0x3FDB];
	s0 =	simm.s32 @p2 $0x1  }
0x17: {  	s4 =	simm.s32 $0x1BF5;
	[smem:$0x3FB7] =	sst s0  }
0x18: {  	s0 =	sld [smem:$0x3F9A];
	_ =	swait.ge [sflag:s4], $0x0  }
0x19: {  	s7 =	sld [smem:$0x3F9B]  }
0x1a: {  	s8 =	sadd.s32 $0xFFFFE003, lr  }
0x1b: {  	s9 =	sadd.s32 $0xFFFFFEF7, lr;
	s5 =	simm.s32 $0xFFFFFFFF;
	p2 =	slt.u32 s8, $0xFFFFF086  }
0x1c: {  	p1 =	slt.u32 s9, $0xF7A;
	s5 =	simm.s32 @!p2 $0x0  }
0x1d: {  	s5 =	simm.s32 @p1 $0x1;
	p0 =	seq.s32 s7, s2  }
0x1e: {  	s7 =	smul.u32 @!p0 $0xF7A, s2;
	p2 =	seq.s32 @!p0 s5, $0x0  }
0x1f: {  	s9 =	smul.u32 $0xF7A, s1;
	s8 =	simm.s32 @!p0 $0x1BF5;
	p2 =	por !p2, p0  }
0x20: {  	[sflag:s8] =	ssyncset.s32 @!p0 $0xFFFFF086;
	s6 =	sadd.s32 @!p0 s3, s7;
	s7 =	simm.s32 @!p0 $0x108  }
0x21: {  	s3 =	sadd.s32 s3, s9;
	s6 =	sadd.s32 @!p0 $0x88, s6;
	s7 =	simm.s32 @p2 $0x1082  }
0x22: {  	[simem:s7], [sflag:s8] =	dma.local @!p0 [hbm:s6], $0xF7A  }
0x23: {  	s9 =	sor.u32 $0xD0000000, s2;
	s6 =	simm.s32 $0x108;
	_ =	swait.ge @!p0 [sflag:s8], $0x0  }
0x24: {  	s3 =	sadd.s32 $0x88, s3;
	s6 =	simm.s32 @!p1 $0x1082;
	[sflag:s4] =	ssyncset.s32 $0xFFFFF086  }
0x25: {  	[simem:s6], [sflag:s4] =	dma.local [hbm:s3], $0xF7A  }
0x26: {  	[smem:$0x3F9B] =	sst s1;
	(tag) =	ssettag s2;
	_ =	strace s9  }
0x27: {  	s1 =	sld [smem:$0x3FAB]  }
0x28: {  	s2 =	sld [smem:$0x3FAC]  }
0x29: {  	s4 =	sld [smem:$0x3FAE]  }
0x2a: {  	p0 =	seq.s32 s5, $0x0;
	s5 =	sld [smem:$0x3FAF]  }
0x2b: {  	s6 =	sld [smem:$0x3FB0]  }
0x2c: {  	s7 =	sld [smem:$0x3FB1]  }
0x2d: {  	s3 =	simm.s32 $0x108;
	s8 =	sld [smem:$0x3FB2]  }
0x2e: {  	s3 =	simm.s32 @!p0 $0x1082;
	s9 =	sld [smem:$0x3FB3]  }
0x2f: {  	lr =	sadd.s32 s0, s3;
	s0 =	sld [smem:$0x3FAA]  }
0x30: {  	s3 =	sld [smem:$0x3FAD]  }
0x31: {  	[smem:$0x3FB6] =	sst s10  }
0x32: {  	s10 =	sld [smem:$0x3FB4];
	_ =	sdelay $0x3  }
0x33: {  	p0 =	seq.s32 s10, $0x1;
	s10 =	sld [smem:$0x3FB6];
	_ =	sdelay $0x3  }
0x34: {  	[smem:$0x3FB6] =	sst s10  }
0x35: {  	s10 =	sld [smem:$0x3FB5];
	_ =	sdelay $0x3  }
0x36: {  	p1 =	seq.s32 s10, $0x1;
	s10 =	sld [smem:$0x3FB6];
	_ =	sdelay $0x3  }
0x37: {  	[smem:$0x3FB6] =	sst s10  }
0x38: {  	s10 =	sld [smem:$0x3FB7]  }
0x39: {  	_ = 	snop;
	(pc) =	sbr.ind lr, $3  }
0x3a: {  	_ = 	snop  }
0x3b: {  	_ = 	snop  }
0x3c: {  	p2 =	seq.s32 s10, $0x1;
	s10 =	sld [smem:$0x3FB6]  }
0x3d: {  	_ =	shalt  }
0x3e: {  	_ =	shalt  }
0x3f: {  	_ =	shalt  }
0x40: {  	_ =	shalt  }
0x41: {  	_ =	shalt  }
0x42: {  	_ =	shalt  }
0x43: {  	_ =	shalt  }
0x44: {  	_ =	shalt  }
0x45: {  	_ =	shalt  }
0x46: {  	_ =	shalt  }
0x47: {  	_ =	shalt  }
0x48: {  	_ =	shalt  }
0x49: {  	_ =	shalt  }
0x4a: {  	_ =	shalt  }
0x4b: {  	_ =	shalt  }
0x4c: {  	_ =	shalt  }
0x4d: {  	_ =	shalt  }
0x4e: {  	_ =	shalt  }
0x4f: {  	_ =	shalt  }
0x50: {  	_ =	shalt  }
0x51: {  	_ =	shalt  }
0x52: {  	_ =	shalt  }
0x53: {  	_ =	shalt  }
0x54: {  	_ =	shalt  }
0x55: {  	_ =	shalt  }
0x56: {  	_ =	shalt  }
0x57: {  	_ =	shalt  }
0x58: {  	_ =	shalt  }
0x59: {  	_ =	shalt  }
0x5a: {  	_ =	shalt  }
0x5b: {  	_ =	shalt  }
0x5c: {  	_ =	shalt  }
0x5d: {  	_ =	shalt  }
0x5e: {  	_ =	shalt  }
0x5f: {  	_ =	shalt  }
0x60: {  	_ =	shalt  }
0x61: {  	_ =	shalt  }
0x62: {  	_ =	shalt  }
0x63: {  	_ =	shalt  }
0x64: {  	_ =	shalt  }
0x65: {  	_ =	shalt  }
0x66: {  	_ =	shalt  }
0x67: {  	_ =	shalt  }
0x68: {  	_ =	shalt  }
0x69: {  	_ =	shalt  }
0x6a: {  	_ =	shalt  }
0x6b: {  	_ =	shalt  }
0x6c: {  	_ =	shalt  }
0x6d: {  	_ =	shalt  }
0x6e: {  	_ =	shalt  }
0x6f: {  	_ =	shalt  }
0x70: {  	_ =	shalt  }
0x71: {  	_ =	shalt  }
0x72: {  	_ =	shalt  }
0x73: {  	_ =	shalt  }
0x74: {  	_ =	shalt  }
0x75: {  	_ =	shalt  }
0x76: {  	_ =	shalt  }
0x77: {  	_ =	shalt  }
0x78: {  	_ =	shalt  }
0x79: {  	_ =	shalt  }
0x7a: {  	_ =	shalt  }
0x7b: {  	_ =	shalt  }
0x7c: {  	_ =	shalt  }
0x7d: {  	_ =	shalt  }
0x7e: {  	_ =	shalt  }
0x7f: {  	_ =	shalt  }
0x80: {  	_ =	shalt  }
0x81: {  	_ =	shalt  }
0x82: {  	_ =	shalt  }
0x83: {  	_ =	shalt  }
0x84: {  	_ =	shalt  }
0x85: {  	_ =	shalt  }
0x86: {  	_ =	shalt  }
0x87: {  	_ =	shalt  }
.Lfunc_end0:
.L_simem_size_0:
called_computation.1_lowered:
.L_overlay_start_0:
0x88: {  	s2 =	sld [smem:$0x3FD9]  }
0x89: {  	s3 =	sld [smem:$0x3FFE];
	_ =	sdelay $0x1  }
0x8a: {  	s1 =	srdreg.scid  }
0x8b: {  	s0 =	sand.u32 $0x1, s1  }
0x8c: {  	s17 =	sshll.u32 s0, $0xA;
	s2 =	sadd.s32 s3, s2  }
0x8d: {  	s2 =	sadd.s32 s2, s17  }
0x8e: {  	[smem:$0x3FC2] =	sst s2  }
0x8f: {  	_ = 	snop  }
0x90: {  	s2 =	sld [smem:$0x3FD0];
	(tm) =	ssettm $0x1  }
0x91: {  	s18 =	sld [smem:$0x3FFB];
	_ =	sdelay $0x3  }
0x92: {  	_ =	strace s18  }
0x93: {  	s3 =	sld [smem:$0x3FFC];
	_ =	sdelay $0x3  }
0x94: {  	_ =	strace s3  }
0x95: {  	s3 =	sld [smem:$0x3FFD];
	_ =	sdelay $0x3  }
0x96: {  	_ =	strace s3  }
0x97: {  	_ =	strace $0x8FFFFFFF  }
0x98: {  	s19 =	sld [smem:$0x3FDB];
	_ =	sdelay $0x1  }
0x99: {  	s4 =	simm.s32 $_scs_section_size  }
0x9a: {  	s5 =	simm.s32 $_size__tile_overlayer_lowered;
	s6 =	simm.s32 $_tile_overlayer_lowered  }
0x9b: {  	s22 =	simm.s32 $0x1BFF;
	s21 =	sshll.u32 s6, $0x1;
	s3 =	sadd.s32 s4, s19  }
0x9c: {  	s7 =	simm.s32 $0x0;
	s20 =	sshll.u32 s5, $0x1;
	s5 =	sadd.s32 s21, s3  }
0x9d: {  	[timem:s7], [sflag:s22] =	dma.local [hbm:s5], s20  }
0x9e: {  	_ =	swait.ge [sflag:s22], s20  }
0x9f: {  	s4 =	ssub.s32 $0x0, s20;
	[sflag:s22] =	ssyncset.done $0x0  }
0xa0: {  	[sflag:s22] =	ssyncadd.s32 s4;
	_ =	sdelay $0x1  }
0xa1: {  	s23 =	simm.s32 $0x1B8B  }
0xa2: {  	_ =	swait.ge [sflag:s23], $0x1  }
0xa3: {  	[sflag:s23] =	ssyncset.done $0x0  }
0xa4: {  	s25 =	simm.s32 $0x1B8E;
	s24 =	sld [smem:$0x3FFE];
	[sflag:s23] =	ssyncadd.s32 $0xFFFFFFFF  }
0xa5: {  	s26 =	simm.s32 $execute0_lowered;
	[smem:$0x3FD2] =	sst s25  }
0xa6: {  	s5 =	sshll.u32 s26, $0x1;
	_ =	strace $0x80000049;
	[dreg:$0x1] =	wrdreg $0xFFFFFFFF  }
0xa7: {  	s28 =	simm.s32 $_size_execute0_lowered;
	s3 =	sadd.s32 s3, s5;
	[dreg:$0x0] =	wrdreg $0x0  }
0xa8: {  	s5 =	sshll.u32 s28, $0x1;
	[dreg:$0x2] =	wrdreg s3  }
0xa9: {  	[dreg:$0x3] =	wrdreg s5  }
0xaa: {  	[dreg:$0x4] =	wrdreg $0xC0  }
0xab: {  	_ =	task [dreg:s7], $0x5FFFF  }
0xac: {  	[dreg:$0x1] =	wrdreg $0xFFFFFFFF  }
0xad: {  	[dreg:$0x0] =	wrdreg $0x60  }
0xae: {  	[dreg:$0x2] =	wrdreg s24  }
0xaf: {  	[dreg:$0x3] =	wrdreg s2  }
0xb0: {  	[dreg:$0x4] =	wrdreg $0xC0000  }
0xb1: {  	[dreg:$0x5] =	wrdreg $0x9  }
0xb2: {  	_ =	task.clear_ibuf [dreg:s7], $0x6FFFF;
	_ =	strace $0x90000049  }
0xb3: {  	s29 =	simm.s32 $0x9;
	_ =	strace $0x8000004B  }
0xb4: {  	_ =	swait.ge [sflag:s29], $0x1  }
0xb5: {  	[sflag:s29] =	ssyncadd.s32 $0xFFFFFFFF  }
0xb6: {  	_ =	strace $0x9000004B  }
0xb7: {  	_ =	sfence  }
0xb8: {  	s30 =	sld [smem:$0x0];
	_ =	sdelay $0x2  }
0xb9: {  	s31 =	sshll.u32 s1, $0xD;
	s1 =	sshrl.u32 s1, $0x2  }
0xba: {  	s3 =	sand.u32 $0x4000, s31;
	s1 =	sadd.s32 s1, s30  }
0xbb: {  	s0 =	sor.u32 s3, s0;
	s1 =	sshll.u32 s1, $0x11  }
0xbc: {  	s0 =	sor.u32 s1, s0  }
0xbd: {  	s0 =	sadd.s32 $0x8F2B, s0  }
0xbe: {  	[sflag:s0] =	ssyncadd.remote.s32 $0x1  }
0xbf: {  	_ =	sfence.sel $0xFFFF  }
0xc0: {  	[dreg:$0x0] =	wrdreg $0xFFFFFFFF;
	(pc) =	sbr.abs _section_cstart, $3  }
0xc1: {  	[dreg:$0x1] =	wrdreg $0xFFFFFFFF  }
0xc2: {  	_ =	task.clear_ibuf [dreg:s7], $0x2FFFF;
	_ =	strace $0x9FFFFFFF  }
0xc3: {  	(tm) =	ssettm $0x7FFFFFFF  }
tec
execute0_lowered:
.L_overlay_start_1:
0x0: {  	(tag) =	ssettag $0x1  }
0x1: {  	s0 =	rddreg [dreg:$0x0]  }
0x2: {  	s3 =	rddreg [dreg:$0x1]  }
0x3: {  	s1 =	rddreg [dreg:$0x2];
	s2 =	simm.s32 $0x0;
	s5 =	srdreg.scid  }
0x4: {  	s11 =	stileid.u32;
	s28 =	simm.s32 $0x7000;
	s29 =	simm.s32 $0x9800  }
0x5: {  	s30 =	simm.s32 $0x5;
	s31 =	simm.s32 $0x180;
	s12 =	simm.s32 $0x1F80  }
0x6: {  	s13 =	simm.s32 $0x0;
	[smem:$0x7FF] =	sst s2;
	s5 =	sand.u32 $0x1, s5  }
0x7: {  	s7 =	sshll.u32 s11, $0xB;
	s8 =	smul.u32 $0x50000, s11;
	s6 =	sshll.u32 s5, $0xF  }
0x8: {  	s15 =	smul.u32 $0x28000, s5;
	s5 =	ssub.s32 $0x2, s5;
	s6 =	sor.u32 s7, s6  }
0x9: {  	s10 =	sshrl.u32 s5, $0x1;
	s8 =	sshrl.u32 s8, $0x2;
	s9 =	sadd.s32 s6, s0  }
0xa: {  	s10 =	ssub.s32 s5, s10;
	s5 =	sadd.s32 s8, s1;
	s16 =	sadd.s32 $0xCA00, s9  }
0xb: {  	_ =	strace $0x8000004A;
	s17 =	sadd.s32 $0x2800, s5;
	[dreg:$0x4] =	wrdreg s16  }
0xc: {  	s4 =	sadd.s32 $0x1CA00, s0;
	s18 =	sadd.s32 $0x5000, s5;
	[dreg:$0x5] =	wrdreg s17  }
0xd: {  	s26 =	smul.u32 $0x2800, s11;
	s19 =	sadd.s32 $0x7800, s5;
	[dreg:$0x6] =	wrdreg s18  }
0xe: {  	s11 =	simm.s32 $0x1F00;
	s20 =	sadd.s32 $0xA000, s5;
	[dreg:$0x7] =	wrdreg s19  }
0xf: {  	s0 =	sadd.s32 s15, s0;
	s21 =	sadd.s32 $0xC800, s5;
	[dreg:$0x8] =	wrdreg s20  }
0x10: {  	s7 =	sadd.s32 s3, s6;
	s22 =	sadd.s32 $0xF000, s5;
	[dreg:$0x9] =	wrdreg s21  }
0x11: {  	s3 =	simm.s32 $0x2;
	s23 =	sadd.s32 $0x11800, s5;
	[dreg:$0xa] =	wrdreg s22  }
0x12: {  	s6 =	simm.s32 $0x3;
	s24 =	sadd.s32 $0xCC00, s9;
	[dreg:$0xb] =	wrdreg s23  }
0x13: {  	s8 =	simm.s32 $0x4;
	s25 =	sadd.s32 $0xCE00, s9;
	[dreg:$0xc] =	wrdreg s24  }
0x14: {  	s0 =	sadd.s32 $0x44A00, s0;
	[dreg:$0xd] =	wrdreg s25;
	s17 =	sadd.s32 $0xD000, s9  }
0x15: {  	s18 =	smax.u32 s10, $0x1;
	s19 =	simm.s32 $0x6;
	s20 =	simm.s32 $0x1000  }
0x16: {  	s21 =	simm.s32 $0x50;
	s22 =	simm.s32 $0x2000;
	s23 =	simm.s32 $0x80  }
0x17: {  	s24 =	sadd.s32 s26, s0;
	s25 =	simm.s32 $0x4800;
	s26 =	simm.s32 $0x100  }
0x18: {  	v0 =	vimm.f32 $0.0e+00;
	s0 =	simm.s32 $0x1;
	s9 =	simm.s32 $0x1E00;
	s10 =	simm.s32 $0x1E80  }
.LBB2_1:
0x19: {  	s14 =	rddreg [dreg:$0x4]  }
0x1a: {  	[tilespmem:s2], [sflag:$0x6] =	stream.linear.gather [hbm4b:s14+s2], $0x1000, $0x38;
	v63 =	vld [tilespmem:$0x0]  }
0x1b: {  	_ =	swait.ge [sflag:s19], $0x1000  }
0x1c: {  	[sflag:s19] =	ssyncset.done $0x0  }
0x1d: {  	[sflag:s19] =	ssyncadd.s32 $0xFFFFF000  }
0x1e: {  	[tilespmem:s20], [sflag:$0x6] =	stream.linear.gather [hbm4b:s7+s2], $0x1000, $0x38;
	v63 =	vld [tilespmem:$0x0]  }
0x1f: {  	_ =	swait.ge [sflag:s19], $0x1000  }
0x20: {  	[sflag:s19] =	ssyncset.done $0x0  }
0x21: {  	[sflag:s19] =	ssyncadd.s32 $0xFFFFF000  }
0x22: {  	[tilespmem:s22], [sflag:$0x1] =	stream.indirect.gather [hbm4b:s4+s21], $0x80, s2, s21, $0xb8;
	v63 =	vld [tilespmem:$0x0]  }
0x23: {  	_ = 	snop  }
0x24: {  	[tilespmem:s25], [sflag:$0x2] =	stream.indirect.gather [hbm4b:s4+s21], $0x80, s23, s21, $0xb8;
	v63 =	vld [tilespmem:$0x0]  }
0x25: {  	s15 =	simm.s32 $0x200;
	s14 =	simm.s32 $0x0  }
0x26: {  	[tilespmem:s28], [sflag:$0x3] =	stream.indirect.gather [hbm4b:s4+s21], $0x80, s26, s21, $0xb8;
	v63 =	vld [tilespmem:$0x0]  }
.LBB2_2:
0x27: {  	p0 =	sne.s32 s15, $0x9E00;
	[tilespmem:s14+$0x9870] =	vst v0  }
0x28: {  	[tilespmem:s14+$0x9800] =	vst v0  }
0x29: {  	[tilespmem:s14+$0x9810] =	vst v0  }
.Ltmp0:
0x2a: {  	[tilespmem:s14+$0x9820] =	vst v0;
	(pc) =	sbr.rel @p0 .LBB2_2-.Ltmp0, $4  }
0x2b: {  	[tilespmem:s14+$0x9830] =	vst v0  }
0x2c: {  	[tilespmem:s14+$0x9840] =	vst v0  }
0x2d: {  	[tilespmem:s14+$0x9850] =	vst v0  }
0x2e: {  	[tilespmem:s14+$0x9860] =	vst v0;
	s14 =	sshra.s32 s15, $0x2;
	s15 =	sadd.s32 $0x200, s15  }
0x2f: {  	[tilespmem:s14+$0x9870] =	vst v0  }
0x30: {  	[tilespmem:s14+$0x9800] =	vst v0  }
0x31: {  	[tilespmem:s14+$0x9810] =	vst v0  }
0x32: {  	[tilespmem:s14+$0x9820] =	vst v0  }
0x33: {  	[tilespmem:s14+$0x9830] =	vst v0  }
0x34: {  	[tilespmem:s14+$0x9840] =	vst v0  }
0x35: {  	[tilespmem:s14+$0x9850] =	vst v0  }
0x36: {  	[tilespmem:s14+$0x9860] =	vst v0  }
0x37: {  	[spmem:s5] =	stream.linear.scatter [tilespmem:s29], [sflag:$0x5], $0x2800, $0x38;
	v63 =	vld [tilespmem:$0x0]  }
0x38: {  	s15 =	rddreg [dreg:$0x5]  }
0x39: {  	[spmem:s15] =	stream.linear.scatter [tilespmem:s29], [sflag:$0x5], $0x2800, $0x38;
	v63 =	vld [tilespmem:$0x0]  }
0x3a: {  	s16 =	rddreg [dreg:$0x6]  }
0x3b: {  	[spmem:s16] =	stream.linear.scatter [tilespmem:s29], [sflag:$0x5], $0x2800, $0x38;
	v63 =	vld [tilespmem:$0x0]  }
0x3c: {  	s15 =	rddreg [dreg:$0x7]  }
0x3d: {  	[spmem:s15] =	stream.linear.scatter [tilespmem:s29], [sflag:$0x5], $0x2800, $0x38;
	v63 =	vld [tilespmem:$0x0]  }
0x3e: {  	s16 =	rddreg [dreg:$0x8]  }
0x3f: {  	[spmem:s16] =	stream.linear.scatter [tilespmem:s29], [sflag:$0x5], $0x2800, $0x38;
	v63 =	vld [tilespmem:$0x0]  }
0x40: {  	s15 =	rddreg [dreg:$0x9]  }
0x41: {  	[spmem:s15] =	stream.linear.scatter [tilespmem:s29], [sflag:$0x5], $0x2800, $0x38;
	v63 =	vld [tilespmem:$0x0]  }
0x42: {  	s16 =	rddreg [dreg:$0xa]  }
0x43: {  	[spmem:s16] =	stream.linear.scatter [tilespmem:s29], [sflag:$0x5], $0x2800, $0x38;
	v63 =	vld [tilespmem:$0x0]  }
0x44: {  	s15 =	rddreg [dreg:$0xb]  }
0x45: {  	[spmem:s15] =	stream.linear.scatter [tilespmem:s29], [sflag:$0x5], $0x2800, $0x38;
	v63 =	vld [tilespmem:$0x0]  }
0x46: {  	_ =	swait.ge [sflag:s30], $0x2800  }
0x47: {  	[sflag:s30] =	ssyncset.done $0x0  }
0x48: {  	[sflag:s30] =	ssyncadd.s32 $0xFFFFD800  }
0x49: {  	_ =	swait.ge [sflag:s30], $0x2800  }
0x4a: {  	[sflag:s30] =	ssyncset.done $0x0  }
0x4b: {  	[sflag:s30] =	ssyncadd.s32 $0xFFFFD800  }
0x4c: {  	_ =	swait.ge [sflag:s30], $0x2800  }
0x4d: {  	[sflag:s30] =	ssyncset.done $0x0  }
0x4e: {  	[sflag:s30] =	ssyncadd.s32 $0xFFFFD800  }
0x4f: {  	_ =	swait.ge [sflag:s30], $0x2800  }
0x50: {  	[sflag:s30] =	ssyncset.done $0x0  }
0x51: {  	[sflag:s30] =	ssyncadd.s32 $0xFFFFD800  }
0x52: {  	_ =	swait.ge [sflag:s30], $0x2800  }
0x53: {  	[sflag:s30] =	ssyncset.done $0x0  }
0x54: {  	[sflag:s30] =	ssyncadd.s32 $0xFFFFD800  }
0x55: {  	_ =	swait.ge [sflag:s30], $0x2800  }
0x56: {  	[sflag:s30] =	ssyncset.done $0x0  }
0x57: {  	[sflag:s30] =	ssyncadd.s32 $0xFFFFD800  }
0x58: {  	_ =	swait.ge [sflag:s30], $0x2800  }
0x59: {  	[sflag:s30] =	ssyncset.done $0x0  }
0x5a: {  	[sflag:s30] =	ssyncadd.s32 $0xFFFFD800  }
0x5b: {  	_ =	swait.ge [sflag:s30], $0x2800  }
0x5c: {  	[sflag:s30] =	ssyncset.done $0x0  }
0x5d: {  	[sflag:s30] =	ssyncadd.s32 $0xFFFFD800  }
0x5e: {  	[bflag:$0x0] =	sbarrier.arrive $0xFFFF  }
0x5f: {  	[tilespmem:s29], [sflag:$0x4] =	stream.indirect.gather [hbm4b:s4+s21], $0x80, s31, s21, $0xb8;
	v63 =	vld [tilespmem:$0x0]  }
0x60: {  	_ =	swait.ge [sflag:s0], $0x2800  }
0x61: {  	[sflag:s0] =	ssyncset.done $0x0  }
0x62: {  	s16 =	simm.s32 $0x1000;
	[sflag:s0] =	ssyncadd.s32 $0xFFFFD800  }
0x63: {  	[spmem:s1] =	stream.indirect.scatter.add.f32 [tilespmem:s22], [sflag:$0x6], $0x80, s16, s21, $0xb8;
	v63 =	vld [tilespmem:$0x0]  }
0x64: {  	_ =	swait.ge [sflag:s19], $0x2800  }
0x65: {  	[sflag:s19] =	ssyncset.done $0x0  }
0x66: {  	s15 =	simm.s32 $0x200;
	[sflag:s19] =	ssyncadd.s32 $0xFFFFD800  }
0x67: {  	[tilespmem:s22], [sflag:$0x1] =	stream.indirect.gather [hbm4b:s4+s21], $0x80, s15, s21, $0xb8;
	v63 =	vld [tilespmem:$0x0]  }
0x68: {  	_ =	swait.ge [sflag:s3], $0x2800  }
0x69: {  	[sflag:s3] =	ssyncset.done $0x0  }
0x6a: {  	s16 =	simm.s32 $0x1080;
	[sflag:s3] =	ssyncadd.s32 $0xFFFFD800  }
0x6b: {  	[spmem:s1] =	stream.indirect.scatter.add.f32 [tilespmem:s25], [sflag:$0x6], $0x80, s16, s21, $0xb8;
	v63 =	vld [tilespmem:$0x0]  }
0x6c: {  	_ =	swait.ge [sflag:s19], $0x2800  }
0x6d: {  	[sflag:s19] =	ssyncset.done $0x0  }
0x6e: {  	s15 =	simm.s32 $0x280;
	[sflag:s19] =	ssyncadd.s32 $0xFFFFD800  }
0x6f: {  	[tilespmem:s25], [sflag:$0x2] =	stream.indirect.gather [hbm4b:s4+s21], $0x80, s15, s21, $0xb8;
	v63 =	vld [tilespmem:$0x0]  }
0x70: {  	_ =	swait.ge [sflag:s6], $0x2800  }
0x71: {  	[sflag:s6] =	ssyncset.done $0x0  }
0x72: {  	s16 =	simm.s32 $0x1100;
	[sflag:s6] =	ssyncadd.s32 $0xFFFFD800  }
0x73: {  	[spmem:s1] =	stream.indirect.scatter.add.f32 [tilespmem:s28], [sflag:$0x6], $0x80, s16, s21, $0xb8;
	v63 =	vld [tilespmem:$0x0]  }
0x74: {  	_ =	swait.ge [sflag:s19], $0x2800  }
0x75: {  	[sflag:s19] =	ssyncset.done $0x0  }
0x76: {  	s15 =	simm.s32 $0x300;
	[sflag:s19] =	ssyncadd.s32 $0xFFFFD800  }
0x77: {  	[tilespmem:s28], [sflag:$0x3] =	stream.indirect.gather [hbm4b:s4+s21], $0x80, s15, s21, $0xb8;
	v63 =	vld [tilespmem:$0x0]  }
0x78: {  	_ =	swait.ge [sflag:s8], $0x2800  }
0x79: {  	[sflag:s8] =	ssyncset.done $0x0  }
0x7a: {  	s16 =	simm.s32 $0x1180;
	[sflag:s8] =	ssyncadd.s32 $0xFFFFD800  }
0x7b: {  	[spmem:s1] =	stream.indirect.scatter.add.f32 [tilespmem:s29], [sflag:$0x6], $0x80, s16, s21, $0xb8;
	v63 =	vld [tilespmem:$0x0]  }
0x7c: {  	_ =	swait.ge [sflag:s19], $0x2800  }
0x7d: {  	[sflag:s19] =	ssyncset.done $0x0  }
0x7e: {  	s14 =	simm.s32 $0x800;
	s15 =	simm.s32 $0x380;
	[sflag:s19] =	ssyncadd.s32 $0xFFFFD800  }
.LBB2_4:
0x7f: {  	[tilespmem:s29], [sflag:$0x4] =	stream.indirect.gather [hbm4b:s4+s21], $0x80, s15, s21, $0xb8;
	v63 =	vld [tilespmem:$0x0]  }
0x80: {  	s15 =	smov.u32 s14  }
0x81: {  	p0 =	sne.s32 s14, $0x3000;
	s14 =	sadd.s32 $0x800, s14;
	_ =	swait.ge [sflag:s0], $0x2800  }
0x82: {  	s15 =	sshra.s32 s15, $0x2;
	[sflag:s0] =	ssyncset.done $0x0  }
0x83: {  	s16 =	sadd.s32 $0x1000, s15;
	[sflag:s0] =	ssyncadd.s32 $0xFFFFD800  }
0x84: {  	[spmem:s1] =	stream.indirect.scatter.add.f32 [tilespmem:s22], [sflag:$0x6], $0x80, s16, s21, $0xb8;
	v63 =	vld [tilespmem:$0x0]  }
0x85: {  	_ =	swait.ge [sflag:s19], $0x2800  }
0x86: {  	[sflag:s19] =	ssyncset.done $0x0  }
0x87: {  	s16 =	sadd.s32 $0x200, s15;
	[sflag:s19] =	ssyncadd.s32 $0xFFFFD800  }
0x88: {  	[tilespmem:s22], [sflag:$0x1] =	stream.indirect.gather [hbm4b:s4+s21], $0x80, s16, s21, $0xb8;
	v63 =	vld [tilespmem:$0x0]  }
0x89: {  	_ =	swait.ge [sflag:s3], $0x2800  }
0x8a: {  	[sflag:s3] =	ssyncset.done $0x0  }
0x8b: {  	s16 =	sadd.s32 $0x1080, s15;
	[sflag:s3] =	ssyncadd.s32 $0xFFFFD800  }
0x8c: {  	[spmem:s1] =	stream.indirect.scatter.add.f32 [tilespmem:s25], [sflag:$0x6], $0x80, s16, s21, $0xb8;
	v63 =	vld [tilespmem:$0x0]  }
0x8d: {  	_ =	swait.ge [sflag:s19], $0x2800  }
0x8e: {  	[sflag:s19] =	ssyncset.done $0x0  }
0x8f: {  	s16 =	sadd.s32 $0x280, s15;
	[sflag:s19] =	ssyncadd.s32 $0xFFFFD800  }
0x90: {  	[tilespmem:s25], [sflag:$0x2] =	stream.indirect.gather [hbm4b:s4+s21], $0x80, s16, s21, $0xb8;
	v63 =	vld [tilespmem:$0x0]  }
0x91: {  	_ =	swait.ge [sflag:s6], $0x2800  }
0x92: {  	[sflag:s6] =	ssyncset.done $0x0  }
0x93: {  	s16 =	sadd.s32 $0x1100, s15;
	[sflag:s6] =	ssyncadd.s32 $0xFFFFD800  }
0x94: {  	[spmem:s1] =	stream.indirect.scatter.add.f32 [tilespmem:s28], [sflag:$0x6], $0x80, s16, s21, $0xb8;
	v63 =	vld [tilespmem:$0x0]  }
0x95: {  	_ =	swait.ge [sflag:s19], $0x2800  }
0x96: {  	[sflag:s19] =	ssyncset.done $0x0  }
0x97: {  	s16 =	sadd.s32 $0x300, s15;
	[sflag:s19] =	ssyncadd.s32 $0xFFFFD800  }
0x98: {  	[tilespmem:s28], [sflag:$0x3] =	stream.indirect.gather [hbm4b:s4+s21], $0x80, s16, s21, $0xb8;
	v63 =	vld [tilespmem:$0x0]  }
0x99: {  	_ =	swait.ge [sflag:s8], $0x2800  }
0x9a: {  	[sflag:s8] =	ssyncset.done $0x0  }
.Ltmp1:
0x9b: {  	s16 =	sadd.s32 $0x1180, s15;
	[sflag:s8] =	ssyncadd.s32 $0xFFFFD800;
	(pc) =	sbr.rel @p0 .LBB2_4-.Ltmp1, $4  }
0x9c: {  	[spmem:s1] =	stream.indirect.scatter.add.f32 [tilespmem:s29], [sflag:$0x6], $0x80, s16, s21, $0xb8;
	v63 =	vld [tilespmem:$0x0]  }
0x9d: {  	_ =	swait.ge [sflag:s19], $0x2800  }
0x9e: {  	[sflag:s19] =	ssyncset.done $0x0  }
0x9f: {  	s15 =	sadd.s32 $0x380, s15;
	[sflag:s19] =	ssyncadd.s32 $0xFFFFD800  }
0xa0: {  	[tilespmem:s29], [sflag:$0x4] =	stream.indirect.gather [hbm4b:s4+s21], $0x80, s15, s21, $0xb8;
	v63 =	vld [tilespmem:$0x0]  }
0xa1: {  	_ =	swait.ge [sflag:s0], $0x2800  }
0xa2: {  	[sflag:s0] =	ssyncset.done $0x0  }
0xa3: {  	[sflag:s0] =	ssyncadd.s32 $0xFFFFD800  }
0xa4: {  	[spmem:s1] =	stream.indirect.scatter.add.f32 [tilespmem:s22], [sflag:$0x6], $0x80, s9, s21, $0xb8;
	v63 =	vld [tilespmem:$0x0]  }
0xa5: {  	_ =	swait.ge [sflag:s19], $0x2800  }
0xa6: {  	[sflag:s19] =	ssyncset.done $0x0  }
0xa7: {  	[sflag:s19] =	ssyncadd.s32 $0xFFFFD800  }
0xa8: {  	_ =	swait.ge [sflag:s3], $0x2800  }
0xa9: {  	[sflag:s3] =	ssyncset.done $0x0  }
0xaa: {  	[sflag:s3] =	ssyncadd.s32 $0xFFFFD800  }
0xab: {  	[spmem:s1] =	stream.indirect.scatter.add.f32 [tilespmem:s25], [sflag:$0x6], $0x80, s10, s21, $0xb8;
	v63 =	vld [tilespmem:$0x0]  }
0xac: {  	_ =	swait.ge [sflag:s19], $0x2800  }
0xad: {  	[sflag:s19] =	ssyncset.done $0x0  }
0xae: {  	[sflag:s19] =	ssyncadd.s32 $0xFFFFD800  }
0xaf: {  	_ =	swait.ge [sflag:s6], $0x2800  }
0xb0: {  	[sflag:s6] =	ssyncset.done $0x0  }
0xb1: {  	[sflag:s6] =	ssyncadd.s32 $0xFFFFD800  }
0xb2: {  	[spmem:s1] =	stream.indirect.scatter.add.f32 [tilespmem:s28], [sflag:$0x6], $0x80, s11, s21, $0xb8;
	v63 =	vld [tilespmem:$0x0]  }
0xb3: {  	_ =	swait.ge [sflag:s19], $0x2800  }
0xb4: {  	[sflag:s19] =	ssyncset.done $0x0  }
0xb5: {  	[sflag:s19] =	ssyncadd.s32 $0xFFFFD800  }
0xb6: {  	_ =	swait.ge [sflag:s8], $0x2800  }
0xb7: {  	[sflag:s8] =	ssyncset.done $0x0  }
0xb8: {  	[sflag:s8] =	ssyncadd.s32 $0xFFFFD800  }
0xb9: {  	[spmem:s1] =	stream.indirect.scatter.add.f32 [tilespmem:s29], [sflag:$0x6], $0x80, s12, s21, $0xb8;
	v63 =	vld [tilespmem:$0x0]  }
0xba: {  	_ =	swait.ge [sflag:s19], $0x2800  }
0xbb: {  	[sflag:s19] =	ssyncset.done $0x0  }
0xbc: {  	s14 =	simm.s32 $0x0;
	s16 =	rddreg [dreg:$0xc];
	[sflag:s19] =	ssyncadd.s32 $0xFFFFD800  }
0xbd: {  	[tilespmem:s14], [sflag:$0x6] =	stream.linear.gather [hbm4b:s16+s14], $0x1000, $0x38;
	v63 =	vld [tilespmem:$0x0]  }
0xbe: {  	_ =	swait.ge [sflag:s19], $0x1000  }
0xbf: {  	[sflag:s19] =	ssyncset.done $0x0  }
0xc0: {  	s16 =	sadd.s32 $0x200, s7;
	[sflag:s19] =	ssyncadd.s32 $0xFFFFF000  }
0xc1: {  	[tilespmem:s20], [sflag:$0x6] =	stream.linear.gather [hbm4b:s16+s14], $0x1000, $0x38;
	v63 =	vld [tilespmem:$0x0]  }
0xc2: {  	_ =	swait.ge [sflag:s19], $0x1000  }
0xc3: {  	[sflag:s19] =	ssyncset.done $0x0  }
0xc4: {  	[sflag:s19] =	ssyncadd.s32 $0xFFFFF000  }
0xc5: {  	[tilespmem:s22], [sflag:$0x1] =	stream.indirect.gather [hbm4b:s4+s21], $0x80, s14, s21, $0xb8;
	v63 =	vld [tilespmem:$0x0]  }
0xc6: {  	_ = 	snop  }
0xc7: {  	[tilespmem:s25], [sflag:$0x2] =	stream.indirect.gather [hbm4b:s4+s21], $0x80, s23, s21, $0xb8;
	v63 =	vld [tilespmem:$0x0]  }
0xc8: {  	_ = 	snop  }
0xc9: {  	[tilespmem:s28], [sflag:$0x3] =	stream.indirect.gather [hbm4b:s4+s21], $0x80, s26, s21, $0xb8;
	v63 =	vld [tilespmem:$0x0]  }
0xca: {  	_ = 	snop  }
0xcb: {  	[tilespmem:s29], [sflag:$0x4] =	stream.indirect.gather [hbm4b:s4+s21], $0x80, s31, s21, $0xb8;
	v63 =	vld [tilespmem:$0x0]  }
0xcc: {  	_ =	swait.ge [sflag:s0], $0x2800  }
0xcd: {  	[sflag:s0] =	ssyncset.done $0x0  }
0xce: {  	s16 =	simm.s32 $0x1000;
	[sflag:s0] =	ssyncadd.s32 $0xFFFFD800  }
0xcf: {  	[spmem:s1] =	stream.indirect.scatter.add.f32 [tilespmem:s22], [sflag:$0x6], $0x80, s16, s21, $0xb8;
	v63 =	vld [tilespmem:$0x0]  }
0xd0: {  	_ =	swait.ge [sflag:s19], $0x2800  }
0xd1: {  	[sflag:s19] =	ssyncset.done $0x0  }
0xd2: {  	s15 =	simm.s32 $0x200;
	[sflag:s19] =	ssyncadd.s32 $0xFFFFD800  }
0xd3: {  	[tilespmem:s22], [sflag:$0x1] =	stream.indirect.gather [hbm4b:s4+s21], $0x80, s15, s21, $0xb8;
	v63 =	vld [tilespmem:$0x0]  }
0xd4: {  	_ =	swait.ge [sflag:s3], $0x2800  }
0xd5: {  	[sflag:s3] =	ssyncset.done $0x0  }
0xd6: {  	s16 =	simm.s32 $0x1080;
	[sflag:s3] =	ssyncadd.s32 $0xFFFFD800  }
0xd7: {  	[spmem:s1] =	stream.indirect.scatter.add.f32 [tilespmem:s25], [sflag:$0x6], $0x80, s16, s21, $0xb8;
	v63 =	vld [tilespmem:$0x0]  }
0xd8: {  	_ =	swait.ge [sflag:s19], $0x2800  }
0xd9: {  	[sflag:s19] =	ssyncset.done $0x0  }
0xda: {  	s15 =	simm.s32 $0x280;
	[sflag:s19] =	ssyncadd.s32 $0xFFFFD800  }
0xdb: {  	[tilespmem:s25], [sflag:$0x2] =	stream.indirect.gather [hbm4b:s4+s21], $0x80, s15, s21, $0xb8;
	v63 =	vld [tilespmem:$0x0]  }
0xdc: {  	_ =	swait.ge [sflag:s6], $0x2800  }
0xdd: {  	[sflag:s6] =	ssyncset.done $0x0  }
0xde: {  	s16 =	simm.s32 $0x1100;
	[sflag:s6] =	ssyncadd.s32 $0xFFFFD800  }
0xdf: {  	[spmem:s1] =	stream.indirect.scatter.add.f32 [tilespmem:s28], [sflag:$0x6], $0x80, s16, s21, $0xb8;
	v63 =	vld [tilespmem:$0x0]  }
0xe0: {  	_ =	swait.ge [sflag:s19], $0x2800  }
0xe1: {  	[sflag:s19] =	ssyncset.done $0x0  }
0xe2: {  	s15 =	simm.s32 $0x300;
	[sflag:s19] =	ssyncadd.s32 $0xFFFFD800  }
0xe3: {  	[tilespmem:s28], [sflag:$0x3] =	stream.indirect.gather [hbm4b:s4+s21], $0x80, s15, s21, $0xb8;
	v63 =	vld [tilespmem:$0x0]  }
0xe4: {  	_ =	swait.ge [sflag:s8], $0x2800  }
0xe5: {  	[sflag:s8] =	ssyncset.done $0x0  }
0xe6: {  	s16 =	simm.s32 $0x1180;
	[sflag:s8] =	ssyncadd.s32 $0xFFFFD800  }
0xe7: {  	[spmem:s1] =	stream.indirect.scatter.add.f32 [tilespmem:s29], [sflag:$0x6], $0x80, s16, s21, $0xb8;
	v63 =	vld [tilespmem:$0x0]  }
0xe8: {  	_ =	swait.ge [sflag:s19], $0x2800  }
0xe9: {  	[sflag:s19] =	ssyncset.done $0x0  }
0xea: {  	s14 =	simm.s32 $0x800;
	s15 =	simm.s32 $0x380;
	[sflag:s19] =	ssyncadd.s32 $0xFFFFD800  }
.LBB2_6:
0xeb: {  	[tilespmem:s29], [sflag:$0x4] =	stream.indirect.gather [hbm4b:s4+s21], $0x80, s15, s21, $0xb8;
	v63 =	vld [tilespmem:$0x0]  }
0xec: {  	s15 =	smov.u32 s14  }
0xed: {  	p0 =	sne.s32 s14, $0x3000;
	s14 =	sadd.s32 $0x800, s14;
	_ =	swait.ge [sflag:s0], $0x2800  }
0xee: {  	s15 =	sshra.s32 s15, $0x2;
	[sflag:s0] =	ssyncset.done $0x0  }
0xef: {  	s16 =	sadd.s32 $0x1000, s15;
	[sflag:s0] =	ssyncadd.s32 $0xFFFFD800  }
0xf0: {  	[spmem:s1] =	stream.indirect.scatter.add.f32 [tilespmem:s22], [sflag:$0x6], $0x80, s16, s21, $0xb8;
	v63 =	vld [tilespmem:$0x0]  }
0xf1: {  	_ =	swait.ge [sflag:s19], $0x2800  }
0xf2: {  	[sflag:s19] =	ssyncset.done $0x0  }
0xf3: {  	s16 =	sadd.s32 $0x200, s15;
	[sflag:s19] =	ssyncadd.s32 $0xFFFFD800  }
0xf4: {  	[tilespmem:s22], [sflag:$0x1] =	stream.indirect.gather [hbm4b:s4+s21], $0x80, s16, s21, $0xb8;
	v63 =	vld [tilespmem:$0x0]  }
0xf5: {  	_ =	swait.ge [sflag:s3], $0x2800  }
0xf6: {  	[sflag:s3] =	ssyncset.done $0x0  }
0xf7: {  	s16 =	sadd.s32 $0x1080, s15;
	[sflag:s3] =	ssyncadd.s32 $0xFFFFD800  }
0xf8: {  	[spmem:s1] =	stream.indirect.scatter.add.f32 [tilespmem:s25], [sflag:$0x6], $0x80, s16, s21, $0xb8;
	v63 =	vld [tilespmem:$0x0]  }
0xf9: {  	_ =	swait.ge [sflag:s19], $0x2800  }
0xfa: {  	[sflag:s19] =	ssyncset.done $0x0  }
0xfb: {  	s16 =	sadd.s32 $0x280, s15;
	[sflag:s19] =	ssyncadd.s32 $0xFFFFD800  }
0xfc: {  	[tilespmem:s25], [sflag:$0x2] =	stream.indirect.gather [hbm4b:s4+s21], $0x80, s16, s21, $0xb8;
	v63 =	vld [tilespmem:$0x0]  }
0xfd: {  	_ =	swait.ge [sflag:s6], $0x2800  }
0xfe: {  	[sflag:s6] =	ssyncset.done $0x0  }
0xff: {  	s16 =	sadd.s32 $0x1100, s15;
	[sflag:s6] =	ssyncadd.s32 $0xFFFFD800  }
0x100: {  	[spmem:s1] =	stream.indirect.scatter.add.f32 [tilespmem:s28], [sflag:$0x6], $0x80, s16, s21, $0xb8;
	v63 =	vld [tilespmem:$0x0]  }
0x101: {  	_ =	swait.ge [sflag:s19], $0x2800  }
0x102: {  	[sflag:s19] =	ssyncset.done $0x0  }
0x103: {  	s16 =	sadd.s32 $0x300, s15;
	[sflag:s19] =	ssyncadd.s32 $0xFFFFD800  }
0x104: {  	[tilespmem:s28], [sflag:$0x3] =	stream.indirect.gather [hbm4b:s4+s21], $0x80, s16, s21, $0xb8;
	v63 =	vld [tilespmem:$0x0]  }
0x105: {  	_ =	swait.ge [sflag:s8], $0x2800  }
0x106: {  	[sflag:s8] =	ssyncset.done $0x0  }
.Ltmp2:
0x107: {  	s16 =	sadd.s32 $0x1180, s15;
	[sflag:s8] =	ssyncadd.s32 $0xFFFFD800;
	(pc) =	sbr.rel @p0 .LBB2_6-.Ltmp2, $4  }
0x108: {  	[spmem:s1] =	stream.indirect.scatter.add.f32 [tilespmem:s29], [sflag:$0x6], $0x80, s16, s21, $0xb8;
	v63 =	vld [tilespmem:$0x0]  }
0x109: {  	_ =	swait.ge [sflag:s19], $0x2800  }
0x10a: {  	[sflag:s19] =	ssyncset.done $0x0  }
0x10b: {  	s15 =	sadd.s32 $0x380, s15;
	[sflag:s19] =	ssyncadd.s32 $0xFFFFD800  }
0x10c: {  	[tilespmem:s29], [sflag:$0x4] =	stream.indirect.gather [hbm4b:s4+s21], $0x80, s15, s21, $0xb8;
	v63 =	vld [tilespmem:$0x0]  }
0x10d: {  	_ =	swait.ge [sflag:s0], $0x2800  }
0x10e: {  	[sflag:s0] =	ssyncset.done $0x0  }
0x10f: {  	[sflag:s0] =	ssyncadd.s32 $0xFFFFD800  }
0x110: {  	[spmem:s1] =	stream.indirect.scatter.add.f32 [tilespmem:s22], [sflag:$0x6], $0x80, s9, s21, $0xb8;
	v63 =	vld [tilespmem:$0x0]  }
0x111: {  	_ =	swait.ge [sflag:s19], $0x2800  }
0x112: {  	[sflag:s19] =	ssyncset.done $0x0  }
0x113: {  	[sflag:s19] =	ssyncadd.s32 $0xFFFFD800  }
0x114: {  	_ =	swait.ge [sflag:s3], $0x2800  }
0x115: {  	[sflag:s3] =	ssyncset.done $0x0  }
0x116: {  	[sflag:s3] =	ssyncadd.s32 $0xFFFFD800  }
0x117: {  	[spmem:s1] =	stream.indirect.scatter.add.f32 [tilespmem:s25], [sflag:$0x6], $0x80, s10, s21, $0xb8;
	v63 =	vld [tilespmem:$0x0]  }
0x118: {  	_ =	swait.ge [sflag:s19], $0x2800  }
0x119: {  	[sflag:s19] =	ssyncset.done $0x0  }
0x11a: {  	[sflag:s19] =	ssyncadd.s32 $0xFFFFD800  }
0x11b: {  	_ =	swait.ge [sflag:s6], $0x2800  }
0x11c: {  	[sflag:s6] =	ssyncset.done $0x0  }
0x11d: {  	[sflag:s6] =	ssyncadd.s32 $0xFFFFD800  }
0x11e: {  	[spmem:s1] =	stream.indirect.scatter.add.f32 [tilespmem:s28], [sflag:$0x6], $0x80, s11, s21, $0xb8;
	v63 =	vld [tilespmem:$0x0]  }
0x11f: {  	_ =	swait.ge [sflag:s19], $0x2800  }
0x120: {  	[sflag:s19] =	ssyncset.done $0x0  }
0x121: {  	[sflag:s19] =	ssyncadd.s32 $0xFFFFD800  }
0x122: {  	_ =	swait.ge [sflag:s8], $0x2800  }
0x123: {  	[sflag:s8] =	ssyncset.done $0x0  }
0x124: {  	[sflag:s8] =	ssyncadd.s32 $0xFFFFD800  }
0x125: {  	[spmem:s1] =	stream.indirect.scatter.add.f32 [tilespmem:s29], [sflag:$0x6], $0x80, s12, s21, $0xb8;
	v63 =	vld [tilespmem:$0x0]  }
0x126: {  	_ =	swait.ge [sflag:s19], $0x2800  }
0x127: {  	[sflag:s19] =	ssyncset.done $0x0  }
0x128: {  	s14 =	simm.s32 $0x0;
	s16 =	rddreg [dreg:$0xd];
	[sflag:s19] =	ssyncadd.s32 $0xFFFFD800  }
0x129: {  	[tilespmem:s14], [sflag:$0x6] =	stream.linear.gather [hbm4b:s16+s14], $0x1000, $0x38;
	v63 =	vld [tilespmem:$0x0]  }
0x12a: {  	_ =	swait.ge [sflag:s19], $0x1000  }
0x12b: {  	[sflag:s19] =	ssyncset.done $0x0  }
0x12c: {  	s16 =	sadd.s32 $0x400, s7;
	[sflag:s19] =	ssyncadd.s32 $0xFFFFF000  }
0x12d: {  	[tilespmem:s20], [sflag:$0x6] =	stream.linear.gather [hbm4b:s16+s14], $0x1000, $0x38;
	v63 =	vld [tilespmem:$0x0]  }
0x12e: {  	_ =	swait.ge [sflag:s19], $0x1000  }
0x12f: {  	[sflag:s19] =	ssyncset.done $0x0  }
0x130: {  	[sflag:s19] =	ssyncadd.s32 $0xFFFFF000  }
0x131: {  	[tilespmem:s22], [sflag:$0x1] =	stream.indirect.gather [hbm4b:s4+s21], $0x80, s14, s21, $0xb8;
	v63 =	vld [tilespmem:$0x0]  }
0x132: {  	_ = 	snop  }
0x133: {  	[tilespmem:s25], [sflag:$0x2] =	stream.indirect.gather [hbm4b:s4+s21], $0x80, s23, s21, $0xb8;
	v63 =	vld [tilespmem:$0x0]  }
0x134: {  	_ = 	snop  }
0x135: {  	[tilespmem:s28], [sflag:$0x3] =	stream.indirect.gather [hbm4b:s4+s21], $0x80, s26, s21, $0xb8;
	v63 =	vld [tilespmem:$0x0]  }
0x136: {  	_ = 	snop  }
0x137: {  	[tilespmem:s29], [sflag:$0x4] =	stream.indirect.gather [hbm4b:s4+s21], $0x80, s31, s21, $0xb8;
	v63 =	vld [tilespmem:$0x0]  }
0x138: {  	_ =	swait.ge [sflag:s0], $0x2800  }
0x139: {  	[sflag:s0] =	ssyncset.done $0x0  }
0x13a: {  	s16 =	simm.s32 $0x1000;
	[sflag:s0] =	ssyncadd.s32 $0xFFFFD800  }
0x13b: {  	[spmem:s1] =	stream.indirect.scatter.add.f32 [tilespmem:s22], [sflag:$0x6], $0x80, s16, s21, $0xb8;
	v63 =	vld [tilespmem:$0x0]  }
0x13c: {  	_ =	swait.ge [sflag:s19], $0x2800  }
0x13d: {  	[sflag:s19] =	ssyncset.done $0x0  }
0x13e: {  	s15 =	simm.s32 $0x200;
	[sflag:s19] =	ssyncadd.s32 $0xFFFFD800  }
0x13f: {  	[tilespmem:s22], [sflag:$0x1] =	stream.indirect.gather [hbm4b:s4+s21], $0x80, s15, s21, $0xb8;
	v63 =	vld [tilespmem:$0x0]  }
0x140: {  	_ =	swait.ge [sflag:s3], $0x2800  }
0x141: {  	[sflag:s3] =	ssyncset.done $0x0  }
0x142: {  	s16 =	simm.s32 $0x1080;
	[sflag:s3] =	ssyncadd.s32 $0xFFFFD800  }
0x143: {  	[spmem:s1] =	stream.indirect.scatter.add.f32 [tilespmem:s25], [sflag:$0x6], $0x80, s16, s21, $0xb8;
	v63 =	vld [tilespmem:$0x0]  }
0x144: {  	_ =	swait.ge [sflag:s19], $0x2800  }
0x145: {  	[sflag:s19] =	ssyncset.done $0x0  }
0x146: {  	s15 =	simm.s32 $0x280;
	[sflag:s19] =	ssyncadd.s32 $0xFFFFD800  }
0x147: {  	[tilespmem:s25], [sflag:$0x2] =	stream.indirect.gather [hbm4b:s4+s21], $0x80, s15, s21, $0xb8;
	v63 =	vld [tilespmem:$0x0]  }
0x148: {  	_ =	swait.ge [sflag:s6], $0x2800  }
0x149: {  	[sflag:s6] =	ssyncset.done $0x0  }
0x14a: {  	s16 =	simm.s32 $0x1100;
	[sflag:s6] =	ssyncadd.s32 $0xFFFFD800  }
0x14b: {  	[spmem:s1] =	stream.indirect.scatter.add.f32 [tilespmem:s28], [sflag:$0x6], $0x80, s16, s21, $0xb8;
	v63 =	vld [tilespmem:$0x0]  }
0x14c: {  	_ =	swait.ge [sflag:s19], $0x2800  }
0x14d: {  	[sflag:s19] =	ssyncset.done $0x0  }
0x14e: {  	s15 =	simm.s32 $0x300;
	[sflag:s19] =	ssyncadd.s32 $0xFFFFD800  }
0x14f: {  	[tilespmem:s28], [sflag:$0x3] =	stream.indirect.gather [hbm4b:s4+s21], $0x80, s15, s21, $0xb8;
	v63 =	vld [tilespmem:$0x0]  }
0x150: {  	_ =	swait.ge [sflag:s8], $0x2800  }
0x151: {  	[sflag:s8] =	ssyncset.done $0x0  }
0x152: {  	s16 =	simm.s32 $0x1180;
	[sflag:s8] =	ssyncadd.s32 $0xFFFFD800  }
0x153: {  	[spmem:s1] =	stream.indirect.scatter.add.f32 [tilespmem:s29], [sflag:$0x6], $0x80, s16, s21, $0xb8;
	v63 =	vld [tilespmem:$0x0]  }
0x154: {  	_ =	swait.ge [sflag:s19], $0x2800  }
0x155: {  	[sflag:s19] =	ssyncset.done $0x0  }
0x156: {  	s14 =	simm.s32 $0x800;
	s15 =	simm.s32 $0x380;
	[sflag:s19] =	ssyncadd.s32 $0xFFFFD800  }
.LBB2_8:
0x157: {  	[tilespmem:s29], [sflag:$0x4] =	stream.indirect.gather [hbm4b:s4+s21], $0x80, s15, s21, $0xb8;
	v63 =	vld [tilespmem:$0x0]  }
0x158: {  	s15 =	smov.u32 s14  }
0x159: {  	p0 =	sne.s32 s14, $0x3000;
	s14 =	sadd.s32 $0x800, s14;
	_ =	swait.ge [sflag:s0], $0x2800  }
0x15a: {  	s15 =	sshra.s32 s15, $0x2;
	[sflag:s0] =	ssyncset.done $0x0  }
0x15b: {  	s16 =	sadd.s32 $0x1000, s15;
	[sflag:s0] =	ssyncadd.s32 $0xFFFFD800  }
0x15c: {  	[spmem:s1] =	stream.indirect.scatter.add.f32 [tilespmem:s22], [sflag:$0x6], $0x80, s16, s21, $0xb8;
	v63 =	vld [tilespmem:$0x0]  }
0x15d: {  	_ =	swait.ge [sflag:s19], $0x2800  }
0x15e: {  	[sflag:s19] =	ssyncset.done $0x0  }
0x15f: {  	s16 =	sadd.s32 $0x200, s15;
	[sflag:s19] =	ssyncadd.s32 $0xFFFFD800  }
0x160: {  	[tilespmem:s22], [sflag:$0x1] =	stream.indirect.gather [hbm4b:s4+s21], $0x80, s16, s21, $0xb8;
	v63 =	vld [tilespmem:$0x0]  }
0x161: {  	_ =	swait.ge [sflag:s3], $0x2800  }
0x162: {  	[sflag:s3] =	ssyncset.done $0x0  }
0x163: {  	s16 =	sadd.s32 $0x1080, s15;
	[sflag:s3] =	ssyncadd.s32 $0xFFFFD800  }
0x164: {  	[spmem:s1] =	stream.indirect.scatter.add.f32 [tilespmem:s25], [sflag:$0x6], $0x80, s16, s21, $0xb8;
	v63 =	vld [tilespmem:$0x0]  }
0x165: {  	_ =	swait.ge [sflag:s19], $0x2800  }
0x166: {  	[sflag:s19] =	ssyncset.done $0x0  }
0x167: {  	s16 =	sadd.s32 $0x280, s15;
	[sflag:s19] =	ssyncadd.s32 $0xFFFFD800  }
0x168: {  	[tilespmem:s25], [sflag:$0x2] =	stream.indirect.gather [hbm4b:s4+s21], $0x80, s16, s21, $0xb8;
	v63 =	vld [tilespmem:$0x0]  }
0x169: {  	_ =	swait.ge [sflag:s6], $0x2800  }
0x16a: {  	[sflag:s6] =	ssyncset.done $0x0  }
0x16b: {  	s16 =	sadd.s32 $0x1100, s15;
	[sflag:s6] =	ssyncadd.s32 $0xFFFFD800  }
0x16c: {  	[spmem:s1] =	stream.indirect.scatter.add.f32 [tilespmem:s28], [sflag:$0x6], $0x80, s16, s21, $0xb8;
	v63 =	vld [tilespmem:$0x0]  }
0x16d: {  	_ =	swait.ge [sflag:s19], $0x2800  }
0x16e: {  	[sflag:s19] =	ssyncset.done $0x0  }
0x16f: {  	s16 =	sadd.s32 $0x300, s15;
	[sflag:s19] =	ssyncadd.s32 $0xFFFFD800  }
0x170: {  	[tilespmem:s28], [sflag:$0x3] =	stream.indirect.gather [hbm4b:s4+s21], $0x80, s16, s21, $0xb8;
	v63 =	vld [tilespmem:$0x0]  }
0x171: {  	_ =	swait.ge [sflag:s8], $0x2800  }
0x172: {  	[sflag:s8] =	ssyncset.done $0x0  }
.Ltmp3:
0x173: {  	s16 =	sadd.s32 $0x1180, s15;
	[sflag:s8] =	ssyncadd.s32 $0xFFFFD800;
	(pc) =	sbr.rel @p0 .LBB2_8-.Ltmp3, $4  }
0x174: {  	[spmem:s1] =	stream.indirect.scatter.add.f32 [tilespmem:s29], [sflag:$0x6], $0x80, s16, s21, $0xb8;
	v63 =	vld [tilespmem:$0x0]  }
0x175: {  	_ =	swait.ge [sflag:s19], $0x2800  }
0x176: {  	[sflag:s19] =	ssyncset.done $0x0  }
0x177: {  	s15 =	sadd.s32 $0x380, s15;
	[sflag:s19] =	ssyncadd.s32 $0xFFFFD800  }
0x178: {  	[tilespmem:s29], [sflag:$0x4] =	stream.indirect.gather [hbm4b:s4+s21], $0x80, s15, s21, $0xb8;
	v63 =	vld [tilespmem:$0x0]  }
0x179: {  	_ =	swait.ge [sflag:s0], $0x2800  }
0x17a: {  	[sflag:s0] =	ssyncset.done $0x0  }
0x17b: {  	[sflag:s0] =	ssyncadd.s32 $0xFFFFD800  }
0x17c: {  	[spmem:s1] =	stream.indirect.scatter.add.f32 [tilespmem:s22], [sflag:$0x6], $0x80, s9, s21, $0xb8;
	v63 =	vld [tilespmem:$0x0]  }
0x17d: {  	_ =	swait.ge [sflag:s19], $0x2800  }
0x17e: {  	[sflag:s19] =	ssyncset.done $0x0  }
0x17f: {  	[sflag:s19] =	ssyncadd.s32 $0xFFFFD800  }
0x180: {  	_ =	swait.ge [sflag:s3], $0x2800  }
0x181: {  	[sflag:s3] =	ssyncset.done $0x0  }
0x182: {  	[sflag:s3] =	ssyncadd.s32 $0xFFFFD800  }
0x183: {  	[spmem:s1] =	stream.indirect.scatter.add.f32 [tilespmem:s25], [sflag:$0x6], $0x80, s10, s21, $0xb8;
	v63 =	vld [tilespmem:$0x0]  }
0x184: {  	_ =	swait.ge [sflag:s19], $0x2800  }
0x185: {  	[sflag:s19] =	ssyncset.done $0x0  }
0x186: {  	[sflag:s19] =	ssyncadd.s32 $0xFFFFD800  }
0x187: {  	_ =	swait.ge [sflag:s6], $0x2800  }
0x188: {  	[sflag:s6] =	ssyncset.done $0x0  }
0x189: {  	[sflag:s6] =	ssyncadd.s32 $0xFFFFD800  }
0x18a: {  	[spmem:s1] =	stream.indirect.scatter.add.f32 [tilespmem:s28], [sflag:$0x6], $0x80, s11, s21, $0xb8;
	v63 =	vld [tilespmem:$0x0]  }
0x18b: {  	_ =	swait.ge [sflag:s19], $0x2800  }
0x18c: {  	[sflag:s19] =	ssyncset.done $0x0  }
0x18d: {  	[sflag:s19] =	ssyncadd.s32 $0xFFFFD800  }
0x18e: {  	_ =	swait.ge [sflag:s8], $0x2800  }
0x18f: {  	[sflag:s8] =	ssyncset.done $0x0  }
0x190: {  	[sflag:s8] =	ssyncadd.s32 $0xFFFFD800  }
0x191: {  	[spmem:s1] =	stream.indirect.scatter.add.f32 [tilespmem:s29], [sflag:$0x6], $0x80, s12, s21, $0xb8;
	v63 =	vld [tilespmem:$0x0]  }
0x192: {  	_ =	swait.ge [sflag:s19], $0x2800  }
0x193: {  	[sflag:s19] =	ssyncset.done $0x0  }
0x194: {  	s14 =	simm.s32 $0x0;
	[sflag:s19] =	ssyncadd.s32 $0xFFFFD800  }
0x195: {  	[tilespmem:s14], [sflag:$0x6] =	stream.linear.gather [hbm4b:s17+s14], $0x1000, $0x38;
	v63 =	vld [tilespmem:$0x0]  }
0x196: {  	_ =	swait.ge [sflag:s19], $0x1000  }
0x197: {  	[sflag:s19] =	ssyncset.done $0x0  }
0x198: {  	s16 =	sadd.s32 $0x600, s7;
	[sflag:s19] =	ssyncadd.s32 $0xFFFFF000  }
0x199: {  	[tilespmem:s20], [sflag:$0x6] =	stream.linear.gather [hbm4b:s16+s14], $0x1000, $0x38;
	v63 =	vld [tilespmem:$0x0]  }
0x19a: {  	_ =	swait.ge [sflag:s19], $0x1000  }
0x19b: {  	[sflag:s19] =	ssyncset.done $0x0  }
0x19c: {  	[sflag:s19] =	ssyncadd.s32 $0xFFFFF000  }
0x19d: {  	[tilespmem:s22], [sflag:$0x1] =	stream.indirect.gather [hbm4b:s4+s21], $0x80, s14, s21, $0xb8;
	v63 =	vld [tilespmem:$0x0]  }
0x19e: {  	_ = 	snop  }
0x19f: {  	[tilespmem:s25], [sflag:$0x2] =	stream.indirect.gather [hbm4b:s4+s21], $0x80, s23, s21, $0xb8;
	v63 =	vld [tilespmem:$0x0]  }
0x1a0: {  	_ = 	snop  }
0x1a1: {  	[tilespmem:s28], [sflag:$0x3] =	stream.indirect.gather [hbm4b:s4+s21], $0x80, s26, s21, $0xb8;
	v63 =	vld [tilespmem:$0x0]  }
0x1a2: {  	_ = 	snop  }
0x1a3: {  	[tilespmem:s29], [sflag:$0x4] =	stream.indirect.gather [hbm4b:s4+s21], $0x80, s31, s21, $0xb8;
	v63 =	vld [tilespmem:$0x0]  }
0x1a4: {  	_ =	swait.ge [sflag:s0], $0x2800  }
0x1a5: {  	[sflag:s0] =	ssyncset.done $0x0  }
0x1a6: {  	s16 =	simm.s32 $0x1000;
	[sflag:s0] =	ssyncadd.s32 $0xFFFFD800  }
0x1a7: {  	[spmem:s1] =	stream.indirect.scatter.add.f32 [tilespmem:s22], [sflag:$0x6], $0x80, s16, s21, $0xb8;
	v63 =	vld [tilespmem:$0x0]  }
0x1a8: {  	_ =	swait.ge [sflag:s19], $0x2800  }
0x1a9: {  	[sflag:s19] =	ssyncset.done $0x0  }
0x1aa: {  	s15 =	simm.s32 $0x200;
	[sflag:s19] =	ssyncadd.s32 $0xFFFFD800  }
0x1ab: {  	[tilespmem:s22], [sflag:$0x1] =	stream.indirect.gather [hbm4b:s4+s21], $0x80, s15, s21, $0xb8;
	v63 =	vld [tilespmem:$0x0]  }
0x1ac: {  	_ =	swait.ge [sflag:s3], $0x2800  }
0x1ad: {  	[sflag:s3] =	ssyncset.done $0x0  }
0x1ae: {  	s16 =	simm.s32 $0x1080;
	[sflag:s3] =	ssyncadd.s32 $0xFFFFD800  }
0x1af: {  	[spmem:s1] =	stream.indirect.scatter.add.f32 [tilespmem:s25], [sflag:$0x6], $0x80, s16, s21, $0xb8;
	v63 =	vld [tilespmem:$0x0]  }
0x1b0: {  	_ =	swait.ge [sflag:s19], $0x2800  }
0x1b1: {  	[sflag:s19] =	ssyncset.done $0x0  }
0x1b2: {  	s15 =	simm.s32 $0x280;
	[sflag:s19] =	ssyncadd.s32 $0xFFFFD800  }
0x1b3: {  	[tilespmem:s25], [sflag:$0x2] =	stream.indirect.gather [hbm4b:s4+s21], $0x80, s15, s21, $0xb8;
	v63 =	vld [tilespmem:$0x0]  }
0x1b4: {  	_ =	swait.ge [sflag:s6], $0x2800  }
0x1b5: {  	[sflag:s6] =	ssyncset.done $0x0  }
0x1b6: {  	s16 =	simm.s32 $0x1100;
	[sflag:s6] =	ssyncadd.s32 $0xFFFFD800  }
0x1b7: {  	[spmem:s1] =	stream.indirect.scatter.add.f32 [tilespmem:s28], [sflag:$0x6], $0x80, s16, s21, $0xb8;
	v63 =	vld [tilespmem:$0x0]  }
0x1b8: {  	_ =	swait.ge [sflag:s19], $0x2800  }
0x1b9: {  	[sflag:s19] =	ssyncset.done $0x0  }
0x1ba: {  	s15 =	simm.s32 $0x300;
	[sflag:s19] =	ssyncadd.s32 $0xFFFFD800  }
0x1bb: {  	[tilespmem:s28], [sflag:$0x3] =	stream.indirect.gather [hbm4b:s4+s21], $0x80, s15, s21, $0xb8;
	v63 =	vld [tilespmem:$0x0]  }
0x1bc: {  	_ =	swait.ge [sflag:s8], $0x2800  }
0x1bd: {  	[sflag:s8] =	ssyncset.done $0x0  }
0x1be: {  	s16 =	simm.s32 $0x1180;
	[sflag:s8] =	ssyncadd.s32 $0xFFFFD800  }
0x1bf: {  	[spmem:s1] =	stream.indirect.scatter.add.f32 [tilespmem:s29], [sflag:$0x6], $0x80, s16, s21, $0xb8;
	v63 =	vld [tilespmem:$0x0]  }
0x1c0: {  	_ =	swait.ge [sflag:s19], $0x2800  }
0x1c1: {  	[sflag:s19] =	ssyncset.done $0x0  }
0x1c2: {  	s14 =	simm.s32 $0x800;
	s15 =	simm.s32 $0x380;
	[sflag:s19] =	ssyncadd.s32 $0xFFFFD800  }
.LBB2_10:
0x1c3: {  	[tilespmem:s29], [sflag:$0x4] =	stream.indirect.gather [hbm4b:s4+s21], $0x80, s15, s21, $0xb8;
	v63 =	vld [tilespmem:$0x0]  }
0x1c4: {  	s15 =	smov.u32 s14  }
0x1c5: {  	p0 =	sne.s32 s14, $0x3000;
	s14 =	sadd.s32 $0x800, s14;
	_ =	swait.ge [sflag:s0], $0x2800  }
0x1c6: {  	s15 =	sshra.s32 s15, $0x2;
	[sflag:s0] =	ssyncset.done $0x0  }
0x1c7: {  	s16 =	sadd.s32 $0x1000, s15;
	[sflag:s0] =	ssyncadd.s32 $0xFFFFD800  }
0x1c8: {  	[spmem:s1] =	stream.indirect.scatter.add.f32 [tilespmem:s22], [sflag:$0x6], $0x80, s16, s21, $0xb8;
	v63 =	vld [tilespmem:$0x0]  }
0x1c9: {  	_ =	swait.ge [sflag:s19], $0x2800  }
0x1ca: {  	[sflag:s19] =	ssyncset.done $0x0  }
0x1cb: {  	s16 =	sadd.s32 $0x200, s15;
	[sflag:s19] =	ssyncadd.s32 $0xFFFFD800  }
0x1cc: {  	[tilespmem:s22], [sflag:$0x1] =	stream.indirect.gather [hbm4b:s4+s21], $0x80, s16, s21, $0xb8;
	v63 =	vld [tilespmem:$0x0]  }
0x1cd: {  	_ =	swait.ge [sflag:s3], $0x2800  }
0x1ce: {  	[sflag:s3] =	ssyncset.done $0x0  }
0x1cf: {  	s16 =	sadd.s32 $0x1080, s15;
	[sflag:s3] =	ssyncadd.s32 $0xFFFFD800  }
0x1d0: {  	[spmem:s1] =	stream.indirect.scatter.add.f32 [tilespmem:s25], [sflag:$0x6], $0x80, s16, s21, $0xb8;
	v63 =	vld [tilespmem:$0x0]  }
0x1d1: {  	_ =	swait.ge [sflag:s19], $0x2800  }
0x1d2: {  	[sflag:s19] =	ssyncset.done $0x0  }
0x1d3: {  	s16 =	sadd.s32 $0x280, s15;
	[sflag:s19] =	ssyncadd.s32 $0xFFFFD800  }
0x1d4: {  	[tilespmem:s25], [sflag:$0x2] =	stream.indirect.gather [hbm4b:s4+s21], $0x80, s16, s21, $0xb8;
	v63 =	vld [tilespmem:$0x0]  }
0x1d5: {  	_ =	swait.ge [sflag:s6], $0x2800  }
0x1d6: {  	[sflag:s6] =	ssyncset.done $0x0  }
0x1d7: {  	s16 =	sadd.s32 $0x1100, s15;
	[sflag:s6] =	ssyncadd.s32 $0xFFFFD800  }
0x1d8: {  	[spmem:s1] =	stream.indirect.scatter.add.f32 [tilespmem:s28], [sflag:$0x6], $0x80, s16, s21, $0xb8;
	v63 =	vld [tilespmem:$0x0]  }
0x1d9: {  	_ =	swait.ge [sflag:s19], $0x2800  }
0x1da: {  	[sflag:s19] =	ssyncset.done $0x0  }
0x1db: {  	s16 =	sadd.s32 $0x300, s15;
	[sflag:s19] =	ssyncadd.s32 $0xFFFFD800  }
0x1dc: {  	[tilespmem:s28], [sflag:$0x3] =	stream.indirect.gather [hbm4b:s4+s21], $0x80, s16, s21, $0xb8;
	v63 =	vld [tilespmem:$0x0]  }
0x1dd: {  	_ =	swait.ge [sflag:s8], $0x2800  }
0x1de: {  	[sflag:s8] =	ssyncset.done $0x0  }
.Ltmp4:
0x1df: {  	s16 =	sadd.s32 $0x1180, s15;
	[sflag:s8] =	ssyncadd.s32 $0xFFFFD800;
	(pc) =	sbr.rel @p0 .LBB2_10-.Ltmp4, $4  }
0x1e0: {  	[spmem:s1] =	stream.indirect.scatter.add.f32 [tilespmem:s29], [sflag:$0x6], $0x80, s16, s21, $0xb8;
	v63 =	vld [tilespmem:$0x0]  }
0x1e1: {  	_ =	swait.ge [sflag:s19], $0x2800  }
0x1e2: {  	[sflag:s19] =	ssyncset.done $0x0  }
0x1e3: {  	s15 =	sadd.s32 $0x380, s15;
	[sflag:s19] =	ssyncadd.s32 $0xFFFFD800  }
0x1e4: {  	[tilespmem:s29], [sflag:$0x4] =	stream.indirect.gather [hbm4b:s4+s21], $0x80, s15, s21, $0xb8;
	v63 =	vld [tilespmem:$0x0]  }
0x1e5: {  	_ =	swait.ge [sflag:s0], $0x2800  }
0x1e6: {  	[sflag:s0] =	ssyncset.done $0x0  }
0x1e7: {  	[sflag:s0] =	ssyncadd.s32 $0xFFFFD800  }
0x1e8: {  	[spmem:s1] =	stream.indirect.scatter.add.f32 [tilespmem:s22], [sflag:$0x6], $0x80, s9, s21, $0xb8;
	v63 =	vld [tilespmem:$0x0]  }
0x1e9: {  	_ =	swait.ge [sflag:s19], $0x2800  }
0x1ea: {  	[sflag:s19] =	ssyncset.done $0x0  }
0x1eb: {  	[sflag:s19] =	ssyncadd.s32 $0xFFFFD800  }
0x1ec: {  	_ =	swait.ge [sflag:s3], $0x2800  }
0x1ed: {  	[sflag:s3] =	ssyncset.done $0x0  }
0x1ee: {  	[sflag:s3] =	ssyncadd.s32 $0xFFFFD800  }
0x1ef: {  	[spmem:s1] =	stream.indirect.scatter.add.f32 [tilespmem:s25], [sflag:$0x6], $0x80, s10, s21, $0xb8;
	v63 =	vld [tilespmem:$0x0]  }
0x1f0: {  	_ =	swait.ge [sflag:s19], $0x2800  }
0x1f1: {  	[sflag:s19] =	ssyncset.done $0x0  }
0x1f2: {  	[sflag:s19] =	ssyncadd.s32 $0xFFFFD800  }
0x1f3: {  	_ =	swait.ge [sflag:s6], $0x2800  }
0x1f4: {  	[sflag:s6] =	ssyncset.done $0x0  }
0x1f5: {  	[sflag:s6] =	ssyncadd.s32 $0xFFFFD800  }
0x1f6: {  	[spmem:s1] =	stream.indirect.scatter.add.f32 [tilespmem:s28], [sflag:$0x6], $0x80, s11, s21, $0xb8;
	v63 =	vld [tilespmem:$0x0]  }
0x1f7: {  	_ =	swait.ge [sflag:s19], $0x2800  }
0x1f8: {  	[sflag:s19] =	ssyncset.done $0x0  }
0x1f9: {  	[sflag:s19] =	ssyncadd.s32 $0xFFFFD800  }
0x1fa: {  	_ =	swait.ge [sflag:s8], $0x2800  }
0x1fb: {  	[sflag:s8] =	ssyncset.done $0x0  }
0x1fc: {  	[sflag:s8] =	ssyncadd.s32 $0xFFFFD800  }
0x1fd: {  	[spmem:s1] =	stream.indirect.scatter.add.f32 [tilespmem:s29], [sflag:$0x6], $0x80, s12, s21, $0xb8;
	v63 =	vld [tilespmem:$0x0]  }
0x1fe: {  	s14 =	stileid.u32;
	_ =	swait.ge [sflag:s19], $0x2800  }
0x1ff: {  	s16 =	sshrl.u32 s5, $0x3;
	s13 =	sadd.s32 $0x1, s13;
	[sflag:s19] =	ssyncset.done $0x0  }
0x200: {  	s14 =	sshll.u32 s14, $0x6;
	p0 =	sne.s32 s13, s18;
	[sflag:s19] =	ssyncadd.s32 $0xFFFFD800  }
.Ltmp5:
0x201: {  	s14 =	sor.u32 $0x1C06, s14;
	[bflag:$0x0] =	sbarrier.arrive $0xFFFF;
	(pc) =	sbr.rel @p0 .LBB2_1-.Ltmp5, $4  }
0x202: {  	[hbm:s24], [sflag:s14] =	dma.local [spmem:s16], $0x2800  }
0x203: {  	_ =	swait.ge [sflag:s19], $0x2800  }
0x204: {  	[sflag:s19] =	ssyncset.done $0x0  }
0x205: {  	[sflag:s19] =	ssyncadd.s32 $0xFFFFD800  }
0x206: {  	_ =	sfence.sel $0x180000  }
0x207: {  	[bflag:$0x0] =	sbarrier.arrive $0xFFFF  }
0x208: {  	_ =	strace $0x9000004A  }
0x209: {  	s0 =	stileid.u32;
	[bflag:$0x2] =	sbarrier.arrive $0xFFFF  }
0x20a: {  	p0 =	sne.s32 s0, $0x0;
	s0 =	rddreg [dreg:$0x3]  }
0x20b: {  	s0 =	sadd.s32 @!p0 $0x100000, s0  }
0x20c: {  	[sflag:s0] =	ssyncadd.tile.s32 @!p0 $0x1;
	_ =	shalt  }
.Lfunc_end2:
_tile_overlayer_lowered:
.L_overlay_start_2:
0x20d: {  	(tag) =	ssettag $0x2  }
0x20e: {  	s0 =	rddreg [dreg:$0x0];
	s2 =	stileid.u32  }
0x20f: {  	s1 =	rddreg [dreg:$0x1];
	p0 =	sne.s32 s2, $0x0  }
0x210: {  	s3 =	rddreg [dreg:$0x2];
	[bflag:$0x3] =	sbarrier.arrive $0xFFFF;
	s2 =	simm.s32 @!p0 $0x1C06  }
0x211: {  	[timem:s3], [sflag:s2] =	dma.local @!p0 [hbm:s0], s1  }
0x212: {  	s0 =	simm.s32 @!p0 $0x6  }
0x213: {  	_ =	swait.ge @!p0 [sflag:s0], s1  }
0x214: {  	s1 =	ssub.s32 @!p0 $0x0, s1;
	[sflag:s0] =	ssyncset.done @!p0 $0x0  }
0x215: {  	[sflag:s0] =	ssyncadd.s32 @!p0 s1  }
0x216: {  	[bflag:$0x3] =	sbarrier.arrive $0xFFFF  }
0x217: {  	_ =	shalt  }

// kernel: kernel.14.cloned.1.call-start
scs
__scs_entry_jumppad:
0x0: {  	(pc) =	sbr.rel $0x88, $3  }
0x1: {  	(tag) =	ssettag $0x0;
	lr =	simm.s32 $0x1  }
0x2: {  	[smem:$0x3F9B] =	sst lr;
	_ =	strace $0xD0000000  }
0x3: {  	_ = 	snop  }
0x4: {  	_ = 	snop  }
0x5: {  	_ = 	snop  }
0x6: {  	_ = 	snop  }
0x7: {  	_ = 	snop  }
__scs_overlays_trampoline_lowered:
0x8: {  	[smem:$0x3FAA] =	sst s0  }
0x9: {  	[smem:$0x3FAB] =	sst s1  }
0xa: {  	[smem:$0x3FAC] =	sst s2  }
0xb: {  	[smem:$0x3FAD] =	sst s3  }
0xc: {  	[smem:$0x3FAE] =	sst s4  }
0xd: {  	[smem:$0x3FAF] =	sst s5  }
0xe: {  	[smem:$0x3FB0] =	sst s6  }
0xf: {  	[smem:$0x3FB1] =	sst s7  }
0x10: {  	[smem:$0x3FB2] =	sst s8  }
0x11: {  	[smem:$0x3FB3] =	sst s9;
	s0 =	simm.s32 @!p0 $0x0  }
0x12: {  	s1 =	sld [smem:$0x3F99];
	s0 =	simm.s32 @p0 $0x1  }
0x13: {  	[smem:$0x3FB4] =	sst s0;
	s0 =	simm.s32 @!p1 $0x0  }
0x14: {  	s2 =	sld [smem:$0x3F98];
	s0 =	simm.s32 @p1 $0x1  }
0x15: {  	[smem:$0x3FB5] =	sst s0;
	s0 =	simm.s32 @!p2 $0x0  }
0x16: {  	s3 =	sld [smem:$0x3FDB];
	s0 =	simm.s32 @p2 $0x1  }
0x17: {  	s4 =	simm.s32 $0x1BF5;
	[smem:$0x3FB7] =	sst s0  }
0x18: {  	s0 =	sld [smem:$0x3F9A];
	_ =	swait.ge [sflag:s4], $0x0  }
0x19: {  	s7 =	sld [smem:$0x3F9B]  }
0x1a: {  	s8 =	sadd.s32 $0xFFFFE003, lr  }
0x1b: {  	s9 =	sadd.s32 $0xFFFFFEF7, lr;
	s5 =	simm.s32 $0xFFFFFFFF;
	p2 =	slt.u32 s8, $0xFFFFF086  }
0x1c: {  	p1 =	slt.u32 s9, $0xF7A;
	s5 =	simm.s32 @!p2 $0x0  }
0x1d: {  	s5 =	simm.s32 @p1 $0x1;
	p0 =	seq.s32 s7, s2  }
0x1e: {  	s7 =	smul.u32 @!p0 $0xF7A, s2;
	p2 =	seq.s32 @!p0 s5, $0x0  }
0x1f: {  	s9 =	smul.u32 $0xF7A, s1;
	s8 =	simm.s32 @!p0 $0x1BF5;
	p2 =	por !p2, p0  }
0x20: {  	[sflag:s8] =	ssyncset.s32 @!p0 $0xFFFFF086;
	s6 =	sadd.s32 @!p0 s3, s7;
	s7 =	simm.s32 @!p0 $0x108  }
0x21: {  	s3 =	sadd.s32 s3, s9;
	s6 =	sadd.s32 @!p0 $0x88, s6;
	s7 =	simm.s32 @p2 $0x1082  }
0x22: {  	[simem:s7], [sflag:s8] =	dma.local @!p0 [hbm:s6], $0xF7A  }
0x23: {  	s9 =	sor.u32 $0xD0000000, s2;
	s6 =	simm.s32 $0x108;
	_ =	swait.ge @!p0 [sflag:s8], $0x0  }
0x24: {  	s3 =	sadd.s32 $0x88, s3;
	s6 =	simm.s32 @!p1 $0x1082;
	[sflag:s4] =	ssyncset.s32 $0xFFFFF086  }
0x25: {  	[simem:s6], [sflag:s4] =	dma.local [hbm:s3], $0xF7A  }
0x26: {  	[smem:$0x3F9B] =	sst s1;
	(tag) =	ssettag s2;
	_ =	strace s9  }
0x27: {  	s1 =	sld [smem:$0x3FAB]  }
0x28: {  	s2 =	sld [smem:$0x3FAC]  }
0x29: {  	s4 =	sld [smem:$0x3FAE]  }
0x2a: {  	p0 =	seq.s32 s5, $0x0;
	s5 =	sld [smem:$0x3FAF]  }
0x2b: {  	s6 =	sld [smem:$0x3FB0]  }
0x2c: {  	s7 =	sld [smem:$0x3FB1]  }
0x2d: {  	s3 =	simm.s32 $0x108;
	s8 =	sld [smem:$0x3FB2]  }
0x2e: {  	s3 =	simm.s32 @!p0 $0x1082;
	s9 =	sld [smem:$0x3FB3]  }
0x2f: {  	lr =	sadd.s32 s0, s3;
	s0 =	sld [smem:$0x3FAA]  }
0x30: {  	s3 =	sld [smem:$0x3FAD]  }
0x31: {  	[smem:$0x3FB6] =	sst s10  }
0x32: {  	s10 =	sld [smem:$0x3FB4];
	_ =	sdelay $0x3  }
0x33: {  	p0 =	seq.s32 s10, $0x1;
	s10 =	sld [smem:$0x3FB6];
	_ =	sdelay $0x3  }
0x34: {  	[smem:$0x3FB6] =	sst s10  }
0x35: {  	s10 =	sld [smem:$0x3FB5];
	_ =	sdelay $0x3  }
0x36: {  	p1 =	seq.s32 s10, $0x1;
	s10 =	sld [smem:$0x3FB6];
	_ =	sdelay $0x3  }
0x37: {  	[smem:$0x3FB6] =	sst s10  }
0x38: {  	s10 =	sld [smem:$0x3FB7]  }
0x39: {  	_ = 	snop;
	(pc) =	sbr.ind lr, $3  }
0x3a: {  	_ = 	snop  }
0x3b: {  	_ = 	snop  }
0x3c: {  	p2 =	seq.s32 s10, $0x1;
	s10 =	sld [smem:$0x3FB6]  }
0x3d: {  	_ =	shalt  }
0x3e: {  	_ =	shalt  }
0x3f: {  	_ =	shalt  }
0x40: {  	_ =	shalt  }
0x41: {  	_ =	shalt  }
0x42: {  	_ =	shalt  }
0x43: {  	_ =	shalt  }
0x44: {  	_ =	shalt  }
0x45: {  	_ =	shalt  }
0x46: {  	_ =	shalt  }
0x47: {  	_ =	shalt  }
0x48: {  	_ =	shalt  }
0x49: {  	_ =	shalt  }
0x4a: {  	_ =	shalt  }
0x4b: {  	_ =	shalt  }
0x4c: {  	_ =	shalt  }
0x4d: {  	_ =	shalt  }
0x4e: {  	_ =	shalt  }
0x4f: {  	_ =	shalt  }
0x50: {  	_ =	shalt  }
0x51: {  	_ =	shalt  }
0x52: {  	_ =	shalt  }
0x53: {  	_ =	shalt  }
0x54: {  	_ =	shalt  }
0x55: {  	_ =	shalt  }
0x56: {  	_ =	shalt  }
0x57: {  	_ =	shalt  }
0x58: {  	_ =	shalt  }
0x59: {  	_ =	shalt  }
0x5a: {  	_ =	shalt  }
0x5b: {  	_ =	shalt  }
0x5c: {  	_ =	shalt  }
0x5d: {  	_ =	shalt  }
0x5e: {  	_ =	shalt  }
0x5f: {  	_ =	shalt  }
0x60: {  	_ =	shalt  }
0x61: {  	_ =	shalt  }
0x62: {  	_ =	shalt  }
0x63: {  	_ =	shalt  }
0x64: {  	_ =	shalt  }
0x65: {  	_ =	shalt  }
0x66: {  	_ =	shalt  }
0x67: {  	_ =	shalt  }
0x68: {  	_ =	shalt  }
0x69: {  	_ =	shalt  }
0x6a: {  	_ =	shalt  }
0x6b: {  	_ =	shalt  }
0x6c: {  	_ =	shalt  }
0x6d: {  	_ =	shalt  }
0x6e: {  	_ =	shalt  }
0x6f: {  	_ =	shalt  }
0x70: {  	_ =	shalt  }
0x71: {  	_ =	shalt  }
0x72: {  	_ =	shalt  }
0x73: {  	_ =	shalt  }
0x74: {  	_ =	shalt  }
0x75: {  	_ =	shalt  }
0x76: {  	_ =	shalt  }
0x77: {  	_ =	shalt  }
0x78: {  	_ =	shalt  }
0x79: {  	_ =	shalt  }
0x7a: {  	_ =	shalt  }
0x7b: {  	_ =	shalt  }
0x7c: {  	_ =	shalt  }
0x7d: {  	_ =	shalt  }
0x7e: {  	_ =	shalt  }
0x7f: {  	_ =	shalt  }
0x80: {  	_ =	shalt  }
0x81: {  	_ =	shalt  }
0x82: {  	_ =	shalt  }
0x83: {  	_ =	shalt  }
0x84: {  	_ =	shalt  }
0x85: {  	_ =	shalt  }
0x86: {  	_ =	shalt  }
0x87: {  	_ =	shalt  }
.Lfunc_end0:
.L_simem_size_0:
called_computation.2_lowered:
.L_overlay_start_0:
0x88: {  	s2 =	sld [smem:$0x3FD9]  }
0x89: {  	s3 =	sld [smem:$0x3FFE];
	_ =	sdelay $0x1  }
0x8a: {  	s1 =	srdreg.scid  }
0x8b: {  	s0 =	sand.u32 $0x1, s1  }
0x8c: {  	s17 =	sshll.u32 s0, $0xA;
	s2 =	sadd.s32 s3, s2  }
0x8d: {  	s2 =	sadd.s32 s2, s17  }
0x8e: {  	[smem:$0x3FC2] =	sst s2  }
0x8f: {  	_ = 	snop  }
0x90: {  	s2 =	sld [smem:$0x3FD0];
	(tm) =	ssettm $0x1  }
0x91: {  	s18 =	sld [smem:$0x3FFB];
	_ =	sdelay $0x3  }
0x92: {  	_ =	strace s18  }
0x93: {  	s3 =	sld [smem:$0x3FFC];
	_ =	sdelay $0x3  }
0x94: {  	_ =	strace s3  }
0x95: {  	s3 =	sld [smem:$0x3FFD];
	_ =	sdelay $0x3  }
0x96: {  	_ =	strace s3  }
0x97: {  	_ =	strace $0x8FFFFFFF  }
0x98: {  	s19 =	sld [smem:$0x3FDB];
	_ =	sdelay $0x1  }
0x99: {  	s4 =	simm.s32 $_scs_section_size  }
0x9a: {  	s5 =	simm.s32 $_size__tile_overlayer_lowered;
	s6 =	simm.s32 $_tile_overlayer_lowered  }
0x9b: {  	s22 =	simm.s32 $0x1BFF;
	s21 =	sshll.u32 s6, $0x1;
	s3 =	sadd.s32 s4, s19  }
0x9c: {  	s7 =	simm.s32 $0x0;
	s20 =	sshll.u32 s5, $0x1;
	s5 =	sadd.s32 s21, s3  }
0x9d: {  	[timem:s7], [sflag:s22] =	dma.local [hbm:s5], s20  }
0x9e: {  	_ =	swait.ge [sflag:s22], s20  }
0x9f: {  	s4 =	ssub.s32 $0x0, s20;
	[sflag:s22] =	ssyncset.done $0x0  }
0xa0: {  	[sflag:s22] =	ssyncadd.s32 s4;
	_ =	sdelay $0x1  }
0xa1: {  	s23 =	simm.s32 $0x1B8B  }
0xa2: {  	_ =	swait.ge [sflag:s23], $0x1  }
0xa3: {  	[sflag:s23] =	ssyncset.done $0x0  }
0xa4: {  	s25 =	simm.s32 $0x1B8E;
	s24 =	sld [smem:$0x3FFE];
	[sflag:s23] =	ssyncadd.s32 $0xFFFFFFFF  }
0xa5: {  	s26 =	simm.s32 $execute0_lowered;
	[smem:$0x3FD2] =	sst s25  }
0xa6: {  	s5 =	sshll.u32 s26, $0x1;
	_ =	strace $0x8000004C;
	[dreg:$0x1] =	wrdreg $0xFFFFFFFF  }
0xa7: {  	s28 =	simm.s32 $_size_execute0_lowered;
	s3 =	sadd.s32 s3, s5;
	[dreg:$0x0] =	wrdreg $0x0  }
0xa8: {  	s5 =	sshll.u32 s28, $0x1;
	[dreg:$0x2] =	wrdreg s3  }
0xa9: {  	[dreg:$0x3] =	wrdreg s5  }
0xaa: {  	[dreg:$0x4] =	wrdreg $0xC0  }
0xab: {  	_ =	task [dreg:s7], $0x5FFFF  }
0xac: {  	[dreg:$0x1] =	wrdreg $0xFFFFFFFF  }
0xad: {  	[dreg:$0x0] =	wrdreg $0x60  }
0xae: {  	[dreg:$0x2] =	wrdreg s24  }
0xaf: {  	[dreg:$0x3] =	wrdreg s2  }
0xb0: {  	[dreg:$0x4] =	wrdreg $0xC0000  }
0xb1: {  	[dreg:$0x5] =	wrdreg $0x9  }
0xb2: {  	_ =	task.clear_ibuf [dreg:s7], $0x6FFFF;
	_ =	strace $0x9000004C  }
0xb3: {  	s29 =	simm.s32 $0x9;
	_ =	strace $0x8000004E  }
0xb4: {  	_ =	swait.ge [sflag:s29], $0x1  }
0xb5: {  	[sflag:s29] =	ssyncadd.s32 $0xFFFFFFFF  }
0xb6: {  	_ =	strace $0x9000004E  }
0xb7: {  	_ =	sfence  }
0xb8: {  	s30 =	sld [smem:$0x0];
	_ =	sdelay $0x2  }
0xb9: {  	s31 =	sshll.u32 s1, $0xD;
	s1 =	sshrl.u32 s1, $0x2  }
0xba: {  	s3 =	sand.u32 $0x4000, s31;
	s1 =	sadd.s32 s1, s30  }
0xbb: {  	s0 =	sor.u32 s3, s0;
	s1 =	sshll.u32 s1, $0x11  }
0xbc: {  	s0 =	sor.u32 s1, s0  }
0xbd: {  	s0 =	sadd.s32 $0x8F2B, s0  }
0xbe: {  	[sflag:s0] =	ssyncadd.remote.s32 $0x1  }
0xbf: {  	_ =	sfence.sel $0xFFFF  }
0xc0: {  	[dreg:$0x0] =	wrdreg $0xFFFFFFFF;
	(pc) =	sbr.abs _section_cstart, $3  }
0xc1: {  	[dreg:$0x1] =	wrdreg $0xFFFFFFFF  }
0xc2: {  	_ =	task.clear_ibuf [dreg:s7], $0x2FFFF;
	_ =	strace $0x9FFFFFFF  }
0xc3: {  	(tm) =	ssettm $0x7FFFFFFF  }
tec
execute0_lowered:
.L_overlay_start_1:
0x0: {  	(tag) =	ssettag $0x1  }
0x1: {  	s0 =	rddreg [dreg:$0x0]  }
0x2: {  	s3 =	rddreg [dreg:$0x1]  }
0x3: {  	s1 =	rddreg [dreg:$0x2];
	s2 =	simm.s32 $0x0;
	s5 =	srdreg.scid  }
0x4: {  	s11 =	stileid.u32;
	s28 =	simm.s32 $0x7000;
	s29 =	simm.s32 $0x9800  }
0x5: {  	s30 =	simm.s32 $0x5;
	s31 =	simm.s32 $0x180;
	s12 =	simm.s32 $0x1F80  }
0x6: {  	s13 =	simm.s32 $0x0;
	[smem:$0x7FF] =	sst s2;
	s5 =	sand.u32 $0x1, s5  }
0x7: {  	s7 =	sshll.u32 s11, $0xB;
	s8 =	smul.u32 $0x50000, s11;
	s6 =	sshll.u32 s5, $0xF  }
0x8: {  	s15 =	smul.u32 $0x28000, s5;
	s5 =	ssub.s32 $0x2, s5;
	s6 =	sor.u32 s7, s6  }
0x9: {  	s10 =	sshrl.u32 s5, $0x1;
	s8 =	sshrl.u32 s8, $0x2;
	s9 =	sadd.s32 s6, s0  }
0xa: {  	s10 =	ssub.s32 s5, s10;
	s5 =	sadd.s32 s8, s1;
	s16 =	sadd.s32 $0xCA00, s9  }
0xb: {  	_ =	strace $0x8000004D;
	s17 =	sadd.s32 $0x2800, s5;
	[dreg:$0x4] =	wrdreg s16  }
0xc: {  	s4 =	sadd.s32 $0x1CA00, s0;
	s18 =	sadd.s32 $0x5000, s5;
	[dreg:$0x5] =	wrdreg s17  }
0xd: {  	s26 =	smul.u32 $0x2800, s11;
	s19 =	sadd.s32 $0x7800, s5;
	[dreg:$0x6] =	wrdreg s18  }
0xe: {  	s11 =	simm.s32 $0x1F00;
	s20 =	sadd.s32 $0xA000, s5;
	[dreg:$0x7] =	wrdreg s19  }
0xf: {  	s0 =	sadd.s32 s15, s0;
	s21 =	sadd.s32 $0xC800, s5;
	[dreg:$0x8] =	wrdreg s20  }
0x10: {  	s7 =	sadd.s32 s3, s6;
	s22 =	sadd.s32 $0xF000, s5;
	[dreg:$0x9] =	wrdreg s21  }
0x11: {  	s3 =	simm.s32 $0x2;
	s23 =	sadd.s32 $0x11800, s5;
	[dreg:$0xa] =	wrdreg s22  }
0x12: {  	s6 =	simm.s32 $0x3;
	s24 =	sadd.s32 $0xCC00, s9;
	[dreg:$0xb] =	wrdreg s23  }
0x13: {  	s8 =	simm.s32 $0x4;
	s25 =	sadd.s32 $0xCE00, s9;
	[dreg:$0xc] =	wrdreg s24  }
0x14: {  	s0 =	sadd.s32 $0x44A00, s0;
	[dreg:$0xd] =	wrdreg s25;
	s17 =	sadd.s32 $0xD000, s9  }
0x15: {  	s18 =	smax.u32 s10, $0x1;
	s19 =	simm.s32 $0x6;
	s20 =	simm.s32 $0x1000  }
0x16: {  	s21 =	simm.s32 $0x50;
	s22 =	simm.s32 $0x2000;
	s23 =	simm.s32 $0x80  }
0x17: {  	s24 =	sadd.s32 s26, s0;
	s25 =	simm.s32 $0x4800;
	s26 =	simm.s32 $0x100  }
0x18: {  	v0 =	vimm.f32 $0.0e+00;
	s0 =	simm.s32 $0x1;
	s9 =	simm.s32 $0x1E00;
	s10 =	simm.s32 $0x1E80  }
.LBB2_1:
0x19: {  	s14 =	rddreg [dreg:$0x4]  }
0x1a: {  	[tilespmem:s2], [sflag:$0x6] =	stream.linear.gather [hbm4b:s14+s2], $0x1000, $0x38;
	v63 =	vld [tilespmem:$0x0]  }
0x1b: {  	_ =	swait.ge [sflag:s19], $0x1000  }
0x1c: {  	[sflag:s19] =	ssyncset.done $0x0  }
0x1d: {  	[sflag:s19] =	ssyncadd.s32 $0xFFFFF000  }
0x1e: {  	[tilespmem:s20], [sflag:$0x6] =	stream.linear.gather [hbm4b:s7+s2], $0x1000, $0x38;
	v63 =	vld [tilespmem:$0x0]  }
0x1f: {  	_ =	swait.ge [sflag:s19], $0x1000  }
0x20: {  	[sflag:s19] =	ssyncset.done $0x0  }
0x21: {  	[sflag:s19] =	ssyncadd.s32 $0xFFFFF000  }
0x22: {  	[tilespmem:s22], [sflag:$0x1] =	stream.indirect.gather [hbm4b:s4+s21], $0x80, s2, s21, $0xb8;
	v63 =	vld [tilespmem:$0x0]  }
0x23: {  	_ = 	snop  }
0x24: {  	[tilespmem:s25], [sflag:$0x2] =	stream.indirect.gather [hbm4b:s4+s21], $0x80, s23, s21, $0xb8;
	v63 =	vld [tilespmem:$0x0]  }
0x25: {  	s15 =	simm.s32 $0x200;
	s14 =	simm.s32 $0x0  }
0x26: {  	[tilespmem:s28], [sflag:$0x3] =	stream.indirect.gather [hbm4b:s4+s21], $0x80, s26, s21, $0xb8;
	v63 =	vld [tilespmem:$0x0]  }
.LBB2_2:
0x27: {  	p0 =	sne.s32 s15, $0x9E00;
	[tilespmem:s14+$0x9870] =	vst v0  }
0x28: {  	[tilespmem:s14+$0x9800] =	vst v0  }
0x29: {  	[tilespmem:s14+$0x9810] =	vst v0  }
.Ltmp0:
0x2a: {  	[tilespmem:s14+$0x9820] =	vst v0;
	(pc) =	sbr.rel @p0 .LBB2_2-.Ltmp0, $4  }
0x2b: {  	[tilespmem:s14+$0x9830] =	vst v0  }
0x2c: {  	[tilespmem:s14+$0x9840] =	vst v0  }
0x2d: {  	[tilespmem:s14+$0x9850] =	vst v0  }
0x2e: {  	[tilespmem:s14+$0x9860] =	vst v0;
	s14 =	sshra.s32 s15, $0x2;
	s15 =	sadd.s32 $0x200, s15  }
0x2f: {  	[tilespmem:s14+$0x9870] =	vst v0  }
0x30: {  	[tilespmem:s14+$0x9800] =	vst v0  }
0x31: {  	[tilespmem:s14+$0x9810] =	vst v0  }
0x32: {  	[tilespmem:s14+$0x9820] =	vst v0  }
0x33: {  	[tilespmem:s14+$0x9830] =	vst v0  }
0x34: {  	[tilespmem:s14+$0x9840] =	vst v0  }
0x35: {  	[tilespmem:s14+$0x9850] =	vst v0  }
0x36: {  	[tilespmem:s14+$0x9860] =	vst v0  }
0x37: {  	[spmem:s5] =	stream.linear.scatter [tilespmem:s29], [sflag:$0x5], $0x2800, $0x38;
	v63 =	vld [tilespmem:$0x0]  }
0x38: {  	s15 =	rddreg [dreg:$0x5]  }
0x39: {  	[spmem:s15] =	stream.linear.scatter [tilespmem:s29], [sflag:$0x5], $0x2800, $0x38;
	v63 =	vld [tilespmem:$0x0]  }
0x3a: {  	s16 =	rddreg [dreg:$0x6]  }
0x3b: {  	[spmem:s16] =	stream.linear.scatter [tilespmem:s29], [sflag:$0x5], $0x2800, $0x38;
	v63 =	vld [tilespmem:$0x0]  }
0x3c: {  	s15 =	rddreg [dreg:$0x7]  }
0x3d: {  	[spmem:s15] =	stream.linear.scatter [tilespmem:s29], [sflag:$0x5], $0x2800, $0x38;
	v63 =	vld [tilespmem:$0x0]  }
0x3e: {  	s16 =	rddreg [dreg:$0x8]  }
0x3f: {  	[spmem:s16] =	stream.linear.scatter [tilespmem:s29], [sflag:$0x5], $0x2800, $0x38;
	v63 =	vld [tilespmem:$0x0]  }
0x40: {  	s15 =	rddreg [dreg:$0x9]  }
0x41: {  	[spmem:s15] =	stream.linear.scatter [tilespmem:s29], [sflag:$0x5], $0x2800, $0x38;
	v63 =	vld [tilespmem:$0x0]  }
0x42: {  	s16 =	rddreg [dreg:$0xa]  }
0x43: {  	[spmem:s16] =	stream.linear.scatter [tilespmem:s29], [sflag:$0x5], $0x2800, $0x38;
	v63 =	vld [tilespmem:$0x0]  }
0x44: {  	s15 =	rddreg [dreg:$0xb]  }
0x45: {  	[spmem:s15] =	stream.linear.scatter [tilespmem:s29], [sflag:$0x5], $0x2800, $0x38;
	v63 =	vld [tilespmem:$0x0]  }
0x46: {  	_ =	swait.ge [sflag:s30], $0x2800  }
0x47: {  	[sflag:s30] =	ssyncset.done $0x0  }
0x48: {  	[sflag:s30] =	ssyncadd.s32 $0xFFFFD800  }
0x49: {  	_ =	swait.ge [sflag:s30], $0x2800  }
0x4a: {  	[sflag:s30] =	ssyncset.done $0x0  }
0x4b: {  	[sflag:s30] =	ssyncadd.s32 $0xFFFFD800  }
0x4c: {  	_ =	swait.ge [sflag:s30], $0x2800  }
0x4d: {  	[sflag:s30] =	ssyncset.done $0x0  }
0x4e: {  	[sflag:s30] =	ssyncadd.s32 $0xFFFFD800  }
0x4f: {  	_ =	swait.ge [sflag:s30], $0x2800  }
0x50: {  	[sflag:s30] =	ssyncset.done $0x0  }
0x51: {  	[sflag:s30] =	ssyncadd.s32 $0xFFFFD800  }
0x52: {  	_ =	swait.ge [sflag:s30], $0x2800  }
0x53: {  	[sflag:s30] =	ssyncset.done $0x0  }
0x54: {  	[sflag:s30] =	ssyncadd.s32 $0xFFFFD800  }
0x55: {  	_ =	swait.ge [sflag:s30], $0x2800  }
0x56: {  	[sflag:s30] =	ssyncset.done $0x0  }
0x57: {  	[sflag:s30] =	ssyncadd.s32 $0xFFFFD800  }
0x58: {  	_ =	swait.ge [sflag:s30], $0x2800  }
0x59: {  	[sflag:s30] =	ssyncset.done $0x0  }
0x5a: {  	[sflag:s30] =	ssyncadd.s32 $0xFFFFD800  }
0x5b: {  	_ =	swait.ge [sflag:s30], $0x2800  }
0x5c: {  	[sflag:s30] =	ssyncset.done $0x0  }
0x5d: {  	[sflag:s30] =	ssyncadd.s32 $0xFFFFD800  }
0x5e: {  	[bflag:$0x0] =	sbarrier.arrive $0xFFFF  }
0x5f: {  	[tilespmem:s29], [sflag:$0x4] =	stream.indirect.gather [hbm4b:s4+s21], $0x80, s31, s21, $0xb8;
	v63 =	vld [tilespmem:$0x0]  }
0x60: {  	_ =	swait.ge [sflag:s0], $0x2800  }
0x61: {  	[sflag:s0] =	ssyncset.done $0x0  }
0x62: {  	s16 =	simm.s32 $0x1000;
	[sflag:s0] =	ssyncadd.s32 $0xFFFFD800  }
0x63: {  	[spmem:s1] =	stream.indirect.scatter.add.f32 [tilespmem:s22], [sflag:$0x6], $0x80, s16, s21, $0xb8;
	v63 =	vld [tilespmem:$0x0]  }
0x64: {  	_ =	swait.ge [sflag:s19], $0x2800  }
0x65: {  	[sflag:s19] =	ssyncset.done $0x0  }
0x66: {  	s15 =	simm.s32 $0x200;
	[sflag:s19] =	ssyncadd.s32 $0xFFFFD800  }
0x67: {  	[tilespmem:s22], [sflag:$0x1] =	stream.indirect.gather [hbm4b:s4+s21], $0x80, s15, s21, $0xb8;
	v63 =	vld [tilespmem:$0x0]  }
0x68: {  	_ =	swait.ge [sflag:s3], $0x2800  }
0x69: {  	[sflag:s3] =	ssyncset.done $0x0  }
0x6a: {  	s16 =	simm.s32 $0x1080;
	[sflag:s3] =	ssyncadd.s32 $0xFFFFD800  }
0x6b: {  	[spmem:s1] =	stream.indirect.scatter.add.f32 [tilespmem:s25], [sflag:$0x6], $0x80, s16, s21, $0xb8;
	v63 =	vld [tilespmem:$0x0]  }
0x6c: {  	_ =	swait.ge [sflag:s19], $0x2800  }
0x6d: {  	[sflag:s19] =	ssyncset.done $0x0  }
0x6e: {  	s15 =	simm.s32 $0x280;
	[sflag:s19] =	ssyncadd.s32 $0xFFFFD800  }
0x6f: {  	[tilespmem:s25], [sflag:$0x2] =	stream.indirect.gather [hbm4b:s4+s21], $0x80, s15, s21, $0xb8;
	v63 =	vld [tilespmem:$0x0]  }
0x70: {  	_ =	swait.ge [sflag:s6], $0x2800  }
0x71: {  	[sflag:s6] =	ssyncset.done $0x0  }
0x72: {  	s16 =	simm.s32 $0x1100;
	[sflag:s6] =	ssyncadd.s32 $0xFFFFD800  }
0x73: {  	[spmem:s1] =	stream.indirect.scatter.add.f32 [tilespmem:s28], [sflag:$0x6], $0x80, s16, s21, $0xb8;
	v63 =	vld [tilespmem:$0x0]  }
0x74: {  	_ =	swait.ge [sflag:s19], $0x2800  }
0x75: {  	[sflag:s19] =	ssyncset.done $0x0  }
0x76: {  	s15 =	simm.s32 $0x300;
	[sflag:s19] =	ssyncadd.s32 $0xFFFFD800  }
0x77: {  	[tilespmem:s28], [sflag:$0x3] =	stream.indirect.gather [hbm4b:s4+s21], $0x80, s15, s21, $0xb8;
	v63 =	vld [tilespmem:$0x0]  }
0x78: {  	_ =	swait.ge [sflag:s8], $0x2800  }
0x79: {  	[sflag:s8] =	ssyncset.done $0x0  }
0x7a: {  	s16 =	simm.s32 $0x1180;
	[sflag:s8] =	ssyncadd.s32 $0xFFFFD800  }
0x7b: {  	[spmem:s1] =	stream.indirect.scatter.add.f32 [tilespmem:s29], [sflag:$0x6], $0x80, s16, s21, $0xb8;
	v63 =	vld [tilespmem:$0x0]  }
0x7c: {  	_ =	swait.ge [sflag:s19], $0x2800  }
0x7d: {  	[sflag:s19] =	ssyncset.done $0x0  }
0x7e: {  	s14 =	simm.s32 $0x800;
	s15 =	simm.s32 $0x380;
	[sflag:s19] =	ssyncadd.s32 $0xFFFFD800  }
.LBB2_4:
0x7f: {  	[tilespmem:s29], [sflag:$0x4] =	stream.indirect.gather [hbm4b:s4+s21], $0x80, s15, s21, $0xb8;
	v63 =	vld [tilespmem:$0x0]  }
0x80: {  	s15 =	smov.u32 s14  }
0x81: {  	p0 =	sne.s32 s14, $0x3000;
	s14 =	sadd.s32 $0x800, s14;
	_ =	swait.ge [sflag:s0], $0x2800  }
0x82: {  	s15 =	sshra.s32 s15, $0x2;
	[sflag:s0] =	ssyncset.done $0x0  }
0x83: {  	s16 =	sadd.s32 $0x1000, s15;
	[sflag:s0] =	ssyncadd.s32 $0xFFFFD800  }
0x84: {  	[spmem:s1] =	stream.indirect.scatter.add.f32 [tilespmem:s22], [sflag:$0x6], $0x80, s16, s21, $0xb8;
	v63 =	vld [tilespmem:$0x0]  }
0x85: {  	_ =	swait.ge [sflag:s19], $0x2800  }
0x86: {  	[sflag:s19] =	ssyncset.done $0x0  }
0x87: {  	s16 =	sadd.s32 $0x200, s15;
	[sflag:s19] =	ssyncadd.s32 $0xFFFFD800  }
0x88: {  	[tilespmem:s22], [sflag:$0x1] =	stream.indirect.gather [hbm4b:s4+s21], $0x80, s16, s21, $0xb8;
	v63 =	vld [tilespmem:$0x0]  }
0x89: {  	_ =	swait.ge [sflag:s3], $0x2800  }
0x8a: {  	[sflag:s3] =	ssyncset.done $0x0  }
0x8b: {  	s16 =	sadd.s32 $0x1080, s15;
	[sflag:s3] =	ssyncadd.s32 $0xFFFFD800  }
0x8c: {  	[spmem:s1] =	stream.indirect.scatter.add.f32 [tilespmem:s25], [sflag:$0x6], $0x80, s16, s21, $0xb8;
	v63 =	vld [tilespmem:$0x0]  }
0x8d: {  	_ =	swait.ge [sflag:s19], $0x2800  }
0x8e: {  	[sflag:s19] =	ssyncset.done $0x0  }
0x8f: {  	s16 =	sadd.s32 $0x280, s15;
	[sflag:s19] =	ssyncadd.s32 $0xFFFFD800  }
0x90: {  	[tilespmem:s25], [sflag:$0x2] =	stream.indirect.gather [hbm4b:s4+s21], $0x80, s16, s21, $0xb8;
	v63 =	vld [tilespmem:$0x0]  }
0x91: {  	_ =	swait.ge [sflag:s6], $0x2800  }
0x92: {  	[sflag:s6] =	ssyncset.done $0x0  }
0x93: {  	s16 =	sadd.s32 $0x1100, s15;
	[sflag:s6] =	ssyncadd.s32 $0xFFFFD800  }
0x94: {  	[spmem:s1] =	stream.indirect.scatter.add.f32 [tilespmem:s28], [sflag:$0x6], $0x80, s16, s21, $0xb8;
	v63 =	vld [tilespmem:$0x0]  }
0x95: {  	_ =	swait.ge [sflag:s19], $0x2800  }
0x96: {  	[sflag:s19] =	ssyncset.done $0x0  }
0x97: {  	s16 =	sadd.s32 $0x300, s15;
	[sflag:s19] =	ssyncadd.s32 $0xFFFFD800  }
0x98: {  	[tilespmem:s28], [sflag:$0x3] =	stream.indirect.gather [hbm4b:s4+s21], $0x80, s16, s21, $0xb8;
	v63 =	vld [tilespmem:$0x0]  }
0x99: {  	_ =	swait.ge [sflag:s8], $0x2800  }
0x9a: {  	[sflag:s8] =	ssyncset.done $0x0  }
.Ltmp1:
0x9b: {  	s16 =	sadd.s32 $0x1180, s15;
	[sflag:s8] =	ssyncadd.s32 $0xFFFFD800;
	(pc) =	sbr.rel @p0 .LBB2_4-.Ltmp1, $4  }
0x9c: {  	[spmem:s1] =	stream.indirect.scatter.add.f32 [tilespmem:s29], [sflag:$0x6], $0x80, s16, s21, $0xb8;
	v63 =	vld [tilespmem:$0x0]  }
0x9d: {  	_ =	swait.ge [sflag:s19], $0x2800  }
0x9e: {  	[sflag:s19] =	ssyncset.done $0x0  }
0x9f: {  	s15 =	sadd.s32 $0x380, s15;
	[sflag:s19] =	ssyncadd.s32 $0xFFFFD800  }
0xa0: {  	[tilespmem:s29], [sflag:$0x4] =	stream.indirect.gather [hbm4b:s4+s21], $0x80, s15, s21, $0xb8;
	v63 =	vld [tilespmem:$0x0]  }
0xa1: {  	_ =	swait.ge [sflag:s0], $0x2800  }
0xa2: {  	[sflag:s0] =	ssyncset.done $0x0  }
0xa3: {  	[sflag:s0] =	ssyncadd.s32 $0xFFFFD800  }
0xa4: {  	[spmem:s1] =	stream.indirect.scatter.add.f32 [tilespmem:s22], [sflag:$0x6], $0x80, s9, s21, $0xb8;
	v63 =	vld [tilespmem:$0x0]  }
0xa5: {  	_ =	swait.ge [sflag:s19], $0x2800  }
0xa6: {  	[sflag:s19] =	ssyncset.done $0x0  }
0xa7: {  	[sflag:s19] =	ssyncadd.s32 $0xFFFFD800  }
0xa8: {  	_ =	swait.ge [sflag:s3], $0x2800  }
0xa9: {  	[sflag:s3] =	ssyncset.done $0x0  }
0xaa: {  	[sflag:s3] =	ssyncadd.s32 $0xFFFFD800  }
0xab: {  	[spmem:s1] =	stream.indirect.scatter.add.f32 [tilespmem:s25], [sflag:$0x6], $0x80, s10, s21, $0xb8;
	v63 =	vld [tilespmem:$0x0]  }
0xac: {  	_ =	swait.ge [sflag:s19], $0x2800  }
0xad: {  	[sflag:s19] =	ssyncset.done $0x0  }
0xae: {  	[sflag:s19] =	ssyncadd.s32 $0xFFFFD800  }
0xaf: {  	_ =	swait.ge [sflag:s6], $0x2800  }
0xb0: {  	[sflag:s6] =	ssyncset.done $0x0  }
0xb1: {  	[sflag:s6] =	ssyncadd.s32 $0xFFFFD800  }
0xb2: {  	[spmem:s1] =	stream.indirect.scatter.add.f32 [tilespmem:s28], [sflag:$0x6], $0x80, s11, s21, $0xb8;
	v63 =	vld [tilespmem:$0x0]  }
0xb3: {  	_ =	swait.ge [sflag:s19], $0x2800  }
0xb4: {  	[sflag:s19] =	ssyncset.done $0x0  }
0xb5: {  	[sflag:s19] =	ssyncadd.s32 $0xFFFFD800  }
0xb6: {  	_ =	swait.ge [sflag:s8], $0x2800  }
0xb7: {  	[sflag:s8] =	ssyncset.done $0x0  }
0xb8: {  	[sflag:s8] =	ssyncadd.s32 $0xFFFFD800  }
0xb9: {  	[spmem:s1] =	stream.indirect.scatter.add.f32 [tilespmem:s29], [sflag:$0x6], $0x80, s12, s21, $0xb8;
	v63 =	vld [tilespmem:$0x0]  }
0xba: {  	_ =	swait.ge [sflag:s19], $0x2800  }
0xbb: {  	[sflag:s19] =	ssyncset.done $0x0  }
0xbc: {  	s14 =	simm.s32 $0x0;
	s16 =	rddreg [dreg:$0xc];
	[sflag:s19] =	ssyncadd.s32 $0xFFFFD800  }
0xbd: {  	[tilespmem:s14], [sflag:$0x6] =	stream.linear.gather [hbm4b:s16+s14], $0x1000, $0x38;
	v63 =	vld [tilespmem:$0x0]  }
0xbe: {  	_ =	swait.ge [sflag:s19], $0x1000  }
0xbf: {  	[sflag:s19] =	ssyncset.done $0x0  }
0xc0: {  	s16 =	sadd.s32 $0x200, s7;
	[sflag:s19] =	ssyncadd.s32 $0xFFFFF000  }
0xc1: {  	[tilespmem:s20], [sflag:$0x6] =	stream.linear.gather [hbm4b:s16+s14], $0x1000, $0x38;
	v63 =	vld [tilespmem:$0x0]  }
0xc2: {  	_ =	swait.ge [sflag:s19], $0x1000  }
0xc3: {  	[sflag:s19] =	ssyncset.done $0x0  }
0xc4: {  	[sflag:s19] =	ssyncadd.s32 $0xFFFFF000  }
0xc5: {  	[tilespmem:s22], [sflag:$0x1] =	stream.indirect.gather [hbm4b:s4+s21], $0x80, s14, s21, $0xb8;
	v63 =	vld [tilespmem:$0x0]  }
0xc6: {  	_ = 	snop  }
0xc7: {  	[tilespmem:s25], [sflag:$0x2] =	stream.indirect.gather [hbm4b:s4+s21], $0x80, s23, s21, $0xb8;
	v63 =	vld [tilespmem:$0x0]  }
0xc8: {  	_ = 	snop  }
0xc9: {  	[tilespmem:s28], [sflag:$0x3] =	stream.indirect.gather [hbm4b:s4+s21], $0x80, s26, s21, $0xb8;
	v63 =	vld [tilespmem:$0x0]  }
0xca: {  	_ = 	snop  }
0xcb: {  	[tilespmem:s29], [sflag:$0x4] =	stream.indirect.gather [hbm4b:s4+s21], $0x80, s31, s21, $0xb8;
	v63 =	vld [tilespmem:$0x0]  }
0xcc: {  	_ =	swait.ge [sflag:s0], $0x2800  }
0xcd: {  	[sflag:s0] =	ssyncset.done $0x0  }
0xce: {  	s16 =	simm.s32 $0x1000;
	[sflag:s0] =	ssyncadd.s32 $0xFFFFD800  }
0xcf: {  	[spmem:s1] =	stream.indirect.scatter.add.f32 [tilespmem:s22], [sflag:$0x6], $0x80, s16, s21, $0xb8;
	v63 =	vld [tilespmem:$0x0]  }
0xd0: {  	_ =	swait.ge [sflag:s19], $0x2800  }
0xd1: {  	[sflag:s19] =	ssyncset.done $0x0  }
0xd2: {  	s15 =	simm.s32 $0x200;
	[sflag:s19] =	ssyncadd.s32 $0xFFFFD800  }
0xd3: {  	[tilespmem:s22], [sflag:$0x1] =	stream.indirect.gather [hbm4b:s4+s21], $0x80, s15, s21, $0xb8;
	v63 =	vld [tilespmem:$0x0]  }
0xd4: {  	_ =	swait.ge [sflag:s3], $0x2800  }
0xd5: {  	[sflag:s3] =	ssyncset.done $0x0  }
0xd6: {  	s16 =	simm.s32 $0x1080;
	[sflag:s3] =	ssyncadd.s32 $0xFFFFD800  }
0xd7: {  	[spmem:s1] =	stream.indirect.scatter.add.f32 [tilespmem:s25], [sflag:$0x6], $0x80, s16, s21, $0xb8;
	v63 =	vld [tilespmem:$0x0]  }
0xd8: {  	_ =	swait.ge [sflag:s19], $0x2800  }
0xd9: {  	[sflag:s19] =	ssyncset.done $0x0  }
0xda: {  	s15 =	simm.s32 $0x280;
	[sflag:s19] =	ssyncadd.s32 $0xFFFFD800  }
0xdb: {  	[tilespmem:s25], [sflag:$0x2] =	stream.indirect.gather [hbm4b:s4+s21], $0x80, s15, s21, $0xb8;
	v63 =	vld [tilespmem:$0x0]  }
0xdc: {  	_ =	swait.ge [sflag:s6], $0x2800  }
0xdd: {  	[sflag:s6] =	ssyncset.done $0x0  }
0xde: {  	s16 =	simm.s32 $0x1100;
	[sflag:s6] =	ssyncadd.s32 $0xFFFFD800  }
0xdf: {  	[spmem:s1] =	stream.indirect.scatter.add.f32 [tilespmem:s28], [sflag:$0x6], $0x80, s16, s21, $0xb8;
	v63 =	vld [tilespmem:$0x0]  }
0xe0: {  	_ =	swait.ge [sflag:s19], $0x2800  }
0xe1: {  	[sflag:s19] =	ssyncset.done $0x0  }
0xe2: {  	s15 =	simm.s32 $0x300;
	[sflag:s19] =	ssyncadd.s32 $0xFFFFD800  }
0xe3: {  	[tilespmem:s28], [sflag:$0x3] =	stream.indirect.gather [hbm4b:s4+s21], $0x80, s15, s21, $0xb8;
	v63 =	vld [tilespmem:$0x0]  }
0xe4: {  	_ =	swait.ge [sflag:s8], $0x2800  }
0xe5: {  	[sflag:s8] =	ssyncset.done $0x0  }
0xe6: {  	s16 =	simm.s32 $0x1180;
	[sflag:s8] =	ssyncadd.s32 $0xFFFFD800  }
0xe7: {  	[spmem:s1] =	stream.indirect.scatter.add.f32 [tilespmem:s29], [sflag:$0x6], $0x80, s16, s21, $0xb8;
	v63 =	vld [tilespmem:$0x0]  }
0xe8: {  	_ =	swait.ge [sflag:s19], $0x2800  }
0xe9: {  	[sflag:s19] =	ssyncset.done $0x0  }
0xea: {  	s14 =	simm.s32 $0x800;
	s15 =	simm.s32 $0x380;
	[sflag:s19] =	ssyncadd.s32 $0xFFFFD800  }
.LBB2_6:
0xeb: {  	[tilespmem:s29], [sflag:$0x4] =	stream.indirect.gather [hbm4b:s4+s21], $0x80, s15, s21, $0xb8;
	v63 =	vld [tilespmem:$0x0]  }
0xec: {  	s15 =	smov.u32 s14  }
0xed: {  	p0 =	sne.s32 s14, $0x3000;
	s14 =	sadd.s32 $0x800, s14;
	_ =	swait.ge [sflag:s0], $0x2800  }
0xee: {  	s15 =	sshra.s32 s15, $0x2;
	[sflag:s0] =	ssyncset.done $0x0  }
0xef: {  	s16 =	sadd.s32 $0x1000, s15;
	[sflag:s0] =	ssyncadd.s32 $0xFFFFD800  }
0xf0: {  	[spmem:s1] =	stream.indirect.scatter.add.f32 [tilespmem:s22], [sflag:$0x6], $0x80, s16, s21, $0xb8;
	v63 =	vld [tilespmem:$0x0]  }
0xf1: {  	_ =	swait.ge [sflag:s19], $0x2800  }
0xf2: {  	[sflag:s19] =	ssyncset.done $0x0  }
0xf3: {  	s16 =	sadd.s32 $0x200, s15;
	[sflag:s19] =	ssyncadd.s32 $0xFFFFD800  }
0xf4: {  	[tilespmem:s22], [sflag:$0x1] =	stream.indirect.gather [hbm4b:s4+s21], $0x80, s16, s21, $0xb8;
	v63 =	vld [tilespmem:$0x0]  }
0xf5: {  	_ =	swait.ge [sflag:s3], $0x2800  }
0xf6: {  	[sflag:s3] =	ssyncset.done $0x0  }
0xf7: {  	s16 =	sadd.s32 $0x1080, s15;
	[sflag:s3] =	ssyncadd.s32 $0xFFFFD800  }
0xf8: {  	[spmem:s1] =	stream.indirect.scatter.add.f32 [tilespmem:s25], [sflag:$0x6], $0x80, s16, s21, $0xb8;
	v63 =	vld [tilespmem:$0x0]  }
0xf9: {  	_ =	swait.ge [sflag:s19], $0x2800  }
0xfa: {  	[sflag:s19] =	ssyncset.done $0x0  }
0xfb: {  	s16 =	sadd.s32 $0x280, s15;
	[sflag:s19] =	ssyncadd.s32 $0xFFFFD800  }
0xfc: {  	[tilespmem:s25], [sflag:$0x2] =	stream.indirect.gather [hbm4b:s4+s21], $0x80, s16, s21, $0xb8;
	v63 =	vld [tilespmem:$0x0]  }
0xfd: {  	_ =	swait.ge [sflag:s6], $0x2800  }
0xfe: {  	[sflag:s6] =	ssyncset.done $0x0  }
0xff: {  	s16 =	sadd.s32 $0x1100, s15;
	[sflag:s6] =	ssyncadd.s32 $0xFFFFD800  }
0x100: {  	[spmem:s1] =	stream.indirect.scatter.add.f32 [tilespmem:s28], [sflag:$0x6], $0x80, s16, s21, $0xb8;
	v63 =	vld [tilespmem:$0x0]  }
0x101: {  	_ =	swait.ge [sflag:s19], $0x2800  }
0x102: {  	[sflag:s19] =	ssyncset.done $0x0  }
0x103: {  	s16 =	sadd.s32 $0x300, s15;
	[sflag:s19] =	ssyncadd.s32 $0xFFFFD800  }
0x104: {  	[tilespmem:s28], [sflag:$0x3] =	stream.indirect.gather [hbm4b:s4+s21], $0x80, s16, s21, $0xb8;
	v63 =	vld [tilespmem:$0x0]  }
0x105: {  	_ =	swait.ge [sflag:s8], $0x2800  }
0x106: {  	[sflag:s8] =	ssyncset.done $0x0  }
.Ltmp2:
0x107: {  	s16 =	sadd.s32 $0x1180, s15;
	[sflag:s8] =	ssyncadd.s32 $0xFFFFD800;
	(pc) =	sbr.rel @p0 .LBB2_6-.Ltmp2, $4  }
0x108: {  	[spmem:s1] =	stream.indirect.scatter.add.f32 [tilespmem:s29], [sflag:$0x6], $0x80, s16, s21, $0xb8;
	v63 =	vld [tilespmem:$0x0]  }
0x109: {  	_ =	swait.ge [sflag:s19], $0x2800  }
0x10a: {  	[sflag:s19] =	ssyncset.done $0x0  }
0x10b: {  	s15 =	sadd.s32 $0x380, s15;
	[sflag:s19] =	ssyncadd.s32 $0xFFFFD800  }
0x10c: {  	[tilespmem:s29], [sflag:$0x4] =	stream.indirect.gather [hbm4b:s4+s21], $0x80, s15, s21, $0xb8;
	v63 =	vld [tilespmem:$0x0]  }
0x10d: {  	_ =	swait.ge [sflag:s0], $0x2800  }
0x10e: {  	[sflag:s0] =	ssyncset.done $0x0  }
0x10f: {  	[sflag:s0] =	ssyncadd.s32 $0xFFFFD800  }
0x110: {  	[spmem:s1] =	stream.indirect.scatter.add.f32 [tilespmem:s22], [sflag:$0x6], $0x80, s9, s21, $0xb8;
	v63 =	vld [tilespmem:$0x0]  }
0x111: {  	_ =	swait.ge [sflag:s19], $0x2800  }
0x112: {  	[sflag:s19] =	ssyncset.done $0x0  }
0x113: {  	[sflag:s19] =	ssyncadd.s32 $0xFFFFD800  }
0x114: {  	_ =	swait.ge [sflag:s3], $0x2800  }
0x115: {  	[sflag:s3] =	ssyncset.done $0x0  }
0x116: {  	[sflag:s3] =	ssyncadd.s32 $0xFFFFD800  }
0x117: {  	[spmem:s1] =	stream.indirect.scatter.add.f32 [tilespmem:s25], [sflag:$0x6], $0x80, s10, s21, $0xb8;
	v63 =	vld [tilespmem:$0x0]  }
0x118: {  	_ =	swait.ge [sflag:s19], $0x2800  }
0x119: {  	[sflag:s19] =	ssyncset.done $0x0  }
0x11a: {  	[sflag:s19] =	ssyncadd.s32 $0xFFFFD800  }
0x11b: {  	_ =	swait.ge [sflag:s6], $0x2800  }
0x11c: {  	[sflag:s6] =	ssyncset.done $0x0  }
0x11d: {  	[sflag:s6] =	ssyncadd.s32 $0xFFFFD800  }
0x11e: {  	[spmem:s1] =	stream.indirect.scatter.add.f32 [tilespmem:s28], [sflag:$0x6], $0x80, s11, s21, $0xb8;
	v63 =	vld [tilespmem:$0x0]  }
0x11f: {  	_ =	swait.ge [sflag:s19], $0x2800  }
0x120: {  	[sflag:s19] =	ssyncset.done $0x0  }
0x121: {  	[sflag:s19] =	ssyncadd.s32 $0xFFFFD800  }
0x122: {  	_ =	swait.ge [sflag:s8], $0x2800  }
0x123: {  	[sflag:s8] =	ssyncset.done $0x0  }
0x124: {  	[sflag:s8] =	ssyncadd.s32 $0xFFFFD800  }
0x125: {  	[spmem:s1] =	stream.indirect.scatter.add.f32 [tilespmem:s29], [sflag:$0x6], $0x80, s12, s21, $0xb8;
	v63 =	vld [tilespmem:$0x0]  }
0x126: {  	_ =	swait.ge [sflag:s19], $0x2800  }
0x127: {  	[sflag:s19] =	ssyncset.done $0x0  }
0x128: {  	s14 =	simm.s32 $0x0;
	s16 =	rddreg [dreg:$0xd];
	[sflag:s19] =	ssyncadd.s32 $0xFFFFD800  }
0x129: {  	[tilespmem:s14], [sflag:$0x6] =	stream.linear.gather [hbm4b:s16+s14], $0x1000, $0x38;
	v63 =	vld [tilespmem:$0x0]  }
0x12a: {  	_ =	swait.ge [sflag:s19], $0x1000  }
0x12b: {  	[sflag:s19] =	ssyncset.done $0x0  }
0x12c: {  	s16 =	sadd.s32 $0x400, s7;
	[sflag:s19] =	ssyncadd.s32 $0xFFFFF000  }
0x12d: {  	[tilespmem:s20], [sflag:$0x6] =	stream.linear.gather [hbm4b:s16+s14], $0x1000, $0x38;
	v63 =	vld [tilespmem:$0x0]  }
0x12e: {  	_ =	swait.ge [sflag:s19], $0x1000  }
0x12f: {  	[sflag:s19] =	ssyncset.done $0x0  }
0x130: {  	[sflag:s19] =	ssyncadd.s32 $0xFFFFF000  }
0x131: {  	[tilespmem:s22], [sflag:$0x1] =	stream.indirect.gather [hbm4b:s4+s21], $0x80, s14, s21, $0xb8;
	v63 =	vld [tilespmem:$0x0]  }
0x132: {  	_ = 	snop  }
0x133: {  	[tilespmem:s25], [sflag:$0x2] =	stream.indirect.gather [hbm4b:s4+s21], $0x80, s23, s21, $0xb8;
	v63 =	vld [tilespmem:$0x0]  }
0x134: {  	_ = 	snop  }
0x135: {  	[tilespmem:s28], [sflag:$0x3] =	stream.indirect.gather [hbm4b:s4+s21], $0x80, s26, s21, $0xb8;
	v63 =	vld [tilespmem:$0x0]  }
0x136: {  	_ = 	snop  }
0x137: {  	[tilespmem:s29], [sflag:$0x4] =	stream.indirect.gather [hbm4b:s4+s21], $0x80, s31, s21, $0xb8;
	v63 =	vld [tilespmem:$0x0]  }
0x138: {  	_ =	swait.ge [sflag:s0], $0x2800  }
0x139: {  	[sflag:s0] =	ssyncset.done $0x0  }
0x13a: {  	s16 =	simm.s32 $0x1000;
	[sflag:s0] =	ssyncadd.s32 $0xFFFFD800  }
0x13b: {  	[spmem:s1] =	stream.indirect.scatter.add.f32 [tilespmem:s22], [sflag:$0x6], $0x80, s16, s21, $0xb8;
	v63 =	vld [tilespmem:$0x0]  }
0x13c: {  	_ =	swait.ge [sflag:s19], $0x2800  }
0x13d: {  	[sflag:s19] =	ssyncset.done $0x0  }
0x13e: {  	s15 =	simm.s32 $0x200;
	[sflag:s19] =	ssyncadd.s32 $0xFFFFD800  }
0x13f: {  	[tilespmem:s22], [sflag:$0x1] =	stream.indirect.gather [hbm4b:s4+s21], $0x80, s15, s21, $0xb8;
	v63 =	vld [tilespmem:$0x0]  }
0x140: {  	_ =	swait.ge [sflag:s3], $0x2800  }
0x141: {  	[sflag:s3] =	ssyncset.done $0x0  }
0x142: {  	s16 =	simm.s32 $0x1080;
	[sflag:s3] =	ssyncadd.s32 $0xFFFFD800  }
0x143: {  	[spmem:s1] =	stream.indirect.scatter.add.f32 [tilespmem:s25], [sflag:$0x6], $0x80, s16, s21, $0xb8;
	v63 =	vld [tilespmem:$0x0]  }
0x144: {  	_ =	swait.ge [sflag:s19], $0x2800  }
0x145: {  	[sflag:s19] =	ssyncset.done $0x0  }
0x146: {  	s15 =	simm.s32 $0x280;
	[sflag:s19] =	ssyncadd.s32 $0xFFFFD800  }
0x147: {  	[tilespmem:s25], [sflag:$0x2] =	stream.indirect.gather [hbm4b:s4+s21], $0x80, s15, s21, $0xb8;
	v63 =	vld [tilespmem:$0x0]  }
0x148: {  	_ =	swait.ge [sflag:s6], $0x2800  }
0x149: {  	[sflag:s6] =	ssyncset.done $0x0  }
0x14a: {  	s16 =	simm.s32 $0x1100;
	[sflag:s6] =	ssyncadd.s32 $0xFFFFD800  }
0x14b: {  	[spmem:s1] =	stream.indirect.scatter.add.f32 [tilespmem:s28], [sflag:$0x6], $0x80, s16, s21, $0xb8;
	v63 =	vld [tilespmem:$0x0]  }
0x14c: {  	_ =	swait.ge [sflag:s19], $0x2800  }
0x14d: {  	[sflag:s19] =	ssyncset.done $0x0  }
0x14e: {  	s15 =	simm.s32 $0x300;
	[sflag:s19] =	ssyncadd.s32 $0xFFFFD800  }
0x14f: {  	[tilespmem:s28], [sflag:$0x3] =	stream.indirect.gather [hbm4b:s4+s21], $0x80, s15, s21, $0xb8;
	v63 =	vld [tilespmem:$0x0]  }
0x150: {  	_ =	swait.ge [sflag:s8], $0x2800  }
0x151: {  	[sflag:s8] =	ssyncset.done $0x0  }
0x152: {  	s16 =	simm.s32 $0x1180;
	[sflag:s8] =	ssyncadd.s32 $0xFFFFD800  }
0x153: {  	[spmem:s1] =	stream.indirect.scatter.add.f32 [tilespmem:s29], [sflag:$0x6], $0x80, s16, s21, $0xb8;
	v63 =	vld [tilespmem:$0x0]  }
0x154: {  	_ =	swait.ge [sflag:s19], $0x2800  }
0x155: {  	[sflag:s19] =	ssyncset.done $0x0  }
0x156: {  	s14 =	simm.s32 $0x800;
	s15 =	simm.s32 $0x380;
	[sflag:s19] =	ssyncadd.s32 $0xFFFFD800  }
.LBB2_8:
0x157: {  	[tilespmem:s29], [sflag:$0x4] =	stream.indirect.gather [hbm4b:s4+s21], $0x80, s15, s21, $0xb8;
	v63 =	vld [tilespmem:$0x0]  }
0x158: {  	s15 =	smov.u32 s14  }
0x159: {  	p0 =	sne.s32 s14, $0x3000;
	s14 =	sadd.s32 $0x800, s14;
	_ =	swait.ge [sflag:s0], $0x2800  }
0x15a: {  	s15 =	sshra.s32 s15, $0x2;
	[sflag:s0] =	ssyncset.done $0x0  }
0x15b: {  	s16 =	sadd.s32 $0x1000, s15;
	[sflag:s0] =	ssyncadd.s32 $0xFFFFD800  }
0x15c: {  	[spmem:s1] =	stream.indirect.scatter.add.f32 [tilespmem:s22], [sflag:$0x6], $0x80, s16, s21, $0xb8;
	v63 =	vld [tilespmem:$0x0]  }
0x15d: {  	_ =	swait.ge [sflag:s19], $0x2800  }
0x15e: {  	[sflag:s19] =	ssyncset.done $0x0  }
0x15f: {  	s16 =	sadd.s32 $0x200, s15;
	[sflag:s19] =	ssyncadd.s32 $0xFFFFD800  }
0x160: {  	[tilespmem:s22], [sflag:$0x1] =	stream.indirect.gather [hbm4b:s4+s21], $0x80, s16, s21, $0xb8;
	v63 =	vld [tilespmem:$0x0]  }
0x161: {  	_ =	swait.ge [sflag:s3], $0x2800  }
0x162: {  	[sflag:s3] =	ssyncset.done $0x0  }
0x163: {  	s16 =	sadd.s32 $0x1080, s15;
	[sflag:s3] =	ssyncadd.s32 $0xFFFFD800  }
0x164: {  	[spmem:s1] =	stream.indirect.scatter.add.f32 [tilespmem:s25], [sflag:$0x6], $0x80, s16, s21, $0xb8;
	v63 =	vld [tilespmem:$0x0]  }
0x165: {  	_ =	swait.ge [sflag:s19], $0x2800  }
0x166: {  	[sflag:s19] =	ssyncset.done $0x0  }
0x167: {  	s16 =	sadd.s32 $0x280, s15;
	[sflag:s19] =	ssyncadd.s32 $0xFFFFD800  }
0x168: {  	[tilespmem:s25], [sflag:$0x2] =	stream.indirect.gather [hbm4b:s4+s21], $0x80, s16, s21, $0xb8;
	v63 =	vld [tilespmem:$0x0]  }
0x169: {  	_ =	swait.ge [sflag:s6], $0x2800  }
0x16a: {  	[sflag:s6] =	ssyncset.done $0x0  }
0x16b: {  	s16 =	sadd.s32 $0x1100, s15;
	[sflag:s6] =	ssyncadd.s32 $0xFFFFD800  }
0x16c: {  	[spmem:s1] =	stream.indirect.scatter.add.f32 [tilespmem:s28], [sflag:$0x6], $0x80, s16, s21, $0xb8;
	v63 =	vld [tilespmem:$0x0]  }
0x16d: {  	_ =	swait.ge [sflag:s19], $0x2800  }
0x16e: {  	[sflag:s19] =	ssyncset.done $0x0  }
0x16f: {  	s16 =	sadd.s32 $0x300, s15;
	[sflag:s19] =	ssyncadd.s32 $0xFFFFD800  }
0x170: {  	[tilespmem:s28], [sflag:$0x3] =	stream.indirect.gather [hbm4b:s4+s21], $0x80, s16, s21, $0xb8;
	v63 =	vld [tilespmem:$0x0]  }
0x171: {  	_ =	swait.ge [sflag:s8], $0x2800  }
0x172: {  	[sflag:s8] =	ssyncset.done $0x0  }
.Ltmp3:
0x173: {  	s16 =	sadd.s32 $0x1180, s15;
	[sflag:s8] =	ssyncadd.s32 $0xFFFFD800;
	(pc) =	sbr.rel @p0 .LBB2_8-.Ltmp3, $4  }
0x174: {  	[spmem:s1] =	stream.indirect.scatter.add.f32 [tilespmem:s29], [sflag:$0x6], $0x80, s16, s21, $0xb8;
	v63 =	vld [tilespmem:$0x0]  }
0x175: {  	_ =	swait.ge [sflag:s19], $0x2800  }
0x176: {  	[sflag:s19] =	ssyncset.done $0x0  }
0x177: {  	s15 =	sadd.s32 $0x380, s15;
	[sflag:s19] =	ssyncadd.s32 $0xFFFFD800  }
0x178: {  	[tilespmem:s29], [sflag:$0x4] =	stream.indirect.gather [hbm4b:s4+s21], $0x80, s15, s21, $0xb8;
	v63 =	vld [tilespmem:$0x0]  }
0x179: {  	_ =	swait.ge [sflag:s0], $0x2800  }
0x17a: {  	[sflag:s0] =	ssyncset.done $0x0  }
0x17b: {  	[sflag:s0] =	ssyncadd.s32 $0xFFFFD800  }
0x17c: {  	[spmem:s1] =	stream.indirect.scatter.add.f32 [tilespmem:s22], [sflag:$0x6], $0x80, s9, s21, $0xb8;
	v63 =	vld [tilespmem:$0x0]  }
0x17d: {  	_ =	swait.ge [sflag:s19], $0x2800  }
0x17e: {  	[sflag:s19] =	ssyncset.done $0x0  }
0x17f: {  	[sflag:s19] =	ssyncadd.s32 $0xFFFFD800  }
0x180: {  	_ =	swait.ge [sflag:s3], $0x2800  }
0x181: {  	[sflag:s3] =	ssyncset.done $0x0  }
0x182: {  	[sflag:s3] =	ssyncadd.s32 $0xFFFFD800  }
0x183: {  	[spmem:s1] =	stream.indirect.scatter.add.f32 [tilespmem:s25], [sflag:$0x6], $0x80, s10, s21, $0xb8;
	v63 =	vld [tilespmem:$0x0]  }
0x184: {  	_ =	swait.ge [sflag:s19], $0x2800  }
0x185: {  	[sflag:s19] =	ssyncset.done $0x0  }
0x186: {  	[sflag:s19] =	ssyncadd.s32 $0xFFFFD800  }
0x187: {  	_ =	swait.ge [sflag:s6], $0x2800  }
0x188: {  	[sflag:s6] =	ssyncset.done $0x0  }
0x189: {  	[sflag:s6] =	ssyncadd.s32 $0xFFFFD800  }
0x18a: {  	[spmem:s1] =	stream.indirect.scatter.add.f32 [tilespmem:s28], [sflag:$0x6], $0x80, s11, s21, $0xb8;
	v63 =	vld [tilespmem:$0x0]  }
0x18b: {  	_ =	swait.ge [sflag:s19], $0x2800  }
0x18c: {  	[sflag:s19] =	ssyncset.done $0x0  }
0x18d: {  	[sflag:s19] =	ssyncadd.s32 $0xFFFFD800  }
0x18e: {  	_ =	swait.ge [sflag:s8], $0x2800  }
0x18f: {  	[sflag:s8] =	ssyncset.done $0x0  }
0x190: {  	[sflag:s8] =	ssyncadd.s32 $0xFFFFD800  }
0x191: {  	[spmem:s1] =	stream.indirect.scatter.add.f32 [tilespmem:s29], [sflag:$0x6], $0x80, s12, s21, $0xb8;
	v63 =	vld [tilespmem:$0x0]  }
0x192: {  	_ =	swait.ge [sflag:s19], $0x2800  }
0x193: {  	[sflag:s19] =	ssyncset.done $0x0  }
0x194: {  	s14 =	simm.s32 $0x0;
	[sflag:s19] =	ssyncadd.s32 $0xFFFFD800  }
0x195: {  	[tilespmem:s14], [sflag:$0x6] =	stream.linear.gather [hbm4b:s17+s14], $0x1000, $0x38;
	v63 =	vld [tilespmem:$0x0]  }
0x196: {  	_ =	swait.ge [sflag:s19], $0x1000  }
0x197: {  	[sflag:s19] =	ssyncset.done $0x0  }
0x198: {  	s16 =	sadd.s32 $0x600, s7;
	[sflag:s19] =	ssyncadd.s32 $0xFFFFF000  }
0x199: {  	[tilespmem:s20], [sflag:$0x6] =	stream.linear.gather [hbm4b:s16+s14], $0x1000, $0x38;
	v63 =	vld [tilespmem:$0x0]  }
0x19a: {  	_ =	swait.ge [sflag:s19], $0x1000  }
0x19b: {  	[sflag:s19] =	ssyncset.done $0x0  }
0x19c: {  	[sflag:s19] =	ssyncadd.s32 $0xFFFFF000  }
0x19d: {  	[tilespmem:s22], [sflag:$0x1] =	stream.indirect.gather [hbm4b:s4+s21], $0x80, s14, s21, $0xb8;
	v63 =	vld [tilespmem:$0x0]  }
0x19e: {  	_ = 	snop  }
0x19f: {  	[tilespmem:s25], [sflag:$0x2] =	stream.indirect.gather [hbm4b:s4+s21], $0x80, s23, s21, $0xb8;
	v63 =	vld [tilespmem:$0x0]  }
0x1a0: {  	_ = 	snop  }
0x1a1: {  	[tilespmem:s28], [sflag:$0x3] =	stream.indirect.gather [hbm4b:s4+s21], $0x80, s26, s21, $0xb8;
	v63 =	vld [tilespmem:$0x0]  }
0x1a2: {  	_ = 	snop  }
0x1a3: {  	[tilespmem:s29], [sflag:$0x4] =	stream.indirect.gather [hbm4b:s4+s21], $0x80, s31, s21, $0xb8;
	v63 =	vld [tilespmem:$0x0]  }
0x1a4: {  	_ =	swait.ge [sflag:s0], $0x2800  }
0x1a5: {  	[sflag:s0] =	ssyncset.done $0x0  }
0x1a6: {  	s16 =	simm.s32 $0x1000;
	[sflag:s0] =	ssyncadd.s32 $0xFFFFD800  }
0x1a7: {  	[spmem:s1] =	stream.indirect.scatter.add.f32 [tilespmem:s22], [sflag:$0x6], $0x80, s16, s21, $0xb8;
	v63 =	vld [tilespmem:$0x0]  }
0x1a8: {  	_ =	swait.ge [sflag:s19], $0x2800  }
0x1a9: {  	[sflag:s19] =	ssyncset.done $0x0  }
0x1aa: {  	s15 =	simm.s32 $0x200;
	[sflag:s19] =	ssyncadd.s32 $0xFFFFD800  }
0x1ab: {  	[tilespmem:s22], [sflag:$0x1] =	stream.indirect.gather [hbm4b:s4+s21], $0x80, s15, s21, $0xb8;
	v63 =	vld [tilespmem:$0x0]  }
0x1ac: {  	_ =	swait.ge [sflag:s3], $0x2800  }
0x1ad: {  	[sflag:s3] =	ssyncset.done $0x0  }
0x1ae: {  	s16 =	simm.s32 $0x1080;
	[sflag:s3] =	ssyncadd.s32 $0xFFFFD800  }
0x1af: {  	[spmem:s1] =	stream.indirect.scatter.add.f32 [tilespmem:s25], [sflag:$0x6], $0x80, s16, s21, $0xb8;
	v63 =	vld [tilespmem:$0x0]  }
0x1b0: {  	_ =	swait.ge [sflag:s19], $0x2800  }
0x1b1: {  	[sflag:s19] =	ssyncset.done $0x0  }
0x1b2: {  	s15 =	simm.s32 $0x280;
	[sflag:s19] =	ssyncadd.s32 $0xFFFFD800  }
0x1b3: {  	[tilespmem:s25], [sflag:$0x2] =	stream.indirect.gather [hbm4b:s4+s21], $0x80, s15, s21, $0xb8;
	v63 =	vld [tilespmem:$0x0]  }
0x1b4: {  	_ =	swait.ge [sflag:s6], $0x2800  }
0x1b5: {  	[sflag:s6] =	ssyncset.done $0x0  }
0x1b6: {  	s16 =	simm.s32 $0x1100;
	[sflag:s6] =	ssyncadd.s32 $0xFFFFD800  }
0x1b7: {  	[spmem:s1] =	stream.indirect.scatter.add.f32 [tilespmem:s28], [sflag:$0x6], $0x80, s16, s21, $0xb8;
	v63 =	vld [tilespmem:$0x0]  }
0x1b8: {  	_ =	swait.ge [sflag:s19], $0x2800  }
0x1b9: {  	[sflag:s19] =	ssyncset.done $0x0  }
0x1ba: {  	s15 =	simm.s32 $0x300;
	[sflag:s19] =	ssyncadd.s32 $0xFFFFD800  }
0x1bb: {  	[tilespmem:s28], [sflag:$0x3] =	stream.indirect.gather [hbm4b:s4+s21], $0x80, s15, s21, $0xb8;
	v63 =	vld [tilespmem:$0x0]  }
0x1bc: {  	_ =	swait.ge [sflag:s8], $0x2800  }
0x1bd: {  	[sflag:s8] =	ssyncset.done $0x0  }
0x1be: {  	s16 =	simm.s32 $0x1180;
	[sflag:s8] =	ssyncadd.s32 $0xFFFFD800  }
0x1bf: {  	[spmem:s1] =	stream.indirect.scatter.add.f32 [tilespmem:s29], [sflag:$0x6], $0x80, s16, s21, $0xb8;
	v63 =	vld [tilespmem:$0x0]  }
0x1c0: {  	_ =	swait.ge [sflag:s19], $0x2800  }
0x1c1: {  	[sflag:s19] =	ssyncset.done $0x0  }
0x1c2: {  	s14 =	simm.s32 $0x800;
	s15 =	simm.s32 $0x380;
	[sflag:s19] =	ssyncadd.s32 $0xFFFFD800  }
.LBB2_10:
0x1c3: {  	[tilespmem:s29], [sflag:$0x4] =	stream.indirect.gather [hbm4b:s4+s21], $0x80, s15, s21, $0xb8;
	v63 =	vld [tilespmem:$0x0]  }
0x1c4: {  	s15 =	smov.u32 s14  }
0x1c5: {  	p0 =	sne.s32 s14, $0x3000;
	s14 =	sadd.s32 $0x800, s14;
	_ =	swait.ge [sflag:s0], $0x2800  }
0x1c6: {  	s15 =	sshra.s32 s15, $0x2;
	[sflag:s0] =	ssyncset.done $0x0  }
0x1c7: {  	s16 =	sadd.s32 $0x1000, s15;
	[sflag:s0] =	ssyncadd.s32 $0xFFFFD800  }
0x1c8: {  	[spmem:s1] =	stream.indirect.scatter.add.f32 [tilespmem:s22], [sflag:$0x6], $0x80, s16, s21, $0xb8;
	v63 =	vld [tilespmem:$0x0]  }
0x1c9: {  	_ =	swait.ge [sflag:s19], $0x2800  }
0x1ca: {  	[sflag:s19] =	ssyncset.done $0x0  }
0x1cb: {  	s16 =	sadd.s32 $0x200, s15;
	[sflag:s19] =	ssyncadd.s32 $0xFFFFD800  }
0x1cc: {  	[tilespmem:s22], [sflag:$0x1] =	stream.indirect.gather [hbm4b:s4+s21], $0x80, s16, s21, $0xb8;
	v63 =	vld [tilespmem:$0x0]  }
0x1cd: {  	_ =	swait.ge [sflag:s3], $0x2800  }
0x1ce: {  	[sflag:s3] =	ssyncset.done $0x0  }
0x1cf: {  	s16 =	sadd.s32 $0x1080, s15;
	[sflag:s3] =	ssyncadd.s32 $0xFFFFD800  }
0x1d0: {  	[spmem:s1] =	stream.indirect.scatter.add.f32 [tilespmem:s25], [sflag:$0x6], $0x80, s16, s21, $0xb8;
	v63 =	vld [tilespmem:$0x0]  }
0x1d1: {  	_ =	swait.ge [sflag:s19], $0x2800  }
0x1d2: {  	[sflag:s19] =	ssyncset.done $0x0  }
0x1d3: {  	s16 =	sadd.s32 $0x280, s15;
	[sflag:s19] =	ssyncadd.s32 $0xFFFFD800  }
0x1d4: {  	[tilespmem:s25], [sflag:$0x2] =	stream.indirect.gather [hbm4b:s4+s21], $0x80, s16, s21, $0xb8;
	v63 =	vld [tilespmem:$0x0]  }
0x1d5: {  	_ =	swait.ge [sflag:s6], $0x2800  }
0x1d6: {  	[sflag:s6] =	ssyncset.done $0x0  }
0x1d7: {  	s16 =	sadd.s32 $0x1100, s15;
	[sflag:s6] =	ssyncadd.s32 $0xFFFFD800  }
0x1d8: {  	[spmem:s1] =	stream.indirect.scatter.add.f32 [tilespmem:s28], [sflag:$0x6], $0x80, s16, s21, $0xb8;
	v63 =	vld [tilespmem:$0x0]  }
0x1d9: {  	_ =	swait.ge [sflag:s19], $0x2800  }
0x1da: {  	[sflag:s19] =	ssyncset.done $0x0  }
0x1db: {  	s16 =	sadd.s32 $0x300, s15;
	[sflag:s19] =	ssyncadd.s32 $0xFFFFD800  }
0x1dc: {  	[tilespmem:s28], [sflag:$0x3] =	stream.indirect.gather [hbm4b:s4+s21], $0x80, s16, s21, $0xb8;
	v63 =	vld [tilespmem:$0x0]  }
0x1dd: {  	_ =	swait.ge [sflag:s8], $0x2800  }
0x1de: {  	[sflag:s8] =	ssyncset.done $0x0  }
.Ltmp4:
0x1df: {  	s16 =	sadd.s32 $0x1180, s15;
	[sflag:s8] =	ssyncadd.s32 $0xFFFFD800;
	(pc) =	sbr.rel @p0 .LBB2_10-.Ltmp4, $4  }
0x1e0: {  	[spmem:s1] =	stream.indirect.scatter.add.f32 [tilespmem:s29], [sflag:$0x6], $0x80, s16, s21, $0xb8;
	v63 =	vld [tilespmem:$0x0]  }
0x1e1: {  	_ =	swait.ge [sflag:s19], $0x2800  }
0x1e2: {  	[sflag:s19] =	ssyncset.done $0x0  }
0x1e3: {  	s15 =	sadd.s32 $0x380, s15;
	[sflag:s19] =	ssyncadd.s32 $0xFFFFD800  }
0x1e4: {  	[tilespmem:s29], [sflag:$0x4] =	stream.indirect.gather [hbm4b:s4+s21], $0x80, s15, s21, $0xb8;
	v63 =	vld [tilespmem:$0x0]  }
0x1e5: {  	_ =	swait.ge [sflag:s0], $0x2800  }
0x1e6: {  	[sflag:s0] =	ssyncset.done $0x0  }
0x1e7: {  	[sflag:s0] =	ssyncadd.s32 $0xFFFFD800  }
0x1e8: {  	[spmem:s1] =	stream.indirect.scatter.add.f32 [tilespmem:s22], [sflag:$0x6], $0x80, s9, s21, $0xb8;
	v63 =	vld [tilespmem:$0x0]  }
0x1e9: {  	_ =	swait.ge [sflag:s19], $0x2800  }
0x1ea: {  	[sflag:s19] =	ssyncset.done $0x0  }
0x1eb: {  	[sflag:s19] =	ssyncadd.s32 $0xFFFFD800  }
0x1ec: {  	_ =	swait.ge [sflag:s3], $0x2800  }
0x1ed: {  	[sflag:s3] =	ssyncset.done $0x0  }
0x1ee: {  	[sflag:s3] =	ssyncadd.s32 $0xFFFFD800  }
0x1ef: {  	[spmem:s1] =	stream.indirect.scatter.add.f32 [tilespmem:s25], [sflag:$0x6], $0x80, s10, s21, $0xb8;
	v63 =	vld [tilespmem:$0x0]  }
0x1f0: {  	_ =	swait.ge [sflag:s19], $0x2800  }
0x1f1: {  	[sflag:s19] =	ssyncset.done $0x0  }
0x1f2: {  	[sflag:s19] =	ssyncadd.s32 $0xFFFFD800  }
0x1f3: {  	_ =	swait.ge [sflag:s6], $0x2800  }
0x1f4: {  	[sflag:s6] =	ssyncset.done $0x0  }
0x1f5: {  	[sflag:s6] =	ssyncadd.s32 $0xFFFFD800  }
0x1f6: {  	[spmem:s1] =	stream.indirect.scatter.add.f32 [tilespmem:s28], [sflag:$0x6], $0x80, s11, s21, $0xb8;
	v63 =	vld [tilespmem:$0x0]  }
0x1f7: {  	_ =	swait.ge [sflag:s19], $0x2800  }
0x1f8: {  	[sflag:s19] =	ssyncset.done $0x0  }
0x1f9: {  	[sflag:s19] =	ssyncadd.s32 $0xFFFFD800  }
0x1fa: {  	_ =	swait.ge [sflag:s8], $0x2800  }
0x1fb: {  	[sflag:s8] =	ssyncset.done $0x0  }
0x1fc: {  	[sflag:s8] =	ssyncadd.s32 $0xFFFFD800  }
0x1fd: {  	[spmem:s1] =	stream.indirect.scatter.add.f32 [tilespmem:s29], [sflag:$0x6], $0x80, s12, s21, $0xb8;
	v63 =	vld [tilespmem:$0x0]  }
0x1fe: {  	s14 =	stileid.u32;
	_ =	swait.ge [sflag:s19], $0x2800  }
0x1ff: {  	s16 =	sshrl.u32 s5, $0x3;
	s13 =	sadd.s32 $0x1, s13;
	[sflag:s19] =	ssyncset.done $0x0  }
0x200: {  	s14 =	sshll.u32 s14, $0x6;
	p0 =	sne.s32 s13, s18;
	[sflag:s19] =	ssyncadd.s32 $0xFFFFD800  }
.Ltmp5:
0x201: {  	s14 =	sor.u32 $0x1C06, s14;
	[bflag:$0x0] =	sbarrier.arrive $0xFFFF;
	(pc) =	sbr.rel @p0 .LBB2_1-.Ltmp5, $4  }
0x202: {  	[hbm:s24], [sflag:s14] =	dma.local [spmem:s16], $0x2800  }
0x203: {  	_ =	swait.ge [sflag:s19], $0x2800  }
0x204: {  	[sflag:s19] =	ssyncset.done $0x0  }
0x205: {  	[sflag:s19] =	ssyncadd.s32 $0xFFFFD800  }
0x206: {  	_ =	sfence.sel $0x180000  }
0x207: {  	[bflag:$0x0] =	sbarrier.arrive $0xFFFF  }
0x208: {  	_ =	strace $0x9000004D  }
0x209: {  	s0 =	stileid.u32;
	[bflag:$0x2] =	sbarrier.arrive $0xFFFF  }
0x20a: {  	p0 =	sne.s32 s0, $0x0;
	s0 =	rddreg [dreg:$0x3]  }
0x20b: {  	s0 =	sadd.s32 @!p0 $0x100000, s0  }
0x20c: {  	[sflag:s0] =	ssyncadd.tile.s32 @!p0 $0x1;
	_ =	shalt  }
.Lfunc_end2:
_tile_overlayer_lowered:
.L_overlay_start_2:
0x20d: {  	(tag) =	ssettag $0x2  }
0x20e: {  	s0 =	rddreg [dreg:$0x0];
	s2 =	stileid.u32  }
0x20f: {  	s1 =	rddreg [dreg:$0x1];
	p0 =	sne.s32 s2, $0x0  }
0x210: {  	s3 =	rddreg [dreg:$0x2];
	[bflag:$0x3] =	sbarrier.arrive $0xFFFF;
	s2 =	simm.s32 @!p0 $0x1C06  }
0x211: {  	[timem:s3], [sflag:s2] =	dma.local @!p0 [hbm:s0], s1  }
0x212: {  	s0 =	simm.s32 @!p0 $0x6  }
0x213: {  	_ =	swait.ge @!p0 [sflag:s0], s1  }
0x214: {  	s1 =	ssub.s32 @!p0 $0x0, s1;
	[sflag:s0] =	ssyncset.done @!p0 $0x0  }
0x215: {  	[sflag:s0] =	ssyncadd.s32 @!p0 s1  }
0x216: {  	[bflag:$0x3] =	sbarrier.arrive $0xFFFF  }
0x217: {  	_ =	shalt  }

// kernel: kernel.8.cloned.1.call-start
scs
__scs_entry_jumppad:
0x0: {  	(pc) =	sbr.rel $0x88, $3  }
0x1: {  	(tag) =	ssettag $0x0;
	lr =	simm.s32 $0x1  }
0x2: {  	[smem:$0x3F9B] =	sst lr;
	_ =	strace $0xD0000000  }
0x3: {  	_ = 	snop  }
0x4: {  	_ = 	snop  }
0x5: {  	_ = 	snop  }
0x6: {  	_ = 	snop  }
0x7: {  	_ = 	snop  }
__scs_overlays_trampoline_lowered:
0x8: {  	[smem:$0x3FAA] =	sst s0  }
0x9: {  	[smem:$0x3FAB] =	sst s1  }
0xa: {  	[smem:$0x3FAC] =	sst s2  }
0xb: {  	[smem:$0x3FAD] =	sst s3  }
0xc: {  	[smem:$0x3FAE] =	sst s4  }
0xd: {  	[smem:$0x3FAF] =	sst s5  }
0xe: {  	[smem:$0x3FB0] =	sst s6  }
0xf: {  	[smem:$0x3FB1] =	sst s7  }
0x10: {  	[smem:$0x3FB2] =	sst s8  }
0x11: {  	[smem:$0x3FB3] =	sst s9;
	s0 =	simm.s32 @!p0 $0x0  }
0x12: {  	s1 =	sld [smem:$0x3F99];
	s0 =	simm.s32 @p0 $0x1  }
0x13: {  	[smem:$0x3FB4] =	sst s0;
	s0 =	simm.s32 @!p1 $0x0  }
0x14: {  	s2 =	sld [smem:$0x3F98];
	s0 =	simm.s32 @p1 $0x1  }
0x15: {  	[smem:$0x3FB5] =	sst s0;
	s0 =	simm.s32 @!p2 $0x0  }
0x16: {  	s3 =	sld [smem:$0x3FDB];
	s0 =	simm.s32 @p2 $0x1  }
0x17: {  	s4 =	simm.s32 $0x1BF5;
	[smem:$0x3FB7] =	sst s0  }
0x18: {  	s0 =	sld [smem:$0x3F9A];
	_ =	swait.ge [sflag:s4], $0x0  }
0x19: {  	s7 =	sld [smem:$0x3F9B]  }
0x1a: {  	s8 =	sadd.s32 $0xFFFFE003, lr  }
0x1b: {  	s9 =	sadd.s32 $0xFFFFFEF7, lr;
	s5 =	simm.s32 $0xFFFFFFFF;
	p2 =	slt.u32 s8, $0xFFFFF086  }
0x1c: {  	p1 =	slt.u32 s9, $0xF7A;
	s5 =	simm.s32 @!p2 $0x0  }
0x1d: {  	s5 =	simm.s32 @p1 $0x1;
	p0 =	seq.s32 s7, s2  }
0x1e: {  	s7 =	smul.u32 @!p0 $0xF7A, s2;
	p2 =	seq.s32 @!p0 s5, $0x0  }
0x1f: {  	s9 =	smul.u32 $0xF7A, s1;
	s8 =	simm.s32 @!p0 $0x1BF5;
	p2 =	por !p2, p0  }
0x20: {  	[sflag:s8] =	ssyncset.s32 @!p0 $0xFFFFF086;
	s6 =	sadd.s32 @!p0 s3, s7;
	s7 =	simm.s32 @!p0 $0x108  }
0x21: {  	s3 =	sadd.s32 s3, s9;
	s6 =	sadd.s32 @!p0 $0x88, s6;
	s7 =	simm.s32 @p2 $0x1082  }
0x22: {  	[simem:s7], [sflag:s8] =	dma.local @!p0 [hbm:s6], $0xF7A  }
0x23: {  	s9 =	sor.u32 $0xD0000000, s2;
	s6 =	simm.s32 $0x108;
	_ =	swait.ge @!p0 [sflag:s8], $0x0  }
0x24: {  	s3 =	sadd.s32 $0x88, s3;
	s6 =	simm.s32 @!p1 $0x1082;
	[sflag:s4] =	ssyncset.s32 $0xFFFFF086  }
0x25: {  	[simem:s6], [sflag:s4] =	dma.local [hbm:s3], $0xF7A  }
0x26: {  	[smem:$0x3F9B] =	sst s1;
	(tag) =	ssettag s2;
	_ =	strace s9  }
0x27: {  	s1 =	sld [smem:$0x3FAB]  }
0x28: {  	s2 =	sld [smem:$0x3FAC]  }
0x29: {  	s4 =	sld [smem:$0x3FAE]  }
0x2a: {  	p0 =	seq.s32 s5, $0x0;
	s5 =	sld [smem:$0x3FAF]  }
0x2b: {  	s6 =	sld [smem:$0x3FB0]  }
0x2c: {  	s7 =	sld [smem:$0x3FB1]  }
0x2d: {  	s3 =	simm.s32 $0x108;
	s8 =	sld [smem:$0x3FB2]  }
0x2e: {  	s3 =	simm.s32 @!p0 $0x1082;
	s9 =	sld [smem:$0x3FB3]  }
0x2f: {  	lr =	sadd.s32 s0, s3;
	s0 =	sld [smem:$0x3FAA]  }
0x30: {  	s3 =	sld [smem:$0x3FAD]  }
0x31: {  	[smem:$0x3FB6] =	sst s10  }
0x32: {  	s10 =	sld [smem:$0x3FB4];
	_ =	sdelay $0x3  }
0x33: {  	p0 =	seq.s32 s10, $0x1;
	s10 =	sld [smem:$0x3FB6];
	_ =	sdelay $0x3  }
0x34: {  	[smem:$0x3FB6] =	sst s10  }
0x35: {  	s10 =	sld [smem:$0x3FB5];
	_ =	sdelay $0x3  }
0x36: {  	p1 =	seq.s32 s10, $0x1;
	s10 =	sld [smem:$0x3FB6];
	_ =	sdelay $0x3  }
0x37: {  	[smem:$0x3FB6] =	sst s10  }
0x38: {  	s10 =	sld [smem:$0x3FB7]  }
0x39: {  	_ = 	snop;
	(pc) =	sbr.ind lr, $3  }
0x3a: {  	_ = 	snop  }
0x3b: {  	_ = 	snop  }
0x3c: {  	p2 =	seq.s32 s10, $0x1;
	s10 =	sld [smem:$0x3FB6]  }
0x3d: {  	_ =	shalt  }
0x3e: {  	_ =	shalt  }
0x3f: {  	_ =	shalt  }
0x40: {  	_ =	shalt  }
0x41: {  	_ =	shalt  }
0x42: {  	_ =	shalt  }
0x43: {  	_ =	shalt  }
0x44: {  	_ =	shalt  }
0x45: {  	_ =	shalt  }
0x46: {  	_ =	shalt  }
0x47: {  	_ =	shalt  }
0x48: {  	_ =	shalt  }
0x49: {  	_ =	shalt  }
0x4a: {  	_ =	shalt  }
0x4b: {  	_ =	shalt  }
0x4c: {  	_ =	shalt  }
0x4d: {  	_ =	shalt  }
0x4e: {  	_ =	shalt  }
0x4f: {  	_ =	shalt  }
0x50: {  	_ =	shalt  }
0x51: {  	_ =	shalt  }
0x52: {  	_ =	shalt  }
0x53: {  	_ =	shalt  }
0x54: {  	_ =	shalt  }
0x55: {  	_ =	shalt  }
0x56: {  	_ =	shalt  }
0x57: {  	_ =	shalt  }
0x58: {  	_ =	shalt  }
0x59: {  	_ =	shalt  }
0x5a: {  	_ =	shalt  }
0x5b: {  	_ =	shalt  }
0x5c: {  	_ =	shalt  }
0x5d: {  	_ =	shalt  }
0x5e: {  	_ =	shalt  }
0x5f: {  	_ =	shalt  }
0x60: {  	_ =	shalt  }
0x61: {  	_ =	shalt  }
0x62: {  	_ =	shalt  }
0x63: {  	_ =	shalt  }
0x64: {  	_ =	shalt  }
0x65: {  	_ =	shalt  }
0x66: {  	_ =	shalt  }
0x67: {  	_ =	shalt  }
0x68: {  	_ =	shalt  }
0x69: {  	_ =	shalt  }
0x6a: {  	_ =	shalt  }
0x6b: {  	_ =	shalt  }
0x6c: {  	_ =	shalt  }
0x6d: {  	_ =	shalt  }
0x6e: {  	_ =	shalt  }
0x6f: {  	_ =	shalt  }
0x70: {  	_ =	shalt  }
0x71: {  	_ =	shalt  }
0x72: {  	_ =	shalt  }
0x73: {  	_ =	shalt  }
0x74: {  	_ =	shalt  }
0x75: {  	_ =	shalt  }
0x76: {  	_ =	shalt  }
0x77: {  	_ =	shalt  }
0x78: {  	_ =	shalt  }
0x79: {  	_ =	shalt  }
0x7a: {  	_ =	shalt  }
0x7b: {  	_ =	shalt  }
0x7c: {  	_ =	shalt  }
0x7d: {  	_ =	shalt  }
0x7e: {  	_ =	shalt  }
0x7f: {  	_ =	shalt  }
0x80: {  	_ =	shalt  }
0x81: {  	_ =	shalt  }
0x82: {  	_ =	shalt  }
0x83: {  	_ =	shalt  }
0x84: {  	_ =	shalt  }
0x85: {  	_ =	shalt  }
0x86: {  	_ =	shalt  }
0x87: {  	_ =	shalt  }
.Lfunc_end0:
.L_simem_size_0:
called_computation_lowered:
.L_overlay_start_0:
0x88: {  	s2 =	sld [smem:$0x3FD9]  }
0x89: {  	s3 =	sld [smem:$0x3FFE];
	_ =	sdelay $0x1  }
0x8a: {  	s1 =	srdreg.scid  }
0x8b: {  	s0 =	sand.u32 $0x1, s1  }
0x8c: {  	s17 =	sshll.u32 s0, $0xA;
	s2 =	sadd.s32 s3, s2  }
0x8d: {  	s2 =	sadd.s32 s2, s17  }
0x8e: {  	[smem:$0x3FC2] =	sst s2  }
0x8f: {  	_ = 	snop  }
0x90: {  	s2 =	sld [smem:$0x3FD0];
	(tm) =	ssettm $0x1  }
0x91: {  	s18 =	sld [smem:$0x3FFB];
	_ =	sdelay $0x3  }
0x92: {  	_ =	strace s18  }
0x93: {  	s3 =	sld [smem:$0x3FFC];
	_ =	sdelay $0x3  }
0x94: {  	_ =	strace s3  }
0x95: {  	s3 =	sld [smem:$0x3FFD];
	_ =	sdelay $0x3  }
0x96: {  	_ =	strace s3  }
0x97: {  	_ =	strace $0x8FFFFFFF  }
0x98: {  	s19 =	sld [smem:$0x3FDB];
	_ =	sdelay $0x1  }
0x99: {  	s4 =	simm.s32 $_scs_section_size  }
0x9a: {  	s5 =	simm.s32 $_size__tile_overlayer_lowered;
	s6 =	simm.s32 $_tile_overlayer_lowered  }
0x9b: {  	s22 =	simm.s32 $0x1BFF;
	s21 =	sshll.u32 s6, $0x1;
	s3 =	sadd.s32 s4, s19  }
0x9c: {  	s7 =	simm.s32 $0x0;
	s20 =	sshll.u32 s5, $0x1;
	s5 =	sadd.s32 s21, s3  }
0x9d: {  	[timem:s7], [sflag:s22] =	dma.local [hbm:s5], s20  }
0x9e: {  	_ =	swait.ge [sflag:s22], s20  }
0x9f: {  	s4 =	ssub.s32 $0x0, s20;
	[sflag:s22] =	ssyncset.done $0x0  }
0xa0: {  	[sflag:s22] =	ssyncadd.s32 s4;
	_ =	sdelay $0x1  }
0xa1: {  	s23 =	simm.s32 $0x1B8B  }
0xa2: {  	_ =	swait.ge [sflag:s23], $0x1  }
0xa3: {  	[sflag:s23] =	ssyncset.done $0x0  }
0xa4: {  	s25 =	simm.s32 $0x1B8E;
	s24 =	sld [smem:$0x3FFE];
	[sflag:s23] =	ssyncadd.s32 $0xFFFFFFFF  }
0xa5: {  	s26 =	simm.s32 $execute0_lowered;
	[smem:$0x3FD2] =	sst s25  }
0xa6: {  	s5 =	sshll.u32 s26, $0x1;
	_ =	strace $0x80000046;
	[dreg:$0x1] =	wrdreg $0xFFFFFFFF  }
0xa7: {  	s28 =	simm.s32 $_size_execute0_lowered;
	s3 =	sadd.s32 s3, s5;
	[dreg:$0x0] =	wrdreg $0x0  }
0xa8: {  	s5 =	sshll.u32 s28, $0x1;
	[dreg:$0x2] =	wrdreg s3  }
0xa9: {  	[dreg:$0x3] =	wrdreg s5  }
0xaa: {  	[dreg:$0x4] =	wrdreg $0xC0  }
0xab: {  	_ =	task [dreg:s7], $0x5FFFF  }
0xac: {  	[dreg:$0x1] =	wrdreg $0xFFFFFFFF  }
0xad: {  	[dreg:$0x0] =	wrdreg $0x60  }
0xae: {  	[dreg:$0x2] =	wrdreg s2  }
0xaf: {  	[dreg:$0x3] =	wrdreg s24  }
0xb0: {  	[dreg:$0x4] =	wrdreg $0x9  }
0xb1: {  	_ =	task.clear_ibuf [dreg:s7], $0x5FFFF;
	_ =	strace $0x90000046  }
0xb2: {  	s29 =	simm.s32 $0x9;
	_ =	strace $0x80000048  }
0xb3: {  	_ =	swait.ge [sflag:s29], $0x1  }
0xb4: {  	[sflag:s29] =	ssyncadd.s32 $0xFFFFFFFF  }
0xb5: {  	_ =	strace $0x90000048  }
0xb6: {  	_ =	sfence  }
0xb7: {  	s30 =	sld [smem:$0x0];
	_ =	sdelay $0x2  }
0xb8: {  	s31 =	sshll.u32 s1, $0xD;
	s1 =	sshrl.u32 s1, $0x2  }
0xb9: {  	s3 =	sand.u32 $0x4000, s31;
	s1 =	sadd.s32 s1, s30  }
0xba: {  	s0 =	sor.u32 s3, s0;
	s1 =	sshll.u32 s1, $0x11  }
0xbb: {  	s0 =	sor.u32 s1, s0  }
0xbc: {  	s0 =	sadd.s32 $0x8F2B, s0  }
0xbd: {  	[sflag:s0] =	ssyncadd.remote.s32 $0x1  }
0xbe: {  	_ =	sfence.sel $0xFFFF  }
0xbf: {  	[dreg:$0x0] =	wrdreg $0xFFFFFFFF;
	(pc) =	sbr.abs _section_cstart, $3  }
0xc0: {  	[dreg:$0x1] =	wrdreg $0xFFFFFFFF  }
0xc1: {  	_ =	task.clear_ibuf [dreg:s7], $0x2FFFF;
	_ =	strace $0x9FFFFFFF  }
0xc2: {  	(tm) =	ssettm $0x7FFFFFFF  }
0xc3: {  	_ =	shalt  }
tec
execute0_lowered:
.L_overlay_start_1:
0x0: {  	(tag) =	ssettag $0x1  }
0x1: {  	s0 =	srdreg.scid  }
0x2: {  	s3 =	sand.u32 $0x1, s0  }
0x3: {  	s0 =	stileid.u32;
	s1 =	sshll.u32 s3, $0x4  }
0x4: {  	s5 =	rddreg [dreg:$0x0];
	s4 =	sor.u32 s0, s1  }
0x5: {  	s6 =	rddreg [dreg:$0x1];
	s2 =	simm.s32 $0x0;
	s1 =	sshrl.u32 s4, $0x3  }
0x6: {  	s9 =	simm.s32 $0x400;
	s8 =	sshll.u32 s0, $0x7;
	s7 =	smul.u32 $0x14000, s1  }
0x7: {  	s10 =	simm.s32 $0x0;
	s3 =	ssub.s32 $0x2, s3;
	s8 =	sand.u32 $0x380, s8  }
0x8: {  	[smem:$0x7FF] =	sst s2;
	s31 =	sshrl.u32 s3, $0x1;
	s7 =	sor.u32 s8, s7  }
0x9: {  	s4 =	sshll.u32 s4, $0xB;
	s1 =	rddreg [dreg:$0x2];
	s7 =	sshrl.u32 s7, $0x3  }
0xa: {  	_ =	strace $0x80000047;
	s8 =	simm.s32 $0x80;
	s6 =	sadd.s32 s7, s6  }
0xb: {  	s7 =	ssub.s32 s3, s31;
	s3 =	sadd.s32 s5, s4;
	s4 =	sadd.s32 $0x2A00, s6  }
0xc: {  	v0 =	vimm.f32 $0.0e+00;
	v1 =	vimm.f32 $1.000000000e+00;
	s5 =	smax.u32 s7, $0x1;
	s6 =	simm.s32 $0x1;
	s7 =	simm.s32 $0x4000  }
.LBB2_1:
0xd: {  	[tilespmem:s2], [sflag:$0x1] =	stream.linear.gather [hbm4b:s3+s2], $0x4000, $0x38;
	[tilespmem:$0x6800] =	vst v63  }
0xe: {  	_ =	swait.ge [sflag:s6], $0x4000  }
0xf: {  	[sflag:s6] =	ssyncset.done $0x0  }
0x10: {  	s11 =	simm.s32 $0x40;
	s12 =	simm.s32 $0x0;
	[sflag:s6] =	ssyncadd.s32 $0xFFFFC000  }
.LBB2_2:
0x11: {  	p0 =	sne.s32 s11, $0x9FC0;
	[tilespmem:s12+$0x4000] =	vst v0;
	s12 =	smov.u32 s11;
	s11 =	sadd.s32 $0x40, s11  }
.Ltmp0:
0x12: {  	(pc) =	sbr.rel @p0 .LBB2_2-.Ltmp0, $2  }
0x13: {  	_ =	sdelay $0x2  }
0x14: {  	s12 =	sshra.s32 s12, $0x2  }
0x15: {  	[tilespmem:s12+$0x4000] =	vst v0;
	s12 =	simm.s32 $0x0;
	s11 =	simm.s32 $0x0  }
.LBB2_4:
0x16: {  	s13 =	sshra.s32 s11, $0x2  }
0x17: {  	v2 =	vld [tilespmem:s13+$0x0];
	_ =	sdelay $0x7  }
0x18: {  	[tilespmem:v2+s7+$0x0] =	vst.idx.add.f32.msk $0xffff, v1  }
0x19: {  	v2 =	vld [tilespmem:s13+$0x10];
	_ =	sdelay $0x7  }
0x1a: {  	[tilespmem:v2+s7+$0x0] =	vst.idx.add.f32.msk $0xffff, v1  }
0x1b: {  	v2 =	vld [tilespmem:s13+$0x20];
	_ =	sdelay $0x7  }
0x1c: {  	[tilespmem:v2+s7+$0x0] =	vst.idx.add.f32.msk $0xffff, v1  }
0x1d: {  	v2 =	vld [tilespmem:s13+$0x30];
	_ =	sdelay $0x7  }
0x1e: {  	[tilespmem:v2+s7+$0x0] =	vst.idx.add.f32.msk $0xffff, v1  }
0x1f: {  	v2 =	vld [tilespmem:s13+$0x40];
	_ =	sdelay $0x2  }
0x20: {  	p0 =	sne.s32 s11, $0x3E00  }
.Ltmp1:
0x21: {  	_ = 	snop;
	(pc) =	sbr.rel @p0 .LBB2_4-.Ltmp1, $2  }
0x22: {  	_ =	sdelay $0x2  }
0x23: {  	s11 =	sadd.s32 $0x200, s11;
	[tilespmem:v2+s7+$0x0] =	vst.idx.add.f32.msk $0xffff, v1  }
.LBB2_5:
0x24: {  	s11 =	sshra.s32 s12, $0x2  }
0x25: {  	v2 =	vld [tilespmem:s11+$0x1000];
	_ =	sdelay $0x7  }
0x26: {  	[tilespmem:v2+s7+$0x0] =	vst.idx.add.f32.msk $0xffff, v1  }
0x27: {  	v2 =	vld [tilespmem:s11+$0x1010];
	_ =	sdelay $0x7  }
0x28: {  	[tilespmem:v2+s7+$0x0] =	vst.idx.add.f32.msk $0xffff, v1  }
0x29: {  	v2 =	vld [tilespmem:s11+$0x1020];
	_ =	sdelay $0x7  }
0x2a: {  	[tilespmem:v2+s7+$0x0] =	vst.idx.add.f32.msk $0xffff, v1  }
0x2b: {  	v2 =	vld [tilespmem:s11+$0x1030];
	_ =	sdelay $0x7  }
0x2c: {  	[tilespmem:v2+s7+$0x0] =	vst.idx.add.f32.msk $0xffff, v1  }
0x2d: {  	v2 =	vld [tilespmem:s11+$0x1040];
	_ =	sdelay $0x2  }
0x2e: {  	p0 =	sne.s32 s12, $0x3E00  }
.Ltmp2:
0x2f: {  	_ = 	snop;
	(pc) =	sbr.rel @p0 .LBB2_5-.Ltmp2, $2  }
0x30: {  	_ =	sdelay $0x2  }
0x31: {  	s12 =	sadd.s32 $0x200, s12;
	s11 =	simm.s32 $0x0;
	[tilespmem:v2+s7+$0x0] =	vst.idx.add.f32.msk $0xffff, v1  }
0x32: {  	s12 =	simm.s32 $0x0  }
.LBB2_7:
0x33: {  	s13 =	sshra.s32 s12, $0x2  }
0x34: {  	v2 =	vld [tilespmem:s13+$0x2000];
	_ =	sdelay $0x7  }
0x35: {  	[tilespmem:v2+s7+$0x0] =	vst.idx.add.f32.msk $0xffff, v1  }
0x36: {  	v2 =	vld [tilespmem:s13+$0x2010];
	_ =	sdelay $0x7  }
0x37: {  	[tilespmem:v2+s7+$0x0] =	vst.idx.add.f32.msk $0xffff, v1  }
0x38: {  	v2 =	vld [tilespmem:s13+$0x2020];
	_ =	sdelay $0x7  }
0x39: {  	[tilespmem:v2+s7+$0x0] =	vst.idx.add.f32.msk $0xffff, v1  }
0x3a: {  	v2 =	vld [tilespmem:s13+$0x2030];
	_ =	sdelay $0x7  }
0x3b: {  	[tilespmem:v2+s7+$0x0] =	vst.idx.add.f32.msk $0xffff, v1  }
0x3c: {  	v2 =	vld [tilespmem:s13+$0x2040];
	_ =	sdelay $0x2  }
0x3d: {  	p0 =	sne.s32 s12, $0x3E00  }
.Ltmp3:
0x3e: {  	_ = 	snop;
	(pc) =	sbr.rel @p0 .LBB2_7-.Ltmp3, $2  }
0x3f: {  	_ =	sdelay $0x2  }
0x40: {  	s12 =	sadd.s32 $0x200, s12;
	[tilespmem:v2+s7+$0x0] =	vst.idx.add.f32.msk $0xffff, v1  }
.LBB2_8:
0x41: {  	s12 =	sshra.s32 s11, $0x2  }
0x42: {  	v2 =	vld [tilespmem:s12+$0x3000];
	_ =	sdelay $0x7  }
0x43: {  	[tilespmem:v2+s7+$0x0] =	vst.idx.add.f32.msk $0xffff, v1  }
0x44: {  	v2 =	vld [tilespmem:s12+$0x3010];
	_ =	sdelay $0x7  }
0x45: {  	[tilespmem:v2+s7+$0x0] =	vst.idx.add.f32.msk $0xffff, v1  }
0x46: {  	v2 =	vld [tilespmem:s12+$0x3020];
	_ =	sdelay $0x7  }
0x47: {  	[tilespmem:v2+s7+$0x0] =	vst.idx.add.f32.msk $0xffff, v1  }
0x48: {  	v2 =	vld [tilespmem:s12+$0x3030];
	_ =	sdelay $0x7  }
0x49: {  	[tilespmem:v2+s7+$0x0] =	vst.idx.add.f32.msk $0xffff, v1  }
0x4a: {  	v2 =	vld [tilespmem:s12+$0x3040];
	_ =	sdelay $0x2  }
0x4b: {  	p0 =	sne.s32 s11, $0x3E00  }
.Ltmp4:
0x4c: {  	_ = 	snop;
	(pc) =	sbr.rel @p0 .LBB2_8-.Ltmp4, $2  }
0x4d: {  	_ =	sdelay $0x2  }
0x4e: {  	s11 =	sadd.s32 $0x200, s11;
	[tilespmem:v2+s7+$0x0] =	vst.idx.add.f32.msk $0xffff, v1  }
0x4f: {  	s10 =	sadd.s32 $0x1, s10  }
0x50: {  	p0 =	sne.s32 s10, s5  }
.Ltmp5:
0x51: {  	_ = 	snop;
	(pc) =	sbr.rel @p0 .LBB2_1-.Ltmp5, $4  }
0x52: {  	[hbm4b:s4+s8] =	stream.strided.scatter [tilespmem:s7], [sflag:$0x1], $0x2800, s9, s8, $0x38;
	[tilespmem:$0x6800] =	vst v63  }
0x53: {  	_ =	swait.ge [sflag:s6], $0x2800  }
0x54: {  	[sflag:s6] =	ssyncset.done $0x0  }
0x55: {  	[sflag:s6] =	ssyncadd.s32 $0xFFFFD800  }
0x56: {  	_ =	sfence.sel $0x180000  }
0x57: {  	[bflag:$0x0] =	sbarrier.arrive $0xFFFF  }
0x58: {  	p0 =	sne.s32 s0, $0x0;
	_ =	strace $0x90000047  }
0x59: {  	s0 =	sadd.s32 @!p0 $0x100000, s1;
	[bflag:$0x2] =	sbarrier.arrive $0xFFFF  }
0x5a: {  	[sflag:s0] =	ssyncadd.tile.s32 @!p0 $0x1;
	_ =	shalt  }
.Lfunc_end2:
_tile_overlayer_lowered:
.L_overlay_start_2:
0x5b: {  	(tag) =	ssettag $0x2  }
0x5c: {  	s0 =	rddreg [dreg:$0x0];
	s2 =	stileid.u32  }
0x5d: {  	s1 =	rddreg [dreg:$0x1];
	p0 =	sne.s32 s2, $0x0  }
0x5e: {  	s3 =	rddreg [dreg:$0x2];
	[bflag:$0x3] =	sbarrier.arrive $0xFFFF;
	s2 =	simm.s32 @!p0 $0x1C01  }
0x5f: {  	[timem:s3], [sflag:s2] =	dma.local @!p0 [hbm:s0], s1  }
0x60: {  	s0 =	simm.s32 @!p0 $0x1  }
0x61: {  	_ =	swait.ge @!p0 [sflag:s0], s1  }
0x62: {  	s1 =	ssub.s32 @!p0 $0x0, s1;
	[sflag:s0] =	ssyncset.done @!p0 $0x0  }
0x63: {  	[sflag:s0] =	ssyncadd.s32 @!p0 s1  }
0x64: {  	[bflag:$0x3] =	sbarrier.arrive $0xFFFF  }
0x65: {  	_ =	shalt  }

</sc_bundles>
